<compile_context>
chip_gen: v7x
topology: tpu7x:2x2x1
jax: 0.10.2.dev20260603
libtpu: 0.0.44.dev20260713+nightly
codegen_flags: <defaults>
</compile_context>

<pallas_src>
import functools

import jax
import jax.numpy as jnp
from jax import lax
from jax.experimental import pallas as pl
from jax.experimental.pallas import tpu as pltpu
from jax.experimental.pallas import tpu_sc as plsc

_E = 320000
_D = 128
_CHUNK = 128
_NCHUNKS = _E // _CHUNK
_NW = 32
_DW = _D // 2
_MAIN = _NCHUNKS // _NW
_EXTRA = _NCHUNKS % _NW
_IDX_N = (_MAIN + 1) * _CHUNK


def _edge_dot_body(x_hbm, src_hbm, dst_hbm, out_hbm,
                   sidx, didx, srows, drows, outv, xsh,
                   sem_s0, sem_s1, sem_d0, sem_d1, sem_o0, sem_o1):
    cid = lax.axis_index("c")
    sid = lax.axis_index("s")
    wid = sid * 2 + cid
    n = _MAIN + (wid < _EXTRA).astype(jnp.int32)

    sem_s = (sem_s0, sem_s1)
    sem_d = (sem_d0, sem_d1)
    sem_o = (sem_o0, sem_o1)

    lane = lax.iota(jnp.int32, 16)

    ibase = wid * (_MAIN * _CHUNK)
    ia = pltpu.async_copy(src_hbm.at[pl.ds(ibase, _MAIN * _CHUNK)],
                          sidx.at[pl.ds(0, _MAIN * _CHUNK)], sem_o0)
    ib = pltpu.async_copy(dst_hbm.at[pl.ds(ibase, _MAIN * _CHUNK)],
                          didx.at[pl.ds(0, _MAIN * _CHUNK)], sem_o1)
    rows_per_sub = x_hbm.shape[0] // 16
    pltpu.sync_copy(x_hbm.at[pl.ds(sid * rows_per_sub, rows_per_sub)],
                    xsh.at[pl.ds(sid * rows_per_sub, rows_per_sub)])
    ia.wait()
    ib.wait()

    @pl.when(wid < _EXTRA)
    def _():
        xbase = (_MAIN * _NW + wid) * _CHUNK
        pltpu.sync_copy(src_hbm.at[pl.ds(xbase, _CHUNK)],
                        sidx.at[pl.ds(_MAIN * _CHUNK, _CHUNK)])
        pltpu.sync_copy(dst_hbm.at[pl.ds(xbase, _CHUNK)],
                        didx.at[pl.ds(_MAIN * _CHUNK, _CHUNK)])
    plsc.subcore_barrier()

    def start_gathers(c, b):
        off = c * _CHUNK
        pltpu.async_copy(xsh.at[sidx.at[pl.ds(off, _CHUNK)]],
                         srows.at[b], sem_s[b])
        pltpu.async_copy(xsh.at[didx.at[pl.ds(off, _CHUNK)]],
                         drows.at[b], sem_d[b])

    def wait_gathers(c, b):
        off = c * _CHUNK
        pltpu.make_async_copy(xsh.at[sidx.at[pl.ds(off, _CHUNK)]],
                              srows.at[b], sem_s[b]).wait()
        pltpu.make_async_copy(xsh.at[didx.at[pl.ds(off, _CHUNK)]],
                              drows.at[b], sem_d[b]).wait()

    def out_base(c):
        chunk_id = jnp.where(c == _MAIN, _MAIN * _NW + wid, wid * _MAIN + c)
        return chunk_id * _CHUNK

    def compute(c, b):
        def g_body(g, carry):
            acc_vec = jnp.zeros((16,), jnp.float32)
            for i in range(16):
                e = g * 16 + i
                acc = jnp.zeros((16,), jnp.float32)
                for k in range(_DW // 16):
                    sw = srows[b, e, pl.ds(k * 16, 16)]
                    dw = drows[b, e, pl.ds(k * 16, 16)]
                    sbf = plsc.bitcast(sw, jnp.bfloat16)
                    dbf = plsc.bitcast(dw, jnp.bfloat16)
                    pbf = sbf * dbf
                    p0, p1 = plsc.unpack(pbf, format=plsc.PackFormat.INTERLEAVED)
                    acc = acc + p0
                    acc = acc + p1
                p = jnp.full((16,), jnp.sum(acc), jnp.float32)
                acc_vec = jnp.where(lane == i, p, acc_vec)
            outv[b, pl.ds(g * 16, 16)] = 1.0 / (1.0 + jnp.exp(-acc_vec))
            return carry
        lax.fori_loop(0, _CHUNK // 16, g_body, 0)

    def do_chunk(c, b):
        @pl.when(c + 1 < n)
        def _():
            start_gathers(c + 1, 1 - b)
        wait_gathers(c, b)

        @pl.when(c >= 2)
        def _():
            pltpu.make_async_copy(outv.at[b],
                                  out_hbm.at[pl.ds(0, _CHUNK)],
                                  sem_o[b]).wait()
        compute(c, b)
        pltpu.async_copy(outv.at[b], out_hbm.at[pl.ds(out_base(c), _CHUNK)],
                         sem_o[b])

    start_gathers(0, 0)

    def pair_body(j, carry):
        c0 = 2 * j

        @pl.when(c0 < n)
        def _():
            do_chunk(c0, 0)

        @pl.when(c0 + 1 < n)
        def _():
            do_chunk(c0 + 1, 1)
        return carry

    lax.fori_loop(0, (_MAIN + 2) // 2, pair_body, 0)

    for b in range(2):
        pltpu.make_async_copy(outv.at[b], out_hbm.at[pl.ds(0, _CHUNK)],
                              sem_o[b]).wait()


@functools.partial(jax.jit)
def kernel(x, edge_index):
    src = edge_index[0].astype(jnp.int32)
    dst = edge_index[1].astype(jnp.int32)
    xp = jax.lax.bitcast_convert_type(
        x.astype(jnp.bfloat16).reshape(x.shape[0], _DW, 2), jnp.int32)
    mesh = plsc.VectorSubcoreMesh(core_axis_name="c", subcore_axis_name="s")
    run = pl.kernel(
        _edge_dot_body,
        mesh=mesh,
        compiler_params=pltpu.CompilerParams(needs_layout_passes=False,
                                             use_tc_tiling_on_sc=False),
        out_type=jax.ShapeDtypeStruct((_E,), jnp.float32),
        scratch_types=[
            pltpu.VMEM((_IDX_N,), jnp.int32),
            pltpu.VMEM((_IDX_N,), jnp.int32),
            pltpu.VMEM((2, _CHUNK, _DW), jnp.int32),
            pltpu.VMEM((2, _CHUNK, _DW), jnp.int32),
            pltpu.VMEM((2, _CHUNK), jnp.float32),
            pltpu.VMEM_SHARED((10000, _DW), jnp.int32),
            pltpu.SemaphoreType.DMA,
            pltpu.SemaphoreType.DMA,
            pltpu.SemaphoreType.DMA,
            pltpu.SemaphoreType.DMA,
            pltpu.SemaphoreType.DMA,
            pltpu.SemaphoreType.DMA,
        ],
    )
    return run(xp, src, dst)

# --- scband reference (transcript-rebuilt; emitter-appended) ---
"""Pipeline reference for scband-dot-product-predictor-13804024889621 (READ-ONLY COPY).

The authoritative reference and input builder live on the scoring server;
editing this copy changes nothing except your own understanding.
"""

import jax, jax.numpy as jnp
import numpy as np

def setup_inputs(seed: int = 0) -> dict:
    key = jax.random.key(seed)
    k1, k2 = jax.random.split(key)
    x = jax.random.normal(k1, (10000, 128), dtype=jnp.float32)
    edge_index = jax.random.randint(k2, (2, 320000), 0, 10000, dtype=jnp.int64)
    return {"x": x, "edge_index": edge_index}

def reference(x, edge_index):
    # DGL u_dot_v('h','h','predict'): per-edge dot product of src and dst node features,
    # producing shape [E, 1]; then sigmoid and squeeze(1) -> [E].
    src = edge_index[0]
    dst = edge_index[1]
    h_src = jnp.take(x, src, axis=0)   # gather [E, d]
    h_dst = jnp.take(x, dst, axis=0)   # gather [E, d]
    predict = jnp.sum(h_src * h_dst, axis=-1, keepdims=True)  # [E, 1]
    return jax.nn.sigmoid(predict).squeeze(1)  # [E]

if __name__ == "__main__":
    import jax
    _d = setup_inputs()
    print(jax.jit(kernel)(*tuple(_d.values())))

</pallas_src>

<mosaic_0001>
#map = affine_map<(d0, d1) -> (0, 0)>
#map1 = affine_map<(d0, d1) -> (0)>
module attributes {stable_mosaic.version = 14 : i64} {
  func.func @_edge_dot_body(%arg0: i32, %arg1: i32, %arg2: memref<10000x64xi32, #tpu.memory_space<hbm>>, %arg3: memref<320000xi32, #tpu.memory_space<hbm>>, %arg4: memref<320000xi32, #tpu.memory_space<hbm>>, %arg5: memref<320000xf32, #tpu.memory_space<hbm>>, %arg6: memref<10112xi32, #tpu.memory_space<vmem>>, %arg7: memref<10112xi32, #tpu.memory_space<vmem>>, %arg8: memref<2x128x64xi32, #tpu.memory_space<vmem>>, %arg9: memref<2x128x64xi32, #tpu.memory_space<vmem>>, %arg10: memref<2x128xf32, #tpu.memory_space<vmem>>, %arg11: memref<10000x64xi32, #tpu.memory_space<vmem_shared>>, %arg12: memref<!tpu.dma_semaphore, #tpu.memory_space<semaphore_mem>>, %arg13: memref<!tpu.dma_semaphore, #tpu.memory_space<semaphore_mem>>, %arg14: memref<!tpu.dma_semaphore, #tpu.memory_space<semaphore_mem>>, %arg15: memref<!tpu.dma_semaphore, #tpu.memory_space<semaphore_mem>>, %arg16: memref<!tpu.dma_semaphore, #tpu.memory_space<semaphore_mem>>, %arg17: memref<!tpu.dma_semaphore, #tpu.memory_space<semaphore_mem>>) attributes {dimension_semantics = [#tpu.dimension_semantics<core_parallel>, #tpu.dimension_semantics<subcore_parallel>], iteration_bounds = array<i64: 2, 16>, scalar_prefetch = 0 : i64, scratch_operands = 12 : i64, tpu.core_type = #tpu.core_type<sc_vector_subcore>, window_params = [{transform_indices = #map}, {transform_indices = #map1}, {transform_indices = #map1}, {transform_indices = #map1}]} {
    %mul3A = arith.constant 2 : i32
    %mul3A_0 = arith.muli %arg1, %mul3A : i32
    %add3A = arith.addi %mul3A_0, %arg0 : i32
    %lt3A = arith.constant 4 : i32
    %lt3A_1 = arith.cmpi slt, %add3A, %lt3A : i32
    %convert_element_type3A = arith.extui %lt3A_1 : i1 to i32
    %add3A_2 = arith.constant 78 : i32
    %add3A_3 = arith.addi %add3A_2, %convert_element_type3A : i32
    %iota3A = tpu.iota {dimensions = array<i32: 0>} : vector<16xi32>
    %mul3A_4 = arith.constant 9984 : i32
    %mul3A_5 = arith.muli %add3A, %mul3A_4 : i32
    %dma_start3A = arith.constant 0 : i32
    %dma_start3A_6 = tpu.memref_slice %arg6[%dma_start3A] : memref<10112xi32, #tpu.memory_space<vmem>> -> memref<9984xi32, #tpu.memory_space<vmem>>
    %dma_start3A_7 = tpu.memref_slice %arg3[%mul3A_5] : memref<320000xi32, #tpu.memory_space<hbm>> -> memref<9984xi32, #tpu.memory_space<hbm>>
    %dma_start3A_8 = arith.constant 0 : i32
    %dma_start3A_9 = tpu.memref_slice %arg6[%dma_start3A_8] : memref<10112xi32, #tpu.memory_space<vmem>> -> memref<9984xi32, #tpu.memory_space<vmem>>
    %dma_start3A_10 = tpu.memref_slice %arg3[%mul3A_5] : memref<320000xi32, #tpu.memory_space<hbm>> -> memref<9984xi32, #tpu.memory_space<hbm>>
    tpu.enqueue_dma source(%dma_start3A_10 : memref<9984xi32, #tpu.memory_space<hbm>>) target(%dma_start3A_9 : memref<9984xi32, #tpu.memory_space<vmem>>) target_semaphore(%arg16 : memref<!tpu.dma_semaphore, #tpu.memory_space<semaphore_mem>>)
    %dma_start3A_11 = arith.constant 0 : i32
    %dma_start3A_12 = tpu.memref_slice %arg7[%dma_start3A_11] : memref<10112xi32, #tpu.memory_space<vmem>> -> memref<9984xi32, #tpu.memory_space<vmem>>
    %dma_start3A_13 = tpu.memref_slice %arg4[%mul3A_5] : memref<320000xi32, #tpu.memory_space<hbm>> -> memref<9984xi32, #tpu.memory_space<hbm>>
    %dma_start3A_14 = arith.constant 0 : i32
    %dma_start3A_15 = tpu.memref_slice %arg7[%dma_start3A_14] : memref<10112xi32, #tpu.memory_space<vmem>> -> memref<9984xi32, #tpu.memory_space<vmem>>
    %dma_start3A_16 = tpu.memref_slice %arg4[%mul3A_5] : memref<320000xi32, #tpu.memory_space<hbm>> -> memref<9984xi32, #tpu.memory_space<hbm>>
    tpu.enqueue_dma source(%dma_start3A_16 : memref<9984xi32, #tpu.memory_space<hbm>>) target(%dma_start3A_15 : memref<9984xi32, #tpu.memory_space<vmem>>) target_semaphore(%arg17 : memref<!tpu.dma_semaphore, #tpu.memory_space<semaphore_mem>>)
    %mul3A_17 = arith.constant 625 : i32
    %mul3A_18 = arith.muli %arg1, %mul3A_17 : i32
    %mul3A_19 = arith.constant 625 : i32
    %mul3A_20 = arith.muli %arg1, %mul3A_19 : i32
    "tpu.region"() ({
      %run_scoped3A = tpu.sem_alloc : memref<!tpu.dma_semaphore, #tpu.memory_space<semaphore_mem>>
      %dma_start3A_83 = arith.constant 0 : i32
      %dma_start3A_84 = tpu.memref_slice %arg11[%mul3A_20, %dma_start3A_83] : memref<10000x64xi32, #tpu.memory_space<vmem_shared>> -> memref<625x64xi32, #tpu.memory_space<vmem_shared>>
      %dma_start3A_85 = arith.constant 0 : i32
      %dma_start3A_86 = tpu.memref_slice %arg2[%mul3A_18, %dma_start3A_85] : memref<10000x64xi32, #tpu.memory_space<hbm>> -> memref<625x64xi32, #tpu.memory_space<hbm>>
      tpu.enqueue_dma source(%dma_start3A_86 : memref<625x64xi32, #tpu.memory_space<hbm>>) target(%dma_start3A_84 : memref<625x64xi32, #tpu.memory_space<vmem_shared>>) target_semaphore(%run_scoped3A : memref<!tpu.dma_semaphore, #tpu.memory_space<semaphore_mem>>)
      %dma_wait3A_87 = arith.constant 0 : i32
      %dma_wait3A_88 = tpu.memref_slice %arg11[%mul3A_20, %dma_wait3A_87] : memref<10000x64xi32, #tpu.memory_space<vmem_shared>> -> memref<625x64xi32, #tpu.memory_space<vmem_shared>>
      %dma_wait3A_89 = arith.constant 0 : i32
      %dma_wait3A_90 = tpu.memref_slice %arg2[%mul3A_18, %dma_wait3A_89] : memref<10000x64xi32, #tpu.memory_space<hbm>> -> memref<625x64xi32, #tpu.memory_space<hbm>>
      tpu.wait_dma2 semaphore(%run_scoped3A : memref<!tpu.dma_semaphore, #tpu.memory_space<semaphore_mem>>) src(%dma_wait3A_90 : memref<625x64xi32, #tpu.memory_space<hbm>>) dst(%dma_wait3A_88 : memref<625x64xi32, #tpu.memory_space<vmem_shared>>)
      tpu.yield
    }) : () -> ()
    %dma_wait3A = arith.constant 0 : i32
    %dma_wait3A_21 = tpu.memref_slice %arg6[%dma_wait3A] : memref<10112xi32, #tpu.memory_space<vmem>> -> memref<9984xi32, #tpu.memory_space<vmem>>
    %dma_wait3A_22 = tpu.memref_slice %arg3[%mul3A_5] : memref<320000xi32, #tpu.memory_space<hbm>> -> memref<9984xi32, #tpu.memory_space<hbm>>
    %dma_wait3A_23 = arith.constant 0 : i32
    %dma_wait3A_24 = tpu.memref_slice %arg6[%dma_wait3A_23] : memref<10112xi32, #tpu.memory_space<vmem>> -> memref<9984xi32, #tpu.memory_space<vmem>>
    %dma_wait3A_25 = tpu.memref_slice %arg3[%mul3A_5] : memref<320000xi32, #tpu.memory_space<hbm>> -> memref<9984xi32, #tpu.memory_space<hbm>>
    tpu.wait_dma2 semaphore(%arg16 : memref<!tpu.dma_semaphore, #tpu.memory_space<semaphore_mem>>) src(%dma_wait3A_25 : memref<9984xi32, #tpu.memory_space<hbm>>) dst(%dma_wait3A_24 : memref<9984xi32, #tpu.memory_space<vmem>>)
    %dma_wait3A_26 = arith.constant 0 : i32
    %dma_wait3A_27 = tpu.memref_slice %arg7[%dma_wait3A_26] : memref<10112xi32, #tpu.memory_space<vmem>> -> memref<9984xi32, #tpu.memory_space<vmem>>
    %dma_wait3A_28 = tpu.memref_slice %arg4[%mul3A_5] : memref<320000xi32, #tpu.memory_space<hbm>> -> memref<9984xi32, #tpu.memory_space<hbm>>
    %dma_wait3A_29 = arith.constant 0 : i32
    %dma_wait3A_30 = tpu.memref_slice %arg7[%dma_wait3A_29] : memref<10112xi32, #tpu.memory_space<vmem>> -> memref<9984xi32, #tpu.memory_space<vmem>>
    %dma_wait3A_31 = tpu.memref_slice %arg4[%mul3A_5] : memref<320000xi32, #tpu.memory_space<hbm>> -> memref<9984xi32, #tpu.memory_space<hbm>>
    tpu.wait_dma2 semaphore(%arg17 : memref<!tpu.dma_semaphore, #tpu.memory_space<semaphore_mem>>) src(%dma_wait3A_31 : memref<9984xi32, #tpu.memory_space<hbm>>) dst(%dma_wait3A_30 : memref<9984xi32, #tpu.memory_space<vmem>>)
    %lt3A_32 = arith.constant 4 : i32
    %lt3A_33 = arith.cmpi slt, %add3A, %lt3A_32 : i32
    %convert_element_type3A_34 = arith.extui %lt3A_33 : i1 to i32
    %cond3A = arith.constant 0 : i32
    %cond3A_35 = arith.cmpi ne, %convert_element_type3A_34, %cond3A : i32
    scf.if %cond3A_35 {
      %add3A_83 = arith.constant 2496 : i32
      %add3A_84 = arith.addi %add3A_83, %add3A : i32
      %mul3A_85 = arith.constant 128 : i32
      %mul3A_86 = arith.muli %add3A_84, %mul3A_85 : i32
      "tpu.region"() ({
        %run_scoped3A = tpu.sem_alloc : memref<!tpu.dma_semaphore, #tpu.memory_space<semaphore_mem>>
        %dma_start3A_87 = arith.constant 9984 : i32
        %dma_start3A_88 = tpu.memref_slice %arg6[%dma_start3A_87] : memref<10112xi32, #tpu.memory_space<vmem>> -> memref<128xi32, #tpu.memory_space<vmem>>
        %dma_start3A_89 = tpu.memref_slice %arg3[%mul3A_86] : memref<320000xi32, #tpu.memory_space<hbm>> -> memref<128xi32, #tpu.memory_space<hbm>>
        %dma_start3A_90 = arith.constant 9984 : i32
        %dma_start3A_91 = tpu.memref_slice %arg6[%dma_start3A_90] : memref<10112xi32, #tpu.memory_space<vmem>> -> memref<128xi32, #tpu.memory_space<vmem>>
        %dma_start3A_92 = tpu.memref_slice %arg3[%mul3A_86] : memref<320000xi32, #tpu.memory_space<hbm>> -> memref<128xi32, #tpu.memory_space<hbm>>
        tpu.enqueue_dma source(%dma_start3A_92 : memref<128xi32, #tpu.memory_space<hbm>>) target(%dma_start3A_91 : memref<128xi32, #tpu.memory_space<vmem>>) target_semaphore(%run_scoped3A : memref<!tpu.dma_semaphore, #tpu.memory_space<semaphore_mem>>)
        %dma_wait3A_93 = arith.constant 9984 : i32
        %dma_wait3A_94 = tpu.memref_slice %arg6[%dma_wait3A_93] : memref<10112xi32, #tpu.memory_space<vmem>> -> memref<128xi32, #tpu.memory_space<vmem>>
        %dma_wait3A_95 = tpu.memref_slice %arg3[%mul3A_86] : memref<320000xi32, #tpu.memory_space<hbm>> -> memref<128xi32, #tpu.memory_space<hbm>>
        %dma_wait3A_96 = arith.constant 9984 : i32
        %dma_wait3A_97 = tpu.memref_slice %arg6[%dma_wait3A_96] : memref<10112xi32, #tpu.memory_space<vmem>> -> memref<128xi32, #tpu.memory_space<vmem>>
        %dma_wait3A_98 = tpu.memref_slice %arg3[%mul3A_86] : memref<320000xi32, #tpu.memory_space<hbm>> -> memref<128xi32, #tpu.memory_space<hbm>>
        tpu.wait_dma2 semaphore(%run_scoped3A : memref<!tpu.dma_semaphore, #tpu.memory_space<semaphore_mem>>) src(%dma_wait3A_98 : memref<128xi32, #tpu.memory_space<hbm>>) dst(%dma_wait3A_97 : memref<128xi32, #tpu.memory_space<vmem>>)
        tpu.yield
      }) : () -> ()
      "tpu.region"() ({
        %run_scoped3A = tpu.sem_alloc : memref<!tpu.dma_semaphore, #tpu.memory_space<semaphore_mem>>
        %dma_start3A_87 = arith.constant 9984 : i32
        %dma_start3A_88 = tpu.memref_slice %arg7[%dma_start3A_87] : memref<10112xi32, #tpu.memory_space<vmem>> -> memref<128xi32, #tpu.memory_space<vmem>>
        %dma_start3A_89 = tpu.memref_slice %arg4[%mul3A_86] : memref<320000xi32, #tpu.memory_space<hbm>> -> memref<128xi32, #tpu.memory_space<hbm>>
        %dma_start3A_90 = arith.constant 9984 : i32
        %dma_start3A_91 = tpu.memref_slice %arg7[%dma_start3A_90] : memref<10112xi32, #tpu.memory_space<vmem>> -> memref<128xi32, #tpu.memory_space<vmem>>
        %dma_start3A_92 = tpu.memref_slice %arg4[%mul3A_86] : memref<320000xi32, #tpu.memory_space<hbm>> -> memref<128xi32, #tpu.memory_space<hbm>>
        tpu.enqueue_dma source(%dma_start3A_92 : memref<128xi32, #tpu.memory_space<hbm>>) target(%dma_start3A_91 : memref<128xi32, #tpu.memory_space<vmem>>) target_semaphore(%run_scoped3A : memref<!tpu.dma_semaphore, #tpu.memory_space<semaphore_mem>>)
        %dma_wait3A_93 = arith.constant 9984 : i32
        %dma_wait3A_94 = tpu.memref_slice %arg7[%dma_wait3A_93] : memref<10112xi32, #tpu.memory_space<vmem>> -> memref<128xi32, #tpu.memory_space<vmem>>
        %dma_wait3A_95 = tpu.memref_slice %arg4[%mul3A_86] : memref<320000xi32, #tpu.memory_space<hbm>> -> memref<128xi32, #tpu.memory_space<hbm>>
        %dma_wait3A_96 = arith.constant 9984 : i32
        %dma_wait3A_97 = tpu.memref_slice %arg7[%dma_wait3A_96] : memref<10112xi32, #tpu.memory_space<vmem>> -> memref<128xi32, #tpu.memory_space<vmem>>
        %dma_wait3A_98 = tpu.memref_slice %arg4[%mul3A_86] : memref<320000xi32, #tpu.memory_space<hbm>> -> memref<128xi32, #tpu.memory_space<hbm>>
        tpu.wait_dma2 semaphore(%run_scoped3A : memref<!tpu.dma_semaphore, #tpu.memory_space<semaphore_mem>>) src(%dma_wait3A_98 : memref<128xi32, #tpu.memory_space<hbm>>) dst(%dma_wait3A_97 : memref<128xi32, #tpu.memory_space<vmem>>)
        tpu.yield
      }) : () -> ()
    } else {
    }
    %barrier3A = arith.constant 0 : index
    tpu.barrier barrier_id(%barrier3A)
    %dma_start3A_36 = arith.constant 0 : i32
    %dma_start3A_37 = arith.constant 0 : i32
    %dma_start3A_38 = arith.constant 0 : i32
    %dma_start3A_39 = tpu.memref_slice %arg8[%dma_start3A_36, %dma_start3A_37, %dma_start3A_38] : memref<2x128x64xi32, #tpu.memory_space<vmem>> -> memref<1x128x64xi32, #tpu.memory_space<vmem>>
    %dma_start3A_40 = tpu.memref_squeeze %dma_start3A_39 : memref<1x128x64xi32, #tpu.memory_space<vmem>> -> memref<128x64xi32, #tpu.memory_space<vmem>>
    %dma_start3A_41 = arith.constant 0 : i32
    %dma_start3A_42 = tpu.memref_slice %arg6[%dma_start3A_41] : memref<10112xi32, #tpu.memory_space<vmem>> -> memref<128xi32, #tpu.memory_space<vmem>>
    %dma_start3A_43 = arith.constant 0 : i32
    %dma_start3A_44 = arith.constant 0 : i32
    %dma_start3A_45 = tpu.memref_slice %arg11[%dma_start3A_43, %dma_start3A_44] : memref<10000x64xi32, #tpu.memory_space<vmem_shared>> -> memref<10000x64xi32, #tpu.memory_space<vmem_shared>>
    tpu.enqueue_indirect_dma source(%dma_start3A_45 : memref<10000x64xi32, #tpu.memory_space<vmem_shared>>) target(%dma_start3A_40 : memref<128x64xi32, #tpu.memory_space<vmem>>) offsets(%dma_start3A_42 : memref<128xi32, #tpu.memory_space<vmem>>) semaphore(%arg12 : memref<!tpu.dma_semaphore, #tpu.memory_space<semaphore_mem>>)
    %dma_start3A_46 = arith.constant 0 : i32
    %dma_start3A_47 = arith.constant 0 : i32
    %dma_start3A_48 = arith.constant 0 : i32
    %dma_start3A_49 = tpu.memref_slice %arg9[%dma_start3A_46, %dma_start3A_47, %dma_start3A_48] : memref<2x128x64xi32, #tpu.memory_space<vmem>> -> memref<1x128x64xi32, #tpu.memory_space<vmem>>
    %dma_start3A_50 = tpu.memref_squeeze %dma_start3A_49 : memref<1x128x64xi32, #tpu.memory_space<vmem>> -> memref<128x64xi32, #tpu.memory_space<vmem>>
    %dma_start3A_51 = arith.constant 0 : i32
    %dma_start3A_52 = tpu.memref_slice %arg7[%dma_start3A_51] : memref<10112xi32, #tpu.memory_space<vmem>> -> memref<128xi32, #tpu.memory_space<vmem>>
    %dma_start3A_53 = arith.constant 0 : i32
    %dma_start3A_54 = arith.constant 0 : i32
    %dma_start3A_55 = tpu.memref_slice %arg11[%dma_start3A_53, %dma_start3A_54] : memref<10000x64xi32, #tpu.memory_space<vmem_shared>> -> memref<10000x64xi32, #tpu.memory_space<vmem_shared>>
    tpu.enqueue_indirect_dma source(%dma_start3A_55 : memref<10000x64xi32, #tpu.memory_space<vmem_shared>>) target(%dma_start3A_50 : memref<128x64xi32, #tpu.memory_space<vmem>>) offsets(%dma_start3A_52 : memref<128xi32, #tpu.memory_space<vmem>>) semaphore(%arg14 : memref<!tpu.dma_semaphore, #tpu.memory_space<semaphore_mem>>)
    %scan3A = arith.constant 0 : i32
    %scan3A_56 = arith.constant 0 : i32
    %scan3A_57 = arith.constant 40 : i32
    %scan3A_58 = arith.addi %scan3A_56, %scan3A_57 : i32
    %scan3A_59 = arith.constant 1 : i32
    scf.for %scan3A_83 = %scan3A_56 to %scan3A_58 step %scan3A_59  : i32 {
      %mul3A_84 = arith.constant 2 : i32
      %mul3A_85 = arith.muli %mul3A_84, %scan3A_83 : i32
      %lt3A_86 = arith.cmpi slt, %mul3A_85, %add3A_3 : i32
      %convert_element_type3A_87 = arith.extui %lt3A_86 : i1 to i32
      %cond3A_88 = arith.constant 0 : i32
      %cond3A_89 = arith.cmpi ne, %convert_element_type3A_87, %cond3A_88 : i32
      scf.if %cond3A_89 {
        %add3A_96 = arith.constant 1 : i32
        %add3A_97 = arith.addi %mul3A_85, %add3A_96 : i32
        %lt3A_98 = arith.cmpi slt, %add3A_97, %add3A_3 : i32
        %convert_element_type3A_99 = arith.extui %lt3A_98 : i1 to i32
        %cond3A_100 = arith.constant 0 : i32
        %cond3A_101 = arith.cmpi ne, %convert_element_type3A_99, %cond3A_100 : i32
        scf.if %cond3A_101 {
          %add3A_149 = arith.constant 1 : i32
          %add3A_150 = arith.addi %mul3A_85, %add3A_149 : i32
          %mul3A_151 = arith.constant 128 : i32
          %mul3A_152 = arith.muli %add3A_150, %mul3A_151 : i32
          %dma_start3A_153 = arith.constant 1 : i32
          %dma_start3A_154 = arith.constant 0 : i32
          %dma_start3A_155 = arith.constant 0 : i32
          %dma_start3A_156 = tpu.memref_slice %arg8[%dma_start3A_153, %dma_start3A_154, %dma_start3A_155] : memref<2x128x64xi32, #tpu.memory_space<vmem>> -> memref<1x128x64xi32, #tpu.memory_space<vmem>>
          %dma_start3A_157 = tpu.memref_squeeze %dma_start3A_156 : memref<1x128x64xi32, #tpu.memory_space<vmem>> -> memref<128x64xi32, #tpu.memory_space<vmem>>
          %dma_start3A_158 = tpu.memref_slice %arg6[%mul3A_152] : memref<10112xi32, #tpu.memory_space<vmem>> -> memref<128xi32, #tpu.memory_space<vmem>>
          %dma_start3A_159 = arith.constant 0 : i32
          %dma_start3A_160 = arith.constant 0 : i32
          %dma_start3A_161 = tpu.memref_slice %arg11[%dma_start3A_159, %dma_start3A_160] : memref<10000x64xi32, #tpu.memory_space<vmem_shared>> -> memref<10000x64xi32, #tpu.memory_space<vmem_shared>>
          tpu.enqueue_indirect_dma source(%dma_start3A_161 : memref<10000x64xi32, #tpu.memory_space<vmem_shared>>) target(%dma_start3A_157 : memref<128x64xi32, #tpu.memory_space<vmem>>) offsets(%dma_start3A_158 : memref<128xi32, #tpu.memory_space<vmem>>) semaphore(%arg13 : memref<!tpu.dma_semaphore, #tpu.memory_space<semaphore_mem>>)
          %dma_start3A_162 = arith.constant 1 : i32
          %dma_start3A_163 = arith.constant 0 : i32
          %dma_start3A_164 = arith.constant 0 : i32
          %dma_start3A_165 = tpu.memref_slice %arg9[%dma_start3A_162, %dma_start3A_163, %dma_start3A_164] : memref<2x128x64xi32, #tpu.memory_space<vmem>> -> memref<1x128x64xi32, #tpu.memory_space<vmem>>
          %dma_start3A_166 = tpu.memref_squeeze %dma_start3A_165 : memref<1x128x64xi32, #tpu.memory_space<vmem>> -> memref<128x64xi32, #tpu.memory_space<vmem>>
          %dma_start3A_167 = tpu.memref_slice %arg7[%mul3A_152] : memref<10112xi32, #tpu.memory_space<vmem>> -> memref<128xi32, #tpu.memory_space<vmem>>
          %dma_start3A_168 = arith.constant 0 : i32
          %dma_start3A_169 = arith.constant 0 : i32
          %dma_start3A_170 = tpu.memref_slice %arg11[%dma_start3A_168, %dma_start3A_169] : memref<10000x64xi32, #tpu.memory_space<vmem_shared>> -> memref<10000x64xi32, #tpu.memory_space<vmem_shared>>
          tpu.enqueue_indirect_dma source(%dma_start3A_170 : memref<10000x64xi32, #tpu.memory_space<vmem_shared>>) target(%dma_start3A_166 : memref<128x64xi32, #tpu.memory_space<vmem>>) offsets(%dma_start3A_167 : memref<128xi32, #tpu.memory_space<vmem>>) semaphore(%arg15 : memref<!tpu.dma_semaphore, #tpu.memory_space<semaphore_mem>>)
        } else {
        }
        %mul3A_102 = arith.constant 128 : i32
        %mul3A_103 = arith.muli %mul3A_85, %mul3A_102 : i32
        %dma_wait3A_104 = arith.constant 0 : i32
        %dma_wait3A_105 = arith.constant 0 : i32
        %dma_wait3A_106 = arith.constant 0 : i32
        %dma_wait3A_107 = tpu.memref_slice %arg8[%dma_wait3A_104, %dma_wait3A_105, %dma_wait3A_106] : memref<2x128x64xi32, #tpu.memory_space<vmem>> -> memref<1x128x64xi32, #tpu.memory_space<vmem>>
        %dma_wait3A_108 = tpu.memref_squeeze %dma_wait3A_107 : memref<1x128x64xi32, #tpu.memory_space<vmem>> -> memref<128x64xi32, #tpu.memory_space<vmem>>
        %dma_wait3A_109 = tpu.memref_slice %arg6[%mul3A_103] : memref<10112xi32, #tpu.memory_space<vmem>> -> memref<128xi32, #tpu.memory_space<vmem>>
        %dma_wait3A_110 = arith.constant 0 : i32
        %dma_wait3A_111 = arith.constant 0 : i32
        %dma_wait3A_112 = tpu.memref_slice %arg11[%dma_wait3A_110, %dma_wait3A_111] : memref<10000x64xi32, #tpu.memory_space<vmem_shared>> -> memref<10000x64xi32, #tpu.memory_space<vmem_shared>>
        tpu.wait_indirect_dma semaphore(%arg12 : memref<!tpu.dma_semaphore, #tpu.memory_space<semaphore_mem>>) src(%dma_wait3A_112 : memref<10000x64xi32, #tpu.memory_space<vmem_shared>>) dst(%dma_wait3A_108 : memref<128x64xi32, #tpu.memory_space<vmem>>)
        %dma_wait3A_113 = arith.constant 0 : i32
        %dma_wait3A_114 = arith.constant 0 : i32
        %dma_wait3A_115 = arith.constant 0 : i32
        %dma_wait3A_116 = tpu.memref_slice %arg9[%dma_wait3A_113, %dma_wait3A_114, %dma_wait3A_115] : memref<2x128x64xi32, #tpu.memory_space<vmem>> -> memref<1x128x64xi32, #tpu.memory_space<vmem>>
        %dma_wait3A_117 = tpu.memref_squeeze %dma_wait3A_116 : memref<1x128x64xi32, #tpu.memory_space<vmem>> -> memref<128x64xi32, #tpu.memory_space<vmem>>
        %dma_wait3A_118 = tpu.memref_slice %arg7[%mul3A_103] : memref<10112xi32, #tpu.memory_space<vmem>> -> memref<128xi32, #tpu.memory_space<vmem>>
        %dma_wait3A_119 = arith.constant 0 : i32
        %dma_wait3A_120 = arith.constant 0 : i32
        %dma_wait3A_121 = tpu.memref_slice %arg11[%dma_wait3A_119, %dma_wait3A_120] : memref<10000x64xi32, #tpu.memory_space<vmem_shared>> -> memref<10000x64xi32, #tpu.memory_space<vmem_shared>>
        tpu.wait_indirect_dma semaphore(%arg14 : memref<!tpu.dma_semaphore, #tpu.memory_space<semaphore_mem>>) src(%dma_wait3A_121 : memref<10000x64xi32, #tpu.memory_space<vmem_shared>>) dst(%dma_wait3A_117 : memref<128x64xi32, #tpu.memory_space<vmem>>)
        %ge3A = arith.constant 2 : i32
        %ge3A_122 = arith.cmpi sge, %mul3A_85, %ge3A : i32
        %convert_element_type3A_123 = arith.extui %ge3A_122 : i1 to i32
        %cond3A_124 = arith.constant 0 : i32
        %cond3A_125 = arith.cmpi ne, %convert_element_type3A_123, %cond3A_124 : i32
        scf.if %cond3A_125 {
          %dma_wait3A_149 = arith.constant 0 : i32
          %dma_wait3A_150 = arith.constant 0 : i32
          %dma_wait3A_151 = tpu.memref_slice %arg10[%dma_wait3A_149, %dma_wait3A_150] : memref<2x128xf32, #tpu.memory_space<vmem>> -> memref<1x128xf32, #tpu.memory_space<vmem>>
          %dma_wait3A_152 = tpu.memref_squeeze %dma_wait3A_151 : memref<1x128xf32, #tpu.memory_space<vmem>> -> memref<128xf32, #tpu.memory_space<vmem>>
          %dma_wait3A_153 = arith.constant 0 : i32
          %dma_wait3A_154 = tpu.memref_slice %arg5[%dma_wait3A_153] : memref<320000xf32, #tpu.memory_space<hbm>> -> memref<128xf32, #tpu.memory_space<hbm>>
          %dma_wait3A_155 = arith.constant 0 : i32
          %dma_wait3A_156 = tpu.memref_slice %arg5[%dma_wait3A_155] : memref<320000xf32, #tpu.memory_space<hbm>> -> memref<128xf32, #tpu.memory_space<hbm>>
          %dma_wait3A_157 = arith.constant 0 : i32
          %dma_wait3A_158 = tpu.memref_slice %arg10[%dma_wait3A_149, %dma_wait3A_157] : memref<2x128xf32, #tpu.memory_space<vmem>> -> memref<1x128xf32, #tpu.memory_space<vmem>>
          %dma_wait3A_159 = tpu.memref_squeeze %dma_wait3A_158 : memref<1x128xf32, #tpu.memory_space<vmem>> -> memref<128xf32, #tpu.memory_space<vmem>>
          tpu.wait_dma2 semaphore(%arg16 : memref<!tpu.dma_semaphore, #tpu.memory_space<semaphore_mem>>) src(%dma_wait3A_159 : memref<128xf32, #tpu.memory_space<vmem>>) dst(%dma_wait3A_156 : memref<128xf32, #tpu.memory_space<hbm>>)
        } else {
        }
        %scan3A_126 = arith.constant 0 : i32
        %scan3A_127 = arith.constant 0 : i32
        %scan3A_128 = arith.constant 8 : i32
        %scan3A_129 = arith.addi %scan3A_127, %scan3A_128 : i32
        %scan3A_130 = arith.constant 1 : i32
        scf.for %scan3A_149 = %scan3A_127 to %scan3A_129 step %scan3A_130  : i32 {
          %broadcast_in_dim3A = arith.constant 0.000000e+00 : f32
          %broadcast_in_dim3A_150 = vector.broadcast %broadcast_in_dim3A : f32 to vector<16xf32>
          %mul3A_151 = arith.constant 16 : i32
          %mul3A_152 = arith.muli %scan3A_149, %mul3A_151 : i32
          %add3A_153 = arith.constant 0 : i32
          %add3A_154 = arith.addi %mul3A_152, %add3A_153 : i32
          %broadcast_in_dim3A_155 = arith.constant 0.000000e+00 : f32
          %broadcast_in_dim3A_156 = vector.broadcast %broadcast_in_dim3A_155 : f32 to vector<16xf32>
          %get3A = arith.constant 0 : i32
          %get3A_157 = arith.index_cast %get3A : i32 to index
          %get3A_158 = arith.index_cast %add3A_154 : i32 to index
          %get3A_159 = arith.constant 0 : index
          %get3A_160 = tpu.vector_load %arg8[%get3A_157, %get3A_158, %get3A_159] {strides = array<i32>} : memref<2x128x64xi32, #tpu.memory_space<vmem>>, vector<16xi32>,
          %get3A_161 = arith.constant 0 : i32
          %get3A_162 = arith.index_cast %get3A_161 : i32 to index
          %get3A_163 = arith.index_cast %add3A_154 : i32 to index
          %get3A_164 = arith.constant 0 : index
          %get3A_165 = tpu.vector_load %arg9[%get3A_162, %get3A_163, %get3A_164] {strides = array<i32>} : memref<2x128x64xi32, #tpu.memory_space<vmem>>, vector<16xi32>,
          %bitcast3A = vector.bitcast %get3A_160 : vector<16xi32> to vector<32xbf16>
          %bitcast3A_166 = vector.bitcast %get3A_165 : vector<16xi32> to vector<32xbf16>
          %mul3A_167 = arith.mulf %bitcast3A, %bitcast3A_166 : vector<32xbf16>
          %unpack3A = tpu.unpack_subelements %mul3A_167, 0 {pack_format = #tpu.pack_format<interleaved>} : vector<32xbf16> -> vector<16xf32>
          %unpack3A_168 = tpu.unpack_subelements %mul3A_167, 1 {pack_format = #tpu.pack_format<interleaved>} : vector<32xbf16> -> vector<16xf32>
          %add3A_169 = arith.addf %broadcast_in_dim3A_156, %unpack3A : vector<16xf32>
          %add3A_170 = arith.addf %add3A_169, %unpack3A_168 : vector<16xf32>
          %get3A_171 = arith.constant 0 : i32
          %get3A_172 = arith.index_cast %get3A_171 : i32 to index
          %get3A_173 = arith.index_cast %add3A_154 : i32 to index
          %get3A_174 = arith.constant 16 : index
          %get3A_175 = tpu.vector_load %arg8[%get3A_172, %get3A_173, %get3A_174] {strides = array<i32>} : memref<2x128x64xi32, #tpu.memory_space<vmem>>, vector<16xi32>,
          %get3A_176 = arith.constant 0 : i32
          %get3A_177 = arith.index_cast %get3A_176 : i32 to index
          %get3A_178 = arith.index_cast %add3A_154 : i32 to index
          %get3A_179 = arith.constant 16 : index
          %get3A_180 = tpu.vector_load %arg9[%get3A_177, %get3A_178, %get3A_179] {strides = array<i32>} : memref<2x128x64xi32, #tpu.memory_space<vmem>>, vector<16xi32>,
          %bitcast3A_181 = vector.bitcast %get3A_175 : vector<16xi32> to vector<32xbf16>
          %bitcast3A_182 = vector.bitcast %get3A_180 : vector<16xi32> to vector<32xbf16>
          %mul3A_183 = arith.mulf %bitcast3A_181, %bitcast3A_182 : vector<32xbf16>
          %unpack3A_184 = tpu.unpack_subelements %mul3A_183, 0 {pack_format = #tpu.pack_format<interleaved>} : vector<32xbf16> -> vector<16xf32>
          %unpack3A_185 = tpu.unpack_subelements %mul3A_183, 1 {pack_format = #tpu.pack_format<interleaved>} : vector<32xbf16> -> vector<16xf32>
          %add3A_186 = arith.addf %add3A_170, %unpack3A_184 : vector<16xf32>
          %add3A_187 = arith.addf %add3A_186, %unpack3A_185 : vector<16xf32>
          %get3A_188 = arith.constant 0 : i32
          %get3A_189 = arith.index_cast %get3A_188 : i32 to index
          %get3A_190 = arith.index_cast %add3A_154 : i32 to index
          %get3A_191 = arith.constant 32 : index
          %get3A_192 = tpu.vector_load %arg8[%get3A_189, %get3A_190, %get3A_191] {strides = array<i32>} : memref<2x128x64xi32, #tpu.memory_space<vmem>>, vector<16xi32>,
          %get3A_193 = arith.constant 0 : i32
          %get3A_194 = arith.index_cast %get3A_193 : i32 to index
          %get3A_195 = arith.index_cast %add3A_154 : i32 to index
          %get3A_196 = arith.constant 32 : index
          %get3A_197 = tpu.vector_load %arg9[%get3A_194, %get3A_195, %get3A_196] {strides = array<i32>} : memref<2x128x64xi32, #tpu.memory_space<vmem>>, vector<16xi32>,
          %bitcast3A_198 = vector.bitcast %get3A_192 : vector<16xi32> to vector<32xbf16>
          %bitcast3A_199 = vector.bitcast %get3A_197 : vector<16xi32> to vector<32xbf16>
          %mul3A_200 = arith.mulf %bitcast3A_198, %bitcast3A_199 : vector<32xbf16>
          %unpack3A_201 = tpu.unpack_subelements %mul3A_200, 0 {pack_format = #tpu.pack_format<interleaved>} : vector<32xbf16> -> vector<16xf32>
          %unpack3A_202 = tpu.unpack_subelements %mul3A_200, 1 {pack_format = #tpu.pack_format<interleaved>} : vector<32xbf16> -> vector<16xf32>
          %add3A_203 = arith.addf %add3A_187, %unpack3A_201 : vector<16xf32>
          %add3A_204 = arith.addf %add3A_203, %unpack3A_202 : vector<16xf32>
          %get3A_205 = arith.constant 0 : i32
          %get3A_206 = arith.index_cast %get3A_205 : i32 to index
          %get3A_207 = arith.index_cast %add3A_154 : i32 to index
          %get3A_208 = arith.constant 48 : index
          %get3A_209 = tpu.vector_load %arg8[%get3A_206, %get3A_207, %get3A_208] {strides = array<i32>} : memref<2x128x64xi32, #tpu.memory_space<vmem>>, vector<16xi32>,
          %get3A_210 = arith.constant 0 : i32
          %get3A_211 = arith.index_cast %get3A_210 : i32 to index
          %get3A_212 = arith.index_cast %add3A_154 : i32 to index
          %get3A_213 = arith.constant 48 : index
          %get3A_214 = tpu.vector_load %arg9[%get3A_211, %get3A_212, %get3A_213] {strides = array<i32>} : memref<2x128x64xi32, #tpu.memory_space<vmem>>, vector<16xi32>,
          %bitcast3A_215 = vector.bitcast %get3A_209 : vector<16xi32> to vector<32xbf16>
          %bitcast3A_216 = vector.bitcast %get3A_214 : vector<16xi32> to vector<32xbf16>
          %mul3A_217 = arith.mulf %bitcast3A_215, %bitcast3A_216 : vector<32xbf16>
          %unpack3A_218 = tpu.unpack_subelements %mul3A_217, 0 {pack_format = #tpu.pack_format<interleaved>} : vector<32xbf16> -> vector<16xf32>
          %unpack3A_219 = tpu.unpack_subelements %mul3A_217, 1 {pack_format = #tpu.pack_format<interleaved>} : vector<32xbf16> -> vector<16xf32>
          %add3A_220 = arith.addf %add3A_204, %unpack3A_218 : vector<16xf32>
          %add3A_221 = arith.addf %add3A_220, %unpack3A_219 : vector<16xf32>
          %reduce_sum3A = arith.constant true
          %reduce_sum3A_222 = vector.broadcast %reduce_sum3A : i1 to vector<16xi1>
          %reduce_sum3A_223 = tpu.scan <sum>, %add3A_221 masked %reduce_sum3A_222 : vector<16xf32>, vector<16xi1> -> vector<16xf32>
          %reduce_sum3A_224 = vector.extract %reduce_sum3A_223[15] : f32 from vector<16xf32>
          %broadcast_in_dim3A_225 = vector.broadcast %reduce_sum3A_224 : f32 to vector<16xf32>
          %eq3A_226 = arith.constant 0 : i32
          %eq3A_227 = vector.broadcast %eq3A_226 : i32 to vector<16xi32>
          %eq3A_228 = arith.cmpi eq, %iota3A, %eq3A_227 : vector<16xi32>
          %select_n3A_229 = arith.select %eq3A_228, %broadcast_in_dim3A_225, %broadcast_in_dim3A_150 : vector<16xi1>, vector<16xf32>
          %mul3A_230 = arith.constant 16 : i32
          %mul3A_231 = arith.muli %scan3A_149, %mul3A_230 : i32
          %add3A_232 = arith.constant 1 : i32
          %add3A_233 = arith.addi %mul3A_231, %add3A_232 : i32
          %broadcast_in_dim3A_234 = arith.constant 0.000000e+00 : f32
          %broadcast_in_dim3A_235 = vector.broadcast %broadcast_in_dim3A_234 : f32 to vector<16xf32>
          %get3A_236 = arith.constant 0 : i32
          %get3A_237 = arith.index_cast %get3A_236 : i32 to index
          %get3A_238 = arith.index_cast %add3A_233 : i32 to index
          %get3A_239 = arith.constant 0 : index
          %get3A_240 = tpu.vector_load %arg8[%get3A_237, %get3A_238, %get3A_239] {strides = array<i32>} : memref<2x128x64xi32, #tpu.memory_space<vmem>>, vector<16xi32>,
          %get3A_241 = arith.constant 0 : i32
          %get3A_242 = arith.index_cast %get3A_241 : i32 to index
          %get3A_243 = arith.index_cast %add3A_233 : i32 to index
          %get3A_244 = arith.constant 0 : index
          %get3A_245 = tpu.vector_load %arg9[%get3A_242, %get3A_243, %get3A_244] {strides = array<i32>} : memref<2x128x64xi32, #tpu.memory_space<vmem>>, vector<16xi32>,
          %bitcast3A_246 = vector.bitcast %get3A_240 : vector<16xi32> to vector<32xbf16>
          %bitcast3A_247 = vector.bitcast %get3A_245 : vector<16xi32> to vector<32xbf16>
          %mul3A_248 = arith.mulf %bitcast3A_246, %bitcast3A_247 : vector<32xbf16>
          %unpack3A_249 = tpu.unpack_subelements %mul3A_248, 0 {pack_format = #tpu.pack_format<interleaved>} : vector<32xbf16> -> vector<16xf32>
          %unpack3A_250 = tpu.unpack_subelements %mul3A_248, 1 {pack_format = #tpu.pack_format<interleaved>} : vector<32xbf16> -> vector<16xf32>
          %add3A_251 = arith.addf %broadcast_in_dim3A_235, %unpack3A_249 : vector<16xf32>
          %add3A_252 = arith.addf %add3A_251, %unpack3A_250 : vector<16xf32>
          %get3A_253 = arith.constant 0 : i32
          %get3A_254 = arith.index_cast %get3A_253 : i32 to index
          %get3A_255 = arith.index_cast %add3A_233 : i32 to index
          %get3A_256 = arith.constant 16 : index
          %get3A_257 = tpu.vector_load %arg8[%get3A_254, %get3A_255, %get3A_256] {strides = array<i32>} : memref<2x128x64xi32, #tpu.memory_space<vmem>>, vector<16xi32>,
          %get3A_258 = arith.constant 0 : i32
          %get3A_259 = arith.index_cast %get3A_258 : i32 to index
          %get3A_260 = arith.index_cast %add3A_233 : i32 to index
          %get3A_261 = arith.constant 16 : index
          %get3A_262 = tpu.vector_load %arg9[%get3A_259, %get3A_260, %get3A_261] {strides = array<i32>} : memref<2x128x64xi32, #tpu.memory_space<vmem>>, vector<16xi32>,
          %bitcast3A_263 = vector.bitcast %get3A_257 : vector<16xi32> to vector<32xbf16>
          %bitcast3A_264 = vector.bitcast %get3A_262 : vector<16xi32> to vector<32xbf16>
          %mul3A_265 = arith.mulf %bitcast3A_263, %bitcast3A_264 : vector<32xbf16>
          %unpack3A_266 = tpu.unpack_subelements %mul3A_265, 0 {pack_format = #tpu.pack_format<interleaved>} : vector<32xbf16> -> vector<16xf32>
          %unpack3A_267 = tpu.unpack_subelements %mul3A_265, 1 {pack_format = #tpu.pack_format<interleaved>} : vector<32xbf16> -> vector<16xf32>
          %add3A_268 = arith.addf %add3A_252, %unpack3A_266 : vector<16xf32>
          %add3A_269 = arith.addf %add3A_268, %unpack3A_267 : vector<16xf32>
          %get3A_270 = arith.constant 0 : i32
          %get3A_271 = arith.index_cast %get3A_270 : i32 to index
          %get3A_272 = arith.index_cast %add3A_233 : i32 to index
          %get3A_273 = arith.constant 32 : index
          %get3A_274 = tpu.vector_load %arg8[%get3A_271, %get3A_272, %get3A_273] {strides = array<i32>} : memref<2x128x64xi32, #tpu.memory_space<vmem>>, vector<16xi32>,
          %get3A_275 = arith.constant 0 : i32
          %get3A_276 = arith.index_cast %get3A_275 : i32 to index
          %get3A_277 = arith.index_cast %add3A_233 : i32 to index
          %get3A_278 = arith.constant 32 : index
          %get3A_279 = tpu.vector_load %arg9[%get3A_276, %get3A_277, %get3A_278] {strides = array<i32>} : memref<2x128x64xi32, #tpu.memory_space<vmem>>, vector<16xi32>,
          %bitcast3A_280 = vector.bitcast %get3A_274 : vector<16xi32> to vector<32xbf16>
          %bitcast3A_281 = vector.bitcast %get3A_279 : vector<16xi32> to vector<32xbf16>
          %mul3A_282 = arith.mulf %bitcast3A_280, %bitcast3A_281 : vector<32xbf16>
          %unpack3A_283 = tpu.unpack_subelements %mul3A_282, 0 {pack_format = #tpu.pack_format<interleaved>} : vector<32xbf16> -> vector<16xf32>
          %unpack3A_284 = tpu.unpack_subelements %mul3A_282, 1 {pack_format = #tpu.pack_format<interleaved>} : vector<32xbf16> -> vector<16xf32>
          %add3A_285 = arith.addf %add3A_269, %unpack3A_283 : vector<16xf32>
          %add3A_286 = arith.addf %add3A_285, %unpack3A_284 : vector<16xf32>
          %get3A_287 = arith.constant 0 : i32
          %get3A_288 = arith.index_cast %get3A_287 : i32 to index
          %get3A_289 = arith.index_cast %add3A_233 : i32 to index
          %get3A_290 = arith.constant 48 : index
          %get3A_291 = tpu.vector_load %arg8[%get3A_288, %get3A_289, %get3A_290] {strides = array<i32>} : memref<2x128x64xi32, #tpu.memory_space<vmem>>, vector<16xi32>,
          %get3A_292 = arith.constant 0 : i32
          %get3A_293 = arith.index_cast %get3A_292 : i32 to index
          %get3A_294 = arith.index_cast %add3A_233 : i32 to index
          %get3A_295 = arith.constant 48 : index
          %get3A_296 = tpu.vector_load %arg9[%get3A_293, %get3A_294, %get3A_295] {strides = array<i32>} : memref<2x128x64xi32, #tpu.memory_space<vmem>>, vector<16xi32>,
          %bitcast3A_297 = vector.bitcast %get3A_291 : vector<16xi32> to vector<32xbf16>
          %bitcast3A_298 = vector.bitcast %get3A_296 : vector<16xi32> to vector<32xbf16>
          %mul3A_299 = arith.mulf %bitcast3A_297, %bitcast3A_298 : vector<32xbf16>
          %unpack3A_300 = tpu.unpack_subelements %mul3A_299, 0 {pack_format = #tpu.pack_format<interleaved>} : vector<32xbf16> -> vector<16xf32>
          %unpack3A_301 = tpu.unpack_subelements %mul3A_299, 1 {pack_format = #tpu.pack_format<interleaved>} : vector<32xbf16> -> vector<16xf32>
          %add3A_302 = arith.addf %add3A_286, %unpack3A_300 : vector<16xf32>
          %add3A_303 = arith.addf %add3A_302, %unpack3A_301 : vector<16xf32>
          %reduce_sum3A_304 = arith.constant true
          %reduce_sum3A_305 = vector.broadcast %reduce_sum3A_304 : i1 to vector<16xi1>
          %reduce_sum3A_306 = tpu.scan <sum>, %add3A_303 masked %reduce_sum3A_305 : vector<16xf32>, vector<16xi1> -> vector<16xf32>
          %reduce_sum3A_307 = vector.extract %reduce_sum3A_306[15] : f32 from vector<16xf32>
          %broadcast_in_dim3A_308 = vector.broadcast %reduce_sum3A_307 : f32 to vector<16xf32>
          %eq3A_309 = arith.constant 1 : i32
          %eq3A_310 = vector.broadcast %eq3A_309 : i32 to vector<16xi32>
          %eq3A_311 = arith.cmpi eq, %iota3A, %eq3A_310 : vector<16xi32>
          %select_n3A_312 = arith.select %eq3A_311, %broadcast_in_dim3A_308, %select_n3A_229 : vector<16xi1>, vector<16xf32>
          %mul3A_313 = arith.constant 16 : i32
          %mul3A_314 = arith.muli %scan3A_149, %mul3A_313 : i32
          %add3A_315 = arith.constant 2 : i32
          %add3A_316 = arith.addi %mul3A_314, %add3A_315 : i32
          %broadcast_in_dim3A_317 = arith.constant 0.000000e+00 : f32
          %broadcast_in_dim3A_318 = vector.broadcast %broadcast_in_dim3A_317 : f32 to vector<16xf32>
          %get3A_319 = arith.constant 0 : i32
          %get3A_320 = arith.index_cast %get3A_319 : i32 to index
          %get3A_321 = arith.index_cast %add3A_316 : i32 to index
          %get3A_322 = arith.constant 0 : index
          %get3A_323 = tpu.vector_load %arg8[%get3A_320, %get3A_321, %get3A_322] {strides = array<i32>} : memref<2x128x64xi32, #tpu.memory_space<vmem>>, vector<16xi32>,
          %get3A_324 = arith.constant 0 : i32
          %get3A_325 = arith.index_cast %get3A_324 : i32 to index
          %get3A_326 = arith.index_cast %add3A_316 : i32 to index
          %get3A_327 = arith.constant 0 : index
          %get3A_328 = tpu.vector_load %arg9[%get3A_325, %get3A_326, %get3A_327] {strides = array<i32>} : memref<2x128x64xi32, #tpu.memory_space<vmem>>, vector<16xi32>,
          %bitcast3A_329 = vector.bitcast %get3A_323 : vector<16xi32> to vector<32xbf16>
          %bitcast3A_330 = vector.bitcast %get3A_328 : vector<16xi32> to vector<32xbf16>
          %mul3A_331 = arith.mulf %bitcast3A_329, %bitcast3A_330 : vector<32xbf16>
          %unpack3A_332 = tpu.unpack_subelements %mul3A_331, 0 {pack_format = #tpu.pack_format<interleaved>} : vector<32xbf16> -> vector<16xf32>
          %unpack3A_333 = tpu.unpack_subelements %mul3A_331, 1 {pack_format = #tpu.pack_format<interleaved>} : vector<32xbf16> -> vector<16xf32>
          %add3A_334 = arith.addf %broadcast_in_dim3A_318, %unpack3A_332 : vector<16xf32>
          %add3A_335 = arith.addf %add3A_334, %unpack3A_333 : vector<16xf32>
          %get3A_336 = arith.constant 0 : i32
          %get3A_337 = arith.index_cast %get3A_336 : i32 to index
          %get3A_338 = arith.index_cast %add3A_316 : i32 to index
          %get3A_339 = arith.constant 16 : index
          %get3A_340 = tpu.vector_load %arg8[%get3A_337, %get3A_338, %get3A_339] {strides = array<i32>} : memref<2x128x64xi32, #tpu.memory_space<vmem>>, vector<16xi32>,
          %get3A_341 = arith.constant 0 : i32
          %get3A_342 = arith.index_cast %get3A_341 : i32 to index
          %get3A_343 = arith.index_cast %add3A_316 : i32 to index
          %get3A_344 = arith.constant 16 : index
          %get3A_345 = tpu.vector_load %arg9[%get3A_342, %get3A_343, %get3A_344] {strides = array<i32>} : memref<2x128x64xi32, #tpu.memory_space<vmem>>, vector<16xi32>,
          %bitcast3A_346 = vector.bitcast %get3A_340 : vector<16xi32> to vector<32xbf16>
          %bitcast3A_347 = vector.bitcast %get3A_345 : vector<16xi32> to vector<32xbf16>
          %mul3A_348 = arith.mulf %bitcast3A_346, %bitcast3A_347 : vector<32xbf16>
          %unpack3A_349 = tpu.unpack_subelements %mul3A_348, 0 {pack_format = #tpu.pack_format<interleaved>} : vector<32xbf16> -> vector<16xf32>
          %unpack3A_350 = tpu.unpack_subelements %mul3A_348, 1 {pack_format = #tpu.pack_format<interleaved>} : vector<32xbf16> -> vector<16xf32>
          %add3A_351 = arith.addf %add3A_335, %unpack3A_349 : vector<16xf32>
          %add3A_352 = arith.addf %add3A_351, %unpack3A_350 : vector<16xf32>
          %get3A_353 = arith.constant 0 : i32
          %get3A_354 = arith.index_cast %get3A_353 : i32 to index
          %get3A_355 = arith.index_cast %add3A_316 : i32 to index
          %get3A_356 = arith.constant 32 : index
          %get3A_357 = tpu.vector_load %arg8[%get3A_354, %get3A_355, %get3A_356] {strides = array<i32>} : memref<2x128x64xi32, #tpu.memory_space<vmem>>, vector<16xi32>,
          %get3A_358 = arith.constant 0 : i32
          %get3A_359 = arith.index_cast %get3A_358 : i32 to index
          %get3A_360 = arith.index_cast %add3A_316 : i32 to index
          %get3A_361 = arith.constant 32 : index
          %get3A_362 = tpu.vector_load %arg9[%get3A_359, %get3A_360, %get3A_361] {strides = array<i32>} : memref<2x128x64xi32, #tpu.memory_space<vmem>>, vector<16xi32>,
          %bitcast3A_363 = vector.bitcast %get3A_357 : vector<16xi32> to vector<32xbf16>
          %bitcast3A_364 = vector.bitcast %get3A_362 : vector<16xi32> to vector<32xbf16>
          %mul3A_365 = arith.mulf %bitcast3A_363, %bitcast3A_364 : vector<32xbf16>
          %unpack3A_366 = tpu.unpack_subelements %mul3A_365, 0 {pack_format = #tpu.pack_format<interleaved>} : vector<32xbf16> -> vector<16xf32>
          %unpack3A_367 = tpu.unpack_subelements %mul3A_365, 1 {pack_format = #tpu.pack_format<interleaved>} : vector<32xbf16> -> vector<16xf32>
          %add3A_368 = arith.addf %add3A_352, %unpack3A_366 : vector<16xf32>
          %add3A_369 = arith.addf %add3A_368, %unpack3A_367 : vector<16xf32>
          %get3A_370 = arith.constant 0 : i32
          %get3A_371 = arith.index_cast %get3A_370 : i32 to index
          %get3A_372 = arith.index_cast %add3A_316 : i32 to index
          %get3A_373 = arith.constant 48 : index
          %get3A_374 = tpu.vector_load %arg8[%get3A_371, %get3A_372, %get3A_373] {strides = array<i32>} : memref<2x128x64xi32, #tpu.memory_space<vmem>>, vector<16xi32>,
          %get3A_375 = arith.constant 0 : i32
          %get3A_376 = arith.index_cast %get3A_375 : i32 to index
          %get3A_377 = arith.index_cast %add3A_316 : i32 to index
          %get3A_378 = arith.constant 48 : index
          %get3A_379 = tpu.vector_load %arg9[%get3A_376, %get3A_377, %get3A_378] {strides = array<i32>} : memref<2x128x64xi32, #tpu.memory_space<vmem>>, vector<16xi32>,
          %bitcast3A_380 = vector.bitcast %get3A_374 : vector<16xi32> to vector<32xbf16>
          %bitcast3A_381 = vector.bitcast %get3A_379 : vector<16xi32> to vector<32xbf16>
          %mul3A_382 = arith.mulf %bitcast3A_380, %bitcast3A_381 : vector<32xbf16>
          %unpack3A_383 = tpu.unpack_subelements %mul3A_382, 0 {pack_format = #tpu.pack_format<interleaved>} : vector<32xbf16> -> vector<16xf32>
          %unpack3A_384 = tpu.unpack_subelements %mul3A_382, 1 {pack_format = #tpu.pack_format<interleaved>} : vector<32xbf16> -> vector<16xf32>
          %add3A_385 = arith.addf %add3A_369, %unpack3A_383 : vector<16xf32>
          %add3A_386 = arith.addf %add3A_385, %unpack3A_384 : vector<16xf32>
          %reduce_sum3A_387 = arith.constant true
          %reduce_sum3A_388 = vector.broadcast %reduce_sum3A_387 : i1 to vector<16xi1>
          %reduce_sum3A_389 = tpu.scan <sum>, %add3A_386 masked %reduce_sum3A_388 : vector<16xf32>, vector<16xi1> -> vector<16xf32>
          %reduce_sum3A_390 = vector.extract %reduce_sum3A_389[15] : f32 from vector<16xf32>
          %broadcast_in_dim3A_391 = vector.broadcast %reduce_sum3A_390 : f32 to vector<16xf32>
          %eq3A_392 = arith.constant 2 : i32
          %eq3A_393 = vector.broadcast %eq3A_392 : i32 to vector<16xi32>
          %eq3A_394 = arith.cmpi eq, %iota3A, %eq3A_393 : vector<16xi32>
          %select_n3A_395 = arith.select %eq3A_394, %broadcast_in_dim3A_391, %select_n3A_312 : vector<16xi1>, vector<16xf32>
          %mul3A_396 = arith.constant 16 : i32
          %mul3A_397 = arith.muli %scan3A_149, %mul3A_396 : i32
          %add3A_398 = arith.constant 3 : i32
          %add3A_399 = arith.addi %mul3A_397, %add3A_398 : i32
          %broadcast_in_dim3A_400 = arith.constant 0.000000e+00 : f32
          %broadcast_in_dim3A_401 = vector.broadcast %broadcast_in_dim3A_400 : f32 to vector<16xf32>
          %get3A_402 = arith.constant 0 : i32
          %get3A_403 = arith.index_cast %get3A_402 : i32 to index
          %get3A_404 = arith.index_cast %add3A_399 : i32 to index
          %get3A_405 = arith.constant 0 : index
          %get3A_406 = tpu.vector_load %arg8[%get3A_403, %get3A_404, %get3A_405] {strides = array<i32>} : memref<2x128x64xi32, #tpu.memory_space<vmem>>, vector<16xi32>,
          %get3A_407 = arith.constant 0 : i32
          %get3A_408 = arith.index_cast %get3A_407 : i32 to index
          %get3A_409 = arith.index_cast %add3A_399 : i32 to index
          %get3A_410 = arith.constant 0 : index
          %get3A_411 = tpu.vector_load %arg9[%get3A_408, %get3A_409, %get3A_410] {strides = array<i32>} : memref<2x128x64xi32, #tpu.memory_space<vmem>>, vector<16xi32>,
          %bitcast3A_412 = vector.bitcast %get3A_406 : vector<16xi32> to vector<32xbf16>
          %bitcast3A_413 = vector.bitcast %get3A_411 : vector<16xi32> to vector<32xbf16>
          %mul3A_414 = arith.mulf %bitcast3A_412, %bitcast3A_413 : vector<32xbf16>
          %unpack3A_415 = tpu.unpack_subelements %mul3A_414, 0 {pack_format = #tpu.pack_format<interleaved>} : vector<32xbf16> -> vector<16xf32>
          %unpack3A_416 = tpu.unpack_subelements %mul3A_414, 1 {pack_format = #tpu.pack_format<interleaved>} : vector<32xbf16> -> vector<16xf32>
          %add3A_417 = arith.addf %broadcast_in_dim3A_401, %unpack3A_415 : vector<16xf32>
          %add3A_418 = arith.addf %add3A_417, %unpack3A_416 : vector<16xf32>
          %get3A_419 = arith.constant 0 : i32
          %get3A_420 = arith.index_cast %get3A_419 : i32 to index
          %get3A_421 = arith.index_cast %add3A_399 : i32 to index
          %get3A_422 = arith.constant 16 : index
          %get3A_423 = tpu.vector_load %arg8[%get3A_420, %get3A_421, %get3A_422] {strides = array<i32>} : memref<2x128x64xi32, #tpu.memory_space<vmem>>, vector<16xi32>,
          %get3A_424 = arith.constant 0 : i32
          %get3A_425 = arith.index_cast %get3A_424 : i32 to index
          %get3A_426 = arith.index_cast %add3A_399 : i32 to index
          %get3A_427 = arith.constant 16 : index
          %get3A_428 = tpu.vector_load %arg9[%get3A_425, %get3A_426, %get3A_427] {strides = array<i32>} : memref<2x128x64xi32, #tpu.memory_space<vmem>>, vector<16xi32>,
          %bitcast3A_429 = vector.bitcast %get3A_423 : vector<16xi32> to vector<32xbf16>
          %bitcast3A_430 = vector.bitcast %get3A_428 : vector<16xi32> to vector<32xbf16>
          %mul3A_431 = arith.mulf %bitcast3A_429, %bitcast3A_430 : vector<32xbf16>
          %unpack3A_432 = tpu.unpack_subelements %mul3A_431, 0 {pack_format = #tpu.pack_format<interleaved>} : vector<32xbf16> -> vector<16xf32>
          %unpack3A_433 = tpu.unpack_subelements %mul3A_431, 1 {pack_format = #tpu.pack_format<interleaved>} : vector<32xbf16> -> vector<16xf32>
          %add3A_434 = arith.addf %add3A_418, %unpack3A_432 : vector<16xf32>
          %add3A_435 = arith.addf %add3A_434, %unpack3A_433 : vector<16xf32>
          %get3A_436 = arith.constant 0 : i32
          %get3A_437 = arith.index_cast %get3A_436 : i32 to index
          %get3A_438 = arith.index_cast %add3A_399 : i32 to index
          %get3A_439 = arith.constant 32 : index
          %get3A_440 = tpu.vector_load %arg8[%get3A_437, %get3A_438, %get3A_439] {strides = array<i32>} : memref<2x128x64xi32, #tpu.memory_space<vmem>>, vector<16xi32>,
          %get3A_441 = arith.constant 0 : i32
          %get3A_442 = arith.index_cast %get3A_441 : i32 to index
          %get3A_443 = arith.index_cast %add3A_399 : i32 to index
          %get3A_444 = arith.constant 32 : index
          %get3A_445 = tpu.vector_load %arg9[%get3A_442, %get3A_443, %get3A_444] {strides = array<i32>} : memref<2x128x64xi32, #tpu.memory_space<vmem>>, vector<16xi32>,
          %bitcast3A_446 = vector.bitcast %get3A_440 : vector<16xi32> to vector<32xbf16>
          %bitcast3A_447 = vector.bitcast %get3A_445 : vector<16xi32> to vector<32xbf16>
          %mul3A_448 = arith.mulf %bitcast3A_446, %bitcast3A_447 : vector<32xbf16>
          %unpack3A_449 = tpu.unpack_subelements %mul3A_448, 0 {pack_format = #tpu.pack_format<interleaved>} : vector<32xbf16> -> vector<16xf32>
          %unpack3A_450 = tpu.unpack_subelements %mul3A_448, 1 {pack_format = #tpu.pack_format<interleaved>} : vector<32xbf16> -> vector<16xf32>
          %add3A_451 = arith.addf %add3A_435, %unpack3A_449 : vector<16xf32>
          %add3A_452 = arith.addf %add3A_451, %unpack3A_450 : vector<16xf32>
          %get3A_453 = arith.constant 0 : i32
          %get3A_454 = arith.index_cast %get3A_453 : i32 to index
          %get3A_455 = arith.index_cast %add3A_399 : i32 to index
          %get3A_456 = arith.constant 48 : index
          %get3A_457 = tpu.vector_load %arg8[%get3A_454, %get3A_455, %get3A_456] {strides = array<i32>} : memref<2x128x64xi32, #tpu.memory_space<vmem>>, vector<16xi32>,
          %get3A_458 = arith.constant 0 : i32
          %get3A_459 = arith.index_cast %get3A_458 : i32 to index
          %get3A_460 = arith.index_cast %add3A_399 : i32 to index
          %get3A_461 = arith.constant 48 : index
          %get3A_462 = tpu.vector_load %arg9[%get3A_459, %get3A_460, %get3A_461] {strides = array<i32>} : memref<2x128x64xi32, #tpu.memory_space<vmem>>, vector<16xi32>,
          %bitcast3A_463 = vector.bitcast %get3A_457 : vector<16xi32> to vector<32xbf16>
          %bitcast3A_464 = vector.bitcast %get3A_462 : vector<16xi32> to vector<32xbf16>
          %mul3A_465 = arith.mulf %bitcast3A_463, %bitcast3A_464 : vector<32xbf16>
          %unpack3A_466 = tpu.unpack_subelements %mul3A_465, 0 {pack_format = #tpu.pack_format<interleaved>} : vector<32xbf16> -> vector<16xf32>
          %unpack3A_467 = tpu.unpack_subelements %mul3A_465, 1 {pack_format = #tpu.pack_format<interleaved>} : vector<32xbf16> -> vector<16xf32>
          %add3A_468 = arith.addf %add3A_452, %unpack3A_466 : vector<16xf32>
          %add3A_469 = arith.addf %add3A_468, %unpack3A_467 : vector<16xf32>
          %reduce_sum3A_470 = arith.constant true
          %reduce_sum3A_471 = vector.broadcast %reduce_sum3A_470 : i1 to vector<16xi1>
          %reduce_sum3A_472 = tpu.scan <sum>, %add3A_469 masked %reduce_sum3A_471 : vector<16xf32>, vector<16xi1> -> vector<16xf32>
          %reduce_sum3A_473 = vector.extract %reduce_sum3A_472[15] : f32 from vector<16xf32>
          %broadcast_in_dim3A_474 = vector.broadcast %reduce_sum3A_473 : f32 to vector<16xf32>
          %eq3A_475 = arith.constant 3 : i32
          %eq3A_476 = vector.broadcast %eq3A_475 : i32 to vector<16xi32>
          %eq3A_477 = arith.cmpi eq, %iota3A, %eq3A_476 : vector<16xi32>
          %select_n3A_478 = arith.select %eq3A_477, %broadcast_in_dim3A_474, %select_n3A_395 : vector<16xi1>, vector<16xf32>
          %mul3A_479 = arith.constant 16 : i32
          %mul3A_480 = arith.muli %scan3A_149, %mul3A_479 : i32
          %add3A_481 = arith.constant 4 : i32
          %add3A_482 = arith.addi %mul3A_480, %add3A_481 : i32
          %broadcast_in_dim3A_483 = arith.constant 0.000000e+00 : f32
          %broadcast_in_dim3A_484 = vector.broadcast %broadcast_in_dim3A_483 : f32 to vector<16xf32>
          %get3A_485 = arith.constant 0 : i32
          %get3A_486 = arith.index_cast %get3A_485 : i32 to index
          %get3A_487 = arith.index_cast %add3A_482 : i32 to index
          %get3A_488 = arith.constant 0 : index
          %get3A_489 = tpu.vector_load %arg8[%get3A_486, %get3A_487, %get3A_488] {strides = array<i32>} : memref<2x128x64xi32, #tpu.memory_space<vmem>>, vector<16xi32>,
          %get3A_490 = arith.constant 0 : i32
          %get3A_491 = arith.index_cast %get3A_490 : i32 to index
          %get3A_492 = arith.index_cast %add3A_482 : i32 to index
          %get3A_493 = arith.constant 0 : index
          %get3A_494 = tpu.vector_load %arg9[%get3A_491, %get3A_492, %get3A_493] {strides = array<i32>} : memref<2x128x64xi32, #tpu.memory_space<vmem>>, vector<16xi32>,
          %bitcast3A_495 = vector.bitcast %get3A_489 : vector<16xi32> to vector<32xbf16>
          %bitcast3A_496 = vector.bitcast %get3A_494 : vector<16xi32> to vector<32xbf16>
          %mul3A_497 = arith.mulf %bitcast3A_495, %bitcast3A_496 : vector<32xbf16>
          %unpack3A_498 = tpu.unpack_subelements %mul3A_497, 0 {pack_format = #tpu.pack_format<interleaved>} : vector<32xbf16> -> vector<16xf32>
          %unpack3A_499 = tpu.unpack_subelements %mul3A_497, 1 {pack_format = #tpu.pack_format<interleaved>} : vector<32xbf16> -> vector<16xf32>
          %add3A_500 = arith.addf %broadcast_in_dim3A_484, %unpack3A_498 : vector<16xf32>
          %add3A_501 = arith.addf %add3A_500, %unpack3A_499 : vector<16xf32>
          %get3A_502 = arith.constant 0 : i32
          %get3A_503 = arith.index_cast %get3A_502 : i32 to index
          %get3A_504 = arith.index_cast %add3A_482 : i32 to index
          %get3A_505 = arith.constant 16 : index
          %get3A_506 = tpu.vector_load %arg8[%get3A_503, %get3A_504, %get3A_505] {strides = array<i32>} : memref<2x128x64xi32, #tpu.memory_space<vmem>>, vector<16xi32>,
          %get3A_507 = arith.constant 0 : i32
          %get3A_508 = arith.index_cast %get3A_507 : i32 to index
          %get3A_509 = arith.index_cast %add3A_482 : i32 to index
          %get3A_510 = arith.constant 16 : index
          %get3A_511 = tpu.vector_load %arg9[%get3A_508, %get3A_509, %get3A_510] {strides = array<i32>} : memref<2x128x64xi32, #tpu.memory_space<vmem>>, vector<16xi32>,
          %bitcast3A_512 = vector.bitcast %get3A_506 : vector<16xi32> to vector<32xbf16>
          %bitcast3A_513 = vector.bitcast %get3A_511 : vector<16xi32> to vector<32xbf16>
          %mul3A_514 = arith.mulf %bitcast3A_512, %bitcast3A_513 : vector<32xbf16>
          %unpack3A_515 = tpu.unpack_subelements %mul3A_514, 0 {pack_format = #tpu.pack_format<interleaved>} : vector<32xbf16> -> vector<16xf32>
          %unpack3A_516 = tpu.unpack_subelements %mul3A_514, 1 {pack_format = #tpu.pack_format<interleaved>} : vector<32xbf16> -> vector<16xf32>
          %add3A_517 = arith.addf %add3A_501, %unpack3A_515 : vector<16xf32>
          %add3A_518 = arith.addf %add3A_517, %unpack3A_516 : vector<16xf32>
          %get3A_519 = arith.constant 0 : i32
          %get3A_520 = arith.index_cast %get3A_519 : i32 to index
          %get3A_521 = arith.index_cast %add3A_482 : i32 to index
          %get3A_522 = arith.constant 32 : index
          %get3A_523 = tpu.vector_load %arg8[%get3A_520, %get3A_521, %get3A_522] {strides = array<i32>} : memref<2x128x64xi32, #tpu.memory_space<vmem>>, vector<16xi32>,
          %get3A_524 = arith.constant 0 : i32
          %get3A_525 = arith.index_cast %get3A_524 : i32 to index
          %get3A_526 = arith.index_cast %add3A_482 : i32 to index
          %get3A_527 = arith.constant 32 : index
          %get3A_528 = tpu.vector_load %arg9[%get3A_525, %get3A_526, %get3A_527] {strides = array<i32>} : memref<2x128x64xi32, #tpu.memory_space<vmem>>, vector<16xi32>,
          %bitcast3A_529 = vector.bitcast %get3A_523 : vector<16xi32> to vector<32xbf16>
          %bitcast3A_530 = vector.bitcast %get3A_528 : vector<16xi32> to vector<32xbf16>
          %mul3A_531 = arith.mulf %bitcast3A_529, %bitcast3A_530 : vector<32xbf16>
          %unpack3A_532 = tpu.unpack_subelements %mul3A_531, 0 {pack_format = #tpu.pack_format<interleaved>} : vector<32xbf16> -> vector<16xf32>
          %unpack3A_533 = tpu.unpack_subelements %mul3A_531, 1 {pack_format = #tpu.pack_format<interleaved>} : vector<32xbf16> -> vector<16xf32>
          %add3A_534 = arith.addf %add3A_518, %unpack3A_532 : vector<16xf32>
          %add3A_535 = arith.addf %add3A_534, %unpack3A_533 : vector<16xf32>
          %get3A_536 = arith.constant 0 : i32
          %get3A_537 = arith.index_cast %get3A_536 : i32 to index
          %get3A_538 = arith.index_cast %add3A_482 : i32 to index
          %get3A_539 = arith.constant 48 : index
          %get3A_540 = tpu.vector_load %arg8[%get3A_537, %get3A_538, %get3A_539] {strides = array<i32>} : memref<2x128x64xi32, #tpu.memory_space<vmem>>, vector<16xi32>,
          %get3A_541 = arith.constant 0 : i32
          %get3A_542 = arith.index_cast %get3A_541 : i32 to index
          %get3A_543 = arith.index_cast %add3A_482 : i32 to index
          %get3A_544 = arith.constant 48 : index
          %get3A_545 = tpu.vector_load %arg9[%get3A_542, %get3A_543, %get3A_544] {strides = array<i32>} : memref<2x128x64xi32, #tpu.memory_space<vmem>>, vector<16xi32>,
          %bitcast3A_546 = vector.bitcast %get3A_540 : vector<16xi32> to vector<32xbf16>
          %bitcast3A_547 = vector.bitcast %get3A_545 : vector<16xi32> to vector<32xbf16>
          %mul3A_548 = arith.mulf %bitcast3A_546, %bitcast3A_547 : vector<32xbf16>
          %unpack3A_549 = tpu.unpack_subelements %mul3A_548, 0 {pack_format = #tpu.pack_format<interleaved>} : vector<32xbf16> -> vector<16xf32>
          %unpack3A_550 = tpu.unpack_subelements %mul3A_548, 1 {pack_format = #tpu.pack_format<interleaved>} : vector<32xbf16> -> vector<16xf32>
          %add3A_551 = arith.addf %add3A_535, %unpack3A_549 : vector<16xf32>
          %add3A_552 = arith.addf %add3A_551, %unpack3A_550 : vector<16xf32>
          %reduce_sum3A_553 = arith.constant true
          %reduce_sum3A_554 = vector.broadcast %reduce_sum3A_553 : i1 to vector<16xi1>
          %reduce_sum3A_555 = tpu.scan <sum>, %add3A_552 masked %reduce_sum3A_554 : vector<16xf32>, vector<16xi1> -> vector<16xf32>
          %reduce_sum3A_556 = vector.extract %reduce_sum3A_555[15] : f32 from vector<16xf32>
          %broadcast_in_dim3A_557 = vector.broadcast %reduce_sum3A_556 : f32 to vector<16xf32>
          %eq3A_558 = arith.constant 4 : i32
          %eq3A_559 = vector.broadcast %eq3A_558 : i32 to vector<16xi32>
          %eq3A_560 = arith.cmpi eq, %iota3A, %eq3A_559 : vector<16xi32>
          %select_n3A_561 = arith.select %eq3A_560, %broadcast_in_dim3A_557, %select_n3A_478 : vector<16xi1>, vector<16xf32>
          %mul3A_562 = arith.constant 16 : i32
          %mul3A_563 = arith.muli %scan3A_149, %mul3A_562 : i32
          %add3A_564 = arith.constant 5 : i32
          %add3A_565 = arith.addi %mul3A_563, %add3A_564 : i32
          %broadcast_in_dim3A_566 = arith.constant 0.000000e+00 : f32
          %broadcast_in_dim3A_567 = vector.broadcast %broadcast_in_dim3A_566 : f32 to vector<16xf32>
          %get3A_568 = arith.constant 0 : i32
          %get3A_569 = arith.index_cast %get3A_568 : i32 to index
          %get3A_570 = arith.index_cast %add3A_565 : i32 to index
          %get3A_571 = arith.constant 0 : index
          %get3A_572 = tpu.vector_load %arg8[%get3A_569, %get3A_570, %get3A_571] {strides = array<i32>} : memref<2x128x64xi32, #tpu.memory_space<vmem>>, vector<16xi32>,
          %get3A_573 = arith.constant 0 : i32
          %get3A_574 = arith.index_cast %get3A_573 : i32 to index
          %get3A_575 = arith.index_cast %add3A_565 : i32 to index
          %get3A_576 = arith.constant 0 : index
          %get3A_577 = tpu.vector_load %arg9[%get3A_574, %get3A_575, %get3A_576] {strides = array<i32>} : memref<2x128x64xi32, #tpu.memory_space<vmem>>, vector<16xi32>,
          %bitcast3A_578 = vector.bitcast %get3A_572 : vector<16xi32> to vector<32xbf16>
          %bitcast3A_579 = vector.bitcast %get3A_577 : vector<16xi32> to vector<32xbf16>
          %mul3A_580 = arith.mulf %bitcast3A_578, %bitcast3A_579 : vector<32xbf16>
          %unpack3A_581 = tpu.unpack_subelements %mul3A_580, 0 {pack_format = #tpu.pack_format<interleaved>} : vector<32xbf16> -> vector<16xf32>
          %unpack3A_582 = tpu.unpack_subelements %mul3A_580, 1 {pack_format = #tpu.pack_format<interleaved>} : vector<32xbf16> -> vector<16xf32>
          %add3A_583 = arith.addf %broadcast_in_dim3A_567, %unpack3A_581 : vector<16xf32>
          %add3A_584 = arith.addf %add3A_583, %unpack3A_582 : vector<16xf32>
          %get3A_585 = arith.constant 0 : i32
          %get3A_586 = arith.index_cast %get3A_585 : i32 to index
          %get3A_587 = arith.index_cast %add3A_565 : i32 to index
          %get3A_588 = arith.constant 16 : index
          %get3A_589 = tpu.vector_load %arg8[%get3A_586, %get3A_587, %get3A_588] {strides = array<i32>} : memref<2x128x64xi32, #tpu.memory_space<vmem>>, vector<16xi32>,
          %get3A_590 = arith.constant 0 : i32
          %get3A_591 = arith.index_cast %get3A_590 : i32 to index
          %get3A_592 = arith.index_cast %add3A_565 : i32 to index
          %get3A_593 = arith.constant 16 : index
          %get3A_594 = tpu.vector_load %arg9[%get3A_591, %get3A_592, %get3A_593] {strides = array<i32>} : memref<2x128x64xi32, #tpu.memory_space<vmem>>, vector<16xi32>,
          %bitcast3A_595 = vector.bitcast %get3A_589 : vector<16xi32> to vector<32xbf16>
          %bitcast3A_596 = vector.bitcast %get3A_594 : vector<16xi32> to vector<32xbf16>
          %mul3A_597 = arith.mulf %bitcast3A_595, %bitcast3A_596 : vector<32xbf16>
          %unpack3A_598 = tpu.unpack_subelements %mul3A_597, 0 {pack_format = #tpu.pack_format<interleaved>} : vector<32xbf16> -> vector<16xf32>
          %unpack3A_599 = tpu.unpack_subelements %mul3A_597, 1 {pack_format = #tpu.pack_format<interleaved>} : vector<32xbf16> -> vector<16xf32>
          %add3A_600 = arith.addf %add3A_584, %unpack3A_598 : vector<16xf32>
          %add3A_601 = arith.addf %add3A_600, %unpack3A_599 : vector<16xf32>
          %get3A_602 = arith.constant 0 : i32
          %get3A_603 = arith.index_cast %get3A_602 : i32 to index
          %get3A_604 = arith.index_cast %add3A_565 : i32 to index
          %get3A_605 = arith.constant 32 : index
          %get3A_606 = tpu.vector_load %arg8[%get3A_603, %get3A_604, %get3A_605] {strides = array<i32>} : memref<2x128x64xi32, #tpu.memory_space<vmem>>, vector<16xi32>,
          %get3A_607 = arith.constant 0 : i32
          %get3A_608 = arith.index_cast %get3A_607 : i32 to index
          %get3A_609 = arith.index_cast %add3A_565 : i32 to index
          %get3A_610 = arith.constant 32 : index
          %get3A_611 = tpu.vector_load %arg9[%get3A_608, %get3A_609, %get3A_610] {strides = array<i32>} : memref<2x128x64xi32, #tpu.memory_space<vmem>>, vector<16xi32>,
          %bitcast3A_612 = vector.bitcast %get3A_606 : vector<16xi32> to vector<32xbf16>
          %bitcast3A_613 = vector.bitcast %get3A_611 : vector<16xi32> to vector<32xbf16>
          %mul3A_614 = arith.mulf %bitcast3A_612, %bitcast3A_613 : vector<32xbf16>
          %unpack3A_615 = tpu.unpack_subelements %mul3A_614, 0 {pack_format = #tpu.pack_format<interleaved>} : vector<32xbf16> -> vector<16xf32>
          %unpack3A_616 = tpu.unpack_subelements %mul3A_614, 1 {pack_format = #tpu.pack_format<interleaved>} : vector<32xbf16> -> vector<16xf32>
          %add3A_617 = arith.addf %add3A_601, %unpack3A_615 : vector<16xf32>
          %add3A_618 = arith.addf %add3A_617, %unpack3A_616 : vector<16xf32>
          %get3A_619 = arith.constant 0 : i32
          %get3A_620 = arith.index_cast %get3A_619 : i32 to index
          %get3A_621 = arith.index_cast %add3A_565 : i32 to index
          %get3A_622 = arith.constant 48 : index
          %get3A_623 = tpu.vector_load %arg8[%get3A_620, %get3A_621, %get3A_622] {strides = array<i32>} : memref<2x128x64xi32, #tpu.memory_space<vmem>>, vector<16xi32>,
          %get3A_624 = arith.constant 0 : i32
          %get3A_625 = arith.index_cast %get3A_624 : i32 to index
          %get3A_626 = arith.index_cast %add3A_565 : i32 to index
          %get3A_627 = arith.constant 48 : index
          %get3A_628 = tpu.vector_load %arg9[%get3A_625, %get3A_626, %get3A_627] {strides = array<i32>} : memref<2x128x64xi32, #tpu.memory_space<vmem>>, vector<16xi32>,
          %bitcast3A_629 = vector.bitcast %get3A_623 : vector<16xi32> to vector<32xbf16>
          %bitcast3A_630 = vector.bitcast %get3A_628 : vector<16xi32> to vector<32xbf16>
          %mul3A_631 = arith.mulf %bitcast3A_629, %bitcast3A_630 : vector<32xbf16>
          %unpack3A_632 = tpu.unpack_subelements %mul3A_631, 0 {pack_format = #tpu.pack_format<interleaved>} : vector<32xbf16> -> vector<16xf32>
          %unpack3A_633 = tpu.unpack_subelements %mul3A_631, 1 {pack_format = #tpu.pack_format<interleaved>} : vector<32xbf16> -> vector<16xf32>
          %add3A_634 = arith.addf %add3A_618, %unpack3A_632 : vector<16xf32>
          %add3A_635 = arith.addf %add3A_634, %unpack3A_633 : vector<16xf32>
          %reduce_sum3A_636 = arith.constant true
          %reduce_sum3A_637 = vector.broadcast %reduce_sum3A_636 : i1 to vector<16xi1>
          %reduce_sum3A_638 = tpu.scan <sum>, %add3A_635 masked %reduce_sum3A_637 : vector<16xf32>, vector<16xi1> -> vector<16xf32>
          %reduce_sum3A_639 = vector.extract %reduce_sum3A_638[15] : f32 from vector<16xf32>
          %broadcast_in_dim3A_640 = vector.broadcast %reduce_sum3A_639 : f32 to vector<16xf32>
          %eq3A_641 = arith.constant 5 : i32
          %eq3A_642 = vector.broadcast %eq3A_641 : i32 to vector<16xi32>
          %eq3A_643 = arith.cmpi eq, %iota3A, %eq3A_642 : vector<16xi32>
          %select_n3A_644 = arith.select %eq3A_643, %broadcast_in_dim3A_640, %select_n3A_561 : vector<16xi1>, vector<16xf32>
          %mul3A_645 = arith.constant 16 : i32
          %mul3A_646 = arith.muli %scan3A_149, %mul3A_645 : i32
          %add3A_647 = arith.constant 6 : i32
          %add3A_648 = arith.addi %mul3A_646, %add3A_647 : i32
          %broadcast_in_dim3A_649 = arith.constant 0.000000e+00 : f32
          %broadcast_in_dim3A_650 = vector.broadcast %broadcast_in_dim3A_649 : f32 to vector<16xf32>
          %get3A_651 = arith.constant 0 : i32
          %get3A_652 = arith.index_cast %get3A_651 : i32 to index
          %get3A_653 = arith.index_cast %add3A_648 : i32 to index
          %get3A_654 = arith.constant 0 : index
          %get3A_655 = tpu.vector_load %arg8[%get3A_652, %get3A_653, %get3A_654] {strides = array<i32>} : memref<2x128x64xi32, #tpu.memory_space<vmem>>, vector<16xi32>,
          %get3A_656 = arith.constant 0 : i32
          %get3A_657 = arith.index_cast %get3A_656 : i32 to index
          %get3A_658 = arith.index_cast %add3A_648 : i32 to index
          %get3A_659 = arith.constant 0 : index
          %get3A_660 = tpu.vector_load %arg9[%get3A_657, %get3A_658, %get3A_659] {strides = array<i32>} : memref<2x128x64xi32, #tpu.memory_space<vmem>>, vector<16xi32>,
          %bitcast3A_661 = vector.bitcast %get3A_655 : vector<16xi32> to vector<32xbf16>
          %bitcast3A_662 = vector.bitcast %get3A_660 : vector<16xi32> to vector<32xbf16>
          %mul3A_663 = arith.mulf %bitcast3A_661, %bitcast3A_662 : vector<32xbf16>
          %unpack3A_664 = tpu.unpack_subelements %mul3A_663, 0 {pack_format = #tpu.pack_format<interleaved>} : vector<32xbf16> -> vector<16xf32>
          %unpack3A_665 = tpu.unpack_subelements %mul3A_663, 1 {pack_format = #tpu.pack_format<interleaved>} : vector<32xbf16> -> vector<16xf32>
          %add3A_666 = arith.addf %broadcast_in_dim3A_650, %unpack3A_664 : vector<16xf32>
          %add3A_667 = arith.addf %add3A_666, %unpack3A_665 : vector<16xf32>
          %get3A_668 = arith.constant 0 : i32
          %get3A_669 = arith.index_cast %get3A_668 : i32 to index
          %get3A_670 = arith.index_cast %add3A_648 : i32 to index
          %get3A_671 = arith.constant 16 : index
          %get3A_672 = tpu.vector_load %arg8[%get3A_669, %get3A_670, %get3A_671] {strides = array<i32>} : memref<2x128x64xi32, #tpu.memory_space<vmem>>, vector<16xi32>,
          %get3A_673 = arith.constant 0 : i32
          %get3A_674 = arith.index_cast %get3A_673 : i32 to index
          %get3A_675 = arith.index_cast %add3A_648 : i32 to index
          %get3A_676 = arith.constant 16 : index
          %get3A_677 = tpu.vector_load %arg9[%get3A_674, %get3A_675, %get3A_676] {strides = array<i32>} : memref<2x128x64xi32, #tpu.memory_space<vmem>>, vector<16xi32>,
          %bitcast3A_678 = vector.bitcast %get3A_672 : vector<16xi32> to vector<32xbf16>
          %bitcast3A_679 = vector.bitcast %get3A_677 : vector<16xi32> to vector<32xbf16>
          %mul3A_680 = arith.mulf %bitcast3A_678, %bitcast3A_679 : vector<32xbf16>
          %unpack3A_681 = tpu.unpack_subelements %mul3A_680, 0 {pack_format = #tpu.pack_format<interleaved>} : vector<32xbf16> -> vector<16xf32>
          %unpack3A_682 = tpu.unpack_subelements %mul3A_680, 1 {pack_format = #tpu.pack_format<interleaved>} : vector<32xbf16> -> vector<16xf32>
          %add3A_683 = arith.addf %add3A_667, %unpack3A_681 : vector<16xf32>
          %add3A_684 = arith.addf %add3A_683, %unpack3A_682 : vector<16xf32>
          %get3A_685 = arith.constant 0 : i32
          %get3A_686 = arith.index_cast %get3A_685 : i32 to index
          %get3A_687 = arith.index_cast %add3A_648 : i32 to index
          %get3A_688 = arith.constant 32 : index
          %get3A_689 = tpu.vector_load %arg8[%get3A_686, %get3A_687, %get3A_688] {strides = array<i32>} : memref<2x128x64xi32, #tpu.memory_space<vmem>>, vector<16xi32>,
          %get3A_690 = arith.constant 0 : i32
          %get3A_691 = arith.index_cast %get3A_690 : i32 to index
          %get3A_692 = arith.index_cast %add3A_648 : i32 to index
          %get3A_693 = arith.constant 32 : index
          %get3A_694 = tpu.vector_load %arg9[%get3A_691, %get3A_692, %get3A_693] {strides = array<i32>} : memref<2x128x64xi32, #tpu.memory_space<vmem>>, vector<16xi32>,
          %bitcast3A_695 = vector.bitcast %get3A_689 : vector<16xi32> to vector<32xbf16>
          %bitcast3A_696 = vector.bitcast %get3A_694 : vector<16xi32> to vector<32xbf16>
          %mul3A_697 = arith.mulf %bitcast3A_695, %bitcast3A_696 : vector<32xbf16>
          %unpack3A_698 = tpu.unpack_subelements %mul3A_697, 0 {pack_format = #tpu.pack_format<interleaved>} : vector<32xbf16> -> vector<16xf32>
          %unpack3A_699 = tpu.unpack_subelements %mul3A_697, 1 {pack_format = #tpu.pack_format<interleaved>} : vector<32xbf16> -> vector<16xf32>
          %add3A_700 = arith.addf %add3A_684, %unpack3A_698 : vector<16xf32>
          %add3A_701 = arith.addf %add3A_700, %unpack3A_699 : vector<16xf32>
          %get3A_702 = arith.constant 0 : i32
          %get3A_703 = arith.index_cast %get3A_702 : i32 to index
          %get3A_704 = arith.index_cast %add3A_648 : i32 to index
          %get3A_705 = arith.constant 48 : index
          %get3A_706 = tpu.vector_load %arg8[%get3A_703, %get3A_704, %get3A_705] {strides = array<i32>} : memref<2x128x64xi32, #tpu.memory_space<vmem>>, vector<16xi32>,
          %get3A_707 = arith.constant 0 : i32
          %get3A_708 = arith.index_cast %get3A_707 : i32 to index
          %get3A_709 = arith.index_cast %add3A_648 : i32 to index
          %get3A_710 = arith.constant 48 : index
          %get3A_711 = tpu.vector_load %arg9[%get3A_708, %get3A_709, %get3A_710] {strides = array<i32>} : memref<2x128x64xi32, #tpu.memory_space<vmem>>, vector<16xi32>,
          %bitcast3A_712 = vector.bitcast %get3A_706 : vector<16xi32> to vector<32xbf16>
          %bitcast3A_713 = vector.bitcast %get3A_711 : vector<16xi32> to vector<32xbf16>
          %mul3A_714 = arith.mulf %bitcast3A_712, %bitcast3A_713 : vector<32xbf16>
          %unpack3A_715 = tpu.unpack_subelements %mul3A_714, 0 {pack_format = #tpu.pack_format<interleaved>} : vector<32xbf16> -> vector<16xf32>
          %unpack3A_716 = tpu.unpack_subelements %mul3A_714, 1 {pack_format = #tpu.pack_format<interleaved>} : vector<32xbf16> -> vector<16xf32>
          %add3A_717 = arith.addf %add3A_701, %unpack3A_715 : vector<16xf32>
          %add3A_718 = arith.addf %add3A_717, %unpack3A_716 : vector<16xf32>
          %reduce_sum3A_719 = arith.constant true
          %reduce_sum3A_720 = vector.broadcast %reduce_sum3A_719 : i1 to vector<16xi1>
          %reduce_sum3A_721 = tpu.scan <sum>, %add3A_718 masked %reduce_sum3A_720 : vector<16xf32>, vector<16xi1> -> vector<16xf32>
          %reduce_sum3A_722 = vector.extract %reduce_sum3A_721[15] : f32 from vector<16xf32>
          %broadcast_in_dim3A_723 = vector.broadcast %reduce_sum3A_722 : f32 to vector<16xf32>
          %eq3A_724 = arith.constant 6 : i32
          %eq3A_725 = vector.broadcast %eq3A_724 : i32 to vector<16xi32>
          %eq3A_726 = arith.cmpi eq, %iota3A, %eq3A_725 : vector<16xi32>
          %select_n3A_727 = arith.select %eq3A_726, %broadcast_in_dim3A_723, %select_n3A_644 : vector<16xi1>, vector<16xf32>
          %mul3A_728 = arith.constant 16 : i32
          %mul3A_729 = arith.muli %scan3A_149, %mul3A_728 : i32
          %add3A_730 = arith.constant 7 : i32
          %add3A_731 = arith.addi %mul3A_729, %add3A_730 : i32
          %broadcast_in_dim3A_732 = arith.constant 0.000000e+00 : f32
          %broadcast_in_dim3A_733 = vector.broadcast %broadcast_in_dim3A_732 : f32 to vector<16xf32>
          %get3A_734 = arith.constant 0 : i32
          %get3A_735 = arith.index_cast %get3A_734 : i32 to index
          %get3A_736 = arith.index_cast %add3A_731 : i32 to index
          %get3A_737 = arith.constant 0 : index
          %get3A_738 = tpu.vector_load %arg8[%get3A_735, %get3A_736, %get3A_737] {strides = array<i32>} : memref<2x128x64xi32, #tpu.memory_space<vmem>>, vector<16xi32>,
          %get3A_739 = arith.constant 0 : i32
          %get3A_740 = arith.index_cast %get3A_739 : i32 to index
          %get3A_741 = arith.index_cast %add3A_731 : i32 to index
          %get3A_742 = arith.constant 0 : index
          %get3A_743 = tpu.vector_load %arg9[%get3A_740, %get3A_741, %get3A_742] {strides = array<i32>} : memref<2x128x64xi32, #tpu.memory_space<vmem>>, vector<16xi32>,
          %bitcast3A_744 = vector.bitcast %get3A_738 : vector<16xi32> to vector<32xbf16>
          %bitcast3A_745 = vector.bitcast %get3A_743 : vector<16xi32> to vector<32xbf16>
          %mul3A_746 = arith.mulf %bitcast3A_744, %bitcast3A_745 : vector<32xbf16>
          %unpack3A_747 = tpu.unpack_subelements %mul3A_746, 0 {pack_format = #tpu.pack_format<interleaved>} : vector<32xbf16> -> vector<16xf32>
          %unpack3A_748 = tpu.unpack_subelements %mul3A_746, 1 {pack_format = #tpu.pack_format<interleaved>} : vector<32xbf16> -> vector<16xf32>
          %add3A_749 = arith.addf %broadcast_in_dim3A_733, %unpack3A_747 : vector<16xf32>
          %add3A_750 = arith.addf %add3A_749, %unpack3A_748 : vector<16xf32>
          %get3A_751 = arith.constant 0 : i32
          %get3A_752 = arith.index_cast %get3A_751 : i32 to index
          %get3A_753 = arith.index_cast %add3A_731 : i32 to index
          %get3A_754 = arith.constant 16 : index
          %get3A_755 = tpu.vector_load %arg8[%get3A_752, %get3A_753, %get3A_754] {strides = array<i32>} : memref<2x128x64xi32, #tpu.memory_space<vmem>>, vector<16xi32>,
          %get3A_756 = arith.constant 0 : i32
          %get3A_757 = arith.index_cast %get3A_756 : i32 to index
          %get3A_758 = arith.index_cast %add3A_731 : i32 to index
          %get3A_759 = arith.constant 16 : index
          %get3A_760 = tpu.vector_load %arg9[%get3A_757, %get3A_758, %get3A_759] {strides = array<i32>} : memref<2x128x64xi32, #tpu.memory_space<vmem>>, vector<16xi32>,
          %bitcast3A_761 = vector.bitcast %get3A_755 : vector<16xi32> to vector<32xbf16>
          %bitcast3A_762 = vector.bitcast %get3A_760 : vector<16xi32> to vector<32xbf16>
          %mul3A_763 = arith.mulf %bitcast3A_761, %bitcast3A_762 : vector<32xbf16>
          %unpack3A_764 = tpu.unpack_subelements %mul3A_763, 0 {pack_format = #tpu.pack_format<interleaved>} : vector<32xbf16> -> vector<16xf32>
          %unpack3A_765 = tpu.unpack_subelements %mul3A_763, 1 {pack_format = #tpu.pack_format<interleaved>} : vector<32xbf16> -> vector<16xf32>
          %add3A_766 = arith.addf %add3A_750, %unpack3A_764 : vector<16xf32>
          %add3A_767 = arith.addf %add3A_766, %unpack3A_765 : vector<16xf32>
          %get3A_768 = arith.constant 0 : i32
          %get3A_769 = arith.index_cast %get3A_768 : i32 to index
          %get3A_770 = arith.index_cast %add3A_731 : i32 to index
          %get3A_771 = arith.constant 32 : index
          %get3A_772 = tpu.vector_load %arg8[%get3A_769, %get3A_770, %get3A_771] {strides = array<i32>} : memref<2x128x64xi32, #tpu.memory_space<vmem>>, vector<16xi32>,
          %get3A_773 = arith.constant 0 : i32
          %get3A_774 = arith.index_cast %get3A_773 : i32 to index
          %get3A_775 = arith.index_cast %add3A_731 : i32 to index
          %get3A_776 = arith.constant 32 : index
          %get3A_777 = tpu.vector_load %arg9[%get3A_774, %get3A_775, %get3A_776] {strides = array<i32>} : memref<2x128x64xi32, #tpu.memory_space<vmem>>, vector<16xi32>,
          %bitcast3A_778 = vector.bitcast %get3A_772 : vector<16xi32> to vector<32xbf16>
          %bitcast3A_779 = vector.bitcast %get3A_777 : vector<16xi32> to vector<32xbf16>
          %mul3A_780 = arith.mulf %bitcast3A_778, %bitcast3A_779 : vector<32xbf16>
          %unpack3A_781 = tpu.unpack_subelements %mul3A_780, 0 {pack_format = #tpu.pack_format<interleaved>} : vector<32xbf16> -> vector<16xf32>
          %unpack3A_782 = tpu.unpack_subelements %mul3A_780, 1 {pack_format = #tpu.pack_format<interleaved>} : vector<32xbf16> -> vector<16xf32>
          %add3A_783 = arith.addf %add3A_767, %unpack3A_781 : vector<16xf32>
          %add3A_784 = arith.addf %add3A_783, %unpack3A_782 : vector<16xf32>
          %get3A_785 = arith.constant 0 : i32
          %get3A_786 = arith.index_cast %get3A_785 : i32 to index
          %get3A_787 = arith.index_cast %add3A_731 : i32 to index
          %get3A_788 = arith.constant 48 : index
          %get3A_789 = tpu.vector_load %arg8[%get3A_786, %get3A_787, %get3A_788] {strides = array<i32>} : memref<2x128x64xi32, #tpu.memory_space<vmem>>, vector<16xi32>,
          %get3A_790 = arith.constant 0 : i32
          %get3A_791 = arith.index_cast %get3A_790 : i32 to index
          %get3A_792 = arith.index_cast %add3A_731 : i32 to index
          %get3A_793 = arith.constant 48 : index
          %get3A_794 = tpu.vector_load %arg9[%get3A_791, %get3A_792, %get3A_793] {strides = array<i32>} : memref<2x128x64xi32, #tpu.memory_space<vmem>>, vector<16xi32>,
          %bitcast3A_795 = vector.bitcast %get3A_789 : vector<16xi32> to vector<32xbf16>
          %bitcast3A_796 = vector.bitcast %get3A_794 : vector<16xi32> to vector<32xbf16>
          %mul3A_797 = arith.mulf %bitcast3A_795, %bitcast3A_796 : vector<32xbf16>
          %unpack3A_798 = tpu.unpack_subelements %mul3A_797, 0 {pack_format = #tpu.pack_format<interleaved>} : vector<32xbf16> -> vector<16xf32>
          %unpack3A_799 = tpu.unpack_subelements %mul3A_797, 1 {pack_format = #tpu.pack_format<interleaved>} : vector<32xbf16> -> vector<16xf32>
          %add3A_800 = arith.addf %add3A_784, %unpack3A_798 : vector<16xf32>
          %add3A_801 = arith.addf %add3A_800, %unpack3A_799 : vector<16xf32>
          %reduce_sum3A_802 = arith.constant true
          %reduce_sum3A_803 = vector.broadcast %reduce_sum3A_802 : i1 to vector<16xi1>
          %reduce_sum3A_804 = tpu.scan <sum>, %add3A_801 masked %reduce_sum3A_803 : vector<16xf32>, vector<16xi1> -> vector<16xf32>
          %reduce_sum3A_805 = vector.extract %reduce_sum3A_804[15] : f32 from vector<16xf32>
          %broadcast_in_dim3A_806 = vector.broadcast %reduce_sum3A_805 : f32 to vector<16xf32>
          %eq3A_807 = arith.constant 7 : i32
          %eq3A_808 = vector.broadcast %eq3A_807 : i32 to vector<16xi32>
          %eq3A_809 = arith.cmpi eq, %iota3A, %eq3A_808 : vector<16xi32>
          %select_n3A_810 = arith.select %eq3A_809, %broadcast_in_dim3A_806, %select_n3A_727 : vector<16xi1>, vector<16xf32>
          %mul3A_811 = arith.constant 16 : i32
          %mul3A_812 = arith.muli %scan3A_149, %mul3A_811 : i32
          %add3A_813 = arith.constant 8 : i32
          %add3A_814 = arith.addi %mul3A_812, %add3A_813 : i32
          %broadcast_in_dim3A_815 = arith.constant 0.000000e+00 : f32
          %broadcast_in_dim3A_816 = vector.broadcast %broadcast_in_dim3A_815 : f32 to vector<16xf32>
          %get3A_817 = arith.constant 0 : i32
          %get3A_818 = arith.index_cast %get3A_817 : i32 to index
          %get3A_819 = arith.index_cast %add3A_814 : i32 to index
          %get3A_820 = arith.constant 0 : index
          %get3A_821 = tpu.vector_load %arg8[%get3A_818, %get3A_819, %get3A_820] {strides = array<i32>} : memref<2x128x64xi32, #tpu.memory_space<vmem>>, vector<16xi32>,
          %get3A_822 = arith.constant 0 : i32
          %get3A_823 = arith.index_cast %get3A_822 : i32 to index
          %get3A_824 = arith.index_cast %add3A_814 : i32 to index
          %get3A_825 = arith.constant 0 : index
          %get3A_826 = tpu.vector_load %arg9[%get3A_823, %get3A_824, %get3A_825] {strides = array<i32>} : memref<2x128x64xi32, #tpu.memory_space<vmem>>, vector<16xi32>,
          %bitcast3A_827 = vector.bitcast %get3A_821 : vector<16xi32> to vector<32xbf16>
          %bitcast3A_828 = vector.bitcast %get3A_826 : vector<16xi32> to vector<32xbf16>
          %mul3A_829 = arith.mulf %bitcast3A_827, %bitcast3A_828 : vector<32xbf16>
          %unpack3A_830 = tpu.unpack_subelements %mul3A_829, 0 {pack_format = #tpu.pack_format<interleaved>} : vector<32xbf16> -> vector<16xf32>
          %unpack3A_831 = tpu.unpack_subelements %mul3A_829, 1 {pack_format = #tpu.pack_format<interleaved>} : vector<32xbf16> -> vector<16xf32>
          %add3A_832 = arith.addf %broadcast_in_dim3A_816, %unpack3A_830 : vector<16xf32>
          %add3A_833 = arith.addf %add3A_832, %unpack3A_831 : vector<16xf32>
          %get3A_834 = arith.constant 0 : i32
          %get3A_835 = arith.index_cast %get3A_834 : i32 to index
          %get3A_836 = arith.index_cast %add3A_814 : i32 to index
          %get3A_837 = arith.constant 16 : index
          %get3A_838 = tpu.vector_load %arg8[%get3A_835, %get3A_836, %get3A_837] {strides = array<i32>} : memref<2x128x64xi32, #tpu.memory_space<vmem>>, vector<16xi32>,
          %get3A_839 = arith.constant 0 : i32
          %get3A_840 = arith.index_cast %get3A_839 : i32 to index
          %get3A_841 = arith.index_cast %add3A_814 : i32 to index
          %get3A_842 = arith.constant 16 : index
          %get3A_843 = tpu.vector_load %arg9[%get3A_840, %get3A_841, %get3A_842] {strides = array<i32>} : memref<2x128x64xi32, #tpu.memory_space<vmem>>, vector<16xi32>,
          %bitcast3A_844 = vector.bitcast %get3A_838 : vector<16xi32> to vector<32xbf16>
          %bitcast3A_845 = vector.bitcast %get3A_843 : vector<16xi32> to vector<32xbf16>
          %mul3A_846 = arith.mulf %bitcast3A_844, %bitcast3A_845 : vector<32xbf16>
          %unpack3A_847 = tpu.unpack_subelements %mul3A_846, 0 {pack_format = #tpu.pack_format<interleaved>} : vector<32xbf16> -> vector<16xf32>
          %unpack3A_848 = tpu.unpack_subelements %mul3A_846, 1 {pack_format = #tpu.pack_format<interleaved>} : vector<32xbf16> -> vector<16xf32>
          %add3A_849 = arith.addf %add3A_833, %unpack3A_847 : vector<16xf32>
          %add3A_850 = arith.addf %add3A_849, %unpack3A_848 : vector<16xf32>
          %get3A_851 = arith.constant 0 : i32
          %get3A_852 = arith.index_cast %get3A_851 : i32 to index
          %get3A_853 = arith.index_cast %add3A_814 : i32 to index
          %get3A_854 = arith.constant 32 : index
          %get3A_855 = tpu.vector_load %arg8[%get3A_852, %get3A_853, %get3A_854] {strides = array<i32>} : memref<2x128x64xi32, #tpu.memory_space<vmem>>, vector<16xi32>,
          %get3A_856 = arith.constant 0 : i32
          %get3A_857 = arith.index_cast %get3A_856 : i32 to index
          %get3A_858 = arith.index_cast %add3A_814 : i32 to index
          %get3A_859 = arith.constant 32 : index
          %get3A_860 = tpu.vector_load %arg9[%get3A_857, %get3A_858, %get3A_859] {strides = array<i32>} : memref<2x128x64xi32, #tpu.memory_space<vmem>>, vector<16xi32>,
          %bitcast3A_861 = vector.bitcast %get3A_855 : vector<16xi32> to vector<32xbf16>
          %bitcast3A_862 = vector.bitcast %get3A_860 : vector<16xi32> to vector<32xbf16>
          %mul3A_863 = arith.mulf %bitcast3A_861, %bitcast3A_862 : vector<32xbf16>
          %unpack3A_864 = tpu.unpack_subelements %mul3A_863, 0 {pack_format = #tpu.pack_format<interleaved>} : vector<32xbf16> -> vector<16xf32>
          %unpack3A_865 = tpu.unpack_subelements %mul3A_863, 1 {pack_format = #tpu.pack_format<interleaved>} : vector<32xbf16> -> vector<16xf32>
          %add3A_866 = arith.addf %add3A_850, %unpack3A_864 : vector<16xf32>
          %add3A_867 = arith.addf %add3A_866, %unpack3A_865 : vector<16xf32>
          %get3A_868 = arith.constant 0 : i32
          %get3A_869 = arith.index_cast %get3A_868 : i32 to index
          %get3A_870 = arith.index_cast %add3A_814 : i32 to index
          %get3A_871 = arith.constant 48 : index
          %get3A_872 = tpu.vector_load %arg8[%get3A_869, %get3A_870, %get3A_871] {strides = array<i32>} : memref<2x128x64xi32, #tpu.memory_space<vmem>>, vector<16xi32>,
          %get3A_873 = arith.constant 0 : i32
          %get3A_874 = arith.index_cast %get3A_873 : i32 to index
          %get3A_875 = arith.index_cast %add3A_814 : i32 to index
          %get3A_876 = arith.constant 48 : index
          %get3A_877 = tpu.vector_load %arg9[%get3A_874, %get3A_875, %get3A_876] {strides = array<i32>} : memref<2x128x64xi32, #tpu.memory_space<vmem>>, vector<16xi32>,
          %bitcast3A_878 = vector.bitcast %get3A_872 : vector<16xi32> to vector<32xbf16>
          %bitcast3A_879 = vector.bitcast %get3A_877 : vector<16xi32> to vector<32xbf16>
          %mul3A_880 = arith.mulf %bitcast3A_878, %bitcast3A_879 : vector<32xbf16>
          %unpack3A_881 = tpu.unpack_subelements %mul3A_880, 0 {pack_format = #tpu.pack_format<interleaved>} : vector<32xbf16> -> vector<16xf32>
          %unpack3A_882 = tpu.unpack_subelements %mul3A_880, 1 {pack_format = #tpu.pack_format<interleaved>} : vector<32xbf16> -> vector<16xf32>
          %add3A_883 = arith.addf %add3A_867, %unpack3A_881 : vector<16xf32>
          %add3A_884 = arith.addf %add3A_883, %unpack3A_882 : vector<16xf32>
          %reduce_sum3A_885 = arith.constant true
          %reduce_sum3A_886 = vector.broadcast %reduce_sum3A_885 : i1 to vector<16xi1>
          %reduce_sum3A_887 = tpu.scan <sum>, %add3A_884 masked %reduce_sum3A_886 : vector<16xf32>, vector<16xi1> -> vector<16xf32>
          %reduce_sum3A_888 = vector.extract %reduce_sum3A_887[15] : f32 from vector<16xf32>
          %broadcast_in_dim3A_889 = vector.broadcast %reduce_sum3A_888 : f32 to vector<16xf32>
          %eq3A_890 = arith.constant 8 : i32
          %eq3A_891 = vector.broadcast %eq3A_890 : i32 to vector<16xi32>
          %eq3A_892 = arith.cmpi eq, %iota3A, %eq3A_891 : vector<16xi32>
          %select_n3A_893 = arith.select %eq3A_892, %broadcast_in_dim3A_889, %select_n3A_810 : vector<16xi1>, vector<16xf32>
          %mul3A_894 = arith.constant 16 : i32
          %mul3A_895 = arith.muli %scan3A_149, %mul3A_894 : i32
          %add3A_896 = arith.constant 9 : i32
          %add3A_897 = arith.addi %mul3A_895, %add3A_896 : i32
          %broadcast_in_dim3A_898 = arith.constant 0.000000e+00 : f32
          %broadcast_in_dim3A_899 = vector.broadcast %broadcast_in_dim3A_898 : f32 to vector<16xf32>
          %get3A_900 = arith.constant 0 : i32
          %get3A_901 = arith.index_cast %get3A_900 : i32 to index
          %get3A_902 = arith.index_cast %add3A_897 : i32 to index
          %get3A_903 = arith.constant 0 : index
          %get3A_904 = tpu.vector_load %arg8[%get3A_901, %get3A_902, %get3A_903] {strides = array<i32>} : memref<2x128x64xi32, #tpu.memory_space<vmem>>, vector<16xi32>,
          %get3A_905 = arith.constant 0 : i32
          %get3A_906 = arith.index_cast %get3A_905 : i32 to index
          %get3A_907 = arith.index_cast %add3A_897 : i32 to index
          %get3A_908 = arith.constant 0 : index
          %get3A_909 = tpu.vector_load %arg9[%get3A_906, %get3A_907, %get3A_908] {strides = array<i32>} : memref<2x128x64xi32, #tpu.memory_space<vmem>>, vector<16xi32>,
          %bitcast3A_910 = vector.bitcast %get3A_904 : vector<16xi32> to vector<32xbf16>
          %bitcast3A_911 = vector.bitcast %get3A_909 : vector<16xi32> to vector<32xbf16>
          %mul3A_912 = arith.mulf %bitcast3A_910, %bitcast3A_911 : vector<32xbf16>
          %unpack3A_913 = tpu.unpack_subelements %mul3A_912, 0 {pack_format = #tpu.pack_format<interleaved>} : vector<32xbf16> -> vector<16xf32>
          %unpack3A_914 = tpu.unpack_subelements %mul3A_912, 1 {pack_format = #tpu.pack_format<interleaved>} : vector<32xbf16> -> vector<16xf32>
          %add3A_915 = arith.addf %broadcast_in_dim3A_899, %unpack3A_913 : vector<16xf32>
          %add3A_916 = arith.addf %add3A_915, %unpack3A_914 : vector<16xf32>
          %get3A_917 = arith.constant 0 : i32
          %get3A_918 = arith.index_cast %get3A_917 : i32 to index
          %get3A_919 = arith.index_cast %add3A_897 : i32 to index
          %get3A_920 = arith.constant 16 : index
          %get3A_921 = tpu.vector_load %arg8[%get3A_918, %get3A_919, %get3A_920] {strides = array<i32>} : memref<2x128x64xi32, #tpu.memory_space<vmem>>, vector<16xi32>,
          %get3A_922 = arith.constant 0 : i32
          %get3A_923 = arith.index_cast %get3A_922 : i32 to index
          %get3A_924 = arith.index_cast %add3A_897 : i32 to index
          %get3A_925 = arith.constant 16 : index
          %get3A_926 = tpu.vector_load %arg9[%get3A_923, %get3A_924, %get3A_925] {strides = array<i32>} : memref<2x128x64xi32, #tpu.memory_space<vmem>>, vector<16xi32>,
          %bitcast3A_927 = vector.bitcast %get3A_921 : vector<16xi32> to vector<32xbf16>
          %bitcast3A_928 = vector.bitcast %get3A_926 : vector<16xi32> to vector<32xbf16>
          %mul3A_929 = arith.mulf %bitcast3A_927, %bitcast3A_928 : vector<32xbf16>
          %unpack3A_930 = tpu.unpack_subelements %mul3A_929, 0 {pack_format = #tpu.pack_format<interleaved>} : vector<32xbf16> -> vector<16xf32>
          %unpack3A_931 = tpu.unpack_subelements %mul3A_929, 1 {pack_format = #tpu.pack_format<interleaved>} : vector<32xbf16> -> vector<16xf32>
          %add3A_932 = arith.addf %add3A_916, %unpack3A_930 : vector<16xf32>
          %add3A_933 = arith.addf %add3A_932, %unpack3A_931 : vector<16xf32>
          %get3A_934 = arith.constant 0 : i32
          %get3A_935 = arith.index_cast %get3A_934 : i32 to index
          %get3A_936 = arith.index_cast %add3A_897 : i32 to index
          %get3A_937 = arith.constant 32 : index
          %get3A_938 = tpu.vector_load %arg8[%get3A_935, %get3A_936, %get3A_937] {strides = array<i32>} : memref<2x128x64xi32, #tpu.memory_space<vmem>>, vector<16xi32>,
          %get3A_939 = arith.constant 0 : i32
          %get3A_940 = arith.index_cast %get3A_939 : i32 to index
          %get3A_941 = arith.index_cast %add3A_897 : i32 to index
          %get3A_942 = arith.constant 32 : index
          %get3A_943 = tpu.vector_load %arg9[%get3A_940, %get3A_941, %get3A_942] {strides = array<i32>} : memref<2x128x64xi32, #tpu.memory_space<vmem>>, vector<16xi32>,
          %bitcast3A_944 = vector.bitcast %get3A_938 : vector<16xi32> to vector<32xbf16>
          %bitcast3A_945 = vector.bitcast %get3A_943 : vector<16xi32> to vector<32xbf16>
          %mul3A_946 = arith.mulf %bitcast3A_944, %bitcast3A_945 : vector<32xbf16>
          %unpack3A_947 = tpu.unpack_subelements %mul3A_946, 0 {pack_format = #tpu.pack_format<interleaved>} : vector<32xbf16> -> vector<16xf32>
          %unpack3A_948 = tpu.unpack_subelements %mul3A_946, 1 {pack_format = #tpu.pack_format<interleaved>} : vector<32xbf16> -> vector<16xf32>
          %add3A_949 = arith.addf %add3A_933, %unpack3A_947 : vector<16xf32>
          %add3A_950 = arith.addf %add3A_949, %unpack3A_948 : vector<16xf32>
          %get3A_951 = arith.constant 0 : i32
          %get3A_952 = arith.index_cast %get3A_951 : i32 to index
          %get3A_953 = arith.index_cast %add3A_897 : i32 to index
          %get3A_954 = arith.constant 48 : index
          %get3A_955 = tpu.vector_load %arg8[%get3A_952, %get3A_953, %get3A_954] {strides = array<i32>} : memref<2x128x64xi32, #tpu.memory_space<vmem>>, vector<16xi32>,
          %get3A_956 = arith.constant 0 : i32
          %get3A_957 = arith.index_cast %get3A_956 : i32 to index
          %get3A_958 = arith.index_cast %add3A_897 : i32 to index
          %get3A_959 = arith.constant 48 : index
          %get3A_960 = tpu.vector_load %arg9[%get3A_957, %get3A_958, %get3A_959] {strides = array<i32>} : memref<2x128x64xi32, #tpu.memory_space<vmem>>, vector<16xi32>,
          %bitcast3A_961 = vector.bitcast %get3A_955 : vector<16xi32> to vector<32xbf16>
          %bitcast3A_962 = vector.bitcast %get3A_960 : vector<16xi32> to vector<32xbf16>
          %mul3A_963 = arith.mulf %bitcast3A_961, %bitcast3A_962 : vector<32xbf16>
          %unpack3A_964 = tpu.unpack_subelements %mul3A_963, 0 {pack_format = #tpu.pack_format<interleaved>} : vector<32xbf16> -> vector<16xf32>
          %unpack3A_965 = tpu.unpack_subelements %mul3A_963, 1 {pack_format = #tpu.pack_format<interleaved>} : vector<32xbf16> -> vector<16xf32>
          %add3A_966 = arith.addf %add3A_950, %unpack3A_964 : vector<16xf32>
          %add3A_967 = arith.addf %add3A_966, %unpack3A_965 : vector<16xf32>
          %reduce_sum3A_968 = arith.constant true
          %reduce_sum3A_969 = vector.broadcast %reduce_sum3A_968 : i1 to vector<16xi1>
          %reduce_sum3A_970 = tpu.scan <sum>, %add3A_967 masked %reduce_sum3A_969 : vector<16xf32>, vector<16xi1> -> vector<16xf32>
          %reduce_sum3A_971 = vector.extract %reduce_sum3A_970[15] : f32 from vector<16xf32>
          %broadcast_in_dim3A_972 = vector.broadcast %reduce_sum3A_971 : f32 to vector<16xf32>
          %eq3A_973 = arith.constant 9 : i32
          %eq3A_974 = vector.broadcast %eq3A_973 : i32 to vector<16xi32>
          %eq3A_975 = arith.cmpi eq, %iota3A, %eq3A_974 : vector<16xi32>
          %select_n3A_976 = arith.select %eq3A_975, %broadcast_in_dim3A_972, %select_n3A_893 : vector<16xi1>, vector<16xf32>
          %mul3A_977 = arith.constant 16 : i32
          %mul3A_978 = arith.muli %scan3A_149, %mul3A_977 : i32
          %add3A_979 = arith.constant 10 : i32
          %add3A_980 = arith.addi %mul3A_978, %add3A_979 : i32
          %broadcast_in_dim3A_981 = arith.constant 0.000000e+00 : f32
          %broadcast_in_dim3A_982 = vector.broadcast %broadcast_in_dim3A_981 : f32 to vector<16xf32>
          %get3A_983 = arith.constant 0 : i32
          %get3A_984 = arith.index_cast %get3A_983 : i32 to index
          %get3A_985 = arith.index_cast %add3A_980 : i32 to index
          %get3A_986 = arith.constant 0 : index
          %get3A_987 = tpu.vector_load %arg8[%get3A_984, %get3A_985, %get3A_986] {strides = array<i32>} : memref<2x128x64xi32, #tpu.memory_space<vmem>>, vector<16xi32>,
          %get3A_988 = arith.constant 0 : i32
          %get3A_989 = arith.index_cast %get3A_988 : i32 to index
          %get3A_990 = arith.index_cast %add3A_980 : i32 to index
          %get3A_991 = arith.constant 0 : index
          %get3A_992 = tpu.vector_load %arg9[%get3A_989, %get3A_990, %get3A_991] {strides = array<i32>} : memref<2x128x64xi32, #tpu.memory_space<vmem>>, vector<16xi32>,
          %bitcast3A_993 = vector.bitcast %get3A_987 : vector<16xi32> to vector<32xbf16>
          %bitcast3A_994 = vector.bitcast %get3A_992 : vector<16xi32> to vector<32xbf16>
          %mul3A_995 = arith.mulf %bitcast3A_993, %bitcast3A_994 : vector<32xbf16>
          %unpack3A_996 = tpu.unpack_subelements %mul3A_995, 0 {pack_format = #tpu.pack_format<interleaved>} : vector<32xbf16> -> vector<16xf32>
          %unpack3A_997 = tpu.unpack_subelements %mul3A_995, 1 {pack_format = #tpu.pack_format<interleaved>} : vector<32xbf16> -> vector<16xf32>
          %add3A_998 = arith.addf %broadcast_in_dim3A_982, %unpack3A_996 : vector<16xf32>
          %add3A_999 = arith.addf %add3A_998, %unpack3A_997 : vector<16xf32>
          %get3A_1000 = arith.constant 0 : i32
          %get3A_1001 = arith.index_cast %get3A_1000 : i32 to index
          %get3A_1002 = arith.index_cast %add3A_980 : i32 to index
          %get3A_1003 = arith.constant 16 : index
          %get3A_1004 = tpu.vector_load %arg8[%get3A_1001, %get3A_1002, %get3A_1003] {strides = array<i32>} : memref<2x128x64xi32, #tpu.memory_space<vmem>>, vector<16xi32>,
          %get3A_1005 = arith.constant 0 : i32
          %get3A_1006 = arith.index_cast %get3A_1005 : i32 to index
          %get3A_1007 = arith.index_cast %add3A_980 : i32 to index
          %get3A_1008 = arith.constant 16 : index
          %get3A_1009 = tpu.vector_load %arg9[%get3A_1006, %get3A_1007, %get3A_1008] {strides = array<i32>} : memref<2x128x64xi32, #tpu.memory_space<vmem>>, vector<16xi32>,
          %bitcast3A_1010 = vector.bitcast %get3A_1004 : vector<16xi32> to vector<32xbf16>
          %bitcast3A_1011 = vector.bitcast %get3A_1009 : vector<16xi32> to vector<32xbf16>
          %mul3A_1012 = arith.mulf %bitcast3A_1010, %bitcast3A_1011 : vector<32xbf16>
          %unpack3A_1013 = tpu.unpack_subelements %mul3A_1012, 0 {pack_format = #tpu.pack_format<interleaved>} : vector<32xbf16> -> vector<16xf32>
          %unpack3A_1014 = tpu.unpack_subelements %mul3A_1012, 1 {pack_format = #tpu.pack_format<interleaved>} : vector<32xbf16> -> vector<16xf32>
          %add3A_1015 = arith.addf %add3A_999, %unpack3A_1013 : vector<16xf32>
          %add3A_1016 = arith.addf %add3A_1015, %unpack3A_1014 : vector<16xf32>
          %get3A_1017 = arith.constant 0 : i32
          %get3A_1018 = arith.index_cast %get3A_1017 : i32 to index
          %get3A_1019 = arith.index_cast %add3A_980 : i32 to index
          %get3A_1020 = arith.constant 32 : index
          %get3A_1021 = tpu.vector_load %arg8[%get3A_1018, %get3A_1019, %get3A_1020] {strides = array<i32>} : memref<2x128x64xi32, #tpu.memory_space<vmem>>, vector<16xi32>,
          %get3A_1022 = arith.constant 0 : i32
          %get3A_1023 = arith.index_cast %get3A_1022 : i32 to index
          %get3A_1024 = arith.index_cast %add3A_980 : i32 to index
          %get3A_1025 = arith.constant 32 : index
          %get3A_1026 = tpu.vector_load %arg9[%get3A_1023, %get3A_1024, %get3A_1025] {strides = array<i32>} : memref<2x128x64xi32, #tpu.memory_space<vmem>>, vector<16xi32>,
          %bitcast3A_1027 = vector.bitcast %get3A_1021 : vector<16xi32> to vector<32xbf16>
          %bitcast3A_1028 = vector.bitcast %get3A_1026 : vector<16xi32> to vector<32xbf16>
          %mul3A_1029 = arith.mulf %bitcast3A_1027, %bitcast3A_1028 : vector<32xbf16>
          %unpack3A_1030 = tpu.unpack_subelements %mul3A_1029, 0 {pack_format = #tpu.pack_format<interleaved>} : vector<32xbf16> -> vector<16xf32>
          %unpack3A_1031 = tpu.unpack_subelements %mul3A_1029, 1 {pack_format = #tpu.pack_format<interleaved>} : vector<32xbf16> -> vector<16xf32>
          %add3A_1032 = arith.addf %add3A_1016, %unpack3A_1030 : vector<16xf32>
          %add3A_1033 = arith.addf %add3A_1032, %unpack3A_1031 : vector<16xf32>
          %get3A_1034 = arith.constant 0 : i32
          %get3A_1035 = arith.index_cast %get3A_1034 : i32 to index
          %get3A_1036 = arith.index_cast %add3A_980 : i32 to index
          %get3A_1037 = arith.constant 48 : index
          %get3A_1038 = tpu.vector_load %arg8[%get3A_1035, %get3A_1036, %get3A_1037] {strides = array<i32>} : memref<2x128x64xi32, #tpu.memory_space<vmem>>, vector<16xi32>,
          %get3A_1039 = arith.constant 0 : i32
          %get3A_1040 = arith.index_cast %get3A_1039 : i32 to index
          %get3A_1041 = arith.index_cast %add3A_980 : i32 to index
          %get3A_1042 = arith.constant 48 : index
          %get3A_1043 = tpu.vector_load %arg9[%get3A_1040, %get3A_1041, %get3A_1042] {strides = array<i32>} : memref<2x128x64xi32, #tpu.memory_space<vmem>>, vector<16xi32>,
          %bitcast3A_1044 = vector.bitcast %get3A_1038 : vector<16xi32> to vector<32xbf16>
          %bitcast3A_1045 = vector.bitcast %get3A_1043 : vector<16xi32> to vector<32xbf16>
          %mul3A_1046 = arith.mulf %bitcast3A_1044, %bitcast3A_1045 : vector<32xbf16>
          %unpack3A_1047 = tpu.unpack_subelements %mul3A_1046, 0 {pack_format = #tpu.pack_format<interleaved>} : vector<32xbf16> -> vector<16xf32>
          %unpack3A_1048 = tpu.unpack_subelements %mul3A_1046, 1 {pack_format = #tpu.pack_format<interleaved>} : vector<32xbf16> -> vector<16xf32>
          %add3A_1049 = arith.addf %add3A_1033, %unpack3A_1047 : vector<16xf32>
          %add3A_1050 = arith.addf %add3A_1049, %unpack3A_1048 : vector<16xf32>
          %reduce_sum3A_1051 = arith.constant true
          %reduce_sum3A_1052 = vector.broadcast %reduce_sum3A_1051 : i1 to vector<16xi1>
          %reduce_sum3A_1053 = tpu.scan <sum>, %add3A_1050 masked %reduce_sum3A_1052 : vector<16xf32>, vector<16xi1> -> vector<16xf32>
          %reduce_sum3A_1054 = vector.extract %reduce_sum3A_1053[15] : f32 from vector<16xf32>
          %broadcast_in_dim3A_1055 = vector.broadcast %reduce_sum3A_1054 : f32 to vector<16xf32>
          %eq3A_1056 = arith.constant 10 : i32
          %eq3A_1057 = vector.broadcast %eq3A_1056 : i32 to vector<16xi32>
          %eq3A_1058 = arith.cmpi eq, %iota3A, %eq3A_1057 : vector<16xi32>
          %select_n3A_1059 = arith.select %eq3A_1058, %broadcast_in_dim3A_1055, %select_n3A_976 : vector<16xi1>, vector<16xf32>
          %mul3A_1060 = arith.constant 16 : i32
          %mul3A_1061 = arith.muli %scan3A_149, %mul3A_1060 : i32
          %add3A_1062 = arith.constant 11 : i32
          %add3A_1063 = arith.addi %mul3A_1061, %add3A_1062 : i32
          %broadcast_in_dim3A_1064 = arith.constant 0.000000e+00 : f32
          %broadcast_in_dim3A_1065 = vector.broadcast %broadcast_in_dim3A_1064 : f32 to vector<16xf32>
          %get3A_1066 = arith.constant 0 : i32
          %get3A_1067 = arith.index_cast %get3A_1066 : i32 to index
          %get3A_1068 = arith.index_cast %add3A_1063 : i32 to index
          %get3A_1069 = arith.constant 0 : index
          %get3A_1070 = tpu.vector_load %arg8[%get3A_1067, %get3A_1068, %get3A_1069] {strides = array<i32>} : memref<2x128x64xi32, #tpu.memory_space<vmem>>, vector<16xi32>,
          %get3A_1071 = arith.constant 0 : i32
          %get3A_1072 = arith.index_cast %get3A_1071 : i32 to index
          %get3A_1073 = arith.index_cast %add3A_1063 : i32 to index
          %get3A_1074 = arith.constant 0 : index
          %get3A_1075 = tpu.vector_load %arg9[%get3A_1072, %get3A_1073, %get3A_1074] {strides = array<i32>} : memref<2x128x64xi32, #tpu.memory_space<vmem>>, vector<16xi32>,
          %bitcast3A_1076 = vector.bitcast %get3A_1070 : vector<16xi32> to vector<32xbf16>
          %bitcast3A_1077 = vector.bitcast %get3A_1075 : vector<16xi32> to vector<32xbf16>
          %mul3A_1078 = arith.mulf %bitcast3A_1076, %bitcast3A_1077 : vector<32xbf16>
          %unpack3A_1079 = tpu.unpack_subelements %mul3A_1078, 0 {pack_format = #tpu.pack_format<interleaved>} : vector<32xbf16> -> vector<16xf32>
          %unpack3A_1080 = tpu.unpack_subelements %mul3A_1078, 1 {pack_format = #tpu.pack_format<interleaved>} : vector<32xbf16> -> vector<16xf32>
          %add3A_1081 = arith.addf %broadcast_in_dim3A_1065, %unpack3A_1079 : vector<16xf32>
          %add3A_1082 = arith.addf %add3A_1081, %unpack3A_1080 : vector<16xf32>
          %get3A_1083 = arith.constant 0 : i32
          %get3A_1084 = arith.index_cast %get3A_1083 : i32 to index
          %get3A_1085 = arith.index_cast %add3A_1063 : i32 to index
          %get3A_1086 = arith.constant 16 : index
          %get3A_1087 = tpu.vector_load %arg8[%get3A_1084, %get3A_1085, %get3A_1086] {strides = array<i32>} : memref<2x128x64xi32, #tpu.memory_space<vmem>>, vector<16xi32>,
          %get3A_1088 = arith.constant 0 : i32
          %get3A_1089 = arith.index_cast %get3A_1088 : i32 to index
          %get3A_1090 = arith.index_cast %add3A_1063 : i32 to index
          %get3A_1091 = arith.constant 16 : index
          %get3A_1092 = tpu.vector_load %arg9[%get3A_1089, %get3A_1090, %get3A_1091] {strides = array<i32>} : memref<2x128x64xi32, #tpu.memory_space<vmem>>, vector<16xi32>,
          %bitcast3A_1093 = vector.bitcast %get3A_1087 : vector<16xi32> to vector<32xbf16>
          %bitcast3A_1094 = vector.bitcast %get3A_1092 : vector<16xi32> to vector<32xbf16>
          %mul3A_1095 = arith.mulf %bitcast3A_1093, %bitcast3A_1094 : vector<32xbf16>
          %unpack3A_1096 = tpu.unpack_subelements %mul3A_1095, 0 {pack_format = #tpu.pack_format<interleaved>} : vector<32xbf16> -> vector<16xf32>
          %unpack3A_1097 = tpu.unpack_subelements %mul3A_1095, 1 {pack_format = #tpu.pack_format<interleaved>} : vector<32xbf16> -> vector<16xf32>
          %add3A_1098 = arith.addf %add3A_1082, %unpack3A_1096 : vector<16xf32>
          %add3A_1099 = arith.addf %add3A_1098, %unpack3A_1097 : vector<16xf32>
          %get3A_1100 = arith.constant 0 : i32
          %get3A_1101 = arith.index_cast %get3A_1100 : i32 to index
          %get3A_1102 = arith.index_cast %add3A_1063 : i32 to index
          %get3A_1103 = arith.constant 32 : index
          %get3A_1104 = tpu.vector_load %arg8[%get3A_1101, %get3A_1102, %get3A_1103] {strides = array<i32>} : memref<2x128x64xi32, #tpu.memory_space<vmem>>, vector<16xi32>,
          %get3A_1105 = arith.constant 0 : i32
          %get3A_1106 = arith.index_cast %get3A_1105 : i32 to index
          %get3A_1107 = arith.index_cast %add3A_1063 : i32 to index
          %get3A_1108 = arith.constant 32 : index
          %get3A_1109 = tpu.vector_load %arg9[%get3A_1106, %get3A_1107, %get3A_1108] {strides = array<i32>} : memref<2x128x64xi32, #tpu.memory_space<vmem>>, vector<16xi32>,
          %bitcast3A_1110 = vector.bitcast %get3A_1104 : vector<16xi32> to vector<32xbf16>
          %bitcast3A_1111 = vector.bitcast %get3A_1109 : vector<16xi32> to vector<32xbf16>
          %mul3A_1112 = arith.mulf %bitcast3A_1110, %bitcast3A_1111 : vector<32xbf16>
          %unpack3A_1113 = tpu.unpack_subelements %mul3A_1112, 0 {pack_format = #tpu.pack_format<interleaved>} : vector<32xbf16> -> vector<16xf32>
          %unpack3A_1114 = tpu.unpack_subelements %mul3A_1112, 1 {pack_format = #tpu.pack_format<interleaved>} : vector<32xbf16> -> vector<16xf32>
          %add3A_1115 = arith.addf %add3A_1099, %unpack3A_1113 : vector<16xf32>
          %add3A_1116 = arith.addf %add3A_1115, %unpack3A_1114 : vector<16xf32>
          %get3A_1117 = arith.constant 0 : i32
          %get3A_1118 = arith.index_cast %get3A_1117 : i32 to index
          %get3A_1119 = arith.index_cast %add3A_1063 : i32 to index
          %get3A_1120 = arith.constant 48 : index
          %get3A_1121 = tpu.vector_load %arg8[%get3A_1118, %get3A_1119, %get3A_1120] {strides = array<i32>} : memref<2x128x64xi32, #tpu.memory_space<vmem>>, vector<16xi32>,
          %get3A_1122 = arith.constant 0 : i32
          %get3A_1123 = arith.index_cast %get3A_1122 : i32 to index
          %get3A_1124 = arith.index_cast %add3A_1063 : i32 to index
          %get3A_1125 = arith.constant 48 : index
          %get3A_1126 = tpu.vector_load %arg9[%get3A_1123, %get3A_1124, %get3A_1125] {strides = array<i32>} : memref<2x128x64xi32, #tpu.memory_space<vmem>>, vector<16xi32>,
          %bitcast3A_1127 = vector.bitcast %get3A_1121 : vector<16xi32> to vector<32xbf16>
          %bitcast3A_1128 = vector.bitcast %get3A_1126 : vector<16xi32> to vector<32xbf16>
          %mul3A_1129 = arith.mulf %bitcast3A_1127, %bitcast3A_1128 : vector<32xbf16>
          %unpack3A_1130 = tpu.unpack_subelements %mul3A_1129, 0 {pack_format = #tpu.pack_format<interleaved>} : vector<32xbf16> -> vector<16xf32>
          %unpack3A_1131 = tpu.unpack_subelements %mul3A_1129, 1 {pack_format = #tpu.pack_format<interleaved>} : vector<32xbf16> -> vector<16xf32>
          %add3A_1132 = arith.addf %add3A_1116, %unpack3A_1130 : vector<16xf32>
          %add3A_1133 = arith.addf %add3A_1132, %unpack3A_1131 : vector<16xf32>
          %reduce_sum3A_1134 = arith.constant true
          %reduce_sum3A_1135 = vector.broadcast %reduce_sum3A_1134 : i1 to vector<16xi1>
          %reduce_sum3A_1136 = tpu.scan <sum>, %add3A_1133 masked %reduce_sum3A_1135 : vector<16xf32>, vector<16xi1> -> vector<16xf32>
          %reduce_sum3A_1137 = vector.extract %reduce_sum3A_1136[15] : f32 from vector<16xf32>
          %broadcast_in_dim3A_1138 = vector.broadcast %reduce_sum3A_1137 : f32 to vector<16xf32>
          %eq3A_1139 = arith.constant 11 : i32
          %eq3A_1140 = vector.broadcast %eq3A_1139 : i32 to vector<16xi32>
          %eq3A_1141 = arith.cmpi eq, %iota3A, %eq3A_1140 : vector<16xi32>
          %select_n3A_1142 = arith.select %eq3A_1141, %broadcast_in_dim3A_1138, %select_n3A_1059 : vector<16xi1>, vector<16xf32>
          %mul3A_1143 = arith.constant 16 : i32
          %mul3A_1144 = arith.muli %scan3A_149, %mul3A_1143 : i32
          %add3A_1145 = arith.constant 12 : i32
          %add3A_1146 = arith.addi %mul3A_1144, %add3A_1145 : i32
          %broadcast_in_dim3A_1147 = arith.constant 0.000000e+00 : f32
          %broadcast_in_dim3A_1148 = vector.broadcast %broadcast_in_dim3A_1147 : f32 to vector<16xf32>
          %get3A_1149 = arith.constant 0 : i32
          %get3A_1150 = arith.index_cast %get3A_1149 : i32 to index
          %get3A_1151 = arith.index_cast %add3A_1146 : i32 to index
          %get3A_1152 = arith.constant 0 : index
          %get3A_1153 = tpu.vector_load %arg8[%get3A_1150, %get3A_1151, %get3A_1152] {strides = array<i32>} : memref<2x128x64xi32, #tpu.memory_space<vmem>>, vector<16xi32>,
          %get3A_1154 = arith.constant 0 : i32
          %get3A_1155 = arith.index_cast %get3A_1154 : i32 to index
          %get3A_1156 = arith.index_cast %add3A_1146 : i32 to index
          %get3A_1157 = arith.constant 0 : index
          %get3A_1158 = tpu.vector_load %arg9[%get3A_1155, %get3A_1156, %get3A_1157] {strides = array<i32>} : memref<2x128x64xi32, #tpu.memory_space<vmem>>, vector<16xi32>,
          %bitcast3A_1159 = vector.bitcast %get3A_1153 : vector<16xi32> to vector<32xbf16>
          %bitcast3A_1160 = vector.bitcast %get3A_1158 : vector<16xi32> to vector<32xbf16>
          %mul3A_1161 = arith.mulf %bitcast3A_1159, %bitcast3A_1160 : vector<32xbf16>
          %unpack3A_1162 = tpu.unpack_subelements %mul3A_1161, 0 {pack_format = #tpu.pack_format<interleaved>} : vector<32xbf16> -> vector<16xf32>
          %unpack3A_1163 = tpu.unpack_subelements %mul3A_1161, 1 {pack_format = #tpu.pack_format<interleaved>} : vector<32xbf16> -> vector<16xf32>
          %add3A_1164 = arith.addf %broadcast_in_dim3A_1148, %unpack3A_1162 : vector<16xf32>
          %add3A_1165 = arith.addf %add3A_1164, %unpack3A_1163 : vector<16xf32>
          %get3A_1166 = arith.constant 0 : i32
          %get3A_1167 = arith.index_cast %get3A_1166 : i32 to index
          %get3A_1168 = arith.index_cast %add3A_1146 : i32 to index
          %get3A_1169 = arith.constant 16 : index
          %get3A_1170 = tpu.vector_load %arg8[%get3A_1167, %get3A_1168, %get3A_1169] {strides = array<i32>} : memref<2x128x64xi32, #tpu.memory_space<vmem>>, vector<16xi32>,
          %get3A_1171 = arith.constant 0 : i32
          %get3A_1172 = arith.index_cast %get3A_1171 : i32 to index
          %get3A_1173 = arith.index_cast %add3A_1146 : i32 to index
          %get3A_1174 = arith.constant 16 : index
          %get3A_1175 = tpu.vector_load %arg9[%get3A_1172, %get3A_1173, %get3A_1174] {strides = array<i32>} : memref<2x128x64xi32, #tpu.memory_space<vmem>>, vector<16xi32>,
          %bitcast3A_1176 = vector.bitcast %get3A_1170 : vector<16xi32> to vector<32xbf16>
          %bitcast3A_1177 = vector.bitcast %get3A_1175 : vector<16xi32> to vector<32xbf16>
          %mul3A_1178 = arith.mulf %bitcast3A_1176, %bitcast3A_1177 : vector<32xbf16>
          %unpack3A_1179 = tpu.unpack_subelements %mul3A_1178, 0 {pack_format = #tpu.pack_format<interleaved>} : vector<32xbf16> -> vector<16xf32>
          %unpack3A_1180 = tpu.unpack_subelements %mul3A_1178, 1 {pack_format = #tpu.pack_format<interleaved>} : vector<32xbf16> -> vector<16xf32>
          %add3A_1181 = arith.addf %add3A_1165, %unpack3A_1179 : vector<16xf32>
          %add3A_1182 = arith.addf %add3A_1181, %unpack3A_1180 : vector<16xf32>
          %get3A_1183 = arith.constant 0 : i32
          %get3A_1184 = arith.index_cast %get3A_1183 : i32 to index
          %get3A_1185 = arith.index_cast %add3A_1146 : i32 to index
          %get3A_1186 = arith.constant 32 : index
          %get3A_1187 = tpu.vector_load %arg8[%get3A_1184, %get3A_1185, %get3A_1186] {strides = array<i32>} : memref<2x128x64xi32, #tpu.memory_space<vmem>>, vector<16xi32>,
          %get3A_1188 = arith.constant 0 : i32
          %get3A_1189 = arith.index_cast %get3A_1188 : i32 to index
          %get3A_1190 = arith.index_cast %add3A_1146 : i32 to index
          %get3A_1191 = arith.constant 32 : index
          %get3A_1192 = tpu.vector_load %arg9[%get3A_1189, %get3A_1190, %get3A_1191] {strides = array<i32>} : memref<2x128x64xi32, #tpu.memory_space<vmem>>, vector<16xi32>,
          %bitcast3A_1193 = vector.bitcast %get3A_1187 : vector<16xi32> to vector<32xbf16>
          %bitcast3A_1194 = vector.bitcast %get3A_1192 : vector<16xi32> to vector<32xbf16>
          %mul3A_1195 = arith.mulf %bitcast3A_1193, %bitcast3A_1194 : vector<32xbf16>
          %unpack3A_1196 = tpu.unpack_subelements %mul3A_1195, 0 {pack_format = #tpu.pack_format<interleaved>} : vector<32xbf16> -> vector<16xf32>
          %unpack3A_1197 = tpu.unpack_subelements %mul3A_1195, 1 {pack_format = #tpu.pack_format<interleaved>} : vector<32xbf16> -> vector<16xf32>
          %add3A_1198 = arith.addf %add3A_1182, %unpack3A_1196 : vector<16xf32>
          %add3A_1199 = arith.addf %add3A_1198, %unpack3A_1197 : vector<16xf32>
          %get3A_1200 = arith.constant 0 : i32
          %get3A_1201 = arith.index_cast %get3A_1200 : i32 to index
          %get3A_1202 = arith.index_cast %add3A_1146 : i32 to index
          %get3A_1203 = arith.constant 48 : index
          %get3A_1204 = tpu.vector_load %arg8[%get3A_1201, %get3A_1202, %get3A_1203] {strides = array<i32>} : memref<2x128x64xi32, #tpu.memory_space<vmem>>, vector<16xi32>,
          %get3A_1205 = arith.constant 0 : i32
          %get3A_1206 = arith.index_cast %get3A_1205 : i32 to index
          %get3A_1207 = arith.index_cast %add3A_1146 : i32 to index
          %get3A_1208 = arith.constant 48 : index
          %get3A_1209 = tpu.vector_load %arg9[%get3A_1206, %get3A_1207, %get3A_1208] {strides = array<i32>} : memref<2x128x64xi32, #tpu.memory_space<vmem>>, vector<16xi32>,
          %bitcast3A_1210 = vector.bitcast %get3A_1204 : vector<16xi32> to vector<32xbf16>
          %bitcast3A_1211 = vector.bitcast %get3A_1209 : vector<16xi32> to vector<32xbf16>
          %mul3A_1212 = arith.mulf %bitcast3A_1210, %bitcast3A_1211 : vector<32xbf16>
          %unpack3A_1213 = tpu.unpack_subelements %mul3A_1212, 0 {pack_format = #tpu.pack_format<interleaved>} : vector<32xbf16> -> vector<16xf32>
          %unpack3A_1214 = tpu.unpack_subelements %mul3A_1212, 1 {pack_format = #tpu.pack_format<interleaved>} : vector<32xbf16> -> vector<16xf32>
          %add3A_1215 = arith.addf %add3A_1199, %unpack3A_1213 : vector<16xf32>
          %add3A_1216 = arith.addf %add3A_1215, %unpack3A_1214 : vector<16xf32>
          %reduce_sum3A_1217 = arith.constant true
          %reduce_sum3A_1218 = vector.broadcast %reduce_sum3A_1217 : i1 to vector<16xi1>
          %reduce_sum3A_1219 = tpu.scan <sum>, %add3A_1216 masked %reduce_sum3A_1218 : vector<16xf32>, vector<16xi1> -> vector<16xf32>
          %reduce_sum3A_1220 = vector.extract %reduce_sum3A_1219[15] : f32 from vector<16xf32>
          %broadcast_in_dim3A_1221 = vector.broadcast %reduce_sum3A_1220 : f32 to vector<16xf32>
          %eq3A_1222 = arith.constant 12 : i32
          %eq3A_1223 = vector.broadcast %eq3A_1222 : i32 to vector<16xi32>
          %eq3A_1224 = arith.cmpi eq, %iota3A, %eq3A_1223 : vector<16xi32>
          %select_n3A_1225 = arith.select %eq3A_1224, %broadcast_in_dim3A_1221, %select_n3A_1142 : vector<16xi1>, vector<16xf32>
          %mul3A_1226 = arith.constant 16 : i32
          %mul3A_1227 = arith.muli %scan3A_149, %mul3A_1226 : i32
          %add3A_1228 = arith.constant 13 : i32
          %add3A_1229 = arith.addi %mul3A_1227, %add3A_1228 : i32
          %broadcast_in_dim3A_1230 = arith.constant 0.000000e+00 : f32
          %broadcast_in_dim3A_1231 = vector.broadcast %broadcast_in_dim3A_1230 : f32 to vector<16xf32>
          %get3A_1232 = arith.constant 0 : i32
          %get3A_1233 = arith.index_cast %get3A_1232 : i32 to index
          %get3A_1234 = arith.index_cast %add3A_1229 : i32 to index
          %get3A_1235 = arith.constant 0 : index
          %get3A_1236 = tpu.vector_load %arg8[%get3A_1233, %get3A_1234, %get3A_1235] {strides = array<i32>} : memref<2x128x64xi32, #tpu.memory_space<vmem>>, vector<16xi32>,
          %get3A_1237 = arith.constant 0 : i32
          %get3A_1238 = arith.index_cast %get3A_1237 : i32 to index
          %get3A_1239 = arith.index_cast %add3A_1229 : i32 to index
          %get3A_1240 = arith.constant 0 : index
          %get3A_1241 = tpu.vector_load %arg9[%get3A_1238, %get3A_1239, %get3A_1240] {strides = array<i32>} : memref<2x128x64xi32, #tpu.memory_space<vmem>>, vector<16xi32>,
          %bitcast3A_1242 = vector.bitcast %get3A_1236 : vector<16xi32> to vector<32xbf16>
          %bitcast3A_1243 = vector.bitcast %get3A_1241 : vector<16xi32> to vector<32xbf16>
          %mul3A_1244 = arith.mulf %bitcast3A_1242, %bitcast3A_1243 : vector<32xbf16>
          %unpack3A_1245 = tpu.unpack_subelements %mul3A_1244, 0 {pack_format = #tpu.pack_format<interleaved>} : vector<32xbf16> -> vector<16xf32>
          %unpack3A_1246 = tpu.unpack_subelements %mul3A_1244, 1 {pack_format = #tpu.pack_format<interleaved>} : vector<32xbf16> -> vector<16xf32>
          %add3A_1247 = arith.addf %broadcast_in_dim3A_1231, %unpack3A_1245 : vector<16xf32>
          %add3A_1248 = arith.addf %add3A_1247, %unpack3A_1246 : vector<16xf32>
          %get3A_1249 = arith.constant 0 : i32
          %get3A_1250 = arith.index_cast %get3A_1249 : i32 to index
          %get3A_1251 = arith.index_cast %add3A_1229 : i32 to index
          %get3A_1252 = arith.constant 16 : index
          %get3A_1253 = tpu.vector_load %arg8[%get3A_1250, %get3A_1251, %get3A_1252] {strides = array<i32>} : memref<2x128x64xi32, #tpu.memory_space<vmem>>, vector<16xi32>,
          %get3A_1254 = arith.constant 0 : i32
          %get3A_1255 = arith.index_cast %get3A_1254 : i32 to index
          %get3A_1256 = arith.index_cast %add3A_1229 : i32 to index
          %get3A_1257 = arith.constant 16 : index
          %get3A_1258 = tpu.vector_load %arg9[%get3A_1255, %get3A_1256, %get3A_1257] {strides = array<i32>} : memref<2x128x64xi32, #tpu.memory_space<vmem>>, vector<16xi32>,
          %bitcast3A_1259 = vector.bitcast %get3A_1253 : vector<16xi32> to vector<32xbf16>
          %bitcast3A_1260 = vector.bitcast %get3A_1258 : vector<16xi32> to vector<32xbf16>
          %mul3A_1261 = arith.mulf %bitcast3A_1259, %bitcast3A_1260 : vector<32xbf16>
          %unpack3A_1262 = tpu.unpack_subelements %mul3A_1261, 0 {pack_format = #tpu.pack_format<interleaved>} : vector<32xbf16> -> vector<16xf32>
          %unpack3A_1263 = tpu.unpack_subelements %mul3A_1261, 1 {pack_format = #tpu.pack_format<interleaved>} : vector<32xbf16> -> vector<16xf32>
          %add3A_1264 = arith.addf %add3A_1248, %unpack3A_1262 : vector<16xf32>
          %add3A_1265 = arith.addf %add3A_1264, %unpack3A_1263 : vector<16xf32>
          %get3A_1266 = arith.constant 0 : i32
          %get3A_1267 = arith.index_cast %get3A_1266 : i32 to index
          %get3A_1268 = arith.index_cast %add3A_1229 : i32 to index
          %get3A_1269 = arith.constant 32 : index
          %get3A_1270 = tpu.vector_load %arg8[%get3A_1267, %get3A_1268, %get3A_1269] {strides = array<i32>} : memref<2x128x64xi32, #tpu.memory_space<vmem>>, vector<16xi32>,
          %get3A_1271 = arith.constant 0 : i32
          %get3A_1272 = arith.index_cast %get3A_1271 : i32 to index
          %get3A_1273 = arith.index_cast %add3A_1229 : i32 to index
          %get3A_1274 = arith.constant 32 : index
          %get3A_1275 = tpu.vector_load %arg9[%get3A_1272, %get3A_1273, %get3A_1274] {strides = array<i32>} : memref<2x128x64xi32, #tpu.memory_space<vmem>>, vector<16xi32>,
          %bitcast3A_1276 = vector.bitcast %get3A_1270 : vector<16xi32> to vector<32xbf16>
          %bitcast3A_1277 = vector.bitcast %get3A_1275 : vector<16xi32> to vector<32xbf16>
          %mul3A_1278 = arith.mulf %bitcast3A_1276, %bitcast3A_1277 : vector<32xbf16>
          %unpack3A_1279 = tpu.unpack_subelements %mul3A_1278, 0 {pack_format = #tpu.pack_format<interleaved>} : vector<32xbf16> -> vector<16xf32>
          %unpack3A_1280 = tpu.unpack_subelements %mul3A_1278, 1 {pack_format = #tpu.pack_format<interleaved>} : vector<32xbf16> -> vector<16xf32>
          %add3A_1281 = arith.addf %add3A_1265, %unpack3A_1279 : vector<16xf32>
          %add3A_1282 = arith.addf %add3A_1281, %unpack3A_1280 : vector<16xf32>
          %get3A_1283 = arith.constant 0 : i32
          %get3A_1284 = arith.index_cast %get3A_1283 : i32 to index
          %get3A_1285 = arith.index_cast %add3A_1229 : i32 to index
          %get3A_1286 = arith.constant 48 : index
          %get3A_1287 = tpu.vector_load %arg8[%get3A_1284, %get3A_1285, %get3A_1286] {strides = array<i32>} : memref<2x128x64xi32, #tpu.memory_space<vmem>>, vector<16xi32>,
          %get3A_1288 = arith.constant 0 : i32
          %get3A_1289 = arith.index_cast %get3A_1288 : i32 to index
          %get3A_1290 = arith.index_cast %add3A_1229 : i32 to index
          %get3A_1291 = arith.constant 48 : index
          %get3A_1292 = tpu.vector_load %arg9[%get3A_1289, %get3A_1290, %get3A_1291] {strides = array<i32>} : memref<2x128x64xi32, #tpu.memory_space<vmem>>, vector<16xi32>,
          %bitcast3A_1293 = vector.bitcast %get3A_1287 : vector<16xi32> to vector<32xbf16>
          %bitcast3A_1294 = vector.bitcast %get3A_1292 : vector<16xi32> to vector<32xbf16>
          %mul3A_1295 = arith.mulf %bitcast3A_1293, %bitcast3A_1294 : vector<32xbf16>
          %unpack3A_1296 = tpu.unpack_subelements %mul3A_1295, 0 {pack_format = #tpu.pack_format<interleaved>} : vector<32xbf16> -> vector<16xf32>
          %unpack3A_1297 = tpu.unpack_subelements %mul3A_1295, 1 {pack_format = #tpu.pack_format<interleaved>} : vector<32xbf16> -> vector<16xf32>
          %add3A_1298 = arith.addf %add3A_1282, %unpack3A_1296 : vector<16xf32>
          %add3A_1299 = arith.addf %add3A_1298, %unpack3A_1297 : vector<16xf32>
          %reduce_sum3A_1300 = arith.constant true
          %reduce_sum3A_1301 = vector.broadcast %reduce_sum3A_1300 : i1 to vector<16xi1>
          %reduce_sum3A_1302 = tpu.scan <sum>, %add3A_1299 masked %reduce_sum3A_1301 : vector<16xf32>, vector<16xi1> -> vector<16xf32>
          %reduce_sum3A_1303 = vector.extract %reduce_sum3A_1302[15] : f32 from vector<16xf32>
          %broadcast_in_dim3A_1304 = vector.broadcast %reduce_sum3A_1303 : f32 to vector<16xf32>
          %eq3A_1305 = arith.constant 13 : i32
          %eq3A_1306 = vector.broadcast %eq3A_1305 : i32 to vector<16xi32>
          %eq3A_1307 = arith.cmpi eq, %iota3A, %eq3A_1306 : vector<16xi32>
          %select_n3A_1308 = arith.select %eq3A_1307, %broadcast_in_dim3A_1304, %select_n3A_1225 : vector<16xi1>, vector<16xf32>
          %mul3A_1309 = arith.constant 16 : i32
          %mul3A_1310 = arith.muli %scan3A_149, %mul3A_1309 : i32
          %add3A_1311 = arith.constant 14 : i32
          %add3A_1312 = arith.addi %mul3A_1310, %add3A_1311 : i32
          %broadcast_in_dim3A_1313 = arith.constant 0.000000e+00 : f32
          %broadcast_in_dim3A_1314 = vector.broadcast %broadcast_in_dim3A_1313 : f32 to vector<16xf32>
          %get3A_1315 = arith.constant 0 : i32
          %get3A_1316 = arith.index_cast %get3A_1315 : i32 to index
          %get3A_1317 = arith.index_cast %add3A_1312 : i32 to index
          %get3A_1318 = arith.constant 0 : index
          %get3A_1319 = tpu.vector_load %arg8[%get3A_1316, %get3A_1317, %get3A_1318] {strides = array<i32>} : memref<2x128x64xi32, #tpu.memory_space<vmem>>, vector<16xi32>,
          %get3A_1320 = arith.constant 0 : i32
          %get3A_1321 = arith.index_cast %get3A_1320 : i32 to index
          %get3A_1322 = arith.index_cast %add3A_1312 : i32 to index
          %get3A_1323 = arith.constant 0 : index
          %get3A_1324 = tpu.vector_load %arg9[%get3A_1321, %get3A_1322, %get3A_1323] {strides = array<i32>} : memref<2x128x64xi32, #tpu.memory_space<vmem>>, vector<16xi32>,
          %bitcast3A_1325 = vector.bitcast %get3A_1319 : vector<16xi32> to vector<32xbf16>
          %bitcast3A_1326 = vector.bitcast %get3A_1324 : vector<16xi32> to vector<32xbf16>
          %mul3A_1327 = arith.mulf %bitcast3A_1325, %bitcast3A_1326 : vector<32xbf16>
          %unpack3A_1328 = tpu.unpack_subelements %mul3A_1327, 0 {pack_format = #tpu.pack_format<interleaved>} : vector<32xbf16> -> vector<16xf32>
          %unpack3A_1329 = tpu.unpack_subelements %mul3A_1327, 1 {pack_format = #tpu.pack_format<interleaved>} : vector<32xbf16> -> vector<16xf32>
          %add3A_1330 = arith.addf %broadcast_in_dim3A_1314, %unpack3A_1328 : vector<16xf32>
          %add3A_1331 = arith.addf %add3A_1330, %unpack3A_1329 : vector<16xf32>
          %get3A_1332 = arith.constant 0 : i32
          %get3A_1333 = arith.index_cast %get3A_1332 : i32 to index
          %get3A_1334 = arith.index_cast %add3A_1312 : i32 to index
          %get3A_1335 = arith.constant 16 : index
          %get3A_1336 = tpu.vector_load %arg8[%get3A_1333, %get3A_1334, %get3A_1335] {strides = array<i32>} : memref<2x128x64xi32, #tpu.memory_space<vmem>>, vector<16xi32>,
          %get3A_1337 = arith.constant 0 : i32
          %get3A_1338 = arith.index_cast %get3A_1337 : i32 to index
          %get3A_1339 = arith.index_cast %add3A_1312 : i32 to index
          %get3A_1340 = arith.constant 16 : index
          %get3A_1341 = tpu.vector_load %arg9[%get3A_1338, %get3A_1339, %get3A_1340] {strides = array<i32>} : memref<2x128x64xi32, #tpu.memory_space<vmem>>, vector<16xi32>,
          %bitcast3A_1342 = vector.bitcast %get3A_1336 : vector<16xi32> to vector<32xbf16>
          %bitcast3A_1343 = vector.bitcast %get3A_1341 : vector<16xi32> to vector<32xbf16>
          %mul3A_1344 = arith.mulf %bitcast3A_1342, %bitcast3A_1343 : vector<32xbf16>
          %unpack3A_1345 = tpu.unpack_subelements %mul3A_1344, 0 {pack_format = #tpu.pack_format<interleaved>} : vector<32xbf16> -> vector<16xf32>
          %unpack3A_1346 = tpu.unpack_subelements %mul3A_1344, 1 {pack_format = #tpu.pack_format<interleaved>} : vector<32xbf16> -> vector<16xf32>
          %add3A_1347 = arith.addf %add3A_1331, %unpack3A_1345 : vector<16xf32>
          %add3A_1348 = arith.addf %add3A_1347, %unpack3A_1346 : vector<16xf32>
          %get3A_1349 = arith.constant 0 : i32
          %get3A_1350 = arith.index_cast %get3A_1349 : i32 to index
          %get3A_1351 = arith.index_cast %add3A_1312 : i32 to index
          %get3A_1352 = arith.constant 32 : index
          %get3A_1353 = tpu.vector_load %arg8[%get3A_1350, %get3A_1351, %get3A_1352] {strides = array<i32>} : memref<2x128x64xi32, #tpu.memory_space<vmem>>, vector<16xi32>,
          %get3A_1354 = arith.constant 0 : i32
          %get3A_1355 = arith.index_cast %get3A_1354 : i32 to index
          %get3A_1356 = arith.index_cast %add3A_1312 : i32 to index
          %get3A_1357 = arith.constant 32 : index
          %get3A_1358 = tpu.vector_load %arg9[%get3A_1355, %get3A_1356, %get3A_1357] {strides = array<i32>} : memref<2x128x64xi32, #tpu.memory_space<vmem>>, vector<16xi32>,
          %bitcast3A_1359 = vector.bitcast %get3A_1353 : vector<16xi32> to vector<32xbf16>
          %bitcast3A_1360 = vector.bitcast %get3A_1358 : vector<16xi32> to vector<32xbf16>
          %mul3A_1361 = arith.mulf %bitcast3A_1359, %bitcast3A_1360 : vector<32xbf16>
          %unpack3A_1362 = tpu.unpack_subelements %mul3A_1361, 0 {pack_format = #tpu.pack_format<interleaved>} : vector<32xbf16> -> vector<16xf32>
          %unpack3A_1363 = tpu.unpack_subelements %mul3A_1361, 1 {pack_format = #tpu.pack_format<interleaved>} : vector<32xbf16> -> vector<16xf32>
          %add3A_1364 = arith.addf %add3A_1348, %unpack3A_1362 : vector<16xf32>
          %add3A_1365 = arith.addf %add3A_1364, %unpack3A_1363 : vector<16xf32>
          %get3A_1366 = arith.constant 0 : i32
          %get3A_1367 = arith.index_cast %get3A_1366 : i32 to index
          %get3A_1368 = arith.index_cast %add3A_1312 : i32 to index
          %get3A_1369 = arith.constant 48 : index
          %get3A_1370 = tpu.vector_load %arg8[%get3A_1367, %get3A_1368, %get3A_1369] {strides = array<i32>} : memref<2x128x64xi32, #tpu.memory_space<vmem>>, vector<16xi32>,
          %get3A_1371 = arith.constant 0 : i32
          %get3A_1372 = arith.index_cast %get3A_1371 : i32 to index
          %get3A_1373 = arith.index_cast %add3A_1312 : i32 to index
          %get3A_1374 = arith.constant 48 : index
          %get3A_1375 = tpu.vector_load %arg9[%get3A_1372, %get3A_1373, %get3A_1374] {strides = array<i32>} : memref<2x128x64xi32, #tpu.memory_space<vmem>>, vector<16xi32>,
          %bitcast3A_1376 = vector.bitcast %get3A_1370 : vector<16xi32> to vector<32xbf16>
          %bitcast3A_1377 = vector.bitcast %get3A_1375 : vector<16xi32> to vector<32xbf16>
          %mul3A_1378 = arith.mulf %bitcast3A_1376, %bitcast3A_1377 : vector<32xbf16>
          %unpack3A_1379 = tpu.unpack_subelements %mul3A_1378, 0 {pack_format = #tpu.pack_format<interleaved>} : vector<32xbf16> -> vector<16xf32>
          %unpack3A_1380 = tpu.unpack_subelements %mul3A_1378, 1 {pack_format = #tpu.pack_format<interleaved>} : vector<32xbf16> -> vector<16xf32>
          %add3A_1381 = arith.addf %add3A_1365, %unpack3A_1379 : vector<16xf32>
          %add3A_1382 = arith.addf %add3A_1381, %unpack3A_1380 : vector<16xf32>
          %reduce_sum3A_1383 = arith.constant true
          %reduce_sum3A_1384 = vector.broadcast %reduce_sum3A_1383 : i1 to vector<16xi1>
          %reduce_sum3A_1385 = tpu.scan <sum>, %add3A_1382 masked %reduce_sum3A_1384 : vector<16xf32>, vector<16xi1> -> vector<16xf32>
          %reduce_sum3A_1386 = vector.extract %reduce_sum3A_1385[15] : f32 from vector<16xf32>
          %broadcast_in_dim3A_1387 = vector.broadcast %reduce_sum3A_1386 : f32 to vector<16xf32>
          %eq3A_1388 = arith.constant 14 : i32
          %eq3A_1389 = vector.broadcast %eq3A_1388 : i32 to vector<16xi32>
          %eq3A_1390 = arith.cmpi eq, %iota3A, %eq3A_1389 : vector<16xi32>
          %select_n3A_1391 = arith.select %eq3A_1390, %broadcast_in_dim3A_1387, %select_n3A_1308 : vector<16xi1>, vector<16xf32>
          %mul3A_1392 = arith.constant 16 : i32
          %mul3A_1393 = arith.muli %scan3A_149, %mul3A_1392 : i32
          %add3A_1394 = arith.constant 15 : i32
          %add3A_1395 = arith.addi %mul3A_1393, %add3A_1394 : i32
          %broadcast_in_dim3A_1396 = arith.constant 0.000000e+00 : f32
          %broadcast_in_dim3A_1397 = vector.broadcast %broadcast_in_dim3A_1396 : f32 to vector<16xf32>
          %get3A_1398 = arith.constant 0 : i32
          %get3A_1399 = arith.index_cast %get3A_1398 : i32 to index
          %get3A_1400 = arith.index_cast %add3A_1395 : i32 to index
          %get3A_1401 = arith.constant 0 : index
          %get3A_1402 = tpu.vector_load %arg8[%get3A_1399, %get3A_1400, %get3A_1401] {strides = array<i32>} : memref<2x128x64xi32, #tpu.memory_space<vmem>>, vector<16xi32>,
          %get3A_1403 = arith.constant 0 : i32
          %get3A_1404 = arith.index_cast %get3A_1403 : i32 to index
          %get3A_1405 = arith.index_cast %add3A_1395 : i32 to index
          %get3A_1406 = arith.constant 0 : index
          %get3A_1407 = tpu.vector_load %arg9[%get3A_1404, %get3A_1405, %get3A_1406] {strides = array<i32>} : memref<2x128x64xi32, #tpu.memory_space<vmem>>, vector<16xi32>,
          %bitcast3A_1408 = vector.bitcast %get3A_1402 : vector<16xi32> to vector<32xbf16>
          %bitcast3A_1409 = vector.bitcast %get3A_1407 : vector<16xi32> to vector<32xbf16>
          %mul3A_1410 = arith.mulf %bitcast3A_1408, %bitcast3A_1409 : vector<32xbf16>
          %unpack3A_1411 = tpu.unpack_subelements %mul3A_1410, 0 {pack_format = #tpu.pack_format<interleaved>} : vector<32xbf16> -> vector<16xf32>
          %unpack3A_1412 = tpu.unpack_subelements %mul3A_1410, 1 {pack_format = #tpu.pack_format<interleaved>} : vector<32xbf16> -> vector<16xf32>
          %add3A_1413 = arith.addf %broadcast_in_dim3A_1397, %unpack3A_1411 : vector<16xf32>
          %add3A_1414 = arith.addf %add3A_1413, %unpack3A_1412 : vector<16xf32>
          %get3A_1415 = arith.constant 0 : i32
          %get3A_1416 = arith.index_cast %get3A_1415 : i32 to index
          %get3A_1417 = arith.index_cast %add3A_1395 : i32 to index
          %get3A_1418 = arith.constant 16 : index
          %get3A_1419 = tpu.vector_load %arg8[%get3A_1416, %get3A_1417, %get3A_1418] {strides = array<i32>} : memref<2x128x64xi32, #tpu.memory_space<vmem>>, vector<16xi32>,
          %get3A_1420 = arith.constant 0 : i32
          %get3A_1421 = arith.index_cast %get3A_1420 : i32 to index
          %get3A_1422 = arith.index_cast %add3A_1395 : i32 to index
          %get3A_1423 = arith.constant 16 : index
          %get3A_1424 = tpu.vector_load %arg9[%get3A_1421, %get3A_1422, %get3A_1423] {strides = array<i32>} : memref<2x128x64xi32, #tpu.memory_space<vmem>>, vector<16xi32>,
          %bitcast3A_1425 = vector.bitcast %get3A_1419 : vector<16xi32> to vector<32xbf16>
          %bitcast3A_1426 = vector.bitcast %get3A_1424 : vector<16xi32> to vector<32xbf16>
          %mul3A_1427 = arith.mulf %bitcast3A_1425, %bitcast3A_1426 : vector<32xbf16>
          %unpack3A_1428 = tpu.unpack_subelements %mul3A_1427, 0 {pack_format = #tpu.pack_format<interleaved>} : vector<32xbf16> -> vector<16xf32>
          %unpack3A_1429 = tpu.unpack_subelements %mul3A_1427, 1 {pack_format = #tpu.pack_format<interleaved>} : vector<32xbf16> -> vector<16xf32>
          %add3A_1430 = arith.addf %add3A_1414, %unpack3A_1428 : vector<16xf32>
          %add3A_1431 = arith.addf %add3A_1430, %unpack3A_1429 : vector<16xf32>
          %get3A_1432 = arith.constant 0 : i32
          %get3A_1433 = arith.index_cast %get3A_1432 : i32 to index
          %get3A_1434 = arith.index_cast %add3A_1395 : i32 to index
          %get3A_1435 = arith.constant 32 : index
          %get3A_1436 = tpu.vector_load %arg8[%get3A_1433, %get3A_1434, %get3A_1435] {strides = array<i32>} : memref<2x128x64xi32, #tpu.memory_space<vmem>>, vector<16xi32>,
          %get3A_1437 = arith.constant 0 : i32
          %get3A_1438 = arith.index_cast %get3A_1437 : i32 to index
          %get3A_1439 = arith.index_cast %add3A_1395 : i32 to index
          %get3A_1440 = arith.constant 32 : index
          %get3A_1441 = tpu.vector_load %arg9[%get3A_1438, %get3A_1439, %get3A_1440] {strides = array<i32>} : memref<2x128x64xi32, #tpu.memory_space<vmem>>, vector<16xi32>,
          %bitcast3A_1442 = vector.bitcast %get3A_1436 : vector<16xi32> to vector<32xbf16>
          %bitcast3A_1443 = vector.bitcast %get3A_1441 : vector<16xi32> to vector<32xbf16>
          %mul3A_1444 = arith.mulf %bitcast3A_1442, %bitcast3A_1443 : vector<32xbf16>
          %unpack3A_1445 = tpu.unpack_subelements %mul3A_1444, 0 {pack_format = #tpu.pack_format<interleaved>} : vector<32xbf16> -> vector<16xf32>
          %unpack3A_1446 = tpu.unpack_subelements %mul3A_1444, 1 {pack_format = #tpu.pack_format<interleaved>} : vector<32xbf16> -> vector<16xf32>
          %add3A_1447 = arith.addf %add3A_1431, %unpack3A_1445 : vector<16xf32>
          %add3A_1448 = arith.addf %add3A_1447, %unpack3A_1446 : vector<16xf32>
          %get3A_1449 = arith.constant 0 : i32
          %get3A_1450 = arith.index_cast %get3A_1449 : i32 to index
          %get3A_1451 = arith.index_cast %add3A_1395 : i32 to index
          %get3A_1452 = arith.constant 48 : index
          %get3A_1453 = tpu.vector_load %arg8[%get3A_1450, %get3A_1451, %get3A_1452] {strides = array<i32>} : memref<2x128x64xi32, #tpu.memory_space<vmem>>, vector<16xi32>,
          %get3A_1454 = arith.constant 0 : i32
          %get3A_1455 = arith.index_cast %get3A_1454 : i32 to index
          %get3A_1456 = arith.index_cast %add3A_1395 : i32 to index
          %get3A_1457 = arith.constant 48 : index
          %get3A_1458 = tpu.vector_load %arg9[%get3A_1455, %get3A_1456, %get3A_1457] {strides = array<i32>} : memref<2x128x64xi32, #tpu.memory_space<vmem>>, vector<16xi32>,
          %bitcast3A_1459 = vector.bitcast %get3A_1453 : vector<16xi32> to vector<32xbf16>
          %bitcast3A_1460 = vector.bitcast %get3A_1458 : vector<16xi32> to vector<32xbf16>
          %mul3A_1461 = arith.mulf %bitcast3A_1459, %bitcast3A_1460 : vector<32xbf16>
          %unpack3A_1462 = tpu.unpack_subelements %mul3A_1461, 0 {pack_format = #tpu.pack_format<interleaved>} : vector<32xbf16> -> vector<16xf32>
          %unpack3A_1463 = tpu.unpack_subelements %mul3A_1461, 1 {pack_format = #tpu.pack_format<interleaved>} : vector<32xbf16> -> vector<16xf32>
          %add3A_1464 = arith.addf %add3A_1448, %unpack3A_1462 : vector<16xf32>
          %add3A_1465 = arith.addf %add3A_1464, %unpack3A_1463 : vector<16xf32>
          %reduce_sum3A_1466 = arith.constant true
          %reduce_sum3A_1467 = vector.broadcast %reduce_sum3A_1466 : i1 to vector<16xi1>
          %reduce_sum3A_1468 = tpu.scan <sum>, %add3A_1465 masked %reduce_sum3A_1467 : vector<16xf32>, vector<16xi1> -> vector<16xf32>
          %reduce_sum3A_1469 = vector.extract %reduce_sum3A_1468[15] : f32 from vector<16xf32>
          %broadcast_in_dim3A_1470 = vector.broadcast %reduce_sum3A_1469 : f32 to vector<16xf32>
          %eq3A_1471 = arith.constant 15 : i32
          %eq3A_1472 = vector.broadcast %eq3A_1471 : i32 to vector<16xi32>
          %eq3A_1473 = arith.cmpi eq, %iota3A, %eq3A_1472 : vector<16xi32>
          %select_n3A_1474 = arith.select %eq3A_1473, %broadcast_in_dim3A_1470, %select_n3A_1391 : vector<16xi1>, vector<16xf32>
          %neg3A = arith.constant 0.000000e+00 : f32
          %neg3A_1475 = vector.broadcast %neg3A : f32 to vector<16xf32>
          %neg3A_1476 = arith.subf %neg3A_1475, %select_n3A_1474 : vector<16xf32>
          %exp3A = math.exp %neg3A_1476 : vector<16xf32>
          %add3A_1477 = arith.constant 1.000000e+00 : f32
          %add3A_1478 = vector.broadcast %add3A_1477 : f32 to vector<16xf32>
          %add3A_1479 = arith.addf %add3A_1478, %exp3A : vector<16xf32>
          %div3A = arith.constant 1.000000e+00 : f32
          %div3A_1480 = vector.broadcast %div3A : f32 to vector<16xf32>
          %div3A_1481 = arith.divf %div3A_1480, %add3A_1479 : vector<16xf32>
          %mul3A_1482 = arith.constant 16 : i32
          %mul3A_1483 = arith.muli %scan3A_149, %mul3A_1482 : i32
          %swap3A = arith.constant 0 : i32
          %swap3A_1484 = arith.index_cast %swap3A : i32 to index
          %swap3A_1485 = arith.index_cast %mul3A_1483 : i32 to index
          %swap3A_1486 = tpu.vector_load %arg10[%swap3A_1484, %swap3A_1485] {strides = array<i32>} : memref<2x128xf32, #tpu.memory_space<vmem>>, vector<16xf32>,
          tpu.vector_store %arg10[%swap3A_1484, %swap3A_1485], %div3A_1481 {strides = array<i32>} : memref<2x128xf32, #tpu.memory_space<vmem>>, vector<16xf32>,
        }
        %scan3A_131 = arith.constant 8 : i32
        %eq3A = arith.constant 78 : i32
        %eq3A_132 = arith.cmpi eq, %mul3A_85, %eq3A : i32
        %add3A_133 = arith.constant 2496 : i32
        %add3A_134 = arith.addi %add3A_133, %add3A : i32
        %mul3A_135 = arith.constant 78 : i32
        %mul3A_136 = arith.muli %add3A, %mul3A_135 : i32
        %add3A_137 = arith.addi %mul3A_136, %mul3A_85 : i32
        %select_n3A = arith.select %eq3A_132, %add3A_134, %add3A_137 : i32
        %mul3A_138 = arith.constant 128 : i32
        %mul3A_139 = arith.muli %select_n3A, %mul3A_138 : i32
        %dma_start3A_140 = arith.constant 0 : i32
        %dma_start3A_141 = arith.constant 0 : i32
        %dma_start3A_142 = tpu.memref_slice %arg10[%dma_start3A_140, %dma_start3A_141] : memref<2x128xf32, #tpu.memory_space<vmem>> -> memref<1x128xf32, #tpu.memory_space<vmem>>
        %dma_start3A_143 = tpu.memref_squeeze %dma_start3A_142 : memref<1x128xf32, #tpu.memory_space<vmem>> -> memref<128xf32, #tpu.memory_space<vmem>>
        %dma_start3A_144 = tpu.memref_slice %arg5[%mul3A_139] : memref<320000xf32, #tpu.memory_space<hbm>> -> memref<128xf32, #tpu.memory_space<hbm>>
        %dma_start3A_145 = tpu.memref_slice %arg5[%mul3A_139] : memref<320000xf32, #tpu.memory_space<hbm>> -> memref<128xf32, #tpu.memory_space<hbm>>
        %dma_start3A_146 = arith.constant 0 : i32
        %dma_start3A_147 = tpu.memref_slice %arg10[%dma_start3A_140, %dma_start3A_146] : memref<2x128xf32, #tpu.memory_space<vmem>> -> memref<1x128xf32, #tpu.memory_space<vmem>>
        %dma_start3A_148 = tpu.memref_squeeze %dma_start3A_147 : memref<1x128xf32, #tpu.memory_space<vmem>> -> memref<128xf32, #tpu.memory_space<vmem>>
        tpu.enqueue_dma source(%dma_start3A_148 : memref<128xf32, #tpu.memory_space<vmem>>) target(%dma_start3A_145 : memref<128xf32, #tpu.memory_space<hbm>>) target_semaphore(%arg16 : memref<!tpu.dma_semaphore, #tpu.memory_space<semaphore_mem>>)
      } else {
      }
      %add3A_90 = arith.constant 1 : i32
      %add3A_91 = arith.addi %mul3A_85, %add3A_90 : i32
      %lt3A_92 = arith.cmpi slt, %add3A_91, %add3A_3 : i32
      %convert_element_type3A_93 = arith.extui %lt3A_92 : i1 to i32
      %cond3A_94 = arith.constant 0 : i32
      %cond3A_95 = arith.cmpi ne, %convert_element_type3A_93, %cond3A_94 : i32
      scf.if %cond3A_95 {
        %add3A_96 = arith.constant 1 : i32
        %add3A_97 = arith.addi %mul3A_85, %add3A_96 : i32
        %add3A_98 = arith.constant 1 : i32
        %add3A_99 = arith.addi %add3A_97, %add3A_98 : i32
        %lt3A_100 = arith.cmpi slt, %add3A_99, %add3A_3 : i32
        %convert_element_type3A_101 = arith.extui %lt3A_100 : i1 to i32
        %cond3A_102 = arith.constant 0 : i32
        %cond3A_103 = arith.cmpi ne, %convert_element_type3A_101, %cond3A_102 : i32
        scf.if %cond3A_103 {
          %add3A_151 = arith.constant 1 : i32
          %add3A_152 = arith.addi %add3A_97, %add3A_151 : i32
          %mul3A_153 = arith.constant 128 : i32
          %mul3A_154 = arith.muli %add3A_152, %mul3A_153 : i32
          %dma_start3A_155 = arith.constant 0 : i32
          %dma_start3A_156 = arith.constant 0 : i32
          %dma_start3A_157 = arith.constant 0 : i32
          %dma_start3A_158 = tpu.memref_slice %arg8[%dma_start3A_155, %dma_start3A_156, %dma_start3A_157] : memref<2x128x64xi32, #tpu.memory_space<vmem>> -> memref<1x128x64xi32, #tpu.memory_space<vmem>>
          %dma_start3A_159 = tpu.memref_squeeze %dma_start3A_158 : memref<1x128x64xi32, #tpu.memory_space<vmem>> -> memref<128x64xi32, #tpu.memory_space<vmem>>
          %dma_start3A_160 = tpu.memref_slice %arg6[%mul3A_154] : memref<10112xi32, #tpu.memory_space<vmem>> -> memref<128xi32, #tpu.memory_space<vmem>>
          %dma_start3A_161 = arith.constant 0 : i32
          %dma_start3A_162 = arith.constant 0 : i32
          %dma_start3A_163 = tpu.memref_slice %arg11[%dma_start3A_161, %dma_start3A_162] : memref<10000x64xi32, #tpu.memory_space<vmem_shared>> -> memref<10000x64xi32, #tpu.memory_space<vmem_shared>>
          tpu.enqueue_indirect_dma source(%dma_start3A_163 : memref<10000x64xi32, #tpu.memory_space<vmem_shared>>) target(%dma_start3A_159 : memref<128x64xi32, #tpu.memory_space<vmem>>) offsets(%dma_start3A_160 : memref<128xi32, #tpu.memory_space<vmem>>) semaphore(%arg12 : memref<!tpu.dma_semaphore, #tpu.memory_space<semaphore_mem>>)
          %dma_start3A_164 = arith.constant 0 : i32
          %dma_start3A_165 = arith.constant 0 : i32
          %dma_start3A_166 = arith.constant 0 : i32
          %dma_start3A_167 = tpu.memref_slice %arg9[%dma_start3A_164, %dma_start3A_165, %dma_start3A_166] : memref<2x128x64xi32, #tpu.memory_space<vmem>> -> memref<1x128x64xi32, #tpu.memory_space<vmem>>
          %dma_start3A_168 = tpu.memref_squeeze %dma_start3A_167 : memref<1x128x64xi32, #tpu.memory_space<vmem>> -> memref<128x64xi32, #tpu.memory_space<vmem>>
          %dma_start3A_169 = tpu.memref_slice %arg7[%mul3A_154] : memref<10112xi32, #tpu.memory_space<vmem>> -> memref<128xi32, #tpu.memory_space<vmem>>
          %dma_start3A_170 = arith.constant 0 : i32
          %dma_start3A_171 = arith.constant 0 : i32
          %dma_start3A_172 = tpu.memref_slice %arg11[%dma_start3A_170, %dma_start3A_171] : memref<10000x64xi32, #tpu.memory_space<vmem_shared>> -> memref<10000x64xi32, #tpu.memory_space<vmem_shared>>
          tpu.enqueue_indirect_dma source(%dma_start3A_172 : memref<10000x64xi32, #tpu.memory_space<vmem_shared>>) target(%dma_start3A_168 : memref<128x64xi32, #tpu.memory_space<vmem>>) offsets(%dma_start3A_169 : memref<128xi32, #tpu.memory_space<vmem>>) semaphore(%arg14 : memref<!tpu.dma_semaphore, #tpu.memory_space<semaphore_mem>>)
        } else {
        }
        %mul3A_104 = arith.constant 128 : i32
        %mul3A_105 = arith.muli %add3A_97, %mul3A_104 : i32
        %dma_wait3A_106 = arith.constant 1 : i32
        %dma_wait3A_107 = arith.constant 0 : i32
        %dma_wait3A_108 = arith.constant 0 : i32
        %dma_wait3A_109 = tpu.memref_slice %arg8[%dma_wait3A_106, %dma_wait3A_107, %dma_wait3A_108] : memref<2x128x64xi32, #tpu.memory_space<vmem>> -> memref<1x128x64xi32, #tpu.memory_space<vmem>>
        %dma_wait3A_110 = tpu.memref_squeeze %dma_wait3A_109 : memref<1x128x64xi32, #tpu.memory_space<vmem>> -> memref<128x64xi32, #tpu.memory_space<vmem>>
        %dma_wait3A_111 = tpu.memref_slice %arg6[%mul3A_105] : memref<10112xi32, #tpu.memory_space<vmem>> -> memref<128xi32, #tpu.memory_space<vmem>>
        %dma_wait3A_112 = arith.constant 0 : i32
        %dma_wait3A_113 = arith.constant 0 : i32
        %dma_wait3A_114 = tpu.memref_slice %arg11[%dma_wait3A_112, %dma_wait3A_113] : memref<10000x64xi32, #tpu.memory_space<vmem_shared>> -> memref<10000x64xi32, #tpu.memory_space<vmem_shared>>
        tpu.wait_indirect_dma semaphore(%arg13 : memref<!tpu.dma_semaphore, #tpu.memory_space<semaphore_mem>>) src(%dma_wait3A_114 : memref<10000x64xi32, #tpu.memory_space<vmem_shared>>) dst(%dma_wait3A_110 : memref<128x64xi32, #tpu.memory_space<vmem>>)
        %dma_wait3A_115 = arith.constant 1 : i32
        %dma_wait3A_116 = arith.constant 0 : i32
        %dma_wait3A_117 = arith.constant 0 : i32
        %dma_wait3A_118 = tpu.memref_slice %arg9[%dma_wait3A_115, %dma_wait3A_116, %dma_wait3A_117] : memref<2x128x64xi32, #tpu.memory_space<vmem>> -> memref<1x128x64xi32, #tpu.memory_space<vmem>>
        %dma_wait3A_119 = tpu.memref_squeeze %dma_wait3A_118 : memref<1x128x64xi32, #tpu.memory_space<vmem>> -> memref<128x64xi32, #tpu.memory_space<vmem>>
        %dma_wait3A_120 = tpu.memref_slice %arg7[%mul3A_105] : memref<10112xi32, #tpu.memory_space<vmem>> -> memref<128xi32, #tpu.memory_space<vmem>>
        %dma_wait3A_121 = arith.constant 0 : i32
        %dma_wait3A_122 = arith.constant 0 : i32
        %dma_wait3A_123 = tpu.memref_slice %arg11[%dma_wait3A_121, %dma_wait3A_122] : memref<10000x64xi32, #tpu.memory_space<vmem_shared>> -> memref<10000x64xi32, #tpu.memory_space<vmem_shared>>
        tpu.wait_indirect_dma semaphore(%arg15 : memref<!tpu.dma_semaphore, #tpu.memory_space<semaphore_mem>>) src(%dma_wait3A_123 : memref<10000x64xi32, #tpu.memory_space<vmem_shared>>) dst(%dma_wait3A_119 : memref<128x64xi32, #tpu.memory_space<vmem>>)
        %ge3A = arith.constant 2 : i32
        %ge3A_124 = arith.cmpi sge, %add3A_97, %ge3A : i32
        %convert_element_type3A_125 = arith.extui %ge3A_124 : i1 to i32
        %cond3A_126 = arith.constant 0 : i32
        %cond3A_127 = arith.cmpi ne, %convert_element_type3A_125, %cond3A_126 : i32
        scf.if %cond3A_127 {
          %dma_wait3A_151 = arith.constant 1 : i32
          %dma_wait3A_152 = arith.constant 0 : i32
          %dma_wait3A_153 = tpu.memref_slice %arg10[%dma_wait3A_151, %dma_wait3A_152] : memref<2x128xf32, #tpu.memory_space<vmem>> -> memref<1x128xf32, #tpu.memory_space<vmem>>
          %dma_wait3A_154 = tpu.memref_squeeze %dma_wait3A_153 : memref<1x128xf32, #tpu.memory_space<vmem>> -> memref<128xf32, #tpu.memory_space<vmem>>
          %dma_wait3A_155 = arith.constant 0 : i32
          %dma_wait3A_156 = tpu.memref_slice %arg5[%dma_wait3A_155] : memref<320000xf32, #tpu.memory_space<hbm>> -> memref<128xf32, #tpu.memory_space<hbm>>
          %dma_wait3A_157 = arith.constant 0 : i32
          %dma_wait3A_158 = tpu.memref_slice %arg5[%dma_wait3A_157] : memref<320000xf32, #tpu.memory_space<hbm>> -> memref<128xf32, #tpu.memory_space<hbm>>
          %dma_wait3A_159 = arith.constant 0 : i32
          %dma_wait3A_160 = tpu.memref_slice %arg10[%dma_wait3A_151, %dma_wait3A_159] : memref<2x128xf32, #tpu.memory_space<vmem>> -> memref<1x128xf32, #tpu.memory_space<vmem>>
          %dma_wait3A_161 = tpu.memref_squeeze %dma_wait3A_160 : memref<1x128xf32, #tpu.memory_space<vmem>> -> memref<128xf32, #tpu.memory_space<vmem>>
          tpu.wait_dma2 semaphore(%arg17 : memref<!tpu.dma_semaphore, #tpu.memory_space<semaphore_mem>>) src(%dma_wait3A_161 : memref<128xf32, #tpu.memory_space<vmem>>) dst(%dma_wait3A_158 : memref<128xf32, #tpu.memory_space<hbm>>)
        } else {
        }
        %scan3A_128 = arith.constant 0 : i32
        %scan3A_129 = arith.constant 0 : i32
        %scan3A_130 = arith.constant 8 : i32
        %scan3A_131 = arith.addi %scan3A_129, %scan3A_130 : i32
        %scan3A_132 = arith.constant 1 : i32
        scf.for %scan3A_151 = %scan3A_129 to %scan3A_131 step %scan3A_132  : i32 {
          %broadcast_in_dim3A = arith.constant 0.000000e+00 : f32
          %broadcast_in_dim3A_152 = vector.broadcast %broadcast_in_dim3A : f32 to vector<16xf32>
          %mul3A_153 = arith.constant 16 : i32
          %mul3A_154 = arith.muli %scan3A_151, %mul3A_153 : i32
          %add3A_155 = arith.constant 0 : i32
          %add3A_156 = arith.addi %mul3A_154, %add3A_155 : i32
          %broadcast_in_dim3A_157 = arith.constant 0.000000e+00 : f32
          %broadcast_in_dim3A_158 = vector.broadcast %broadcast_in_dim3A_157 : f32 to vector<16xf32>
          %get3A = arith.constant 1 : i32
          %get3A_159 = arith.index_cast %get3A : i32 to index
          %get3A_160 = arith.index_cast %add3A_156 : i32 to index
          %get3A_161 = arith.constant 0 : index
          %get3A_162 = tpu.vector_load %arg8[%get3A_159, %get3A_160, %get3A_161] {strides = array<i32>} : memref<2x128x64xi32, #tpu.memory_space<vmem>>, vector<16xi32>,
          %get3A_163 = arith.constant 1 : i32
          %get3A_164 = arith.index_cast %get3A_163 : i32 to index
          %get3A_165 = arith.index_cast %add3A_156 : i32 to index
          %get3A_166 = arith.constant 0 : index
          %get3A_167 = tpu.vector_load %arg9[%get3A_164, %get3A_165, %get3A_166] {strides = array<i32>} : memref<2x128x64xi32, #tpu.memory_space<vmem>>, vector<16xi32>,
          %bitcast3A = vector.bitcast %get3A_162 : vector<16xi32> to vector<32xbf16>
          %bitcast3A_168 = vector.bitcast %get3A_167 : vector<16xi32> to vector<32xbf16>
          %mul3A_169 = arith.mulf %bitcast3A, %bitcast3A_168 : vector<32xbf16>
          %unpack3A = tpu.unpack_subelements %mul3A_169, 0 {pack_format = #tpu.pack_format<interleaved>} : vector<32xbf16> -> vector<16xf32>
          %unpack3A_170 = tpu.unpack_subelements %mul3A_169, 1 {pack_format = #tpu.pack_format<interleaved>} : vector<32xbf16> -> vector<16xf32>
          %add3A_171 = arith.addf %broadcast_in_dim3A_158, %unpack3A : vector<16xf32>
          %add3A_172 = arith.addf %add3A_171, %unpack3A_170 : vector<16xf32>
          %get3A_173 = arith.constant 1 : i32
          %get3A_174 = arith.index_cast %get3A_173 : i32 to index
          %get3A_175 = arith.index_cast %add3A_156 : i32 to index
          %get3A_176 = arith.constant 16 : index
          %get3A_177 = tpu.vector_load %arg8[%get3A_174, %get3A_175, %get3A_176] {strides = array<i32>} : memref<2x128x64xi32, #tpu.memory_space<vmem>>, vector<16xi32>,
          %get3A_178 = arith.constant 1 : i32
          %get3A_179 = arith.index_cast %get3A_178 : i32 to index
          %get3A_180 = arith.index_cast %add3A_156 : i32 to index
          %get3A_181 = arith.constant 16 : index
          %get3A_182 = tpu.vector_load %arg9[%get3A_179, %get3A_180, %get3A_181] {strides = array<i32>} : memref<2x128x64xi32, #tpu.memory_space<vmem>>, vector<16xi32>,
          %bitcast3A_183 = vector.bitcast %get3A_177 : vector<16xi32> to vector<32xbf16>
          %bitcast3A_184 = vector.bitcast %get3A_182 : vector<16xi32> to vector<32xbf16>
          %mul3A_185 = arith.mulf %bitcast3A_183, %bitcast3A_184 : vector<32xbf16>
          %unpack3A_186 = tpu.unpack_subelements %mul3A_185, 0 {pack_format = #tpu.pack_format<interleaved>} : vector<32xbf16> -> vector<16xf32>
          %unpack3A_187 = tpu.unpack_subelements %mul3A_185, 1 {pack_format = #tpu.pack_format<interleaved>} : vector<32xbf16> -> vector<16xf32>
          %add3A_188 = arith.addf %add3A_172, %unpack3A_186 : vector<16xf32>
          %add3A_189 = arith.addf %add3A_188, %unpack3A_187 : vector<16xf32>
          %get3A_190 = arith.constant 1 : i32
          %get3A_191 = arith.index_cast %get3A_190 : i32 to index
          %get3A_192 = arith.index_cast %add3A_156 : i32 to index
          %get3A_193 = arith.constant 32 : index
          %get3A_194 = tpu.vector_load %arg8[%get3A_191, %get3A_192, %get3A_193] {strides = array<i32>} : memref<2x128x64xi32, #tpu.memory_space<vmem>>, vector<16xi32>,
          %get3A_195 = arith.constant 1 : i32
          %get3A_196 = arith.index_cast %get3A_195 : i32 to index
          %get3A_197 = arith.index_cast %add3A_156 : i32 to index
          %get3A_198 = arith.constant 32 : index
          %get3A_199 = tpu.vector_load %arg9[%get3A_196, %get3A_197, %get3A_198] {strides = array<i32>} : memref<2x128x64xi32, #tpu.memory_space<vmem>>, vector<16xi32>,
          %bitcast3A_200 = vector.bitcast %get3A_194 : vector<16xi32> to vector<32xbf16>
          %bitcast3A_201 = vector.bitcast %get3A_199 : vector<16xi32> to vector<32xbf16>
          %mul3A_202 = arith.mulf %bitcast3A_200, %bitcast3A_201 : vector<32xbf16>
          %unpack3A_203 = tpu.unpack_subelements %mul3A_202, 0 {pack_format = #tpu.pack_format<interleaved>} : vector<32xbf16> -> vector<16xf32>
          %unpack3A_204 = tpu.unpack_subelements %mul3A_202, 1 {pack_format = #tpu.pack_format<interleaved>} : vector<32xbf16> -> vector<16xf32>
          %add3A_205 = arith.addf %add3A_189, %unpack3A_203 : vector<16xf32>
          %add3A_206 = arith.addf %add3A_205, %unpack3A_204 : vector<16xf32>
          %get3A_207 = arith.constant 1 : i32
          %get3A_208 = arith.index_cast %get3A_207 : i32 to index
          %get3A_209 = arith.index_cast %add3A_156 : i32 to index
          %get3A_210 = arith.constant 48 : index
          %get3A_211 = tpu.vector_load %arg8[%get3A_208, %get3A_209, %get3A_210] {strides = array<i32>} : memref<2x128x64xi32, #tpu.memory_space<vmem>>, vector<16xi32>,
          %get3A_212 = arith.constant 1 : i32
          %get3A_213 = arith.index_cast %get3A_212 : i32 to index
          %get3A_214 = arith.index_cast %add3A_156 : i32 to index
          %get3A_215 = arith.constant 48 : index
          %get3A_216 = tpu.vector_load %arg9[%get3A_213, %get3A_214, %get3A_215] {strides = array<i32>} : memref<2x128x64xi32, #tpu.memory_space<vmem>>, vector<16xi32>,
          %bitcast3A_217 = vector.bitcast %get3A_211 : vector<16xi32> to vector<32xbf16>
          %bitcast3A_218 = vector.bitcast %get3A_216 : vector<16xi32> to vector<32xbf16>
          %mul3A_219 = arith.mulf %bitcast3A_217, %bitcast3A_218 : vector<32xbf16>
          %unpack3A_220 = tpu.unpack_subelements %mul3A_219, 0 {pack_format = #tpu.pack_format<interleaved>} : vector<32xbf16> -> vector<16xf32>
          %unpack3A_221 = tpu.unpack_subelements %mul3A_219, 1 {pack_format = #tpu.pack_format<interleaved>} : vector<32xbf16> -> vector<16xf32>
          %add3A_222 = arith.addf %add3A_206, %unpack3A_220 : vector<16xf32>
          %add3A_223 = arith.addf %add3A_222, %unpack3A_221 : vector<16xf32>
          %reduce_sum3A = arith.constant true
          %reduce_sum3A_224 = vector.broadcast %reduce_sum3A : i1 to vector<16xi1>
          %reduce_sum3A_225 = tpu.scan <sum>, %add3A_223 masked %reduce_sum3A_224 : vector<16xf32>, vector<16xi1> -> vector<16xf32>
          %reduce_sum3A_226 = vector.extract %reduce_sum3A_225[15] : f32 from vector<16xf32>
          %broadcast_in_dim3A_227 = vector.broadcast %reduce_sum3A_226 : f32 to vector<16xf32>
          %eq3A_228 = arith.constant 0 : i32
          %eq3A_229 = vector.broadcast %eq3A_228 : i32 to vector<16xi32>
          %eq3A_230 = arith.cmpi eq, %iota3A, %eq3A_229 : vector<16xi32>
          %select_n3A_231 = arith.select %eq3A_230, %broadcast_in_dim3A_227, %broadcast_in_dim3A_152 : vector<16xi1>, vector<16xf32>
          %mul3A_232 = arith.constant 16 : i32
          %mul3A_233 = arith.muli %scan3A_151, %mul3A_232 : i32
          %add3A_234 = arith.constant 1 : i32
          %add3A_235 = arith.addi %mul3A_233, %add3A_234 : i32
          %broadcast_in_dim3A_236 = arith.constant 0.000000e+00 : f32
          %broadcast_in_dim3A_237 = vector.broadcast %broadcast_in_dim3A_236 : f32 to vector<16xf32>
          %get3A_238 = arith.constant 1 : i32
          %get3A_239 = arith.index_cast %get3A_238 : i32 to index
          %get3A_240 = arith.index_cast %add3A_235 : i32 to index
          %get3A_241 = arith.constant 0 : index
          %get3A_242 = tpu.vector_load %arg8[%get3A_239, %get3A_240, %get3A_241] {strides = array<i32>} : memref<2x128x64xi32, #tpu.memory_space<vmem>>, vector<16xi32>,
          %get3A_243 = arith.constant 1 : i32
          %get3A_244 = arith.index_cast %get3A_243 : i32 to index
          %get3A_245 = arith.index_cast %add3A_235 : i32 to index
          %get3A_246 = arith.constant 0 : index
          %get3A_247 = tpu.vector_load %arg9[%get3A_244, %get3A_245, %get3A_246] {strides = array<i32>} : memref<2x128x64xi32, #tpu.memory_space<vmem>>, vector<16xi32>,
          %bitcast3A_248 = vector.bitcast %get3A_242 : vector<16xi32> to vector<32xbf16>
          %bitcast3A_249 = vector.bitcast %get3A_247 : vector<16xi32> to vector<32xbf16>
          %mul3A_250 = arith.mulf %bitcast3A_248, %bitcast3A_249 : vector<32xbf16>
          %unpack3A_251 = tpu.unpack_subelements %mul3A_250, 0 {pack_format = #tpu.pack_format<interleaved>} : vector<32xbf16> -> vector<16xf32>
          %unpack3A_252 = tpu.unpack_subelements %mul3A_250, 1 {pack_format = #tpu.pack_format<interleaved>} : vector<32xbf16> -> vector<16xf32>
          %add3A_253 = arith.addf %broadcast_in_dim3A_237, %unpack3A_251 : vector<16xf32>
          %add3A_254 = arith.addf %add3A_253, %unpack3A_252 : vector<16xf32>
          %get3A_255 = arith.constant 1 : i32
          %get3A_256 = arith.index_cast %get3A_255 : i32 to index
          %get3A_257 = arith.index_cast %add3A_235 : i32 to index
          %get3A_258 = arith.constant 16 : index
          %get3A_259 = tpu.vector_load %arg8[%get3A_256, %get3A_257, %get3A_258] {strides = array<i32>} : memref<2x128x64xi32, #tpu.memory_space<vmem>>, vector<16xi32>,
          %get3A_260 = arith.constant 1 : i32
          %get3A_261 = arith.index_cast %get3A_260 : i32 to index
          %get3A_262 = arith.index_cast %add3A_235 : i32 to index
          %get3A_263 = arith.constant 16 : index
          %get3A_264 = tpu.vector_load %arg9[%get3A_261, %get3A_262, %get3A_263] {strides = array<i32>} : memref<2x128x64xi32, #tpu.memory_space<vmem>>, vector<16xi32>,
          %bitcast3A_265 = vector.bitcast %get3A_259 : vector<16xi32> to vector<32xbf16>
          %bitcast3A_266 = vector.bitcast %get3A_264 : vector<16xi32> to vector<32xbf16>
          %mul3A_267 = arith.mulf %bitcast3A_265, %bitcast3A_266 : vector<32xbf16>
          %unpack3A_268 = tpu.unpack_subelements %mul3A_267, 0 {pack_format = #tpu.pack_format<interleaved>} : vector<32xbf16> -> vector<16xf32>
          %unpack3A_269 = tpu.unpack_subelements %mul3A_267, 1 {pack_format = #tpu.pack_format<interleaved>} : vector<32xbf16> -> vector<16xf32>
          %add3A_270 = arith.addf %add3A_254, %unpack3A_268 : vector<16xf32>
          %add3A_271 = arith.addf %add3A_270, %unpack3A_269 : vector<16xf32>
          %get3A_272 = arith.constant 1 : i32
          %get3A_273 = arith.index_cast %get3A_272 : i32 to index
          %get3A_274 = arith.index_cast %add3A_235 : i32 to index
          %get3A_275 = arith.constant 32 : index
          %get3A_276 = tpu.vector_load %arg8[%get3A_273, %get3A_274, %get3A_275] {strides = array<i32>} : memref<2x128x64xi32, #tpu.memory_space<vmem>>, vector<16xi32>,
          %get3A_277 = arith.constant 1 : i32
          %get3A_278 = arith.index_cast %get3A_277 : i32 to index
          %get3A_279 = arith.index_cast %add3A_235 : i32 to index
          %get3A_280 = arith.constant 32 : index
          %get3A_281 = tpu.vector_load %arg9[%get3A_278, %get3A_279, %get3A_280] {strides = array<i32>} : memref<2x128x64xi32, #tpu.memory_space<vmem>>, vector<16xi32>,
          %bitcast3A_282 = vector.bitcast %get3A_276 : vector<16xi32> to vector<32xbf16>
          %bitcast3A_283 = vector.bitcast %get3A_281 : vector<16xi32> to vector<32xbf16>
          %mul3A_284 = arith.mulf %bitcast3A_282, %bitcast3A_283 : vector<32xbf16>
          %unpack3A_285 = tpu.unpack_subelements %mul3A_284, 0 {pack_format = #tpu.pack_format<interleaved>} : vector<32xbf16> -> vector<16xf32>
          %unpack3A_286 = tpu.unpack_subelements %mul3A_284, 1 {pack_format = #tpu.pack_format<interleaved>} : vector<32xbf16> -> vector<16xf32>
          %add3A_287 = arith.addf %add3A_271, %unpack3A_285 : vector<16xf32>
          %add3A_288 = arith.addf %add3A_287, %unpack3A_286 : vector<16xf32>
          %get3A_289 = arith.constant 1 : i32
          %get3A_290 = arith.index_cast %get3A_289 : i32 to index
          %get3A_291 = arith.index_cast %add3A_235 : i32 to index
          %get3A_292 = arith.constant 48 : index
          %get3A_293 = tpu.vector_load %arg8[%get3A_290, %get3A_291, %get3A_292] {strides = array<i32>} : memref<2x128x64xi32, #tpu.memory_space<vmem>>, vector<16xi32>,
          %get3A_294 = arith.constant 1 : i32
          %get3A_295 = arith.index_cast %get3A_294 : i32 to index
          %get3A_296 = arith.index_cast %add3A_235 : i32 to index
          %get3A_297 = arith.constant 48 : index
          %get3A_298 = tpu.vector_load %arg9[%get3A_295, %get3A_296, %get3A_297] {strides = array<i32>} : memref<2x128x64xi32, #tpu.memory_space<vmem>>, vector<16xi32>,
          %bitcast3A_299 = vector.bitcast %get3A_293 : vector<16xi32> to vector<32xbf16>
          %bitcast3A_300 = vector.bitcast %get3A_298 : vector<16xi32> to vector<32xbf16>
          %mul3A_301 = arith.mulf %bitcast3A_299, %bitcast3A_300 : vector<32xbf16>
          %unpack3A_302 = tpu.unpack_subelements %mul3A_301, 0 {pack_format = #tpu.pack_format<interleaved>} : vector<32xbf16> -> vector<16xf32>
          %unpack3A_303 = tpu.unpack_subelements %mul3A_301, 1 {pack_format = #tpu.pack_format<interleaved>} : vector<32xbf16> -> vector<16xf32>
          %add3A_304 = arith.addf %add3A_288, %unpack3A_302 : vector<16xf32>
          %add3A_305 = arith.addf %add3A_304, %unpack3A_303 : vector<16xf32>
          %reduce_sum3A_306 = arith.constant true
          %reduce_sum3A_307 = vector.broadcast %reduce_sum3A_306 : i1 to vector<16xi1>
          %reduce_sum3A_308 = tpu.scan <sum>, %add3A_305 masked %reduce_sum3A_307 : vector<16xf32>, vector<16xi1> -> vector<16xf32>
          %reduce_sum3A_309 = vector.extract %reduce_sum3A_308[15] : f32 from vector<16xf32>
          %broadcast_in_dim3A_310 = vector.broadcast %reduce_sum3A_309 : f32 to vector<16xf32>
          %eq3A_311 = arith.constant 1 : i32
          %eq3A_312 = vector.broadcast %eq3A_311 : i32 to vector<16xi32>
          %eq3A_313 = arith.cmpi eq, %iota3A, %eq3A_312 : vector<16xi32>
          %select_n3A_314 = arith.select %eq3A_313, %broadcast_in_dim3A_310, %select_n3A_231 : vector<16xi1>, vector<16xf32>
          %mul3A_315 = arith.constant 16 : i32
          %mul3A_316 = arith.muli %scan3A_151, %mul3A_315 : i32
          %add3A_317 = arith.constant 2 : i32
          %add3A_318 = arith.addi %mul3A_316, %add3A_317 : i32
          %broadcast_in_dim3A_319 = arith.constant 0.000000e+00 : f32
          %broadcast_in_dim3A_320 = vector.broadcast %broadcast_in_dim3A_319 : f32 to vector<16xf32>
          %get3A_321 = arith.constant 1 : i32
          %get3A_322 = arith.index_cast %get3A_321 : i32 to index
          %get3A_323 = arith.index_cast %add3A_318 : i32 to index
          %get3A_324 = arith.constant 0 : index
          %get3A_325 = tpu.vector_load %arg8[%get3A_322, %get3A_323, %get3A_324] {strides = array<i32>} : memref<2x128x64xi32, #tpu.memory_space<vmem>>, vector<16xi32>,
          %get3A_326 = arith.constant 1 : i32
          %get3A_327 = arith.index_cast %get3A_326 : i32 to index
          %get3A_328 = arith.index_cast %add3A_318 : i32 to index
          %get3A_329 = arith.constant 0 : index
          %get3A_330 = tpu.vector_load %arg9[%get3A_327, %get3A_328, %get3A_329] {strides = array<i32>} : memref<2x128x64xi32, #tpu.memory_space<vmem>>, vector<16xi32>,
          %bitcast3A_331 = vector.bitcast %get3A_325 : vector<16xi32> to vector<32xbf16>
          %bitcast3A_332 = vector.bitcast %get3A_330 : vector<16xi32> to vector<32xbf16>
          %mul3A_333 = arith.mulf %bitcast3A_331, %bitcast3A_332 : vector<32xbf16>
          %unpack3A_334 = tpu.unpack_subelements %mul3A_333, 0 {pack_format = #tpu.pack_format<interleaved>} : vector<32xbf16> -> vector<16xf32>
          %unpack3A_335 = tpu.unpack_subelements %mul3A_333, 1 {pack_format = #tpu.pack_format<interleaved>} : vector<32xbf16> -> vector<16xf32>
          %add3A_336 = arith.addf %broadcast_in_dim3A_320, %unpack3A_334 : vector<16xf32>
          %add3A_337 = arith.addf %add3A_336, %unpack3A_335 : vector<16xf32>
          %get3A_338 = arith.constant 1 : i32
          %get3A_339 = arith.index_cast %get3A_338 : i32 to index
          %get3A_340 = arith.index_cast %add3A_318 : i32 to index
          %get3A_341 = arith.constant 16 : index
          %get3A_342 = tpu.vector_load %arg8[%get3A_339, %get3A_340, %get3A_341] {strides = array<i32>} : memref<2x128x64xi32, #tpu.memory_space<vmem>>, vector<16xi32>,
          %get3A_343 = arith.constant 1 : i32
          %get3A_344 = arith.index_cast %get3A_343 : i32 to index
          %get3A_345 = arith.index_cast %add3A_318 : i32 to index
          %get3A_346 = arith.constant 16 : index
          %get3A_347 = tpu.vector_load %arg9[%get3A_344, %get3A_345, %get3A_346] {strides = array<i32>} : memref<2x128x64xi32, #tpu.memory_space<vmem>>, vector<16xi32>,
          %bitcast3A_348 = vector.bitcast %get3A_342 : vector<16xi32> to vector<32xbf16>
          %bitcast3A_349 = vector.bitcast %get3A_347 : vector<16xi32> to vector<32xbf16>
          %mul3A_350 = arith.mulf %bitcast3A_348, %bitcast3A_349 : vector<32xbf16>
          %unpack3A_351 = tpu.unpack_subelements %mul3A_350, 0 {pack_format = #tpu.pack_format<interleaved>} : vector<32xbf16> -> vector<16xf32>
          %unpack3A_352 = tpu.unpack_subelements %mul3A_350, 1 {pack_format = #tpu.pack_format<interleaved>} : vector<32xbf16> -> vector<16xf32>
          %add3A_353 = arith.addf %add3A_337, %unpack3A_351 : vector<16xf32>
          %add3A_354 = arith.addf %add3A_353, %unpack3A_352 : vector<16xf32>
          %get3A_355 = arith.constant 1 : i32
          %get3A_356 = arith.index_cast %get3A_355 : i32 to index
          %get3A_357 = arith.index_cast %add3A_318 : i32 to index
          %get3A_358 = arith.constant 32 : index
          %get3A_359 = tpu.vector_load %arg8[%get3A_356, %get3A_357, %get3A_358] {strides = array<i32>} : memref<2x128x64xi32, #tpu.memory_space<vmem>>, vector<16xi32>,
          %get3A_360 = arith.constant 1 : i32
          %get3A_361 = arith.index_cast %get3A_360 : i32 to index
          %get3A_362 = arith.index_cast %add3A_318 : i32 to index
          %get3A_363 = arith.constant 32 : index
          %get3A_364 = tpu.vector_load %arg9[%get3A_361, %get3A_362, %get3A_363] {strides = array<i32>} : memref<2x128x64xi32, #tpu.memory_space<vmem>>, vector<16xi32>,
          %bitcast3A_365 = vector.bitcast %get3A_359 : vector<16xi32> to vector<32xbf16>
          %bitcast3A_366 = vector.bitcast %get3A_364 : vector<16xi32> to vector<32xbf16>
          %mul3A_367 = arith.mulf %bitcast3A_365, %bitcast3A_366 : vector<32xbf16>
          %unpack3A_368 = tpu.unpack_subelements %mul3A_367, 0 {pack_format = #tpu.pack_format<interleaved>} : vector<32xbf16> -> vector<16xf32>
          %unpack3A_369 = tpu.unpack_subelements %mul3A_367, 1 {pack_format = #tpu.pack_format<interleaved>} : vector<32xbf16> -> vector<16xf32>
          %add3A_370 = arith.addf %add3A_354, %unpack3A_368 : vector<16xf32>
          %add3A_371 = arith.addf %add3A_370, %unpack3A_369 : vector<16xf32>
          %get3A_372 = arith.constant 1 : i32
          %get3A_373 = arith.index_cast %get3A_372 : i32 to index
          %get3A_374 = arith.index_cast %add3A_318 : i32 to index
          %get3A_375 = arith.constant 48 : index
          %get3A_376 = tpu.vector_load %arg8[%get3A_373, %get3A_374, %get3A_375] {strides = array<i32>} : memref<2x128x64xi32, #tpu.memory_space<vmem>>, vector<16xi32>,
          %get3A_377 = arith.constant 1 : i32
          %get3A_378 = arith.index_cast %get3A_377 : i32 to index
          %get3A_379 = arith.index_cast %add3A_318 : i32 to index
          %get3A_380 = arith.constant 48 : index
          %get3A_381 = tpu.vector_load %arg9[%get3A_378, %get3A_379, %get3A_380] {strides = array<i32>} : memref<2x128x64xi32, #tpu.memory_space<vmem>>, vector<16xi32>,
          %bitcast3A_382 = vector.bitcast %get3A_376 : vector<16xi32> to vector<32xbf16>
          %bitcast3A_383 = vector.bitcast %get3A_381 : vector<16xi32> to vector<32xbf16>
          %mul3A_384 = arith.mulf %bitcast3A_382, %bitcast3A_383 : vector<32xbf16>
          %unpack3A_385 = tpu.unpack_subelements %mul3A_384, 0 {pack_format = #tpu.pack_format<interleaved>} : vector<32xbf16> -> vector<16xf32>
          %unpack3A_386 = tpu.unpack_subelements %mul3A_384, 1 {pack_format = #tpu.pack_format<interleaved>} : vector<32xbf16> -> vector<16xf32>
          %add3A_387 = arith.addf %add3A_371, %unpack3A_385 : vector<16xf32>
          %add3A_388 = arith.addf %add3A_387, %unpack3A_386 : vector<16xf32>
          %reduce_sum3A_389 = arith.constant true
          %reduce_sum3A_390 = vector.broadcast %reduce_sum3A_389 : i1 to vector<16xi1>
          %reduce_sum3A_391 = tpu.scan <sum>, %add3A_388 masked %reduce_sum3A_390 : vector<16xf32>, vector<16xi1> -> vector<16xf32>
          %reduce_sum3A_392 = vector.extract %reduce_sum3A_391[15] : f32 from vector<16xf32>
          %broadcast_in_dim3A_393 = vector.broadcast %reduce_sum3A_392 : f32 to vector<16xf32>
          %eq3A_394 = arith.constant 2 : i32
          %eq3A_395 = vector.broadcast %eq3A_394 : i32 to vector<16xi32>
          %eq3A_396 = arith.cmpi eq, %iota3A, %eq3A_395 : vector<16xi32>
          %select_n3A_397 = arith.select %eq3A_396, %broadcast_in_dim3A_393, %select_n3A_314 : vector<16xi1>, vector<16xf32>
          %mul3A_398 = arith.constant 16 : i32
          %mul3A_399 = arith.muli %scan3A_151, %mul3A_398 : i32
          %add3A_400 = arith.constant 3 : i32
          %add3A_401 = arith.addi %mul3A_399, %add3A_400 : i32
          %broadcast_in_dim3A_402 = arith.constant 0.000000e+00 : f32
          %broadcast_in_dim3A_403 = vector.broadcast %broadcast_in_dim3A_402 : f32 to vector<16xf32>
          %get3A_404 = arith.constant 1 : i32
          %get3A_405 = arith.index_cast %get3A_404 : i32 to index
          %get3A_406 = arith.index_cast %add3A_401 : i32 to index
          %get3A_407 = arith.constant 0 : index
          %get3A_408 = tpu.vector_load %arg8[%get3A_405, %get3A_406, %get3A_407] {strides = array<i32>} : memref<2x128x64xi32, #tpu.memory_space<vmem>>, vector<16xi32>,
          %get3A_409 = arith.constant 1 : i32
          %get3A_410 = arith.index_cast %get3A_409 : i32 to index
          %get3A_411 = arith.index_cast %add3A_401 : i32 to index
          %get3A_412 = arith.constant 0 : index
          %get3A_413 = tpu.vector_load %arg9[%get3A_410, %get3A_411, %get3A_412] {strides = array<i32>} : memref<2x128x64xi32, #tpu.memory_space<vmem>>, vector<16xi32>,
          %bitcast3A_414 = vector.bitcast %get3A_408 : vector<16xi32> to vector<32xbf16>
          %bitcast3A_415 = vector.bitcast %get3A_413 : vector<16xi32> to vector<32xbf16>
          %mul3A_416 = arith.mulf %bitcast3A_414, %bitcast3A_415 : vector<32xbf16>
          %unpack3A_417 = tpu.unpack_subelements %mul3A_416, 0 {pack_format = #tpu.pack_format<interleaved>} : vector<32xbf16> -> vector<16xf32>
          %unpack3A_418 = tpu.unpack_subelements %mul3A_416, 1 {pack_format = #tpu.pack_format<interleaved>} : vector<32xbf16> -> vector<16xf32>
          %add3A_419 = arith.addf %broadcast_in_dim3A_403, %unpack3A_417 : vector<16xf32>
          %add3A_420 = arith.addf %add3A_419, %unpack3A_418 : vector<16xf32>
          %get3A_421 = arith.constant 1 : i32
          %get3A_422 = arith.index_cast %get3A_421 : i32 to index
          %get3A_423 = arith.index_cast %add3A_401 : i32 to index
          %get3A_424 = arith.constant 16 : index
          %get3A_425 = tpu.vector_load %arg8[%get3A_422, %get3A_423, %get3A_424] {strides = array<i32>} : memref<2x128x64xi32, #tpu.memory_space<vmem>>, vector<16xi32>,
          %get3A_426 = arith.constant 1 : i32
          %get3A_427 = arith.index_cast %get3A_426 : i32 to index
          %get3A_428 = arith.index_cast %add3A_401 : i32 to index
          %get3A_429 = arith.constant 16 : index
          %get3A_430 = tpu.vector_load %arg9[%get3A_427, %get3A_428, %get3A_429] {strides = array<i32>} : memref<2x128x64xi32, #tpu.memory_space<vmem>>, vector<16xi32>,
          %bitcast3A_431 = vector.bitcast %get3A_425 : vector<16xi32> to vector<32xbf16>
          %bitcast3A_432 = vector.bitcast %get3A_430 : vector<16xi32> to vector<32xbf16>
          %mul3A_433 = arith.mulf %bitcast3A_431, %bitcast3A_432 : vector<32xbf16>
          %unpack3A_434 = tpu.unpack_subelements %mul3A_433, 0 {pack_format = #tpu.pack_format<interleaved>} : vector<32xbf16> -> vector<16xf32>
          %unpack3A_435 = tpu.unpack_subelements %mul3A_433, 1 {pack_format = #tpu.pack_format<interleaved>} : vector<32xbf16> -> vector<16xf32>
          %add3A_436 = arith.addf %add3A_420, %unpack3A_434 : vector<16xf32>
          %add3A_437 = arith.addf %add3A_436, %unpack3A_435 : vector<16xf32>
          %get3A_438 = arith.constant 1 : i32
          %get3A_439 = arith.index_cast %get3A_438 : i32 to index
          %get3A_440 = arith.index_cast %add3A_401 : i32 to index
          %get3A_441 = arith.constant 32 : index
          %get3A_442 = tpu.vector_load %arg8[%get3A_439, %get3A_440, %get3A_441] {strides = array<i32>} : memref<2x128x64xi32, #tpu.memory_space<vmem>>, vector<16xi32>,
          %get3A_443 = arith.constant 1 : i32
          %get3A_444 = arith.index_cast %get3A_443 : i32 to index
          %get3A_445 = arith.index_cast %add3A_401 : i32 to index
          %get3A_446 = arith.constant 32 : index
          %get3A_447 = tpu.vector_load %arg9[%get3A_444, %get3A_445, %get3A_446] {strides = array<i32>} : memref<2x128x64xi32, #tpu.memory_space<vmem>>, vector<16xi32>,
          %bitcast3A_448 = vector.bitcast %get3A_442 : vector<16xi32> to vector<32xbf16>
          %bitcast3A_449 = vector.bitcast %get3A_447 : vector<16xi32> to vector<32xbf16>
          %mul3A_450 = arith.mulf %bitcast3A_448, %bitcast3A_449 : vector<32xbf16>
          %unpack3A_451 = tpu.unpack_subelements %mul3A_450, 0 {pack_format = #tpu.pack_format<interleaved>} : vector<32xbf16> -> vector<16xf32>
          %unpack3A_452 = tpu.unpack_subelements %mul3A_450, 1 {pack_format = #tpu.pack_format<interleaved>} : vector<32xbf16> -> vector<16xf32>
          %add3A_453 = arith.addf %add3A_437, %unpack3A_451 : vector<16xf32>
          %add3A_454 = arith.addf %add3A_453, %unpack3A_452 : vector<16xf32>
          %get3A_455 = arith.constant 1 : i32
          %get3A_456 = arith.index_cast %get3A_455 : i32 to index
          %get3A_457 = arith.index_cast %add3A_401 : i32 to index
          %get3A_458 = arith.constant 48 : index
          %get3A_459 = tpu.vector_load %arg8[%get3A_456, %get3A_457, %get3A_458] {strides = array<i32>} : memref<2x128x64xi32, #tpu.memory_space<vmem>>, vector<16xi32>,
          %get3A_460 = arith.constant 1 : i32
          %get3A_461 = arith.index_cast %get3A_460 : i32 to index
          %get3A_462 = arith.index_cast %add3A_401 : i32 to index
          %get3A_463 = arith.constant 48 : index
          %get3A_464 = tpu.vector_load %arg9[%get3A_461, %get3A_462, %get3A_463] {strides = array<i32>} : memref<2x128x64xi32, #tpu.memory_space<vmem>>, vector<16xi32>,
          %bitcast3A_465 = vector.bitcast %get3A_459 : vector<16xi32> to vector<32xbf16>
          %bitcast3A_466 = vector.bitcast %get3A_464 : vector<16xi32> to vector<32xbf16>
          %mul3A_467 = arith.mulf %bitcast3A_465, %bitcast3A_466 : vector<32xbf16>
          %unpack3A_468 = tpu.unpack_subelements %mul3A_467, 0 {pack_format = #tpu.pack_format<interleaved>} : vector<32xbf16> -> vector<16xf32>
          %unpack3A_469 = tpu.unpack_subelements %mul3A_467, 1 {pack_format = #tpu.pack_format<interleaved>} : vector<32xbf16> -> vector<16xf32>
          %add3A_470 = arith.addf %add3A_454, %unpack3A_468 : vector<16xf32>
          %add3A_471 = arith.addf %add3A_470, %unpack3A_469 : vector<16xf32>
          %reduce_sum3A_472 = arith.constant true
          %reduce_sum3A_473 = vector.broadcast %reduce_sum3A_472 : i1 to vector<16xi1>
          %reduce_sum3A_474 = tpu.scan <sum>, %add3A_471 masked %reduce_sum3A_473 : vector<16xf32>, vector<16xi1> -> vector<16xf32>
          %reduce_sum3A_475 = vector.extract %reduce_sum3A_474[15] : f32 from vector<16xf32>
          %broadcast_in_dim3A_476 = vector.broadcast %reduce_sum3A_475 : f32 to vector<16xf32>
          %eq3A_477 = arith.constant 3 : i32
          %eq3A_478 = vector.broadcast %eq3A_477 : i32 to vector<16xi32>
          %eq3A_479 = arith.cmpi eq, %iota3A, %eq3A_478 : vector<16xi32>
          %select_n3A_480 = arith.select %eq3A_479, %broadcast_in_dim3A_476, %select_n3A_397 : vector<16xi1>, vector<16xf32>
          %mul3A_481 = arith.constant 16 : i32
          %mul3A_482 = arith.muli %scan3A_151, %mul3A_481 : i32
          %add3A_483 = arith.constant 4 : i32
          %add3A_484 = arith.addi %mul3A_482, %add3A_483 : i32
          %broadcast_in_dim3A_485 = arith.constant 0.000000e+00 : f32
          %broadcast_in_dim3A_486 = vector.broadcast %broadcast_in_dim3A_485 : f32 to vector<16xf32>
          %get3A_487 = arith.constant 1 : i32
          %get3A_488 = arith.index_cast %get3A_487 : i32 to index
          %get3A_489 = arith.index_cast %add3A_484 : i32 to index
          %get3A_490 = arith.constant 0 : index
          %get3A_491 = tpu.vector_load %arg8[%get3A_488, %get3A_489, %get3A_490] {strides = array<i32>} : memref<2x128x64xi32, #tpu.memory_space<vmem>>, vector<16xi32>,
          %get3A_492 = arith.constant 1 : i32
          %get3A_493 = arith.index_cast %get3A_492 : i32 to index
          %get3A_494 = arith.index_cast %add3A_484 : i32 to index
          %get3A_495 = arith.constant 0 : index
          %get3A_496 = tpu.vector_load %arg9[%get3A_493, %get3A_494, %get3A_495] {strides = array<i32>} : memref<2x128x64xi32, #tpu.memory_space<vmem>>, vector<16xi32>,
          %bitcast3A_497 = vector.bitcast %get3A_491 : vector<16xi32> to vector<32xbf16>
          %bitcast3A_498 = vector.bitcast %get3A_496 : vector<16xi32> to vector<32xbf16>
          %mul3A_499 = arith.mulf %bitcast3A_497, %bitcast3A_498 : vector<32xbf16>
          %unpack3A_500 = tpu.unpack_subelements %mul3A_499, 0 {pack_format = #tpu.pack_format<interleaved>} : vector<32xbf16> -> vector<16xf32>
          %unpack3A_501 = tpu.unpack_subelements %mul3A_499, 1 {pack_format = #tpu.pack_format<interleaved>} : vector<32xbf16> -> vector<16xf32>
          %add3A_502 = arith.addf %broadcast_in_dim3A_486, %unpack3A_500 : vector<16xf32>
          %add3A_503 = arith.addf %add3A_502, %unpack3A_501 : vector<16xf32>
          %get3A_504 = arith.constant 1 : i32
          %get3A_505 = arith.index_cast %get3A_504 : i32 to index
          %get3A_506 = arith.index_cast %add3A_484 : i32 to index
          %get3A_507 = arith.constant 16 : index
          %get3A_508 = tpu.vector_load %arg8[%get3A_505, %get3A_506, %get3A_507] {strides = array<i32>} : memref<2x128x64xi32, #tpu.memory_space<vmem>>, vector<16xi32>,
          %get3A_509 = arith.constant 1 : i32
          %get3A_510 = arith.index_cast %get3A_509 : i32 to index
          %get3A_511 = arith.index_cast %add3A_484 : i32 to index
          %get3A_512 = arith.constant 16 : index
          %get3A_513 = tpu.vector_load %arg9[%get3A_510, %get3A_511, %get3A_512] {strides = array<i32>} : memref<2x128x64xi32, #tpu.memory_space<vmem>>, vector<16xi32>,
          %bitcast3A_514 = vector.bitcast %get3A_508 : vector<16xi32> to vector<32xbf16>
          %bitcast3A_515 = vector.bitcast %get3A_513 : vector<16xi32> to vector<32xbf16>
          %mul3A_516 = arith.mulf %bitcast3A_514, %bitcast3A_515 : vector<32xbf16>
          %unpack3A_517 = tpu.unpack_subelements %mul3A_516, 0 {pack_format = #tpu.pack_format<interleaved>} : vector<32xbf16> -> vector<16xf32>
          %unpack3A_518 = tpu.unpack_subelements %mul3A_516, 1 {pack_format = #tpu.pack_format<interleaved>} : vector<32xbf16> -> vector<16xf32>
          %add3A_519 = arith.addf %add3A_503, %unpack3A_517 : vector<16xf32>
          %add3A_520 = arith.addf %add3A_519, %unpack3A_518 : vector<16xf32>
          %get3A_521 = arith.constant 1 : i32
          %get3A_522 = arith.index_cast %get3A_521 : i32 to index
          %get3A_523 = arith.index_cast %add3A_484 : i32 to index
          %get3A_524 = arith.constant 32 : index
          %get3A_525 = tpu.vector_load %arg8[%get3A_522, %get3A_523, %get3A_524] {strides = array<i32>} : memref<2x128x64xi32, #tpu.memory_space<vmem>>, vector<16xi32>,
          %get3A_526 = arith.constant 1 : i32
          %get3A_527 = arith.index_cast %get3A_526 : i32 to index
          %get3A_528 = arith.index_cast %add3A_484 : i32 to index
          %get3A_529 = arith.constant 32 : index
          %get3A_530 = tpu.vector_load %arg9[%get3A_527, %get3A_528, %get3A_529] {strides = array<i32>} : memref<2x128x64xi32, #tpu.memory_space<vmem>>, vector<16xi32>,
          %bitcast3A_531 = vector.bitcast %get3A_525 : vector<16xi32> to vector<32xbf16>
          %bitcast3A_532 = vector.bitcast %get3A_530 : vector<16xi32> to vector<32xbf16>
          %mul3A_533 = arith.mulf %bitcast3A_531, %bitcast3A_532 : vector<32xbf16>
          %unpack3A_534 = tpu.unpack_subelements %mul3A_533, 0 {pack_format = #tpu.pack_format<interleaved>} : vector<32xbf16> -> vector<16xf32>
          %unpack3A_535 = tpu.unpack_subelements %mul3A_533, 1 {pack_format = #tpu.pack_format<interleaved>} : vector<32xbf16> -> vector<16xf32>
          %add3A_536 = arith.addf %add3A_520, %unpack3A_534 : vector<16xf32>
          %add3A_537 = arith.addf %add3A_536, %unpack3A_535 : vector<16xf32>
          %get3A_538 = arith.constant 1 : i32
          %get3A_539 = arith.index_cast %get3A_538 : i32 to index
          %get3A_540 = arith.index_cast %add3A_484 : i32 to index
          %get3A_541 = arith.constant 48 : index
          %get3A_542 = tpu.vector_load %arg8[%get3A_539, %get3A_540, %get3A_541] {strides = array<i32>} : memref<2x128x64xi32, #tpu.memory_space<vmem>>, vector<16xi32>,
          %get3A_543 = arith.constant 1 : i32
          %get3A_544 = arith.index_cast %get3A_543 : i32 to index
          %get3A_545 = arith.index_cast %add3A_484 : i32 to index
          %get3A_546 = arith.constant 48 : index
          %get3A_547 = tpu.vector_load %arg9[%get3A_544, %get3A_545, %get3A_546] {strides = array<i32>} : memref<2x128x64xi32, #tpu.memory_space<vmem>>, vector<16xi32>,
          %bitcast3A_548 = vector.bitcast %get3A_542 : vector<16xi32> to vector<32xbf16>
          %bitcast3A_549 = vector.bitcast %get3A_547 : vector<16xi32> to vector<32xbf16>
          %mul3A_550 = arith.mulf %bitcast3A_548, %bitcast3A_549 : vector<32xbf16>
          %unpack3A_551 = tpu.unpack_subelements %mul3A_550, 0 {pack_format = #tpu.pack_format<interleaved>} : vector<32xbf16> -> vector<16xf32>
          %unpack3A_552 = tpu.unpack_subelements %mul3A_550, 1 {pack_format = #tpu.pack_format<interleaved>} : vector<32xbf16> -> vector<16xf32>
          %add3A_553 = arith.addf %add3A_537, %unpack3A_551 : vector<16xf32>
          %add3A_554 = arith.addf %add3A_553, %unpack3A_552 : vector<16xf32>
          %reduce_sum3A_555 = arith.constant true
          %reduce_sum3A_556 = vector.broadcast %reduce_sum3A_555 : i1 to vector<16xi1>
          %reduce_sum3A_557 = tpu.scan <sum>, %add3A_554 masked %reduce_sum3A_556 : vector<16xf32>, vector<16xi1> -> vector<16xf32>
          %reduce_sum3A_558 = vector.extract %reduce_sum3A_557[15] : f32 from vector<16xf32>
          %broadcast_in_dim3A_559 = vector.broadcast %reduce_sum3A_558 : f32 to vector<16xf32>
          %eq3A_560 = arith.constant 4 : i32
          %eq3A_561 = vector.broadcast %eq3A_560 : i32 to vector<16xi32>
          %eq3A_562 = arith.cmpi eq, %iota3A, %eq3A_561 : vector<16xi32>
          %select_n3A_563 = arith.select %eq3A_562, %broadcast_in_dim3A_559, %select_n3A_480 : vector<16xi1>, vector<16xf32>
          %mul3A_564 = arith.constant 16 : i32
          %mul3A_565 = arith.muli %scan3A_151, %mul3A_564 : i32
          %add3A_566 = arith.constant 5 : i32
          %add3A_567 = arith.addi %mul3A_565, %add3A_566 : i32
          %broadcast_in_dim3A_568 = arith.constant 0.000000e+00 : f32
          %broadcast_in_dim3A_569 = vector.broadcast %broadcast_in_dim3A_568 : f32 to vector<16xf32>
          %get3A_570 = arith.constant 1 : i32
          %get3A_571 = arith.index_cast %get3A_570 : i32 to index
          %get3A_572 = arith.index_cast %add3A_567 : i32 to index
          %get3A_573 = arith.constant 0 : index
          %get3A_574 = tpu.vector_load %arg8[%get3A_571, %get3A_572, %get3A_573] {strides = array<i32>} : memref<2x128x64xi32, #tpu.memory_space<vmem>>, vector<16xi32>,
          %get3A_575 = arith.constant 1 : i32
          %get3A_576 = arith.index_cast %get3A_575 : i32 to index
          %get3A_577 = arith.index_cast %add3A_567 : i32 to index
          %get3A_578 = arith.constant 0 : index
          %get3A_579 = tpu.vector_load %arg9[%get3A_576, %get3A_577, %get3A_578] {strides = array<i32>} : memref<2x128x64xi32, #tpu.memory_space<vmem>>, vector<16xi32>,
          %bitcast3A_580 = vector.bitcast %get3A_574 : vector<16xi32> to vector<32xbf16>
          %bitcast3A_581 = vector.bitcast %get3A_579 : vector<16xi32> to vector<32xbf16>
          %mul3A_582 = arith.mulf %bitcast3A_580, %bitcast3A_581 : vector<32xbf16>
          %unpack3A_583 = tpu.unpack_subelements %mul3A_582, 0 {pack_format = #tpu.pack_format<interleaved>} : vector<32xbf16> -> vector<16xf32>
          %unpack3A_584 = tpu.unpack_subelements %mul3A_582, 1 {pack_format = #tpu.pack_format<interleaved>} : vector<32xbf16> -> vector<16xf32>
          %add3A_585 = arith.addf %broadcast_in_dim3A_569, %unpack3A_583 : vector<16xf32>
          %add3A_586 = arith.addf %add3A_585, %unpack3A_584 : vector<16xf32>
          %get3A_587 = arith.constant 1 : i32
          %get3A_588 = arith.index_cast %get3A_587 : i32 to index
          %get3A_589 = arith.index_cast %add3A_567 : i32 to index
          %get3A_590 = arith.constant 16 : index
          %get3A_591 = tpu.vector_load %arg8[%get3A_588, %get3A_589, %get3A_590] {strides = array<i32>} : memref<2x128x64xi32, #tpu.memory_space<vmem>>, vector<16xi32>,
          %get3A_592 = arith.constant 1 : i32
          %get3A_593 = arith.index_cast %get3A_592 : i32 to index
          %get3A_594 = arith.index_cast %add3A_567 : i32 to index
          %get3A_595 = arith.constant 16 : index
          %get3A_596 = tpu.vector_load %arg9[%get3A_593, %get3A_594, %get3A_595] {strides = array<i32>} : memref<2x128x64xi32, #tpu.memory_space<vmem>>, vector<16xi32>,
          %bitcast3A_597 = vector.bitcast %get3A_591 : vector<16xi32> to vector<32xbf16>
          %bitcast3A_598 = vector.bitcast %get3A_596 : vector<16xi32> to vector<32xbf16>
          %mul3A_599 = arith.mulf %bitcast3A_597, %bitcast3A_598 : vector<32xbf16>
          %unpack3A_600 = tpu.unpack_subelements %mul3A_599, 0 {pack_format = #tpu.pack_format<interleaved>} : vector<32xbf16> -> vector<16xf32>
          %unpack3A_601 = tpu.unpack_subelements %mul3A_599, 1 {pack_format = #tpu.pack_format<interleaved>} : vector<32xbf16> -> vector<16xf32>
          %add3A_602 = arith.addf %add3A_586, %unpack3A_600 : vector<16xf32>
          %add3A_603 = arith.addf %add3A_602, %unpack3A_601 : vector<16xf32>
          %get3A_604 = arith.constant 1 : i32
          %get3A_605 = arith.index_cast %get3A_604 : i32 to index
          %get3A_606 = arith.index_cast %add3A_567 : i32 to index
          %get3A_607 = arith.constant 32 : index
          %get3A_608 = tpu.vector_load %arg8[%get3A_605, %get3A_606, %get3A_607] {strides = array<i32>} : memref<2x128x64xi32, #tpu.memory_space<vmem>>, vector<16xi32>,
          %get3A_609 = arith.constant 1 : i32
          %get3A_610 = arith.index_cast %get3A_609 : i32 to index
          %get3A_611 = arith.index_cast %add3A_567 : i32 to index
          %get3A_612 = arith.constant 32 : index
          %get3A_613 = tpu.vector_load %arg9[%get3A_610, %get3A_611, %get3A_612] {strides = array<i32>} : memref<2x128x64xi32, #tpu.memory_space<vmem>>, vector<16xi32>,
          %bitcast3A_614 = vector.bitcast %get3A_608 : vector<16xi32> to vector<32xbf16>
          %bitcast3A_615 = vector.bitcast %get3A_613 : vector<16xi32> to vector<32xbf16>
          %mul3A_616 = arith.mulf %bitcast3A_614, %bitcast3A_615 : vector<32xbf16>
          %unpack3A_617 = tpu.unpack_subelements %mul3A_616, 0 {pack_format = #tpu.pack_format<interleaved>} : vector<32xbf16> -> vector<16xf32>
          %unpack3A_618 = tpu.unpack_subelements %mul3A_616, 1 {pack_format = #tpu.pack_format<interleaved>} : vector<32xbf16> -> vector<16xf32>
          %add3A_619 = arith.addf %add3A_603, %unpack3A_617 : vector<16xf32>
          %add3A_620 = arith.addf %add3A_619, %unpack3A_618 : vector<16xf32>
          %get3A_621 = arith.constant 1 : i32
          %get3A_622 = arith.index_cast %get3A_621 : i32 to index
          %get3A_623 = arith.index_cast %add3A_567 : i32 to index
          %get3A_624 = arith.constant 48 : index
          %get3A_625 = tpu.vector_load %arg8[%get3A_622, %get3A_623, %get3A_624] {strides = array<i32>} : memref<2x128x64xi32, #tpu.memory_space<vmem>>, vector<16xi32>,
          %get3A_626 = arith.constant 1 : i32
          %get3A_627 = arith.index_cast %get3A_626 : i32 to index
          %get3A_628 = arith.index_cast %add3A_567 : i32 to index
          %get3A_629 = arith.constant 48 : index
          %get3A_630 = tpu.vector_load %arg9[%get3A_627, %get3A_628, %get3A_629] {strides = array<i32>} : memref<2x128x64xi32, #tpu.memory_space<vmem>>, vector<16xi32>,
          %bitcast3A_631 = vector.bitcast %get3A_625 : vector<16xi32> to vector<32xbf16>
          %bitcast3A_632 = vector.bitcast %get3A_630 : vector<16xi32> to vector<32xbf16>
          %mul3A_633 = arith.mulf %bitcast3A_631, %bitcast3A_632 : vector<32xbf16>
          %unpack3A_634 = tpu.unpack_subelements %mul3A_633, 0 {pack_format = #tpu.pack_format<interleaved>} : vector<32xbf16> -> vector<16xf32>
          %unpack3A_635 = tpu.unpack_subelements %mul3A_633, 1 {pack_format = #tpu.pack_format<interleaved>} : vector<32xbf16> -> vector<16xf32>
          %add3A_636 = arith.addf %add3A_620, %unpack3A_634 : vector<16xf32>
          %add3A_637 = arith.addf %add3A_636, %unpack3A_635 : vector<16xf32>
          %reduce_sum3A_638 = arith.constant true
          %reduce_sum3A_639 = vector.broadcast %reduce_sum3A_638 : i1 to vector<16xi1>
          %reduce_sum3A_640 = tpu.scan <sum>, %add3A_637 masked %reduce_sum3A_639 : vector<16xf32>, vector<16xi1> -> vector<16xf32>
          %reduce_sum3A_641 = vector.extract %reduce_sum3A_640[15] : f32 from vector<16xf32>
          %broadcast_in_dim3A_642 = vector.broadcast %reduce_sum3A_641 : f32 to vector<16xf32>
          %eq3A_643 = arith.constant 5 : i32
          %eq3A_644 = vector.broadcast %eq3A_643 : i32 to vector<16xi32>
          %eq3A_645 = arith.cmpi eq, %iota3A, %eq3A_644 : vector<16xi32>
          %select_n3A_646 = arith.select %eq3A_645, %broadcast_in_dim3A_642, %select_n3A_563 : vector<16xi1>, vector<16xf32>
          %mul3A_647 = arith.constant 16 : i32
          %mul3A_648 = arith.muli %scan3A_151, %mul3A_647 : i32
          %add3A_649 = arith.constant 6 : i32
          %add3A_650 = arith.addi %mul3A_648, %add3A_649 : i32
          %broadcast_in_dim3A_651 = arith.constant 0.000000e+00 : f32
          %broadcast_in_dim3A_652 = vector.broadcast %broadcast_in_dim3A_651 : f32 to vector<16xf32>
          %get3A_653 = arith.constant 1 : i32
          %get3A_654 = arith.index_cast %get3A_653 : i32 to index
          %get3A_655 = arith.index_cast %add3A_650 : i32 to index
          %get3A_656 = arith.constant 0 : index
          %get3A_657 = tpu.vector_load %arg8[%get3A_654, %get3A_655, %get3A_656] {strides = array<i32>} : memref<2x128x64xi32, #tpu.memory_space<vmem>>, vector<16xi32>,
          %get3A_658 = arith.constant 1 : i32
          %get3A_659 = arith.index_cast %get3A_658 : i32 to index
          %get3A_660 = arith.index_cast %add3A_650 : i32 to index
          %get3A_661 = arith.constant 0 : index
          %get3A_662 = tpu.vector_load %arg9[%get3A_659, %get3A_660, %get3A_661] {strides = array<i32>} : memref<2x128x64xi32, #tpu.memory_space<vmem>>, vector<16xi32>,
          %bitcast3A_663 = vector.bitcast %get3A_657 : vector<16xi32> to vector<32xbf16>
          %bitcast3A_664 = vector.bitcast %get3A_662 : vector<16xi32> to vector<32xbf16>
          %mul3A_665 = arith.mulf %bitcast3A_663, %bitcast3A_664 : vector<32xbf16>
          %unpack3A_666 = tpu.unpack_subelements %mul3A_665, 0 {pack_format = #tpu.pack_format<interleaved>} : vector<32xbf16> -> vector<16xf32>
          %unpack3A_667 = tpu.unpack_subelements %mul3A_665, 1 {pack_format = #tpu.pack_format<interleaved>} : vector<32xbf16> -> vector<16xf32>
          %add3A_668 = arith.addf %broadcast_in_dim3A_652, %unpack3A_666 : vector<16xf32>
          %add3A_669 = arith.addf %add3A_668, %unpack3A_667 : vector<16xf32>
          %get3A_670 = arith.constant 1 : i32
          %get3A_671 = arith.index_cast %get3A_670 : i32 to index
          %get3A_672 = arith.index_cast %add3A_650 : i32 to index
          %get3A_673 = arith.constant 16 : index
          %get3A_674 = tpu.vector_load %arg8[%get3A_671, %get3A_672, %get3A_673] {strides = array<i32>} : memref<2x128x64xi32, #tpu.memory_space<vmem>>, vector<16xi32>,
          %get3A_675 = arith.constant 1 : i32
          %get3A_676 = arith.index_cast %get3A_675 : i32 to index
          %get3A_677 = arith.index_cast %add3A_650 : i32 to index
          %get3A_678 = arith.constant 16 : index
          %get3A_679 = tpu.vector_load %arg9[%get3A_676, %get3A_677, %get3A_678] {strides = array<i32>} : memref<2x128x64xi32, #tpu.memory_space<vmem>>, vector<16xi32>,
          %bitcast3A_680 = vector.bitcast %get3A_674 : vector<16xi32> to vector<32xbf16>
          %bitcast3A_681 = vector.bitcast %get3A_679 : vector<16xi32> to vector<32xbf16>
          %mul3A_682 = arith.mulf %bitcast3A_680, %bitcast3A_681 : vector<32xbf16>
          %unpack3A_683 = tpu.unpack_subelements %mul3A_682, 0 {pack_format = #tpu.pack_format<interleaved>} : vector<32xbf16> -> vector<16xf32>
          %unpack3A_684 = tpu.unpack_subelements %mul3A_682, 1 {pack_format = #tpu.pack_format<interleaved>} : vector<32xbf16> -> vector<16xf32>
          %add3A_685 = arith.addf %add3A_669, %unpack3A_683 : vector<16xf32>
          %add3A_686 = arith.addf %add3A_685, %unpack3A_684 : vector<16xf32>
          %get3A_687 = arith.constant 1 : i32
          %get3A_688 = arith.index_cast %get3A_687 : i32 to index
          %get3A_689 = arith.index_cast %add3A_650 : i32 to index
          %get3A_690 = arith.constant 32 : index
          %get3A_691 = tpu.vector_load %arg8[%get3A_688, %get3A_689, %get3A_690] {strides = array<i32>} : memref<2x128x64xi32, #tpu.memory_space<vmem>>, vector<16xi32>,
          %get3A_692 = arith.constant 1 : i32
          %get3A_693 = arith.index_cast %get3A_692 : i32 to index
          %get3A_694 = arith.index_cast %add3A_650 : i32 to index
          %get3A_695 = arith.constant 32 : index
          %get3A_696 = tpu.vector_load %arg9[%get3A_693, %get3A_694, %get3A_695] {strides = array<i32>} : memref<2x128x64xi32, #tpu.memory_space<vmem>>, vector<16xi32>,
          %bitcast3A_697 = vector.bitcast %get3A_691 : vector<16xi32> to vector<32xbf16>
          %bitcast3A_698 = vector.bitcast %get3A_696 : vector<16xi32> to vector<32xbf16>
          %mul3A_699 = arith.mulf %bitcast3A_697, %bitcast3A_698 : vector<32xbf16>
          %unpack3A_700 = tpu.unpack_subelements %mul3A_699, 0 {pack_format = #tpu.pack_format<interleaved>} : vector<32xbf16> -> vector<16xf32>
          %unpack3A_701 = tpu.unpack_subelements %mul3A_699, 1 {pack_format = #tpu.pack_format<interleaved>} : vector<32xbf16> -> vector<16xf32>
          %add3A_702 = arith.addf %add3A_686, %unpack3A_700 : vector<16xf32>
          %add3A_703 = arith.addf %add3A_702, %unpack3A_701 : vector<16xf32>
          %get3A_704 = arith.constant 1 : i32
          %get3A_705 = arith.index_cast %get3A_704 : i32 to index
          %get3A_706 = arith.index_cast %add3A_650 : i32 to index
          %get3A_707 = arith.constant 48 : index
          %get3A_708 = tpu.vector_load %arg8[%get3A_705, %get3A_706, %get3A_707] {strides = array<i32>} : memref<2x128x64xi32, #tpu.memory_space<vmem>>, vector<16xi32>,
          %get3A_709 = arith.constant 1 : i32
          %get3A_710 = arith.index_cast %get3A_709 : i32 to index
          %get3A_711 = arith.index_cast %add3A_650 : i32 to index
          %get3A_712 = arith.constant 48 : index
          %get3A_713 = tpu.vector_load %arg9[%get3A_710, %get3A_711, %get3A_712] {strides = array<i32>} : memref<2x128x64xi32, #tpu.memory_space<vmem>>, vector<16xi32>,
          %bitcast3A_714 = vector.bitcast %get3A_708 : vector<16xi32> to vector<32xbf16>
          %bitcast3A_715 = vector.bitcast %get3A_713 : vector<16xi32> to vector<32xbf16>
          %mul3A_716 = arith.mulf %bitcast3A_714, %bitcast3A_715 : vector<32xbf16>
          %unpack3A_717 = tpu.unpack_subelements %mul3A_716, 0 {pack_format = #tpu.pack_format<interleaved>} : vector<32xbf16> -> vector<16xf32>
          %unpack3A_718 = tpu.unpack_subelements %mul3A_716, 1 {pack_format = #tpu.pack_format<interleaved>} : vector<32xbf16> -> vector<16xf32>
          %add3A_719 = arith.addf %add3A_703, %unpack3A_717 : vector<16xf32>
          %add3A_720 = arith.addf %add3A_719, %unpack3A_718 : vector<16xf32>
          %reduce_sum3A_721 = arith.constant true
          %reduce_sum3A_722 = vector.broadcast %reduce_sum3A_721 : i1 to vector<16xi1>
          %reduce_sum3A_723 = tpu.scan <sum>, %add3A_720 masked %reduce_sum3A_722 : vector<16xf32>, vector<16xi1> -> vector<16xf32>
          %reduce_sum3A_724 = vector.extract %reduce_sum3A_723[15] : f32 from vector<16xf32>
          %broadcast_in_dim3A_725 = vector.broadcast %reduce_sum3A_724 : f32 to vector<16xf32>
          %eq3A_726 = arith.constant 6 : i32
          %eq3A_727 = vector.broadcast %eq3A_726 : i32 to vector<16xi32>
          %eq3A_728 = arith.cmpi eq, %iota3A, %eq3A_727 : vector<16xi32>
          %select_n3A_729 = arith.select %eq3A_728, %broadcast_in_dim3A_725, %select_n3A_646 : vector<16xi1>, vector<16xf32>
          %mul3A_730 = arith.constant 16 : i32
          %mul3A_731 = arith.muli %scan3A_151, %mul3A_730 : i32
          %add3A_732 = arith.constant 7 : i32
          %add3A_733 = arith.addi %mul3A_731, %add3A_732 : i32
          %broadcast_in_dim3A_734 = arith.constant 0.000000e+00 : f32
          %broadcast_in_dim3A_735 = vector.broadcast %broadcast_in_dim3A_734 : f32 to vector<16xf32>
          %get3A_736 = arith.constant 1 : i32
          %get3A_737 = arith.index_cast %get3A_736 : i32 to index
          %get3A_738 = arith.index_cast %add3A_733 : i32 to index
          %get3A_739 = arith.constant 0 : index
          %get3A_740 = tpu.vector_load %arg8[%get3A_737, %get3A_738, %get3A_739] {strides = array<i32>} : memref<2x128x64xi32, #tpu.memory_space<vmem>>, vector<16xi32>,
          %get3A_741 = arith.constant 1 : i32
          %get3A_742 = arith.index_cast %get3A_741 : i32 to index
          %get3A_743 = arith.index_cast %add3A_733 : i32 to index
          %get3A_744 = arith.constant 0 : index
          %get3A_745 = tpu.vector_load %arg9[%get3A_742, %get3A_743, %get3A_744] {strides = array<i32>} : memref<2x128x64xi32, #tpu.memory_space<vmem>>, vector<16xi32>,
          %bitcast3A_746 = vector.bitcast %get3A_740 : vector<16xi32> to vector<32xbf16>
          %bitcast3A_747 = vector.bitcast %get3A_745 : vector<16xi32> to vector<32xbf16>
          %mul3A_748 = arith.mulf %bitcast3A_746, %bitcast3A_747 : vector<32xbf16>
          %unpack3A_749 = tpu.unpack_subelements %mul3A_748, 0 {pack_format = #tpu.pack_format<interleaved>} : vector<32xbf16> -> vector<16xf32>
          %unpack3A_750 = tpu.unpack_subelements %mul3A_748, 1 {pack_format = #tpu.pack_format<interleaved>} : vector<32xbf16> -> vector<16xf32>
          %add3A_751 = arith.addf %broadcast_in_dim3A_735, %unpack3A_749 : vector<16xf32>
          %add3A_752 = arith.addf %add3A_751, %unpack3A_750 : vector<16xf32>
          %get3A_753 = arith.constant 1 : i32
          %get3A_754 = arith.index_cast %get3A_753 : i32 to index
          %get3A_755 = arith.index_cast %add3A_733 : i32 to index
          %get3A_756 = arith.constant 16 : index
          %get3A_757 = tpu.vector_load %arg8[%get3A_754, %get3A_755, %get3A_756] {strides = array<i32>} : memref<2x128x64xi32, #tpu.memory_space<vmem>>, vector<16xi32>,
          %get3A_758 = arith.constant 1 : i32
          %get3A_759 = arith.index_cast %get3A_758 : i32 to index
          %get3A_760 = arith.index_cast %add3A_733 : i32 to index
          %get3A_761 = arith.constant 16 : index
          %get3A_762 = tpu.vector_load %arg9[%get3A_759, %get3A_760, %get3A_761] {strides = array<i32>} : memref<2x128x64xi32, #tpu.memory_space<vmem>>, vector<16xi32>,
          %bitcast3A_763 = vector.bitcast %get3A_757 : vector<16xi32> to vector<32xbf16>
          %bitcast3A_764 = vector.bitcast %get3A_762 : vector<16xi32> to vector<32xbf16>
          %mul3A_765 = arith.mulf %bitcast3A_763, %bitcast3A_764 : vector<32xbf16>
          %unpack3A_766 = tpu.unpack_subelements %mul3A_765, 0 {pack_format = #tpu.pack_format<interleaved>} : vector<32xbf16> -> vector<16xf32>
          %unpack3A_767 = tpu.unpack_subelements %mul3A_765, 1 {pack_format = #tpu.pack_format<interleaved>} : vector<32xbf16> -> vector<16xf32>
          %add3A_768 = arith.addf %add3A_752, %unpack3A_766 : vector<16xf32>
          %add3A_769 = arith.addf %add3A_768, %unpack3A_767 : vector<16xf32>
          %get3A_770 = arith.constant 1 : i32
          %get3A_771 = arith.index_cast %get3A_770 : i32 to index
          %get3A_772 = arith.index_cast %add3A_733 : i32 to index
          %get3A_773 = arith.constant 32 : index
          %get3A_774 = tpu.vector_load %arg8[%get3A_771, %get3A_772, %get3A_773] {strides = array<i32>} : memref<2x128x64xi32, #tpu.memory_space<vmem>>, vector<16xi32>,
          %get3A_775 = arith.constant 1 : i32
          %get3A_776 = arith.index_cast %get3A_775 : i32 to index
          %get3A_777 = arith.index_cast %add3A_733 : i32 to index
          %get3A_778 = arith.constant 32 : index
          %get3A_779 = tpu.vector_load %arg9[%get3A_776, %get3A_777, %get3A_778] {strides = array<i32>} : memref<2x128x64xi32, #tpu.memory_space<vmem>>, vector<16xi32>,
          %bitcast3A_780 = vector.bitcast %get3A_774 : vector<16xi32> to vector<32xbf16>
          %bitcast3A_781 = vector.bitcast %get3A_779 : vector<16xi32> to vector<32xbf16>
          %mul3A_782 = arith.mulf %bitcast3A_780, %bitcast3A_781 : vector<32xbf16>
          %unpack3A_783 = tpu.unpack_subelements %mul3A_782, 0 {pack_format = #tpu.pack_format<interleaved>} : vector<32xbf16> -> vector<16xf32>
          %unpack3A_784 = tpu.unpack_subelements %mul3A_782, 1 {pack_format = #tpu.pack_format<interleaved>} : vector<32xbf16> -> vector<16xf32>
          %add3A_785 = arith.addf %add3A_769, %unpack3A_783 : vector<16xf32>
          %add3A_786 = arith.addf %add3A_785, %unpack3A_784 : vector<16xf32>
          %get3A_787 = arith.constant 1 : i32
          %get3A_788 = arith.index_cast %get3A_787 : i32 to index
          %get3A_789 = arith.index_cast %add3A_733 : i32 to index
          %get3A_790 = arith.constant 48 : index
          %get3A_791 = tpu.vector_load %arg8[%get3A_788, %get3A_789, %get3A_790] {strides = array<i32>} : memref<2x128x64xi32, #tpu.memory_space<vmem>>, vector<16xi32>,
          %get3A_792 = arith.constant 1 : i32
          %get3A_793 = arith.index_cast %get3A_792 : i32 to index
          %get3A_794 = arith.index_cast %add3A_733 : i32 to index
          %get3A_795 = arith.constant 48 : index
          %get3A_796 = tpu.vector_load %arg9[%get3A_793, %get3A_794, %get3A_795] {strides = array<i32>} : memref<2x128x64xi32, #tpu.memory_space<vmem>>, vector<16xi32>,
          %bitcast3A_797 = vector.bitcast %get3A_791 : vector<16xi32> to vector<32xbf16>
          %bitcast3A_798 = vector.bitcast %get3A_796 : vector<16xi32> to vector<32xbf16>
          %mul3A_799 = arith.mulf %bitcast3A_797, %bitcast3A_798 : vector<32xbf16>
          %unpack3A_800 = tpu.unpack_subelements %mul3A_799, 0 {pack_format = #tpu.pack_format<interleaved>} : vector<32xbf16> -> vector<16xf32>
          %unpack3A_801 = tpu.unpack_subelements %mul3A_799, 1 {pack_format = #tpu.pack_format<interleaved>} : vector<32xbf16> -> vector<16xf32>
          %add3A_802 = arith.addf %add3A_786, %unpack3A_800 : vector<16xf32>
          %add3A_803 = arith.addf %add3A_802, %unpack3A_801 : vector<16xf32>
          %reduce_sum3A_804 = arith.constant true
          %reduce_sum3A_805 = vector.broadcast %reduce_sum3A_804 : i1 to vector<16xi1>
          %reduce_sum3A_806 = tpu.scan <sum>, %add3A_803 masked %reduce_sum3A_805 : vector<16xf32>, vector<16xi1> -> vector<16xf32>
          %reduce_sum3A_807 = vector.extract %reduce_sum3A_806[15] : f32 from vector<16xf32>
          %broadcast_in_dim3A_808 = vector.broadcast %reduce_sum3A_807 : f32 to vector<16xf32>
          %eq3A_809 = arith.constant 7 : i32
          %eq3A_810 = vector.broadcast %eq3A_809 : i32 to vector<16xi32>
          %eq3A_811 = arith.cmpi eq, %iota3A, %eq3A_810 : vector<16xi32>
          %select_n3A_812 = arith.select %eq3A_811, %broadcast_in_dim3A_808, %select_n3A_729 : vector<16xi1>, vector<16xf32>
          %mul3A_813 = arith.constant 16 : i32
          %mul3A_814 = arith.muli %scan3A_151, %mul3A_813 : i32
          %add3A_815 = arith.constant 8 : i32
          %add3A_816 = arith.addi %mul3A_814, %add3A_815 : i32
          %broadcast_in_dim3A_817 = arith.constant 0.000000e+00 : f32
          %broadcast_in_dim3A_818 = vector.broadcast %broadcast_in_dim3A_817 : f32 to vector<16xf32>
          %get3A_819 = arith.constant 1 : i32
          %get3A_820 = arith.index_cast %get3A_819 : i32 to index
          %get3A_821 = arith.index_cast %add3A_816 : i32 to index
          %get3A_822 = arith.constant 0 : index
          %get3A_823 = tpu.vector_load %arg8[%get3A_820, %get3A_821, %get3A_822] {strides = array<i32>} : memref<2x128x64xi32, #tpu.memory_space<vmem>>, vector<16xi32>,
          %get3A_824 = arith.constant 1 : i32
          %get3A_825 = arith.index_cast %get3A_824 : i32 to index
          %get3A_826 = arith.index_cast %add3A_816 : i32 to index
          %get3A_827 = arith.constant 0 : index
          %get3A_828 = tpu.vector_load %arg9[%get3A_825, %get3A_826, %get3A_827] {strides = array<i32>} : memref<2x128x64xi32, #tpu.memory_space<vmem>>, vector<16xi32>,
          %bitcast3A_829 = vector.bitcast %get3A_823 : vector<16xi32> to vector<32xbf16>
          %bitcast3A_830 = vector.bitcast %get3A_828 : vector<16xi32> to vector<32xbf16>
          %mul3A_831 = arith.mulf %bitcast3A_829, %bitcast3A_830 : vector<32xbf16>
          %unpack3A_832 = tpu.unpack_subelements %mul3A_831, 0 {pack_format = #tpu.pack_format<interleaved>} : vector<32xbf16> -> vector<16xf32>
          %unpack3A_833 = tpu.unpack_subelements %mul3A_831, 1 {pack_format = #tpu.pack_format<interleaved>} : vector<32xbf16> -> vector<16xf32>
          %add3A_834 = arith.addf %broadcast_in_dim3A_818, %unpack3A_832 : vector<16xf32>
          %add3A_835 = arith.addf %add3A_834, %unpack3A_833 : vector<16xf32>
          %get3A_836 = arith.constant 1 : i32
          %get3A_837 = arith.index_cast %get3A_836 : i32 to index
          %get3A_838 = arith.index_cast %add3A_816 : i32 to index
          %get3A_839 = arith.constant 16 : index
          %get3A_840 = tpu.vector_load %arg8[%get3A_837, %get3A_838, %get3A_839] {strides = array<i32>} : memref<2x128x64xi32, #tpu.memory_space<vmem>>, vector<16xi32>,
          %get3A_841 = arith.constant 1 : i32
          %get3A_842 = arith.index_cast %get3A_841 : i32 to index
          %get3A_843 = arith.index_cast %add3A_816 : i32 to index
          %get3A_844 = arith.constant 16 : index
          %get3A_845 = tpu.vector_load %arg9[%get3A_842, %get3A_843, %get3A_844] {strides = array<i32>} : memref<2x128x64xi32, #tpu.memory_space<vmem>>, vector<16xi32>,
          %bitcast3A_846 = vector.bitcast %get3A_840 : vector<16xi32> to vector<32xbf16>
          %bitcast3A_847 = vector.bitcast %get3A_845 : vector<16xi32> to vector<32xbf16>
          %mul3A_848 = arith.mulf %bitcast3A_846, %bitcast3A_847 : vector<32xbf16>
          %unpack3A_849 = tpu.unpack_subelements %mul3A_848, 0 {pack_format = #tpu.pack_format<interleaved>} : vector<32xbf16> -> vector<16xf32>
          %unpack3A_850 = tpu.unpack_subelements %mul3A_848, 1 {pack_format = #tpu.pack_format<interleaved>} : vector<32xbf16> -> vector<16xf32>
          %add3A_851 = arith.addf %add3A_835, %unpack3A_849 : vector<16xf32>
          %add3A_852 = arith.addf %add3A_851, %unpack3A_850 : vector<16xf32>
          %get3A_853 = arith.constant 1 : i32
          %get3A_854 = arith.index_cast %get3A_853 : i32 to index
          %get3A_855 = arith.index_cast %add3A_816 : i32 to index
          %get3A_856 = arith.constant 32 : index
          %get3A_857 = tpu.vector_load %arg8[%get3A_854, %get3A_855, %get3A_856] {strides = array<i32>} : memref<2x128x64xi32, #tpu.memory_space<vmem>>, vector<16xi32>,
          %get3A_858 = arith.constant 1 : i32
          %get3A_859 = arith.index_cast %get3A_858 : i32 to index
          %get3A_860 = arith.index_cast %add3A_816 : i32 to index
          %get3A_861 = arith.constant 32 : index
          %get3A_862 = tpu.vector_load %arg9[%get3A_859, %get3A_860, %get3A_861] {strides = array<i32>} : memref<2x128x64xi32, #tpu.memory_space<vmem>>, vector<16xi32>,
          %bitcast3A_863 = vector.bitcast %get3A_857 : vector<16xi32> to vector<32xbf16>
          %bitcast3A_864 = vector.bitcast %get3A_862 : vector<16xi32> to vector<32xbf16>
          %mul3A_865 = arith.mulf %bitcast3A_863, %bitcast3A_864 : vector<32xbf16>
          %unpack3A_866 = tpu.unpack_subelements %mul3A_865, 0 {pack_format = #tpu.pack_format<interleaved>} : vector<32xbf16> -> vector<16xf32>
          %unpack3A_867 = tpu.unpack_subelements %mul3A_865, 1 {pack_format = #tpu.pack_format<interleaved>} : vector<32xbf16> -> vector<16xf32>
          %add3A_868 = arith.addf %add3A_852, %unpack3A_866 : vector<16xf32>
          %add3A_869 = arith.addf %add3A_868, %unpack3A_867 : vector<16xf32>
          %get3A_870 = arith.constant 1 : i32
          %get3A_871 = arith.index_cast %get3A_870 : i32 to index
          %get3A_872 = arith.index_cast %add3A_816 : i32 to index
          %get3A_873 = arith.constant 48 : index
          %get3A_874 = tpu.vector_load %arg8[%get3A_871, %get3A_872, %get3A_873] {strides = array<i32>} : memref<2x128x64xi32, #tpu.memory_space<vmem>>, vector<16xi32>,
          %get3A_875 = arith.constant 1 : i32
          %get3A_876 = arith.index_cast %get3A_875 : i32 to index
          %get3A_877 = arith.index_cast %add3A_816 : i32 to index
          %get3A_878 = arith.constant 48 : index
          %get3A_879 = tpu.vector_load %arg9[%get3A_876, %get3A_877, %get3A_878] {strides = array<i32>} : memref<2x128x64xi32, #tpu.memory_space<vmem>>, vector<16xi32>,
          %bitcast3A_880 = vector.bitcast %get3A_874 : vector<16xi32> to vector<32xbf16>
          %bitcast3A_881 = vector.bitcast %get3A_879 : vector<16xi32> to vector<32xbf16>
          %mul3A_882 = arith.mulf %bitcast3A_880, %bitcast3A_881 : vector<32xbf16>
          %unpack3A_883 = tpu.unpack_subelements %mul3A_882, 0 {pack_format = #tpu.pack_format<interleaved>} : vector<32xbf16> -> vector<16xf32>
          %unpack3A_884 = tpu.unpack_subelements %mul3A_882, 1 {pack_format = #tpu.pack_format<interleaved>} : vector<32xbf16> -> vector<16xf32>
          %add3A_885 = arith.addf %add3A_869, %unpack3A_883 : vector<16xf32>
          %add3A_886 = arith.addf %add3A_885, %unpack3A_884 : vector<16xf32>
          %reduce_sum3A_887 = arith.constant true
          %reduce_sum3A_888 = vector.broadcast %reduce_sum3A_887 : i1 to vector<16xi1>
          %reduce_sum3A_889 = tpu.scan <sum>, %add3A_886 masked %reduce_sum3A_888 : vector<16xf32>, vector<16xi1> -> vector<16xf32>
          %reduce_sum3A_890 = vector.extract %reduce_sum3A_889[15] : f32 from vector<16xf32>
          %broadcast_in_dim3A_891 = vector.broadcast %reduce_sum3A_890 : f32 to vector<16xf32>
          %eq3A_892 = arith.constant 8 : i32
          %eq3A_893 = vector.broadcast %eq3A_892 : i32 to vector<16xi32>
          %eq3A_894 = arith.cmpi eq, %iota3A, %eq3A_893 : vector<16xi32>
          %select_n3A_895 = arith.select %eq3A_894, %broadcast_in_dim3A_891, %select_n3A_812 : vector<16xi1>, vector<16xf32>
          %mul3A_896 = arith.constant 16 : i32
          %mul3A_897 = arith.muli %scan3A_151, %mul3A_896 : i32
          %add3A_898 = arith.constant 9 : i32
          %add3A_899 = arith.addi %mul3A_897, %add3A_898 : i32
          %broadcast_in_dim3A_900 = arith.constant 0.000000e+00 : f32
          %broadcast_in_dim3A_901 = vector.broadcast %broadcast_in_dim3A_900 : f32 to vector<16xf32>
          %get3A_902 = arith.constant 1 : i32
          %get3A_903 = arith.index_cast %get3A_902 : i32 to index
          %get3A_904 = arith.index_cast %add3A_899 : i32 to index
          %get3A_905 = arith.constant 0 : index
          %get3A_906 = tpu.vector_load %arg8[%get3A_903, %get3A_904, %get3A_905] {strides = array<i32>} : memref<2x128x64xi32, #tpu.memory_space<vmem>>, vector<16xi32>,
          %get3A_907 = arith.constant 1 : i32
          %get3A_908 = arith.index_cast %get3A_907 : i32 to index
          %get3A_909 = arith.index_cast %add3A_899 : i32 to index
          %get3A_910 = arith.constant 0 : index
          %get3A_911 = tpu.vector_load %arg9[%get3A_908, %get3A_909, %get3A_910] {strides = array<i32>} : memref<2x128x64xi32, #tpu.memory_space<vmem>>, vector<16xi32>,
          %bitcast3A_912 = vector.bitcast %get3A_906 : vector<16xi32> to vector<32xbf16>
          %bitcast3A_913 = vector.bitcast %get3A_911 : vector<16xi32> to vector<32xbf16>
          %mul3A_914 = arith.mulf %bitcast3A_912, %bitcast3A_913 : vector<32xbf16>
          %unpack3A_915 = tpu.unpack_subelements %mul3A_914, 0 {pack_format = #tpu.pack_format<interleaved>} : vector<32xbf16> -> vector<16xf32>
          %unpack3A_916 = tpu.unpack_subelements %mul3A_914, 1 {pack_format = #tpu.pack_format<interleaved>} : vector<32xbf16> -> vector<16xf32>
          %add3A_917 = arith.addf %broadcast_in_dim3A_901, %unpack3A_915 : vector<16xf32>
          %add3A_918 = arith.addf %add3A_917, %unpack3A_916 : vector<16xf32>
          %get3A_919 = arith.constant 1 : i32
          %get3A_920 = arith.index_cast %get3A_919 : i32 to index
          %get3A_921 = arith.index_cast %add3A_899 : i32 to index
          %get3A_922 = arith.constant 16 : index
          %get3A_923 = tpu.vector_load %arg8[%get3A_920, %get3A_921, %get3A_922] {strides = array<i32>} : memref<2x128x64xi32, #tpu.memory_space<vmem>>, vector<16xi32>,
          %get3A_924 = arith.constant 1 : i32
          %get3A_925 = arith.index_cast %get3A_924 : i32 to index
          %get3A_926 = arith.index_cast %add3A_899 : i32 to index
          %get3A_927 = arith.constant 16 : index
          %get3A_928 = tpu.vector_load %arg9[%get3A_925, %get3A_926, %get3A_927] {strides = array<i32>} : memref<2x128x64xi32, #tpu.memory_space<vmem>>, vector<16xi32>,
          %bitcast3A_929 = vector.bitcast %get3A_923 : vector<16xi32> to vector<32xbf16>
          %bitcast3A_930 = vector.bitcast %get3A_928 : vector<16xi32> to vector<32xbf16>
          %mul3A_931 = arith.mulf %bitcast3A_929, %bitcast3A_930 : vector<32xbf16>
          %unpack3A_932 = tpu.unpack_subelements %mul3A_931, 0 {pack_format = #tpu.pack_format<interleaved>} : vector<32xbf16> -> vector<16xf32>
          %unpack3A_933 = tpu.unpack_subelements %mul3A_931, 1 {pack_format = #tpu.pack_format<interleaved>} : vector<32xbf16> -> vector<16xf32>
          %add3A_934 = arith.addf %add3A_918, %unpack3A_932 : vector<16xf32>
          %add3A_935 = arith.addf %add3A_934, %unpack3A_933 : vector<16xf32>
          %get3A_936 = arith.constant 1 : i32
          %get3A_937 = arith.index_cast %get3A_936 : i32 to index
          %get3A_938 = arith.index_cast %add3A_899 : i32 to index
          %get3A_939 = arith.constant 32 : index
          %get3A_940 = tpu.vector_load %arg8[%get3A_937, %get3A_938, %get3A_939] {strides = array<i32>} : memref<2x128x64xi32, #tpu.memory_space<vmem>>, vector<16xi32>,
          %get3A_941 = arith.constant 1 : i32
          %get3A_942 = arith.index_cast %get3A_941 : i32 to index
          %get3A_943 = arith.index_cast %add3A_899 : i32 to index
          %get3A_944 = arith.constant 32 : index
          %get3A_945 = tpu.vector_load %arg9[%get3A_942, %get3A_943, %get3A_944] {strides = array<i32>} : memref<2x128x64xi32, #tpu.memory_space<vmem>>, vector<16xi32>,
          %bitcast3A_946 = vector.bitcast %get3A_940 : vector<16xi32> to vector<32xbf16>
          %bitcast3A_947 = vector.bitcast %get3A_945 : vector<16xi32> to vector<32xbf16>
          %mul3A_948 = arith.mulf %bitcast3A_946, %bitcast3A_947 : vector<32xbf16>
          %unpack3A_949 = tpu.unpack_subelements %mul3A_948, 0 {pack_format = #tpu.pack_format<interleaved>} : vector<32xbf16> -> vector<16xf32>
          %unpack3A_950 = tpu.unpack_subelements %mul3A_948, 1 {pack_format = #tpu.pack_format<interleaved>} : vector<32xbf16> -> vector<16xf32>
          %add3A_951 = arith.addf %add3A_935, %unpack3A_949 : vector<16xf32>
          %add3A_952 = arith.addf %add3A_951, %unpack3A_950 : vector<16xf32>
          %get3A_953 = arith.constant 1 : i32
          %get3A_954 = arith.index_cast %get3A_953 : i32 to index
          %get3A_955 = arith.index_cast %add3A_899 : i32 to index
          %get3A_956 = arith.constant 48 : index
          %get3A_957 = tpu.vector_load %arg8[%get3A_954, %get3A_955, %get3A_956] {strides = array<i32>} : memref<2x128x64xi32, #tpu.memory_space<vmem>>, vector<16xi32>,
          %get3A_958 = arith.constant 1 : i32
          %get3A_959 = arith.index_cast %get3A_958 : i32 to index
          %get3A_960 = arith.index_cast %add3A_899 : i32 to index
          %get3A_961 = arith.constant 48 : index
          %get3A_962 = tpu.vector_load %arg9[%get3A_959, %get3A_960, %get3A_961] {strides = array<i32>} : memref<2x128x64xi32, #tpu.memory_space<vmem>>, vector<16xi32>,
          %bitcast3A_963 = vector.bitcast %get3A_957 : vector<16xi32> to vector<32xbf16>
          %bitcast3A_964 = vector.bitcast %get3A_962 : vector<16xi32> to vector<32xbf16>
          %mul3A_965 = arith.mulf %bitcast3A_963, %bitcast3A_964 : vector<32xbf16>
          %unpack3A_966 = tpu.unpack_subelements %mul3A_965, 0 {pack_format = #tpu.pack_format<interleaved>} : vector<32xbf16> -> vector<16xf32>
          %unpack3A_967 = tpu.unpack_subelements %mul3A_965, 1 {pack_format = #tpu.pack_format<interleaved>} : vector<32xbf16> -> vector<16xf32>
          %add3A_968 = arith.addf %add3A_952, %unpack3A_966 : vector<16xf32>
          %add3A_969 = arith.addf %add3A_968, %unpack3A_967 : vector<16xf32>
          %reduce_sum3A_970 = arith.constant true
          %reduce_sum3A_971 = vector.broadcast %reduce_sum3A_970 : i1 to vector<16xi1>
          %reduce_sum3A_972 = tpu.scan <sum>, %add3A_969 masked %reduce_sum3A_971 : vector<16xf32>, vector<16xi1> -> vector<16xf32>
          %reduce_sum3A_973 = vector.extract %reduce_sum3A_972[15] : f32 from vector<16xf32>
          %broadcast_in_dim3A_974 = vector.broadcast %reduce_sum3A_973 : f32 to vector<16xf32>
          %eq3A_975 = arith.constant 9 : i32
          %eq3A_976 = vector.broadcast %eq3A_975 : i32 to vector<16xi32>
          %eq3A_977 = arith.cmpi eq, %iota3A, %eq3A_976 : vector<16xi32>
          %select_n3A_978 = arith.select %eq3A_977, %broadcast_in_dim3A_974, %select_n3A_895 : vector<16xi1>, vector<16xf32>
          %mul3A_979 = arith.constant 16 : i32
          %mul3A_980 = arith.muli %scan3A_151, %mul3A_979 : i32
          %add3A_981 = arith.constant 10 : i32
          %add3A_982 = arith.addi %mul3A_980, %add3A_981 : i32
          %broadcast_in_dim3A_983 = arith.constant 0.000000e+00 : f32
          %broadcast_in_dim3A_984 = vector.broadcast %broadcast_in_dim3A_983 : f32 to vector<16xf32>
          %get3A_985 = arith.constant 1 : i32
          %get3A_986 = arith.index_cast %get3A_985 : i32 to index
          %get3A_987 = arith.index_cast %add3A_982 : i32 to index
          %get3A_988 = arith.constant 0 : index
          %get3A_989 = tpu.vector_load %arg8[%get3A_986, %get3A_987, %get3A_988] {strides = array<i32>} : memref<2x128x64xi32, #tpu.memory_space<vmem>>, vector<16xi32>,
          %get3A_990 = arith.constant 1 : i32
          %get3A_991 = arith.index_cast %get3A_990 : i32 to index
          %get3A_992 = arith.index_cast %add3A_982 : i32 to index
          %get3A_993 = arith.constant 0 : index
          %get3A_994 = tpu.vector_load %arg9[%get3A_991, %get3A_992, %get3A_993] {strides = array<i32>} : memref<2x128x64xi32, #tpu.memory_space<vmem>>, vector<16xi32>,
          %bitcast3A_995 = vector.bitcast %get3A_989 : vector<16xi32> to vector<32xbf16>
          %bitcast3A_996 = vector.bitcast %get3A_994 : vector<16xi32> to vector<32xbf16>
          %mul3A_997 = arith.mulf %bitcast3A_995, %bitcast3A_996 : vector<32xbf16>
          %unpack3A_998 = tpu.unpack_subelements %mul3A_997, 0 {pack_format = #tpu.pack_format<interleaved>} : vector<32xbf16> -> vector<16xf32>
          %unpack3A_999 = tpu.unpack_subelements %mul3A_997, 1 {pack_format = #tpu.pack_format<interleaved>} : vector<32xbf16> -> vector<16xf32>
          %add3A_1000 = arith.addf %broadcast_in_dim3A_984, %unpack3A_998 : vector<16xf32>
          %add3A_1001 = arith.addf %add3A_1000, %unpack3A_999 : vector<16xf32>
          %get3A_1002 = arith.constant 1 : i32
          %get3A_1003 = arith.index_cast %get3A_1002 : i32 to index
          %get3A_1004 = arith.index_cast %add3A_982 : i32 to index
          %get3A_1005 = arith.constant 16 : index
          %get3A_1006 = tpu.vector_load %arg8[%get3A_1003, %get3A_1004, %get3A_1005] {strides = array<i32>} : memref<2x128x64xi32, #tpu.memory_space<vmem>>, vector<16xi32>,
          %get3A_1007 = arith.constant 1 : i32
          %get3A_1008 = arith.index_cast %get3A_1007 : i32 to index
          %get3A_1009 = arith.index_cast %add3A_982 : i32 to index
          %get3A_1010 = arith.constant 16 : index
          %get3A_1011 = tpu.vector_load %arg9[%get3A_1008, %get3A_1009, %get3A_1010] {strides = array<i32>} : memref<2x128x64xi32, #tpu.memory_space<vmem>>, vector<16xi32>,
          %bitcast3A_1012 = vector.bitcast %get3A_1006 : vector<16xi32> to vector<32xbf16>
          %bitcast3A_1013 = vector.bitcast %get3A_1011 : vector<16xi32> to vector<32xbf16>
          %mul3A_1014 = arith.mulf %bitcast3A_1012, %bitcast3A_1013 : vector<32xbf16>
          %unpack3A_1015 = tpu.unpack_subelements %mul3A_1014, 0 {pack_format = #tpu.pack_format<interleaved>} : vector<32xbf16> -> vector<16xf32>
          %unpack3A_1016 = tpu.unpack_subelements %mul3A_1014, 1 {pack_format = #tpu.pack_format<interleaved>} : vector<32xbf16> -> vector<16xf32>
          %add3A_1017 = arith.addf %add3A_1001, %unpack3A_1015 : vector<16xf32>
          %add3A_1018 = arith.addf %add3A_1017, %unpack3A_1016 : vector<16xf32>
          %get3A_1019 = arith.constant 1 : i32
          %get3A_1020 = arith.index_cast %get3A_1019 : i32 to index
          %get3A_1021 = arith.index_cast %add3A_982 : i32 to index
          %get3A_1022 = arith.constant 32 : index
          %get3A_1023 = tpu.vector_load %arg8[%get3A_1020, %get3A_1021, %get3A_1022] {strides = array<i32>} : memref<2x128x64xi32, #tpu.memory_space<vmem>>, vector<16xi32>,
          %get3A_1024 = arith.constant 1 : i32
          %get3A_1025 = arith.index_cast %get3A_1024 : i32 to index
          %get3A_1026 = arith.index_cast %add3A_982 : i32 to index
          %get3A_1027 = arith.constant 32 : index
          %get3A_1028 = tpu.vector_load %arg9[%get3A_1025, %get3A_1026, %get3A_1027] {strides = array<i32>} : memref<2x128x64xi32, #tpu.memory_space<vmem>>, vector<16xi32>,
          %bitcast3A_1029 = vector.bitcast %get3A_1023 : vector<16xi32> to vector<32xbf16>
          %bitcast3A_1030 = vector.bitcast %get3A_1028 : vector<16xi32> to vector<32xbf16>
          %mul3A_1031 = arith.mulf %bitcast3A_1029, %bitcast3A_1030 : vector<32xbf16>
          %unpack3A_1032 = tpu.unpack_subelements %mul3A_1031, 0 {pack_format = #tpu.pack_format<interleaved>} : vector<32xbf16> -> vector<16xf32>
          %unpack3A_1033 = tpu.unpack_subelements %mul3A_1031, 1 {pack_format = #tpu.pack_format<interleaved>} : vector<32xbf16> -> vector<16xf32>
          %add3A_1034 = arith.addf %add3A_1018, %unpack3A_1032 : vector<16xf32>
          %add3A_1035 = arith.addf %add3A_1034, %unpack3A_1033 : vector<16xf32>
          %get3A_1036 = arith.constant 1 : i32
          %get3A_1037 = arith.index_cast %get3A_1036 : i32 to index
          %get3A_1038 = arith.index_cast %add3A_982 : i32 to index
          %get3A_1039 = arith.constant 48 : index
          %get3A_1040 = tpu.vector_load %arg8[%get3A_1037, %get3A_1038, %get3A_1039] {strides = array<i32>} : memref<2x128x64xi32, #tpu.memory_space<vmem>>, vector<16xi32>,
          %get3A_1041 = arith.constant 1 : i32
          %get3A_1042 = arith.index_cast %get3A_1041 : i32 to index
          %get3A_1043 = arith.index_cast %add3A_982 : i32 to index
          %get3A_1044 = arith.constant 48 : index
          %get3A_1045 = tpu.vector_load %arg9[%get3A_1042, %get3A_1043, %get3A_1044] {strides = array<i32>} : memref<2x128x64xi32, #tpu.memory_space<vmem>>, vector<16xi32>,
          %bitcast3A_1046 = vector.bitcast %get3A_1040 : vector<16xi32> to vector<32xbf16>
          %bitcast3A_1047 = vector.bitcast %get3A_1045 : vector<16xi32> to vector<32xbf16>
          %mul3A_1048 = arith.mulf %bitcast3A_1046, %bitcast3A_1047 : vector<32xbf16>
          %unpack3A_1049 = tpu.unpack_subelements %mul3A_1048, 0 {pack_format = #tpu.pack_format<interleaved>} : vector<32xbf16> -> vector<16xf32>
          %unpack3A_1050 = tpu.unpack_subelements %mul3A_1048, 1 {pack_format = #tpu.pack_format<interleaved>} : vector<32xbf16> -> vector<16xf32>
          %add3A_1051 = arith.addf %add3A_1035, %unpack3A_1049 : vector<16xf32>
          %add3A_1052 = arith.addf %add3A_1051, %unpack3A_1050 : vector<16xf32>
          %reduce_sum3A_1053 = arith.constant true
          %reduce_sum3A_1054 = vector.broadcast %reduce_sum3A_1053 : i1 to vector<16xi1>
          %reduce_sum3A_1055 = tpu.scan <sum>, %add3A_1052 masked %reduce_sum3A_1054 : vector<16xf32>, vector<16xi1> -> vector<16xf32>
          %reduce_sum3A_1056 = vector.extract %reduce_sum3A_1055[15] : f32 from vector<16xf32>
          %broadcast_in_dim3A_1057 = vector.broadcast %reduce_sum3A_1056 : f32 to vector<16xf32>
          %eq3A_1058 = arith.constant 10 : i32
          %eq3A_1059 = vector.broadcast %eq3A_1058 : i32 to vector<16xi32>
          %eq3A_1060 = arith.cmpi eq, %iota3A, %eq3A_1059 : vector<16xi32>
          %select_n3A_1061 = arith.select %eq3A_1060, %broadcast_in_dim3A_1057, %select_n3A_978 : vector<16xi1>, vector<16xf32>
          %mul3A_1062 = arith.constant 16 : i32
          %mul3A_1063 = arith.muli %scan3A_151, %mul3A_1062 : i32
          %add3A_1064 = arith.constant 11 : i32
          %add3A_1065 = arith.addi %mul3A_1063, %add3A_1064 : i32
          %broadcast_in_dim3A_1066 = arith.constant 0.000000e+00 : f32
          %broadcast_in_dim3A_1067 = vector.broadcast %broadcast_in_dim3A_1066 : f32 to vector<16xf32>
          %get3A_1068 = arith.constant 1 : i32
          %get3A_1069 = arith.index_cast %get3A_1068 : i32 to index
          %get3A_1070 = arith.index_cast %add3A_1065 : i32 to index
          %get3A_1071 = arith.constant 0 : index
          %get3A_1072 = tpu.vector_load %arg8[%get3A_1069, %get3A_1070, %get3A_1071] {strides = array<i32>} : memref<2x128x64xi32, #tpu.memory_space<vmem>>, vector<16xi32>,
          %get3A_1073 = arith.constant 1 : i32
          %get3A_1074 = arith.index_cast %get3A_1073 : i32 to index
          %get3A_1075 = arith.index_cast %add3A_1065 : i32 to index
          %get3A_1076 = arith.constant 0 : index
          %get3A_1077 = tpu.vector_load %arg9[%get3A_1074, %get3A_1075, %get3A_1076] {strides = array<i32>} : memref<2x128x64xi32, #tpu.memory_space<vmem>>, vector<16xi32>,
          %bitcast3A_1078 = vector.bitcast %get3A_1072 : vector<16xi32> to vector<32xbf16>
          %bitcast3A_1079 = vector.bitcast %get3A_1077 : vector<16xi32> to vector<32xbf16>
          %mul3A_1080 = arith.mulf %bitcast3A_1078, %bitcast3A_1079 : vector<32xbf16>
          %unpack3A_1081 = tpu.unpack_subelements %mul3A_1080, 0 {pack_format = #tpu.pack_format<interleaved>} : vector<32xbf16> -> vector<16xf32>
          %unpack3A_1082 = tpu.unpack_subelements %mul3A_1080, 1 {pack_format = #tpu.pack_format<interleaved>} : vector<32xbf16> -> vector<16xf32>
          %add3A_1083 = arith.addf %broadcast_in_dim3A_1067, %unpack3A_1081 : vector<16xf32>
          %add3A_1084 = arith.addf %add3A_1083, %unpack3A_1082 : vector<16xf32>
          %get3A_1085 = arith.constant 1 : i32
          %get3A_1086 = arith.index_cast %get3A_1085 : i32 to index
          %get3A_1087 = arith.index_cast %add3A_1065 : i32 to index
          %get3A_1088 = arith.constant 16 : index
          %get3A_1089 = tpu.vector_load %arg8[%get3A_1086, %get3A_1087, %get3A_1088] {strides = array<i32>} : memref<2x128x64xi32, #tpu.memory_space<vmem>>, vector<16xi32>,
          %get3A_1090 = arith.constant 1 : i32
          %get3A_1091 = arith.index_cast %get3A_1090 : i32 to index
          %get3A_1092 = arith.index_cast %add3A_1065 : i32 to index
          %get3A_1093 = arith.constant 16 : index
          %get3A_1094 = tpu.vector_load %arg9[%get3A_1091, %get3A_1092, %get3A_1093] {strides = array<i32>} : memref<2x128x64xi32, #tpu.memory_space<vmem>>, vector<16xi32>,
          %bitcast3A_1095 = vector.bitcast %get3A_1089 : vector<16xi32> to vector<32xbf16>
          %bitcast3A_1096 = vector.bitcast %get3A_1094 : vector<16xi32> to vector<32xbf16>
          %mul3A_1097 = arith.mulf %bitcast3A_1095, %bitcast3A_1096 : vector<32xbf16>
          %unpack3A_1098 = tpu.unpack_subelements %mul3A_1097, 0 {pack_format = #tpu.pack_format<interleaved>} : vector<32xbf16> -> vector<16xf32>
          %unpack3A_1099 = tpu.unpack_subelements %mul3A_1097, 1 {pack_format = #tpu.pack_format<interleaved>} : vector<32xbf16> -> vector<16xf32>
          %add3A_1100 = arith.addf %add3A_1084, %unpack3A_1098 : vector<16xf32>
          %add3A_1101 = arith.addf %add3A_1100, %unpack3A_1099 : vector<16xf32>
          %get3A_1102 = arith.constant 1 : i32
          %get3A_1103 = arith.index_cast %get3A_1102 : i32 to index
          %get3A_1104 = arith.index_cast %add3A_1065 : i32 to index
          %get3A_1105 = arith.constant 32 : index
          %get3A_1106 = tpu.vector_load %arg8[%get3A_1103, %get3A_1104, %get3A_1105] {strides = array<i32>} : memref<2x128x64xi32, #tpu.memory_space<vmem>>, vector<16xi32>,
          %get3A_1107 = arith.constant 1 : i32
          %get3A_1108 = arith.index_cast %get3A_1107 : i32 to index
          %get3A_1109 = arith.index_cast %add3A_1065 : i32 to index
          %get3A_1110 = arith.constant 32 : index
          %get3A_1111 = tpu.vector_load %arg9[%get3A_1108, %get3A_1109, %get3A_1110] {strides = array<i32>} : memref<2x128x64xi32, #tpu.memory_space<vmem>>, vector<16xi32>,
          %bitcast3A_1112 = vector.bitcast %get3A_1106 : vector<16xi32> to vector<32xbf16>
          %bitcast3A_1113 = vector.bitcast %get3A_1111 : vector<16xi32> to vector<32xbf16>
          %mul3A_1114 = arith.mulf %bitcast3A_1112, %bitcast3A_1113 : vector<32xbf16>
          %unpack3A_1115 = tpu.unpack_subelements %mul3A_1114, 0 {pack_format = #tpu.pack_format<interleaved>} : vector<32xbf16> -> vector<16xf32>
          %unpack3A_1116 = tpu.unpack_subelements %mul3A_1114, 1 {pack_format = #tpu.pack_format<interleaved>} : vector<32xbf16> -> vector<16xf32>
          %add3A_1117 = arith.addf %add3A_1101, %unpack3A_1115 : vector<16xf32>
          %add3A_1118 = arith.addf %add3A_1117, %unpack3A_1116 : vector<16xf32>
          %get3A_1119 = arith.constant 1 : i32
          %get3A_1120 = arith.index_cast %get3A_1119 : i32 to index
          %get3A_1121 = arith.index_cast %add3A_1065 : i32 to index
          %get3A_1122 = arith.constant 48 : index
          %get3A_1123 = tpu.vector_load %arg8[%get3A_1120, %get3A_1121, %get3A_1122] {strides = array<i32>} : memref<2x128x64xi32, #tpu.memory_space<vmem>>, vector<16xi32>,
          %get3A_1124 = arith.constant 1 : i32
          %get3A_1125 = arith.index_cast %get3A_1124 : i32 to index
          %get3A_1126 = arith.index_cast %add3A_1065 : i32 to index
          %get3A_1127 = arith.constant 48 : index
          %get3A_1128 = tpu.vector_load %arg9[%get3A_1125, %get3A_1126, %get3A_1127] {strides = array<i32>} : memref<2x128x64xi32, #tpu.memory_space<vmem>>, vector<16xi32>,
          %bitcast3A_1129 = vector.bitcast %get3A_1123 : vector<16xi32> to vector<32xbf16>
          %bitcast3A_1130 = vector.bitcast %get3A_1128 : vector<16xi32> to vector<32xbf16>
          %mul3A_1131 = arith.mulf %bitcast3A_1129, %bitcast3A_1130 : vector<32xbf16>
          %unpack3A_1132 = tpu.unpack_subelements %mul3A_1131, 0 {pack_format = #tpu.pack_format<interleaved>} : vector<32xbf16> -> vector<16xf32>
          %unpack3A_1133 = tpu.unpack_subelements %mul3A_1131, 1 {pack_format = #tpu.pack_format<interleaved>} : vector<32xbf16> -> vector<16xf32>
          %add3A_1134 = arith.addf %add3A_1118, %unpack3A_1132 : vector<16xf32>
          %add3A_1135 = arith.addf %add3A_1134, %unpack3A_1133 : vector<16xf32>
          %reduce_sum3A_1136 = arith.constant true
          %reduce_sum3A_1137 = vector.broadcast %reduce_sum3A_1136 : i1 to vector<16xi1>
          %reduce_sum3A_1138 = tpu.scan <sum>, %add3A_1135 masked %reduce_sum3A_1137 : vector<16xf32>, vector<16xi1> -> vector<16xf32>
          %reduce_sum3A_1139 = vector.extract %reduce_sum3A_1138[15] : f32 from vector<16xf32>
          %broadcast_in_dim3A_1140 = vector.broadcast %reduce_sum3A_1139 : f32 to vector<16xf32>
          %eq3A_1141 = arith.constant 11 : i32
          %eq3A_1142 = vector.broadcast %eq3A_1141 : i32 to vector<16xi32>
          %eq3A_1143 = arith.cmpi eq, %iota3A, %eq3A_1142 : vector<16xi32>
          %select_n3A_1144 = arith.select %eq3A_1143, %broadcast_in_dim3A_1140, %select_n3A_1061 : vector<16xi1>, vector<16xf32>
          %mul3A_1145 = arith.constant 16 : i32
          %mul3A_1146 = arith.muli %scan3A_151, %mul3A_1145 : i32
          %add3A_1147 = arith.constant 12 : i32
          %add3A_1148 = arith.addi %mul3A_1146, %add3A_1147 : i32
          %broadcast_in_dim3A_1149 = arith.constant 0.000000e+00 : f32
          %broadcast_in_dim3A_1150 = vector.broadcast %broadcast_in_dim3A_1149 : f32 to vector<16xf32>
          %get3A_1151 = arith.constant 1 : i32
          %get3A_1152 = arith.index_cast %get3A_1151 : i32 to index
          %get3A_1153 = arith.index_cast %add3A_1148 : i32 to index
          %get3A_1154 = arith.constant 0 : index
          %get3A_1155 = tpu.vector_load %arg8[%get3A_1152, %get3A_1153, %get3A_1154] {strides = array<i32>} : memref<2x128x64xi32, #tpu.memory_space<vmem>>, vector<16xi32>,
          %get3A_1156 = arith.constant 1 : i32
          %get3A_1157 = arith.index_cast %get3A_1156 : i32 to index
          %get3A_1158 = arith.index_cast %add3A_1148 : i32 to index
          %get3A_1159 = arith.constant 0 : index
          %get3A_1160 = tpu.vector_load %arg9[%get3A_1157, %get3A_1158, %get3A_1159] {strides = array<i32>} : memref<2x128x64xi32, #tpu.memory_space<vmem>>, vector<16xi32>,
          %bitcast3A_1161 = vector.bitcast %get3A_1155 : vector<16xi32> to vector<32xbf16>
          %bitcast3A_1162 = vector.bitcast %get3A_1160 : vector<16xi32> to vector<32xbf16>
          %mul3A_1163 = arith.mulf %bitcast3A_1161, %bitcast3A_1162 : vector<32xbf16>
          %unpack3A_1164 = tpu.unpack_subelements %mul3A_1163, 0 {pack_format = #tpu.pack_format<interleaved>} : vector<32xbf16> -> vector<16xf32>
          %unpack3A_1165 = tpu.unpack_subelements %mul3A_1163, 1 {pack_format = #tpu.pack_format<interleaved>} : vector<32xbf16> -> vector<16xf32>
          %add3A_1166 = arith.addf %broadcast_in_dim3A_1150, %unpack3A_1164 : vector<16xf32>
          %add3A_1167 = arith.addf %add3A_1166, %unpack3A_1165 : vector<16xf32>
          %get3A_1168 = arith.constant 1 : i32
          %get3A_1169 = arith.index_cast %get3A_1168 : i32 to index
          %get3A_1170 = arith.index_cast %add3A_1148 : i32 to index
          %get3A_1171 = arith.constant 16 : index
          %get3A_1172 = tpu.vector_load %arg8[%get3A_1169, %get3A_1170, %get3A_1171] {strides = array<i32>} : memref<2x128x64xi32, #tpu.memory_space<vmem>>, vector<16xi32>,
          %get3A_1173 = arith.constant 1 : i32
          %get3A_1174 = arith.index_cast %get3A_1173 : i32 to index
          %get3A_1175 = arith.index_cast %add3A_1148 : i32 to index
          %get3A_1176 = arith.constant 16 : index
          %get3A_1177 = tpu.vector_load %arg9[%get3A_1174, %get3A_1175, %get3A_1176] {strides = array<i32>} : memref<2x128x64xi32, #tpu.memory_space<vmem>>, vector<16xi32>,
          %bitcast3A_1178 = vector.bitcast %get3A_1172 : vector<16xi32> to vector<32xbf16>
          %bitcast3A_1179 = vector.bitcast %get3A_1177 : vector<16xi32> to vector<32xbf16>
          %mul3A_1180 = arith.mulf %bitcast3A_1178, %bitcast3A_1179 : vector<32xbf16>
          %unpack3A_1181 = tpu.unpack_subelements %mul3A_1180, 0 {pack_format = #tpu.pack_format<interleaved>} : vector<32xbf16> -> vector<16xf32>
          %unpack3A_1182 = tpu.unpack_subelements %mul3A_1180, 1 {pack_format = #tpu.pack_format<interleaved>} : vector<32xbf16> -> vector<16xf32>
          %add3A_1183 = arith.addf %add3A_1167, %unpack3A_1181 : vector<16xf32>
          %add3A_1184 = arith.addf %add3A_1183, %unpack3A_1182 : vector<16xf32>
          %get3A_1185 = arith.constant 1 : i32
          %get3A_1186 = arith.index_cast %get3A_1185 : i32 to index
          %get3A_1187 = arith.index_cast %add3A_1148 : i32 to index
          %get3A_1188 = arith.constant 32 : index
          %get3A_1189 = tpu.vector_load %arg8[%get3A_1186, %get3A_1187, %get3A_1188] {strides = array<i32>} : memref<2x128x64xi32, #tpu.memory_space<vmem>>, vector<16xi32>,
          %get3A_1190 = arith.constant 1 : i32
          %get3A_1191 = arith.index_cast %get3A_1190 : i32 to index
          %get3A_1192 = arith.index_cast %add3A_1148 : i32 to index
          %get3A_1193 = arith.constant 32 : index
          %get3A_1194 = tpu.vector_load %arg9[%get3A_1191, %get3A_1192, %get3A_1193] {strides = array<i32>} : memref<2x128x64xi32, #tpu.memory_space<vmem>>, vector<16xi32>,
          %bitcast3A_1195 = vector.bitcast %get3A_1189 : vector<16xi32> to vector<32xbf16>
          %bitcast3A_1196 = vector.bitcast %get3A_1194 : vector<16xi32> to vector<32xbf16>
          %mul3A_1197 = arith.mulf %bitcast3A_1195, %bitcast3A_1196 : vector<32xbf16>
          %unpack3A_1198 = tpu.unpack_subelements %mul3A_1197, 0 {pack_format = #tpu.pack_format<interleaved>} : vector<32xbf16> -> vector<16xf32>
          %unpack3A_1199 = tpu.unpack_subelements %mul3A_1197, 1 {pack_format = #tpu.pack_format<interleaved>} : vector<32xbf16> -> vector<16xf32>
          %add3A_1200 = arith.addf %add3A_1184, %unpack3A_1198 : vector<16xf32>
          %add3A_1201 = arith.addf %add3A_1200, %unpack3A_1199 : vector<16xf32>
          %get3A_1202 = arith.constant 1 : i32
          %get3A_1203 = arith.index_cast %get3A_1202 : i32 to index
          %get3A_1204 = arith.index_cast %add3A_1148 : i32 to index
          %get3A_1205 = arith.constant 48 : index
          %get3A_1206 = tpu.vector_load %arg8[%get3A_1203, %get3A_1204, %get3A_1205] {strides = array<i32>} : memref<2x128x64xi32, #tpu.memory_space<vmem>>, vector<16xi32>,
          %get3A_1207 = arith.constant 1 : i32
          %get3A_1208 = arith.index_cast %get3A_1207 : i32 to index
          %get3A_1209 = arith.index_cast %add3A_1148 : i32 to index
          %get3A_1210 = arith.constant 48 : index
          %get3A_1211 = tpu.vector_load %arg9[%get3A_1208, %get3A_1209, %get3A_1210] {strides = array<i32>} : memref<2x128x64xi32, #tpu.memory_space<vmem>>, vector<16xi32>,
          %bitcast3A_1212 = vector.bitcast %get3A_1206 : vector<16xi32> to vector<32xbf16>
          %bitcast3A_1213 = vector.bitcast %get3A_1211 : vector<16xi32> to vector<32xbf16>
          %mul3A_1214 = arith.mulf %bitcast3A_1212, %bitcast3A_1213 : vector<32xbf16>
          %unpack3A_1215 = tpu.unpack_subelements %mul3A_1214, 0 {pack_format = #tpu.pack_format<interleaved>} : vector<32xbf16> -> vector<16xf32>
          %unpack3A_1216 = tpu.unpack_subelements %mul3A_1214, 1 {pack_format = #tpu.pack_format<interleaved>} : vector<32xbf16> -> vector<16xf32>
          %add3A_1217 = arith.addf %add3A_1201, %unpack3A_1215 : vector<16xf32>
          %add3A_1218 = arith.addf %add3A_1217, %unpack3A_1216 : vector<16xf32>
          %reduce_sum3A_1219 = arith.constant true
          %reduce_sum3A_1220 = vector.broadcast %reduce_sum3A_1219 : i1 to vector<16xi1>
          %reduce_sum3A_1221 = tpu.scan <sum>, %add3A_1218 masked %reduce_sum3A_1220 : vector<16xf32>, vector<16xi1> -> vector<16xf32>
          %reduce_sum3A_1222 = vector.extract %reduce_sum3A_1221[15] : f32 from vector<16xf32>
          %broadcast_in_dim3A_1223 = vector.broadcast %reduce_sum3A_1222 : f32 to vector<16xf32>
          %eq3A_1224 = arith.constant 12 : i32
          %eq3A_1225 = vector.broadcast %eq3A_1224 : i32 to vector<16xi32>
          %eq3A_1226 = arith.cmpi eq, %iota3A, %eq3A_1225 : vector<16xi32>
          %select_n3A_1227 = arith.select %eq3A_1226, %broadcast_in_dim3A_1223, %select_n3A_1144 : vector<16xi1>, vector<16xf32>
          %mul3A_1228 = arith.constant 16 : i32
          %mul3A_1229 = arith.muli %scan3A_151, %mul3A_1228 : i32
          %add3A_1230 = arith.constant 13 : i32
          %add3A_1231 = arith.addi %mul3A_1229, %add3A_1230 : i32
          %broadcast_in_dim3A_1232 = arith.constant 0.000000e+00 : f32
          %broadcast_in_dim3A_1233 = vector.broadcast %broadcast_in_dim3A_1232 : f32 to vector<16xf32>
          %get3A_1234 = arith.constant 1 : i32
          %get3A_1235 = arith.index_cast %get3A_1234 : i32 to index
          %get3A_1236 = arith.index_cast %add3A_1231 : i32 to index
          %get3A_1237 = arith.constant 0 : index
          %get3A_1238 = tpu.vector_load %arg8[%get3A_1235, %get3A_1236, %get3A_1237] {strides = array<i32>} : memref<2x128x64xi32, #tpu.memory_space<vmem>>, vector<16xi32>,
          %get3A_1239 = arith.constant 1 : i32
          %get3A_1240 = arith.index_cast %get3A_1239 : i32 to index
          %get3A_1241 = arith.index_cast %add3A_1231 : i32 to index
          %get3A_1242 = arith.constant 0 : index
          %get3A_1243 = tpu.vector_load %arg9[%get3A_1240, %get3A_1241, %get3A_1242] {strides = array<i32>} : memref<2x128x64xi32, #tpu.memory_space<vmem>>, vector<16xi32>,
          %bitcast3A_1244 = vector.bitcast %get3A_1238 : vector<16xi32> to vector<32xbf16>
          %bitcast3A_1245 = vector.bitcast %get3A_1243 : vector<16xi32> to vector<32xbf16>
          %mul3A_1246 = arith.mulf %bitcast3A_1244, %bitcast3A_1245 : vector<32xbf16>
          %unpack3A_1247 = tpu.unpack_subelements %mul3A_1246, 0 {pack_format = #tpu.pack_format<interleaved>} : vector<32xbf16> -> vector<16xf32>
          %unpack3A_1248 = tpu.unpack_subelements %mul3A_1246, 1 {pack_format = #tpu.pack_format<interleaved>} : vector<32xbf16> -> vector<16xf32>
          %add3A_1249 = arith.addf %broadcast_in_dim3A_1233, %unpack3A_1247 : vector<16xf32>
          %add3A_1250 = arith.addf %add3A_1249, %unpack3A_1248 : vector<16xf32>
          %get3A_1251 = arith.constant 1 : i32
          %get3A_1252 = arith.index_cast %get3A_1251 : i32 to index
          %get3A_1253 = arith.index_cast %add3A_1231 : i32 to index
          %get3A_1254 = arith.constant 16 : index
          %get3A_1255 = tpu.vector_load %arg8[%get3A_1252, %get3A_1253, %get3A_1254] {strides = array<i32>} : memref<2x128x64xi32, #tpu.memory_space<vmem>>, vector<16xi32>,
          %get3A_1256 = arith.constant 1 : i32
          %get3A_1257 = arith.index_cast %get3A_1256 : i32 to index
          %get3A_1258 = arith.index_cast %add3A_1231 : i32 to index
          %get3A_1259 = arith.constant 16 : index
          %get3A_1260 = tpu.vector_load %arg9[%get3A_1257, %get3A_1258, %get3A_1259] {strides = array<i32>} : memref<2x128x64xi32, #tpu.memory_space<vmem>>, vector<16xi32>,
          %bitcast3A_1261 = vector.bitcast %get3A_1255 : vector<16xi32> to vector<32xbf16>
          %bitcast3A_1262 = vector.bitcast %get3A_1260 : vector<16xi32> to vector<32xbf16>
          %mul3A_1263 = arith.mulf %bitcast3A_1261, %bitcast3A_1262 : vector<32xbf16>
          %unpack3A_1264 = tpu.unpack_subelements %mul3A_1263, 0 {pack_format = #tpu.pack_format<interleaved>} : vector<32xbf16> -> vector<16xf32>
          %unpack3A_1265 = tpu.unpack_subelements %mul3A_1263, 1 {pack_format = #tpu.pack_format<interleaved>} : vector<32xbf16> -> vector<16xf32>
          %add3A_1266 = arith.addf %add3A_1250, %unpack3A_1264 : vector<16xf32>
          %add3A_1267 = arith.addf %add3A_1266, %unpack3A_1265 : vector<16xf32>
          %get3A_1268 = arith.constant 1 : i32
          %get3A_1269 = arith.index_cast %get3A_1268 : i32 to index
          %get3A_1270 = arith.index_cast %add3A_1231 : i32 to index
          %get3A_1271 = arith.constant 32 : index
          %get3A_1272 = tpu.vector_load %arg8[%get3A_1269, %get3A_1270, %get3A_1271] {strides = array<i32>} : memref<2x128x64xi32, #tpu.memory_space<vmem>>, vector<16xi32>,
          %get3A_1273 = arith.constant 1 : i32
          %get3A_1274 = arith.index_cast %get3A_1273 : i32 to index
          %get3A_1275 = arith.index_cast %add3A_1231 : i32 to index
          %get3A_1276 = arith.constant 32 : index
          %get3A_1277 = tpu.vector_load %arg9[%get3A_1274, %get3A_1275, %get3A_1276] {strides = array<i32>} : memref<2x128x64xi32, #tpu.memory_space<vmem>>, vector<16xi32>,
          %bitcast3A_1278 = vector.bitcast %get3A_1272 : vector<16xi32> to vector<32xbf16>
          %bitcast3A_1279 = vector.bitcast %get3A_1277 : vector<16xi32> to vector<32xbf16>
          %mul3A_1280 = arith.mulf %bitcast3A_1278, %bitcast3A_1279 : vector<32xbf16>
          %unpack3A_1281 = tpu.unpack_subelements %mul3A_1280, 0 {pack_format = #tpu.pack_format<interleaved>} : vector<32xbf16> -> vector<16xf32>
          %unpack3A_1282 = tpu.unpack_subelements %mul3A_1280, 1 {pack_format = #tpu.pack_format<interleaved>} : vector<32xbf16> -> vector<16xf32>
          %add3A_1283 = arith.addf %add3A_1267, %unpack3A_1281 : vector<16xf32>
          %add3A_1284 = arith.addf %add3A_1283, %unpack3A_1282 : vector<16xf32>
          %get3A_1285 = arith.constant 1 : i32
          %get3A_1286 = arith.index_cast %get3A_1285 : i32 to index
          %get3A_1287 = arith.index_cast %add3A_1231 : i32 to index
          %get3A_1288 = arith.constant 48 : index
          %get3A_1289 = tpu.vector_load %arg8[%get3A_1286, %get3A_1287, %get3A_1288] {strides = array<i32>} : memref<2x128x64xi32, #tpu.memory_space<vmem>>, vector<16xi32>,
          %get3A_1290 = arith.constant 1 : i32
          %get3A_1291 = arith.index_cast %get3A_1290 : i32 to index
          %get3A_1292 = arith.index_cast %add3A_1231 : i32 to index
          %get3A_1293 = arith.constant 48 : index
          %get3A_1294 = tpu.vector_load %arg9[%get3A_1291, %get3A_1292, %get3A_1293] {strides = array<i32>} : memref<2x128x64xi32, #tpu.memory_space<vmem>>, vector<16xi32>,
          %bitcast3A_1295 = vector.bitcast %get3A_1289 : vector<16xi32> to vector<32xbf16>
          %bitcast3A_1296 = vector.bitcast %get3A_1294 : vector<16xi32> to vector<32xbf16>
          %mul3A_1297 = arith.mulf %bitcast3A_1295, %bitcast3A_1296 : vector<32xbf16>
          %unpack3A_1298 = tpu.unpack_subelements %mul3A_1297, 0 {pack_format = #tpu.pack_format<interleaved>} : vector<32xbf16> -> vector<16xf32>
          %unpack3A_1299 = tpu.unpack_subelements %mul3A_1297, 1 {pack_format = #tpu.pack_format<interleaved>} : vector<32xbf16> -> vector<16xf32>
          %add3A_1300 = arith.addf %add3A_1284, %unpack3A_1298 : vector<16xf32>
          %add3A_1301 = arith.addf %add3A_1300, %unpack3A_1299 : vector<16xf32>
          %reduce_sum3A_1302 = arith.constant true
          %reduce_sum3A_1303 = vector.broadcast %reduce_sum3A_1302 : i1 to vector<16xi1>
          %reduce_sum3A_1304 = tpu.scan <sum>, %add3A_1301 masked %reduce_sum3A_1303 : vector<16xf32>, vector<16xi1> -> vector<16xf32>
          %reduce_sum3A_1305 = vector.extract %reduce_sum3A_1304[15] : f32 from vector<16xf32>
          %broadcast_in_dim3A_1306 = vector.broadcast %reduce_sum3A_1305 : f32 to vector<16xf32>
          %eq3A_1307 = arith.constant 13 : i32
          %eq3A_1308 = vector.broadcast %eq3A_1307 : i32 to vector<16xi32>
          %eq3A_1309 = arith.cmpi eq, %iota3A, %eq3A_1308 : vector<16xi32>
          %select_n3A_1310 = arith.select %eq3A_1309, %broadcast_in_dim3A_1306, %select_n3A_1227 : vector<16xi1>, vector<16xf32>
          %mul3A_1311 = arith.constant 16 : i32
          %mul3A_1312 = arith.muli %scan3A_151, %mul3A_1311 : i32
          %add3A_1313 = arith.constant 14 : i32
          %add3A_1314 = arith.addi %mul3A_1312, %add3A_1313 : i32
          %broadcast_in_dim3A_1315 = arith.constant 0.000000e+00 : f32
          %broadcast_in_dim3A_1316 = vector.broadcast %broadcast_in_dim3A_1315 : f32 to vector<16xf32>
          %get3A_1317 = arith.constant 1 : i32
          %get3A_1318 = arith.index_cast %get3A_1317 : i32 to index
          %get3A_1319 = arith.index_cast %add3A_1314 : i32 to index
          %get3A_1320 = arith.constant 0 : index
          %get3A_1321 = tpu.vector_load %arg8[%get3A_1318, %get3A_1319, %get3A_1320] {strides = array<i32>} : memref<2x128x64xi32, #tpu.memory_space<vmem>>, vector<16xi32>,
          %get3A_1322 = arith.constant 1 : i32
          %get3A_1323 = arith.index_cast %get3A_1322 : i32 to index
          %get3A_1324 = arith.index_cast %add3A_1314 : i32 to index
          %get3A_1325 = arith.constant 0 : index
          %get3A_1326 = tpu.vector_load %arg9[%get3A_1323, %get3A_1324, %get3A_1325] {strides = array<i32>} : memref<2x128x64xi32, #tpu.memory_space<vmem>>, vector<16xi32>,
          %bitcast3A_1327 = vector.bitcast %get3A_1321 : vector<16xi32> to vector<32xbf16>
          %bitcast3A_1328 = vector.bitcast %get3A_1326 : vector<16xi32> to vector<32xbf16>
          %mul3A_1329 = arith.mulf %bitcast3A_1327, %bitcast3A_1328 : vector<32xbf16>
          %unpack3A_1330 = tpu.unpack_subelements %mul3A_1329, 0 {pack_format = #tpu.pack_format<interleaved>} : vector<32xbf16> -> vector<16xf32>
          %unpack3A_1331 = tpu.unpack_subelements %mul3A_1329, 1 {pack_format = #tpu.pack_format<interleaved>} : vector<32xbf16> -> vector<16xf32>
          %add3A_1332 = arith.addf %broadcast_in_dim3A_1316, %unpack3A_1330 : vector<16xf32>
          %add3A_1333 = arith.addf %add3A_1332, %unpack3A_1331 : vector<16xf32>
          %get3A_1334 = arith.constant 1 : i32
          %get3A_1335 = arith.index_cast %get3A_1334 : i32 to index
          %get3A_1336 = arith.index_cast %add3A_1314 : i32 to index
          %get3A_1337 = arith.constant 16 : index
          %get3A_1338 = tpu.vector_load %arg8[%get3A_1335, %get3A_1336, %get3A_1337] {strides = array<i32>} : memref<2x128x64xi32, #tpu.memory_space<vmem>>, vector<16xi32>,
          %get3A_1339 = arith.constant 1 : i32
          %get3A_1340 = arith.index_cast %get3A_1339 : i32 to index
          %get3A_1341 = arith.index_cast %add3A_1314 : i32 to index
          %get3A_1342 = arith.constant 16 : index
          %get3A_1343 = tpu.vector_load %arg9[%get3A_1340, %get3A_1341, %get3A_1342] {strides = array<i32>} : memref<2x128x64xi32, #tpu.memory_space<vmem>>, vector<16xi32>,
          %bitcast3A_1344 = vector.bitcast %get3A_1338 : vector<16xi32> to vector<32xbf16>
          %bitcast3A_1345 = vector.bitcast %get3A_1343 : vector<16xi32> to vector<32xbf16>
          %mul3A_1346 = arith.mulf %bitcast3A_1344, %bitcast3A_1345 : vector<32xbf16>
          %unpack3A_1347 = tpu.unpack_subelements %mul3A_1346, 0 {pack_format = #tpu.pack_format<interleaved>} : vector<32xbf16> -> vector<16xf32>
          %unpack3A_1348 = tpu.unpack_subelements %mul3A_1346, 1 {pack_format = #tpu.pack_format<interleaved>} : vector<32xbf16> -> vector<16xf32>
          %add3A_1349 = arith.addf %add3A_1333, %unpack3A_1347 : vector<16xf32>
          %add3A_1350 = arith.addf %add3A_1349, %unpack3A_1348 : vector<16xf32>
          %get3A_1351 = arith.constant 1 : i32
          %get3A_1352 = arith.index_cast %get3A_1351 : i32 to index
          %get3A_1353 = arith.index_cast %add3A_1314 : i32 to index
          %get3A_1354 = arith.constant 32 : index
          %get3A_1355 = tpu.vector_load %arg8[%get3A_1352, %get3A_1353, %get3A_1354] {strides = array<i32>} : memref<2x128x64xi32, #tpu.memory_space<vmem>>, vector<16xi32>,
          %get3A_1356 = arith.constant 1 : i32
          %get3A_1357 = arith.index_cast %get3A_1356 : i32 to index
          %get3A_1358 = arith.index_cast %add3A_1314 : i32 to index
          %get3A_1359 = arith.constant 32 : index
          %get3A_1360 = tpu.vector_load %arg9[%get3A_1357, %get3A_1358, %get3A_1359] {strides = array<i32>} : memref<2x128x64xi32, #tpu.memory_space<vmem>>, vector<16xi32>,
          %bitcast3A_1361 = vector.bitcast %get3A_1355 : vector<16xi32> to vector<32xbf16>
          %bitcast3A_1362 = vector.bitcast %get3A_1360 : vector<16xi32> to vector<32xbf16>
          %mul3A_1363 = arith.mulf %bitcast3A_1361, %bitcast3A_1362 : vector<32xbf16>
          %unpack3A_1364 = tpu.unpack_subelements %mul3A_1363, 0 {pack_format = #tpu.pack_format<interleaved>} : vector<32xbf16> -> vector<16xf32>
          %unpack3A_1365 = tpu.unpack_subelements %mul3A_1363, 1 {pack_format = #tpu.pack_format<interleaved>} : vector<32xbf16> -> vector<16xf32>
          %add3A_1366 = arith.addf %add3A_1350, %unpack3A_1364 : vector<16xf32>
          %add3A_1367 = arith.addf %add3A_1366, %unpack3A_1365 : vector<16xf32>
          %get3A_1368 = arith.constant 1 : i32
          %get3A_1369 = arith.index_cast %get3A_1368 : i32 to index
          %get3A_1370 = arith.index_cast %add3A_1314 : i32 to index
          %get3A_1371 = arith.constant 48 : index
          %get3A_1372 = tpu.vector_load %arg8[%get3A_1369, %get3A_1370, %get3A_1371] {strides = array<i32>} : memref<2x128x64xi32, #tpu.memory_space<vmem>>, vector<16xi32>,
          %get3A_1373 = arith.constant 1 : i32
          %get3A_1374 = arith.index_cast %get3A_1373 : i32 to index
          %get3A_1375 = arith.index_cast %add3A_1314 : i32 to index
          %get3A_1376 = arith.constant 48 : index
          %get3A_1377 = tpu.vector_load %arg9[%get3A_1374, %get3A_1375, %get3A_1376] {strides = array<i32>} : memref<2x128x64xi32, #tpu.memory_space<vmem>>, vector<16xi32>,
          %bitcast3A_1378 = vector.bitcast %get3A_1372 : vector<16xi32> to vector<32xbf16>
          %bitcast3A_1379 = vector.bitcast %get3A_1377 : vector<16xi32> to vector<32xbf16>
          %mul3A_1380 = arith.mulf %bitcast3A_1378, %bitcast3A_1379 : vector<32xbf16>
          %unpack3A_1381 = tpu.unpack_subelements %mul3A_1380, 0 {pack_format = #tpu.pack_format<interleaved>} : vector<32xbf16> -> vector<16xf32>
          %unpack3A_1382 = tpu.unpack_subelements %mul3A_1380, 1 {pack_format = #tpu.pack_format<interleaved>} : vector<32xbf16> -> vector<16xf32>
          %add3A_1383 = arith.addf %add3A_1367, %unpack3A_1381 : vector<16xf32>
          %add3A_1384 = arith.addf %add3A_1383, %unpack3A_1382 : vector<16xf32>
          %reduce_sum3A_1385 = arith.constant true
          %reduce_sum3A_1386 = vector.broadcast %reduce_sum3A_1385 : i1 to vector<16xi1>
          %reduce_sum3A_1387 = tpu.scan <sum>, %add3A_1384 masked %reduce_sum3A_1386 : vector<16xf32>, vector<16xi1> -> vector<16xf32>
          %reduce_sum3A_1388 = vector.extract %reduce_sum3A_1387[15] : f32 from vector<16xf32>
          %broadcast_in_dim3A_1389 = vector.broadcast %reduce_sum3A_1388 : f32 to vector<16xf32>
          %eq3A_1390 = arith.constant 14 : i32
          %eq3A_1391 = vector.broadcast %eq3A_1390 : i32 to vector<16xi32>
          %eq3A_1392 = arith.cmpi eq, %iota3A, %eq3A_1391 : vector<16xi32>
          %select_n3A_1393 = arith.select %eq3A_1392, %broadcast_in_dim3A_1389, %select_n3A_1310 : vector<16xi1>, vector<16xf32>
          %mul3A_1394 = arith.constant 16 : i32
          %mul3A_1395 = arith.muli %scan3A_151, %mul3A_1394 : i32
          %add3A_1396 = arith.constant 15 : i32
          %add3A_1397 = arith.addi %mul3A_1395, %add3A_1396 : i32
          %broadcast_in_dim3A_1398 = arith.constant 0.000000e+00 : f32
          %broadcast_in_dim3A_1399 = vector.broadcast %broadcast_in_dim3A_1398 : f32 to vector<16xf32>
          %get3A_1400 = arith.constant 1 : i32
          %get3A_1401 = arith.index_cast %get3A_1400 : i32 to index
          %get3A_1402 = arith.index_cast %add3A_1397 : i32 to index
          %get3A_1403 = arith.constant 0 : index
          %get3A_1404 = tpu.vector_load %arg8[%get3A_1401, %get3A_1402, %get3A_1403] {strides = array<i32>} : memref<2x128x64xi32, #tpu.memory_space<vmem>>, vector<16xi32>,
          %get3A_1405 = arith.constant 1 : i32
          %get3A_1406 = arith.index_cast %get3A_1405 : i32 to index
          %get3A_1407 = arith.index_cast %add3A_1397 : i32 to index
          %get3A_1408 = arith.constant 0 : index
          %get3A_1409 = tpu.vector_load %arg9[%get3A_1406, %get3A_1407, %get3A_1408] {strides = array<i32>} : memref<2x128x64xi32, #tpu.memory_space<vmem>>, vector<16xi32>,
          %bitcast3A_1410 = vector.bitcast %get3A_1404 : vector<16xi32> to vector<32xbf16>
          %bitcast3A_1411 = vector.bitcast %get3A_1409 : vector<16xi32> to vector<32xbf16>
          %mul3A_1412 = arith.mulf %bitcast3A_1410, %bitcast3A_1411 : vector<32xbf16>
          %unpack3A_1413 = tpu.unpack_subelements %mul3A_1412, 0 {pack_format = #tpu.pack_format<interleaved>} : vector<32xbf16> -> vector<16xf32>
          %unpack3A_1414 = tpu.unpack_subelements %mul3A_1412, 1 {pack_format = #tpu.pack_format<interleaved>} : vector<32xbf16> -> vector<16xf32>
          %add3A_1415 = arith.addf %broadcast_in_dim3A_1399, %unpack3A_1413 : vector<16xf32>
          %add3A_1416 = arith.addf %add3A_1415, %unpack3A_1414 : vector<16xf32>
          %get3A_1417 = arith.constant 1 : i32
          %get3A_1418 = arith.index_cast %get3A_1417 : i32 to index
          %get3A_1419 = arith.index_cast %add3A_1397 : i32 to index
          %get3A_1420 = arith.constant 16 : index
          %get3A_1421 = tpu.vector_load %arg8[%get3A_1418, %get3A_1419, %get3A_1420] {strides = array<i32>} : memref<2x128x64xi32, #tpu.memory_space<vmem>>, vector<16xi32>,
          %get3A_1422 = arith.constant 1 : i32
          %get3A_1423 = arith.index_cast %get3A_1422 : i32 to index
          %get3A_1424 = arith.index_cast %add3A_1397 : i32 to index
          %get3A_1425 = arith.constant 16 : index
          %get3A_1426 = tpu.vector_load %arg9[%get3A_1423, %get3A_1424, %get3A_1425] {strides = array<i32>} : memref<2x128x64xi32, #tpu.memory_space<vmem>>, vector<16xi32>,
          %bitcast3A_1427 = vector.bitcast %get3A_1421 : vector<16xi32> to vector<32xbf16>
          %bitcast3A_1428 = vector.bitcast %get3A_1426 : vector<16xi32> to vector<32xbf16>
          %mul3A_1429 = arith.mulf %bitcast3A_1427, %bitcast3A_1428 : vector<32xbf16>
          %unpack3A_1430 = tpu.unpack_subelements %mul3A_1429, 0 {pack_format = #tpu.pack_format<interleaved>} : vector<32xbf16> -> vector<16xf32>
          %unpack3A_1431 = tpu.unpack_subelements %mul3A_1429, 1 {pack_format = #tpu.pack_format<interleaved>} : vector<32xbf16> -> vector<16xf32>
          %add3A_1432 = arith.addf %add3A_1416, %unpack3A_1430 : vector<16xf32>
          %add3A_1433 = arith.addf %add3A_1432, %unpack3A_1431 : vector<16xf32>
          %get3A_1434 = arith.constant 1 : i32
          %get3A_1435 = arith.index_cast %get3A_1434 : i32 to index
          %get3A_1436 = arith.index_cast %add3A_1397 : i32 to index
          %get3A_1437 = arith.constant 32 : index
          %get3A_1438 = tpu.vector_load %arg8[%get3A_1435, %get3A_1436, %get3A_1437] {strides = array<i32>} : memref<2x128x64xi32, #tpu.memory_space<vmem>>, vector<16xi32>,
          %get3A_1439 = arith.constant 1 : i32
          %get3A_1440 = arith.index_cast %get3A_1439 : i32 to index
          %get3A_1441 = arith.index_cast %add3A_1397 : i32 to index
          %get3A_1442 = arith.constant 32 : index
          %get3A_1443 = tpu.vector_load %arg9[%get3A_1440, %get3A_1441, %get3A_1442] {strides = array<i32>} : memref<2x128x64xi32, #tpu.memory_space<vmem>>, vector<16xi32>,
          %bitcast3A_1444 = vector.bitcast %get3A_1438 : vector<16xi32> to vector<32xbf16>
          %bitcast3A_1445 = vector.bitcast %get3A_1443 : vector<16xi32> to vector<32xbf16>
          %mul3A_1446 = arith.mulf %bitcast3A_1444, %bitcast3A_1445 : vector<32xbf16>
          %unpack3A_1447 = tpu.unpack_subelements %mul3A_1446, 0 {pack_format = #tpu.pack_format<interleaved>} : vector<32xbf16> -> vector<16xf32>
          %unpack3A_1448 = tpu.unpack_subelements %mul3A_1446, 1 {pack_format = #tpu.pack_format<interleaved>} : vector<32xbf16> -> vector<16xf32>
          %add3A_1449 = arith.addf %add3A_1433, %unpack3A_1447 : vector<16xf32>
          %add3A_1450 = arith.addf %add3A_1449, %unpack3A_1448 : vector<16xf32>
          %get3A_1451 = arith.constant 1 : i32
          %get3A_1452 = arith.index_cast %get3A_1451 : i32 to index
          %get3A_1453 = arith.index_cast %add3A_1397 : i32 to index
          %get3A_1454 = arith.constant 48 : index
          %get3A_1455 = tpu.vector_load %arg8[%get3A_1452, %get3A_1453, %get3A_1454] {strides = array<i32>} : memref<2x128x64xi32, #tpu.memory_space<vmem>>, vector<16xi32>,
          %get3A_1456 = arith.constant 1 : i32
          %get3A_1457 = arith.index_cast %get3A_1456 : i32 to index
          %get3A_1458 = arith.index_cast %add3A_1397 : i32 to index
          %get3A_1459 = arith.constant 48 : index
          %get3A_1460 = tpu.vector_load %arg9[%get3A_1457, %get3A_1458, %get3A_1459] {strides = array<i32>} : memref<2x128x64xi32, #tpu.memory_space<vmem>>, vector<16xi32>,
          %bitcast3A_1461 = vector.bitcast %get3A_1455 : vector<16xi32> to vector<32xbf16>
          %bitcast3A_1462 = vector.bitcast %get3A_1460 : vector<16xi32> to vector<32xbf16>
          %mul3A_1463 = arith.mulf %bitcast3A_1461, %bitcast3A_1462 : vector<32xbf16>
          %unpack3A_1464 = tpu.unpack_subelements %mul3A_1463, 0 {pack_format = #tpu.pack_format<interleaved>} : vector<32xbf16> -> vector<16xf32>
          %unpack3A_1465 = tpu.unpack_subelements %mul3A_1463, 1 {pack_format = #tpu.pack_format<interleaved>} : vector<32xbf16> -> vector<16xf32>
          %add3A_1466 = arith.addf %add3A_1450, %unpack3A_1464 : vector<16xf32>
          %add3A_1467 = arith.addf %add3A_1466, %unpack3A_1465 : vector<16xf32>
          %reduce_sum3A_1468 = arith.constant true
          %reduce_sum3A_1469 = vector.broadcast %reduce_sum3A_1468 : i1 to vector<16xi1>
          %reduce_sum3A_1470 = tpu.scan <sum>, %add3A_1467 masked %reduce_sum3A_1469 : vector<16xf32>, vector<16xi1> -> vector<16xf32>
          %reduce_sum3A_1471 = vector.extract %reduce_sum3A_1470[15] : f32 from vector<16xf32>
          %broadcast_in_dim3A_1472 = vector.broadcast %reduce_sum3A_1471 : f32 to vector<16xf32>
          %eq3A_1473 = arith.constant 15 : i32
          %eq3A_1474 = vector.broadcast %eq3A_1473 : i32 to vector<16xi32>
          %eq3A_1475 = arith.cmpi eq, %iota3A, %eq3A_1474 : vector<16xi32>
          %select_n3A_1476 = arith.select %eq3A_1475, %broadcast_in_dim3A_1472, %select_n3A_1393 : vector<16xi1>, vector<16xf32>
          %neg3A = arith.constant 0.000000e+00 : f32
          %neg3A_1477 = vector.broadcast %neg3A : f32 to vector<16xf32>
          %neg3A_1478 = arith.subf %neg3A_1477, %select_n3A_1476 : vector<16xf32>
          %exp3A = math.exp %neg3A_1478 : vector<16xf32>
          %add3A_1479 = arith.constant 1.000000e+00 : f32
          %add3A_1480 = vector.broadcast %add3A_1479 : f32 to vector<16xf32>
          %add3A_1481 = arith.addf %add3A_1480, %exp3A : vector<16xf32>
          %div3A = arith.constant 1.000000e+00 : f32
          %div3A_1482 = vector.broadcast %div3A : f32 to vector<16xf32>
          %div3A_1483 = arith.divf %div3A_1482, %add3A_1481 : vector<16xf32>
          %mul3A_1484 = arith.constant 16 : i32
          %mul3A_1485 = arith.muli %scan3A_151, %mul3A_1484 : i32
          %swap3A = arith.constant 1 : i32
          %swap3A_1486 = arith.index_cast %swap3A : i32 to index
          %swap3A_1487 = arith.index_cast %mul3A_1485 : i32 to index
          %swap3A_1488 = tpu.vector_load %arg10[%swap3A_1486, %swap3A_1487] {strides = array<i32>} : memref<2x128xf32, #tpu.memory_space<vmem>>, vector<16xf32>,
          tpu.vector_store %arg10[%swap3A_1486, %swap3A_1487], %div3A_1483 {strides = array<i32>} : memref<2x128xf32, #tpu.memory_space<vmem>>, vector<16xf32>,
        }
        %scan3A_133 = arith.constant 8 : i32
        %eq3A = arith.constant 78 : i32
        %eq3A_134 = arith.cmpi eq, %add3A_97, %eq3A : i32
        %add3A_135 = arith.constant 2496 : i32
        %add3A_136 = arith.addi %add3A_135, %add3A : i32
        %mul3A_137 = arith.constant 78 : i32
        %mul3A_138 = arith.muli %add3A, %mul3A_137 : i32
        %add3A_139 = arith.addi %mul3A_138, %add3A_97 : i32
        %select_n3A = arith.select %eq3A_134, %add3A_136, %add3A_139 : i32
        %mul3A_140 = arith.constant 128 : i32
        %mul3A_141 = arith.muli %select_n3A, %mul3A_140 : i32
        %dma_start3A_142 = arith.constant 1 : i32
        %dma_start3A_143 = arith.constant 0 : i32
        %dma_start3A_144 = tpu.memref_slice %arg10[%dma_start3A_142, %dma_start3A_143] : memref<2x128xf32, #tpu.memory_space<vmem>> -> memref<1x128xf32, #tpu.memory_space<vmem>>
        %dma_start3A_145 = tpu.memref_squeeze %dma_start3A_144 : memref<1x128xf32, #tpu.memory_space<vmem>> -> memref<128xf32, #tpu.memory_space<vmem>>
        %dma_start3A_146 = tpu.memref_slice %arg5[%mul3A_141] : memref<320000xf32, #tpu.memory_space<hbm>> -> memref<128xf32, #tpu.memory_space<hbm>>
        %dma_start3A_147 = tpu.memref_slice %arg5[%mul3A_141] : memref<320000xf32, #tpu.memory_space<hbm>> -> memref<128xf32, #tpu.memory_space<hbm>>
        %dma_start3A_148 = arith.constant 0 : i32
        %dma_start3A_149 = tpu.memref_slice %arg10[%dma_start3A_142, %dma_start3A_148] : memref<2x128xf32, #tpu.memory_space<vmem>> -> memref<1x128xf32, #tpu.memory_space<vmem>>
        %dma_start3A_150 = tpu.memref_squeeze %dma_start3A_149 : memref<1x128xf32, #tpu.memory_space<vmem>> -> memref<128xf32, #tpu.memory_space<vmem>>
        tpu.enqueue_dma source(%dma_start3A_150 : memref<128xf32, #tpu.memory_space<vmem>>) target(%dma_start3A_147 : memref<128xf32, #tpu.memory_space<hbm>>) target_semaphore(%arg17 : memref<!tpu.dma_semaphore, #tpu.memory_space<semaphore_mem>>)
      } else {
      }
    }
    %scan3A_60 = arith.constant 40 : i32
    %dma_wait3A_61 = arith.constant 0 : i32
    %dma_wait3A_62 = arith.constant 0 : i32
    %dma_wait3A_63 = tpu.memref_slice %arg10[%dma_wait3A_61, %dma_wait3A_62] : memref<2x128xf32, #tpu.memory_space<vmem>> -> memref<1x128xf32, #tpu.memory_space<vmem>>
    %dma_wait3A_64 = tpu.memref_squeeze %dma_wait3A_63 : memref<1x128xf32, #tpu.memory_space<vmem>> -> memref<128xf32, #tpu.memory_space<vmem>>
    %dma_wait3A_65 = arith.constant 0 : i32
    %dma_wait3A_66 = tpu.memref_slice %arg5[%dma_wait3A_65] : memref<320000xf32, #tpu.memory_space<hbm>> -> memref<128xf32, #tpu.memory_space<hbm>>
    %dma_wait3A_67 = arith.constant 0 : i32
    %dma_wait3A_68 = tpu.memref_slice %arg5[%dma_wait3A_67] : memref<320000xf32, #tpu.memory_space<hbm>> -> memref<128xf32, #tpu.memory_space<hbm>>
    %dma_wait3A_69 = arith.constant 0 : i32
    %dma_wait3A_70 = tpu.memref_slice %arg10[%dma_wait3A_61, %dma_wait3A_69] : memref<2x128xf32, #tpu.memory_space<vmem>> -> memref<1x128xf32, #tpu.memory_space<vmem>>
    %dma_wait3A_71 = tpu.memref_squeeze %dma_wait3A_70 : memref<1x128xf32, #tpu.memory_space<vmem>> -> memref<128xf32, #tpu.memory_space<vmem>>
    tpu.wait_dma2 semaphore(%arg16 : memref<!tpu.dma_semaphore, #tpu.memory_space<semaphore_mem>>) src(%dma_wait3A_71 : memref<128xf32, #tpu.memory_space<vmem>>) dst(%dma_wait3A_68 : memref<128xf32, #tpu.memory_space<hbm>>)
    %dma_wait3A_72 = arith.constant 1 : i32
    %dma_wait3A_73 = arith.constant 0 : i32
    %dma_wait3A_74 = tpu.memref_slice %arg10[%dma_wait3A_72, %dma_wait3A_73] : memref<2x128xf32, #tpu.memory_space<vmem>> -> memref<1x128xf32, #tpu.memory_space<vmem>>
    %dma_wait3A_75 = tpu.memref_squeeze %dma_wait3A_74 : memref<1x128xf32, #tpu.memory_space<vmem>> -> memref<128xf32, #tpu.memory_space<vmem>>
    %dma_wait3A_76 = arith.constant 0 : i32
    %dma_wait3A_77 = tpu.memref_slice %arg5[%dma_wait3A_76] : memref<320000xf32, #tpu.memory_space<hbm>> -> memref<128xf32, #tpu.memory_space<hbm>>
    %dma_wait3A_78 = arith.constant 0 : i32
    %dma_wait3A_79 = tpu.memref_slice %arg5[%dma_wait3A_78] : memref<320000xf32, #tpu.memory_space<hbm>> -> memref<128xf32, #tpu.memory_space<hbm>>
    %dma_wait3A_80 = arith.constant 0 : i32
    %dma_wait3A_81 = tpu.memref_slice %arg10[%dma_wait3A_72, %dma_wait3A_80] : memref<2x128xf32, #tpu.memory_space<vmem>> -> memref<1x128xf32, #tpu.memory_space<vmem>>
    %dma_wait3A_82 = tpu.memref_squeeze %dma_wait3A_81 : memref<1x128xf32, #tpu.memory_space<vmem>> -> memref<128xf32, #tpu.memory_space<vmem>>
    tpu.wait_dma2 semaphore(%arg17 : memref<!tpu.dma_semaphore, #tpu.memory_space<semaphore_mem>>) src(%dma_wait3A_82 : memref<128xf32, #tpu.memory_space<vmem>>) dst(%dma_wait3A_79 : memref<128xf32, #tpu.memory_space<hbm>>)
    return
  }
}

</mosaic_0001>

<sc_bundles>
// kernel: kernel.3.cloned.1.call-start
scs
__scs_entry_jumppad:
0x0: {  	(pc) =	sbr.rel $0x88, $3  }
0x1: {  	(tag) =	ssettag $0x0;
	lr =	simm.s32 $0x1  }
0x2: {  	[smem:$0x3F9F] =	sst lr;
	_ =	strace $0xD0000000  }
0x3: {  	_ = 	snop  }
0x4: {  	_ = 	snop  }
0x5: {  	_ = 	snop  }
0x6: {  	_ = 	snop  }
0x7: {  	_ = 	snop  }
__scs_overlays_trampoline_lowered:
0x8: {  	[smem:$0x3FAE] =	sst s0  }
0x9: {  	[smem:$0x3FAF] =	sst s1  }
0xa: {  	[smem:$0x3FB0] =	sst s2  }
0xb: {  	[smem:$0x3FB1] =	sst s3  }
0xc: {  	[smem:$0x3FB2] =	sst s4  }
0xd: {  	[smem:$0x3FB3] =	sst s5  }
0xe: {  	[smem:$0x3FB4] =	sst s6  }
0xf: {  	[smem:$0x3FB5] =	sst s7  }
0x10: {  	[smem:$0x3FB6] =	sst s8  }
0x11: {  	[smem:$0x3FB7] =	sst s9;
	s0 =	simm.s32 @!p0 $0x0  }
0x12: {  	s1 =	sld [smem:$0x3F9D];
	s0 =	simm.s32 @p0 $0x1  }
0x13: {  	[smem:$0x3FB8] =	sst s0;
	s0 =	simm.s32 @!p1 $0x0  }
0x14: {  	s2 =	sld [smem:$0x3F9C];
	s0 =	simm.s32 @p1 $0x1  }
0x15: {  	[smem:$0x3FB9] =	sst s0;
	s0 =	simm.s32 @!p2 $0x0  }
0x16: {  	s3 =	sld [smem:$0x3FDB];
	s0 =	simm.s32 @p2 $0x1  }
0x17: {  	s4 =	simm.s32 $0x1BF5;
	[smem:$0x3FBB] =	sst s0  }
0x18: {  	s0 =	sld [smem:$0x3F9E];
	_ =	swait.ge [sflag:s4], $0x0  }
0x19: {  	s7 =	sld [smem:$0x3F9F]  }
0x1a: {  	s8 =	sadd.s32 $0xFFFFE003, lr  }
0x1b: {  	s9 =	sadd.s32 $0xFFFFFEF7, lr;
	s5 =	simm.s32 $0xFFFFFFFF;
	p2 =	slt.u32 s8, $0xFFFFF086  }
0x1c: {  	p1 =	slt.u32 s9, $0xF7A;
	s5 =	simm.s32 @!p2 $0x0  }
0x1d: {  	s5 =	simm.s32 @p1 $0x1;
	p0 =	seq.s32 s7, s2  }
0x1e: {  	s7 =	smul.u32 @!p0 $0xF7A, s2;
	p2 =	seq.s32 @!p0 s5, $0x0  }
0x1f: {  	s9 =	smul.u32 $0xF7A, s1;
	s8 =	simm.s32 @!p0 $0x1BF5;
	p2 =	por !p2, p0  }
0x20: {  	[sflag:s8] =	ssyncset.s32 @!p0 $0xFFFFF086;
	s6 =	sadd.s32 @!p0 s3, s7;
	s7 =	simm.s32 @!p0 $0x108  }
0x21: {  	s3 =	sadd.s32 s3, s9;
	s6 =	sadd.s32 @!p0 $0x88, s6;
	s7 =	simm.s32 @p2 $0x1082  }
0x22: {  	[simem:s7], [sflag:s8] =	dma.local @!p0 [hbm:s6], $0xF7A  }
0x23: {  	s9 =	sor.u32 $0xD0000000, s2;
	s6 =	simm.s32 $0x108;
	_ =	swait.ge @!p0 [sflag:s8], $0x0  }
0x24: {  	s3 =	sadd.s32 $0x88, s3;
	s6 =	simm.s32 @!p1 $0x1082;
	[sflag:s4] =	ssyncset.s32 $0xFFFFF086  }
0x25: {  	[simem:s6], [sflag:s4] =	dma.local [hbm:s3], $0xF7A  }
0x26: {  	[smem:$0x3F9F] =	sst s1;
	(tag) =	ssettag s2;
	_ =	strace s9  }
0x27: {  	s1 =	sld [smem:$0x3FAF]  }
0x28: {  	s2 =	sld [smem:$0x3FB0]  }
0x29: {  	s4 =	sld [smem:$0x3FB2]  }
0x2a: {  	p0 =	seq.s32 s5, $0x0;
	s5 =	sld [smem:$0x3FB3]  }
0x2b: {  	s6 =	sld [smem:$0x3FB4]  }
0x2c: {  	s7 =	sld [smem:$0x3FB5]  }
0x2d: {  	s3 =	simm.s32 $0x108;
	s8 =	sld [smem:$0x3FB6]  }
0x2e: {  	s3 =	simm.s32 @!p0 $0x1082;
	s9 =	sld [smem:$0x3FB7]  }
0x2f: {  	lr =	sadd.s32 s0, s3;
	s0 =	sld [smem:$0x3FAE]  }
0x30: {  	s3 =	sld [smem:$0x3FB1]  }
0x31: {  	[smem:$0x3FBA] =	sst s10  }
0x32: {  	s10 =	sld [smem:$0x3FB8];
	_ =	sdelay $0x3  }
0x33: {  	p0 =	seq.s32 s10, $0x1;
	s10 =	sld [smem:$0x3FBA];
	_ =	sdelay $0x3  }
0x34: {  	[smem:$0x3FBA] =	sst s10  }
0x35: {  	s10 =	sld [smem:$0x3FB9];
	_ =	sdelay $0x3  }
0x36: {  	p1 =	seq.s32 s10, $0x1;
	s10 =	sld [smem:$0x3FBA];
	_ =	sdelay $0x3  }
0x37: {  	[smem:$0x3FBA] =	sst s10  }
0x38: {  	s10 =	sld [smem:$0x3FBB]  }
0x39: {  	_ = 	snop;
	(pc) =	sbr.ind lr, $3  }
0x3a: {  	_ = 	snop  }
0x3b: {  	_ = 	snop  }
0x3c: {  	p2 =	seq.s32 s10, $0x1;
	s10 =	sld [smem:$0x3FBA]  }
0x3d: {  	_ =	shalt  }
0x3e: {  	_ =	shalt  }
0x3f: {  	_ =	shalt  }
0x40: {  	_ =	shalt  }
0x41: {  	_ =	shalt  }
0x42: {  	_ =	shalt  }
0x43: {  	_ =	shalt  }
0x44: {  	_ =	shalt  }
0x45: {  	_ =	shalt  }
0x46: {  	_ =	shalt  }
0x47: {  	_ =	shalt  }
0x48: {  	_ =	shalt  }
0x49: {  	_ =	shalt  }
0x4a: {  	_ =	shalt  }
0x4b: {  	_ =	shalt  }
0x4c: {  	_ =	shalt  }
0x4d: {  	_ =	shalt  }
0x4e: {  	_ =	shalt  }
0x4f: {  	_ =	shalt  }
0x50: {  	_ =	shalt  }
0x51: {  	_ =	shalt  }
0x52: {  	_ =	shalt  }
0x53: {  	_ =	shalt  }
0x54: {  	_ =	shalt  }
0x55: {  	_ =	shalt  }
0x56: {  	_ =	shalt  }
0x57: {  	_ =	shalt  }
0x58: {  	_ =	shalt  }
0x59: {  	_ =	shalt  }
0x5a: {  	_ =	shalt  }
0x5b: {  	_ =	shalt  }
0x5c: {  	_ =	shalt  }
0x5d: {  	_ =	shalt  }
0x5e: {  	_ =	shalt  }
0x5f: {  	_ =	shalt  }
0x60: {  	_ =	shalt  }
0x61: {  	_ =	shalt  }
0x62: {  	_ =	shalt  }
0x63: {  	_ =	shalt  }
0x64: {  	_ =	shalt  }
0x65: {  	_ =	shalt  }
0x66: {  	_ =	shalt  }
0x67: {  	_ =	shalt  }
0x68: {  	_ =	shalt  }
0x69: {  	_ =	shalt  }
0x6a: {  	_ =	shalt  }
0x6b: {  	_ =	shalt  }
0x6c: {  	_ =	shalt  }
0x6d: {  	_ =	shalt  }
0x6e: {  	_ =	shalt  }
0x6f: {  	_ =	shalt  }
0x70: {  	_ =	shalt  }
0x71: {  	_ =	shalt  }
0x72: {  	_ =	shalt  }
0x73: {  	_ =	shalt  }
0x74: {  	_ =	shalt  }
0x75: {  	_ =	shalt  }
0x76: {  	_ =	shalt  }
0x77: {  	_ =	shalt  }
0x78: {  	_ =	shalt  }
0x79: {  	_ =	shalt  }
0x7a: {  	_ =	shalt  }
0x7b: {  	_ =	shalt  }
0x7c: {  	_ =	shalt  }
0x7d: {  	_ =	shalt  }
0x7e: {  	_ =	shalt  }
0x7f: {  	_ =	shalt  }
0x80: {  	_ =	shalt  }
0x81: {  	_ =	shalt  }
0x82: {  	_ =	shalt  }
0x83: {  	_ =	shalt  }
0x84: {  	_ =	shalt  }
0x85: {  	_ =	shalt  }
0x86: {  	_ =	shalt  }
0x87: {  	_ =	shalt  }
.Lfunc_end0:
.L_simem_size_0:
called_computation_lowered:
.L_overlay_start_0:
0x88: {  	s2 =	sld [smem:$0x3FD9]  }
0x89: {  	s3 =	sld [smem:$0x3FFE];
	_ =	sdelay $0x1  }
0x8a: {  	s1 =	srdreg.scid  }
0x8b: {  	s0 =	sand.u32 $0x1, s1  }
0x8c: {  	s17 =	sshll.u32 s0, $0xA;
	s2 =	sadd.s32 s3, s2  }
0x8d: {  	s2 =	sadd.s32 s2, s17  }
0x8e: {  	[smem:$0x3FC6] =	sst s2  }
0x8f: {  	_ = 	snop  }
0x90: {  	s2 =	sld [smem:$0x3FD0];
	(tm) =	ssettm $0x1  }
0x91: {  	s18 =	sld [smem:$0x3FFB];
	_ =	sdelay $0x3  }
0x92: {  	_ =	strace s18  }
0x93: {  	s3 =	sld [smem:$0x3FFC];
	_ =	sdelay $0x3  }
0x94: {  	_ =	strace s3  }
0x95: {  	s3 =	sld [smem:$0x3FFD];
	_ =	sdelay $0x3  }
0x96: {  	_ =	strace s3  }
0x97: {  	_ =	strace $0x8FFFFFFF  }
0x98: {  	s19 =	sld [smem:$0x3FDB];
	_ =	sdelay $0x1  }
0x99: {  	s4 =	simm.s32 $_scs_section_size  }
0x9a: {  	s5 =	simm.s32 $_size__tile_overlayer_lowered;
	s6 =	simm.s32 $_tile_overlayer_lowered  }
0x9b: {  	s22 =	simm.s32 $0x1BFF;
	s21 =	sshll.u32 s6, $0x1;
	s3 =	sadd.s32 s4, s19  }
0x9c: {  	s7 =	simm.s32 $0x0;
	s20 =	sshll.u32 s5, $0x1;
	s5 =	sadd.s32 s21, s3  }
0x9d: {  	[timem:s7], [sflag:s22] =	dma.local [hbm:s5], s20  }
0x9e: {  	_ =	swait.ge [sflag:s22], s20  }
0x9f: {  	s4 =	ssub.s32 $0x0, s20;
	[sflag:s22] =	ssyncset.done $0x0  }
0xa0: {  	[sflag:s22] =	ssyncadd.s32 s4;
	_ =	sdelay $0x1  }
0xa1: {  	s23 =	simm.s32 $0x1B8B  }
0xa2: {  	_ =	swait.ge [sflag:s23], $0x1  }
0xa3: {  	[sflag:s23] =	ssyncset.done $0x0  }
0xa4: {  	s25 =	simm.s32 $0x1B8E;
	s24 =	sld [smem:$0x3FFE];
	[sflag:s23] =	ssyncadd.s32 $0xFFFFFFFF  }
0xa5: {  	s26 =	simm.s32 $execute0_lowered;
	[smem:$0x3FD2] =	sst s25  }
0xa6: {  	s5 =	sshll.u32 s26, $0x1;
	_ =	strace $0x80000046;
	[dreg:$0x1] =	wrdreg $0xFFFFFFFF  }
0xa7: {  	s28 =	simm.s32 $_size_execute0_lowered;
	s3 =	sadd.s32 s3, s5;
	[dreg:$0x0] =	wrdreg $0x0  }
0xa8: {  	s5 =	sshll.u32 s28, $0x1;
	[dreg:$0x2] =	wrdreg s3  }
0xa9: {  	[dreg:$0x3] =	wrdreg s5  }
0xaa: {  	[dreg:$0x4] =	wrdreg $0xC0  }
0xab: {  	_ =	task [dreg:s7], $0x5FFFF  }
0xac: {  	[dreg:$0x1] =	wrdreg $0xFFFFFFFF  }
0xad: {  	[dreg:$0x0] =	wrdreg $0x60  }
0xae: {  	[dreg:$0x2] =	wrdreg s24  }
0xaf: {  	[dreg:$0x3] =	wrdreg s2  }
0xb0: {  	[dreg:$0x4] =	wrdreg $0xD0000  }
0xb1: {  	[dreg:$0x5] =	wrdreg $0x9  }
0xb2: {  	_ =	task.clear_ibuf [dreg:s7], $0x6FFFF;
	_ =	strace $0x90000046  }
0xb3: {  	s29 =	simm.s32 $0x9;
	_ =	strace $0x80000048  }
0xb4: {  	_ =	swait.ge [sflag:s29], $0x1  }
0xb5: {  	[sflag:s29] =	ssyncadd.s32 $0xFFFFFFFF  }
0xb6: {  	_ =	strace $0x90000048  }
0xb7: {  	_ =	sfence  }
0xb8: {  	s30 =	sld [smem:$0x0];
	_ =	sdelay $0x2  }
0xb9: {  	s31 =	sshll.u32 s1, $0xD;
	s1 =	sshrl.u32 s1, $0x2  }
0xba: {  	s3 =	sand.u32 $0x4000, s31;
	s1 =	sadd.s32 s1, s30  }
0xbb: {  	s0 =	sor.u32 s3, s0;
	s1 =	sshll.u32 s1, $0x11  }
0xbc: {  	s0 =	sor.u32 s1, s0  }
0xbd: {  	s0 =	sadd.s32 $0x8F2B, s0  }
0xbe: {  	[sflag:s0] =	ssyncadd.remote.s32 $0x1  }
0xbf: {  	_ =	sfence.sel $0xFFFF  }
0xc0: {  	[dreg:$0x0] =	wrdreg $0xFFFFFFFF;
	(pc) =	sbr.abs _section_cstart, $3  }
0xc1: {  	[dreg:$0x1] =	wrdreg $0xFFFFFFFF  }
0xc2: {  	_ =	task.clear_ibuf [dreg:s7], $0x2FFFF;
	_ =	strace $0x9FFFFFFF  }
0xc3: {  	(tm) =	ssettm $0x7FFFFFFF  }
tec
execute0_lowered:
.L_overlay_start_1:
0x0: {  	(tag) =	ssettag $0x1  }
0x1: {  	s0 =	rddreg [dreg:$0x0]  }
0x2: {  	s1 =	rddreg [dreg:$0x1]  }
0x3: {  	s3 =	rddreg [dreg:$0x2];
	s4 =	simm.s32 $0x0  }
0x4: {  	s2 =	srdreg.scid;
	s16 =	stileid.u32;
	s17 =	simm.s32 $0x7  }
0x5: {  	s18 =	simm.s32 $0x5;
	s19 =	simm.s32 $0x6;
	s20 =	simm.s32 $0x80  }
0x6: {  	s23 =	simm.s32 $0x1;
	s24 =	simm.s32 $0x3;
	s28 =	simm.s32 $0x4  }
0x7: {  	s29 =	simm.s32 $0xCF80;
	s30 =	simm.s32 $0x0;
	[smem:$0x7FF] =	sst s4  }
0x8: {  	s2 =	sand.u32 $0x1, s2;
	s5 =	sshll.u32 s16, $0x1;
	s10 =	sadd.s32 $0x1D800, s0  }
0x9: {  	p0 =	slt.u32 s16, $0x2;
	s9 =	smul.u32 $0x9C40, s16;
	s11 =	sadd.s32 $0x13A00, s0  }
0xa: {  	s26 =	sshll.u32 s16, $0x6;
	_ =	strace $0x80000047;
	s6 =	ssub.s32 $0x2, s2  }
0xb: {  	s2 =	sor.u32 s2, s5;
	s5 =	simm.s32 $0x4F;
	s7 =	sshrl.u32 s6, $0x1  }
0xc: {  	s8 =	smul.u32 $0x4E0, s2;
	s5 =	simm.s32 @!p0 $0x4E;
	s15 =	sadd.s32 s9, s3  }
0xd: {  	s25 =	sshrl.u32 s9, $0x3;
	s12 =	sshll.u32 s2, $0x4;
	s13 =	smul.u32 $0x4E, s2  }
.Ltmp0:
0xe: {  	vm0 =	vmmov $0x1;
	vm1 =	vmmov $0x3;
	vm2 =	vmmov $0x7;
	s9 =	sor.u32 $0x1C07, s26;
	p0 =	sgt.u32 s16, $0x1;
	(pc) =	sbr.rel .LBB2_1-.Ltmp0, $4  }
0xf: {  	vm3 =	vmmov $0xf;
	vm4 =	vmmov $0x1f;
	vm5 =	vmmov $0x3f;
	s26 =	simm.s32 $0x2;
	s14 =	ssub.s32 s6, s7;
	s31 =	sor.u32 $0x9C00, s12  }
0x10: {  	vm6 =	vmmov $0x7f;
	vm7 =	vmmov $0xff;
	vm8 =	vmmov $0x1ff;
	s12 =	sor.u32 $0x9C0, s2;
	s16 =	sshrl.u32 s15, $0x3;
	s6 =	sadd.s32 s10, s8  }
0x11: {  	vm9 =	vmmov $0x3ff;
	vm10 =	vmmov $0x7ff;
	vm11 =	vmmov $0xfff;
	s7 =	sadd.s32 s11, s8;
	s8 =	sadd.s32 s0, s25;
	s10 =	sadd.s32 s10, s31  }
0x12: {  	vm12 =	vmmov $0x1fff;
	vm13 =	vmmov $0x3fff;
	vm14 =	vmmov $0x7fff;
	s11 =	sadd.s32 s11, s31;
	s14 =	smax.u32 s14, $0x1;
	s25 =	simm.s32 $0xCF00  }
.LBB2_11:
0x13: {  	s30 =	sadd.s32 $0x1, s30  }
0x14: {  	_ =	swait.ge [sflag:s18], $0x80;
	p1 =	sne.s32 s30, s14  }
.Ltmp1:
0x15: {  	[sflag:s18] =	ssyncset.done $0x0;
	(pc) =	sbr.rel @!p1 .LBB2_12-.Ltmp1, $4  }
0x16: {  	[sflag:s18] =	ssyncadd.s32 $0xFFFFFF80  }
0x17: {  	_ =	swait.ge [sflag:s19], $0x80  }
0x18: {  	[sflag:s19] =	ssyncset.done $0x0  }
0x19: {  	[sflag:s19] =	ssyncadd.s32 $0xFFFFFF80  }
.LBB2_1:
0x1a: {  	[tilespmem:s4], [sflag:$0x5] =	stream.linear.gather [hbm4b:s6+s4], $0x2700, $0x38;
	[tilespmem:$0x16C40] =	vst v63  }
0x1b: {  	s21 =	simm.s32 $0x2780  }
0x1c: {  	[tilespmem:s21], [sflag:$0x6] =	stream.linear.gather [hbm4b:s7+s4], $0x2700, $0x38;
	[tilespmem:$0x16C40] =	vst v63  }
0x1d: {  	[spmem:s16], [sflag:s9] =	dma.local [hbm:s8], $0x1388  }
0x1e: {  	_ =	swait.ge [sflag:s17], $0x1388  }
0x1f: {  	[sflag:s17] =	ssyncset.done $0x0  }
0x20: {  	[sflag:s17] =	ssyncadd.s32 $0xFFFFEC78  }
0x21: {  	_ =	swait.ge [sflag:s18], $0x2700  }
0x22: {  	[sflag:s18] =	ssyncset.done $0x0  }
0x23: {  	[sflag:s18] =	ssyncadd.s32 $0xFFFFD900  }
0x24: {  	_ =	swait.ge [sflag:s19], $0x2700  }
0x25: {  	[sflag:s19] =	ssyncset.done $0x0  }
0x26: {  	s0 =	simm.s32 @!p0 $0x0;
	s2 =	simm.s32 @!p0 $0x2700;
	[sflag:s19] =	ssyncadd.s32 $0xFFFFD900  }
0x27: {  	[tilespmem:s2], [sflag:$0x7] =	stream.linear.gather @!p0 [hbm4b:s10+s0], $0x80, $0x38;
	[tilespmem:$0x16C40] =	vst v63  }
0x28: {  	s2 =	simm.s32 @!p0 $0x7  }
0x29: {  	_ =	swait.ge @!p0 [sflag:s2], $0x80  }
0x2a: {  	[sflag:s2] =	ssyncset.done @!p0 $0x0  }
0x2b: {  	s15 =	simm.s32 @!p0 $0x4E80;
	[sflag:s2] =	ssyncadd.s32 @!p0 $0xFFFFFF80  }
0x2c: {  	[tilespmem:s15], [sflag:$0x7] =	stream.linear.gather @!p0 [hbm4b:s11+s0], $0x80, $0x38;
	[tilespmem:$0x16C40] =	vst v63  }
0x2d: {  	_ =	swait.ge @!p0 [sflag:s2], $0x80  }
0x2e: {  	[sflag:s2] =	ssyncset.done @!p0 $0x0  }
.Ltmp2:
0x2f: {  	[sflag:s2] =	ssyncadd.s32 @!p0 $0xFFFFFF80;
	(pc) =	sbr.rel .LBB2_2-.Ltmp2, $4  }
0x30: {  	s15 =	simm.s32 $0x4F00;
	[bflag:$0x0] =	sbarrier.arrive $0xFFFF  }
0x31: {  	[tilespmem:s15], [sflag:$0x1] =	stream.indirect.gather [spmem:s3], $0x40, s4, s20, $0xb8;
	[tilespmem:$0x16C40] =	vst v63  }
0x32: {  	s22 =	simm.s32 $0x8F00;
	s31 =	simm.s32 $0x0  }
0x33: {  	[tilespmem:s22], [sflag:$0x3] =	stream.indirect.gather [spmem:s3], $0x40, s21, s20, $0xb8;
	[tilespmem:$0x16C40] =	vst v63  }
.LBB2_10:
0x34: {  	s31 =	sadd.s32 $0x1, s31  }
0x35: {  	p1 =	sne.s32 s31, $0x28  }
.Ltmp3:
0x36: {  	_ = 	snop;
	(pc) =	sbr.rel @!p1 .LBB2_11-.Ltmp3, $1  }
0x37: {  	_ =	sdelay $0x3  }
.LBB2_2:
0x38: {  	s2 =	sshll.u32 s31, $0x1  }
0x39: {  	p2 =	sge.u32 s2, s5  }
.Ltmp4:
0x3a: {  	_ = 	snop;
	(pc) =	sbr.rel @p2 .LBB2_6-.Ltmp4, $3  }
0x3b: {  	_ =	sdelay $0x1  }
0x3c: {  	s0 =	sshllo.u32 s31, $0x1  }
0x3d: {  	p1 =	sge.u32 s0, s5  }
0x3e: {  	s15 =	sshll.u32 @!p1 s0, $0x7;
	s21 =	simm.s32 @!p1 $0x80;
	s22 =	simm.s32 @!p1 $0x6F00  }
0x3f: {  	[tilespmem:s22], [sflag:$0x2] =	stream.indirect.gather @!p1 [spmem:s3], $0x40, s15, s21, $0xb8;
	[tilespmem:$0x16C40] =	vst v63  }
0x40: {  	s15 =	sadd.s32 @!p1 $0x2780, s15;
	s22 =	simm.s32 @!p1 $0xAF00  }
0x41: {  	[tilespmem:s22], [sflag:$0x4] =	stream.indirect.gather @!p1 [spmem:s3], $0x40, s15, s21, $0xb8;
	[tilespmem:$0x16C40] =	vst v63  }
0x42: {  	_ =	swait.ge [sflag:s23], $0x2000  }
0x43: {  	[sflag:s23] =	ssyncset.done $0x0  }
0x44: {  	[sflag:s23] =	ssyncadd.s32 $0xFFFFE000  }
0x45: {  	_ =	swait.ge [sflag:s24], $0x2000  }
0x46: {  	p2 =	seq.s32 s31, $0x0;
	[sflag:s24] =	ssyncset.done $0x0  }
0x47: {  	s15 =	simm.s32 @!p2 $0x5;
	[sflag:s24] =	ssyncadd.s32 $0xFFFFE000  }
0x48: {  	_ =	swait.ge @!p2 [sflag:s15], $0x80  }
0x49: {  	[sflag:s15] =	ssyncset.done @!p2 $0x0  }
0x4a: {  	s22 =	simm.s32 $0x0;
	[sflag:s15] =	ssyncadd.s32 @!p2 $0xFFFFFF80  }
0x4b: {  	v0 =	vld [tilespmem:s22+$0x92B0]  }
0x4c: {  	v1 =	vld [tilespmem:s22+$0x52B0]  }
0x4d: {  	v2 =	vld [tilespmem:s22+$0x92E0]  }
0x4e: {  	v3 =	vld [tilespmem:s22+$0x52E0]  }
0x4f: {  	v4 =	vld [tilespmem:s22+$0x9270]  }
0x50: {  	v5 =	vld [tilespmem:s22+$0x5270]  }
0x51: {  	v6 =	vld [tilespmem:s22+$0x9230]  }
0x52: {  	v7 =	vld [tilespmem:s22+$0x5230]  }
0x53: {  	v8 =	vld [tilespmem:s22+$0x92A0]  }
0x54: {  	v9 =	vld [tilespmem:s22+$0x52A0]  }
0x55: {  	v10 =	vld [tilespmem:s22+$0x92D0]  }
0x56: {  	v11 =	vld [tilespmem:s22+$0x52D0]  }
0x57: {  	v12 =	vld [tilespmem:s22+$0x91F0]  }
0x58: {  	v13 =	vld [tilespmem:s22+$0x51F0]  }
0x59: {  	v14 =	vld [tilespmem:s22+$0x9260]  }
0x5a: {  	v15 =	vld [tilespmem:s22+$0x5260]  }
0x5b: {  	v16 =	vld [tilespmem:s22+$0x91B0]  }
0x5c: {  	v17 =	vld [tilespmem:s22+$0x51B0]  }
0x5d: {  	v18 =	vld [tilespmem:s22+$0x9220]  }
0x5e: {  	v19 =	vld [tilespmem:s22+$0x5220]  }
0x5f: {  	v20 =	vld [tilespmem:s22+$0x9290]  }
0x60: {  	v22 =	vld [tilespmem:s22+$0x5290]  }
0x61: {  	v23 =	vld [tilespmem:s22+$0x92C0]  }
0x62: {  	v24 =	vld [tilespmem:s22+$0x52C0]  }
0x63: {  	v25 =	vld [tilespmem:s22+$0x9170]  }
0x64: {  	v26 =	vld [tilespmem:s22+$0x5170]  }
0x65: {  	v27 =	vld [tilespmem:s22+$0x91E0]  }
0x66: {  	v28 =	vld [tilespmem:s22+$0x51E0]  }
0x67: {  	v29 =	vld [tilespmem:s22+$0x9250]  }
0x68: {  	v30 =	vld [tilespmem:s22+$0x5250]  }
0x69: {  	v31 =	vld [tilespmem:s22+$0x9130]  }
0x6a: {  	v32 =	vld [tilespmem:s22+$0x5130]  }
0x6b: {  	v33 =	vld [tilespmem:s22+$0x91A0]  }
0x6c: {  	v34 =	vld [tilespmem:s22+$0x51A0]  }
0x6d: {  	v35 =	vld [tilespmem:s22+$0x9210]  }
0x6e: {  	v36 =	vld [tilespmem:s22+$0x5210]  }
0x6f: {  	v21 =	vld [tilespmem:s22+$0x9280]  }
0x70: {  	v37 =	vld [tilespmem:s22+$0x5280]  }
0x71: {  	v38 =	vld [tilespmem:s22+$0x90F0]  }
0x72: {  	v39 =	vld [tilespmem:s22+$0x50F0]  }
0x73: {  	v40 =	vld [tilespmem:s22+$0x9160]  }
0x74: {  	v41 =	vld [tilespmem:s22+$0x5160]  }
0x75: {  	v42 =	vld [tilespmem:s22+$0x91D0]  }
0x76: {  	v43 =	vld [tilespmem:s22+$0x51D0]  }
0x77: {  	v44 =	vld [tilespmem:s22+$0x9240]  }
0x78: {  	v45 =	vld [tilespmem:s22+$0x5240]  }
0x79: {  	v46 =	vld [tilespmem:s22+$0x90B0]  }
0x7a: {  	v47 =	vld [tilespmem:s22+$0x50B0]  }
0x7b: {  	v48 =	vld [tilespmem:s22+$0x9120]  }
0x7c: {  	v49 =	vld [tilespmem:s22+$0x5120];
	v1 =	vmul.bf16 v0, v1  }
0x7d: {  	v50 =	vld [tilespmem:s22+$0x9190];
	v6 =	vmul.bf16 v6, v7;
	v0 =	vmul.bf16 v4, v5  }
0x7e: {  	v52 =	vld [tilespmem:s22+$0x5190];
	v5 =	vmul.bf16 v12, v13;
	v7 =	vmul.bf16 v18, v19  }
0x7f: {  	v54 =	vld [tilespmem:s22+$0x9200];
	v13 =	vmul.bf16 v20, v22;
	v40 =	vmul.bf16 v40, v41  }
0x80: {  	v57 =	vld [tilespmem:s22+$0x5070];
	v51 =	vunpack.i.u.bf16.f32 v1;
	v53 =	vunpack.i.l.bf16.f32 v1;
	v1 =	vmul.bf16 v2, v3  }
0x81: {  	v19 =	vld [tilespmem:s22+$0x9150];
	v55 =	vunpack.i.u.bf16.f32 v6;
	v3 =	vmul.bf16 v8, v9;
	v2 =	vmul.bf16 v10, v11  }
0x82: {  	v22 =	vld [tilespmem:s22+$0x5150];
	v56 =	vunpack.i.l.bf16.f32 v6;
	v6 =	vmul.bf16 v21, v37;
	v21 =	vunpack.i.u.bf16.f32 v5  }
0x83: {  	v59 =	vld [tilespmem:s22+$0x90E0];
	v58 =	vunpack.i.l.bf16.f32 v5;
	v20 =	vunpack.i.l.bf16.f32 v7;
	v12 =	vunpack.i.u.bf16.f32 v3  }
0x84: {  	v60 =	vld [tilespmem:s22+$0x5030];
	v8 =	vunpack.i.l.bf16.f32 v3;
	v4 =	vunpack.i.l.bf16.f32 v2;
	v5 =	vunpack.i.l.bf16.f32 v6  }
0x85: {  	v37 =	vld [tilespmem:s22+$0x9070];
	v3 =	vmul.bf16 v14, v15;
	v10 =	vunpack.i.u.bf16.f32 v6;
	v9 =	vadd.f32 $0.0e+00, v5  }
0x86: {  	v11 =	vld [tilespmem:s22+$0x5200];
	v14 =	vmul.bf16 v23, v24;
	v15 =	vunpack.i.u.bf16.f32 v7;
	v24 =	vmul.bf16 v27, v28  }
0x87: {  	v62 =	vld [tilespmem:s22+$0x50A0];
	v5 =	vmul.bf16 v16, v17;
	v19 =	vmul.bf16 v19, v22;
	v9 =	vadd.f32 v9, v10  }
0x88: {  	v18 =	vld [tilespmem:s22+$0x50E0];
	v16 =	vunpack.i.l.bf16.f32 v14;
	v14 =	vunpack.i.u.bf16.f32 v14;
	v10 =	vunpack.i.l.bf16.f32 v13  }
0x89: {  	v41 =	vld [tilespmem:s22+$0x4FF0];
	v61 =	vunpack.i.u.bf16.f32 v24;
	v7 =	vadd.f32 v10, v9;
	v9 =	vadd.f32 $0.0e+00, v16  }
0x8a: {  	v17 =	vld [tilespmem:s22+$0x91C0];
	v13 =	vunpack.i.u.bf16.f32 v13;
	v37 =	vmul.bf16 v37, v57;
	v10 =	vmul.bf16 v25, v26  }
0x8b: {  	v57 =	vld [tilespmem:s22+$0x8F30];
	v26 =	vmul.bf16 v54, v11;
	v13 =	vadd.f32 v7, v13;
	v7 =	vadd.f32 v9, v14  }
0x8c: {  	v16 =	vld [tilespmem:s22+$0x51C0];
	v27 =	vunpack.i.u.bf16.f32 v10;
	v23 =	vunpack.i.l.bf16.f32 v10;
	v9 =	vmul.bf16 v29, v30  }
0x8d: {  	v25 =	vld [tilespmem:s22+$0x9030];
	v30 =	vunpack.i.l.bf16.f32 v24;
	v14 =	vmul.bf16 v31, v32;
	v13 =	vadd.f32 v8, v13  }
0x8e: {  	v29 =	vld [tilespmem:s22+$0x90A0];
	v8 =	vunpack.i.u.bf16.f32 v9;
	v10 =	vunpack.i.l.bf16.f32 v9;
	v9 =	vmul.bf16 v33, v34  }
0x8f: {  	v31 =	vld [tilespmem:s22+$0x9110];
	v24 =	vunpack.i.u.bf16.f32 v14;
	v28 =	vunpack.i.l.bf16.f32 v14;
	v14 =	vunpack.i.l.bf16.f32 v26  }
0x90: {  	v32 =	vld [tilespmem:s22+$0x5110];
	v26 =	vunpack.i.u.bf16.f32 v26;
	v33 =	vmul.bf16 v44, v45;
	v4 =	vadd.f32 v4, v7  }
0x91: {  	v34 =	vld [tilespmem:s22+$0x9180];
	v63 =	vadd.f32 $0.0e+00, v14;
	v16 =	vmul.bf16 v17, v16;
	v12 =	vadd.f32 v13, v12  }
0x92: {  	v44 =	vld [tilespmem:s22+$0x90D0];
	v13 =	vmul.bf16 v35, v36;
	v11 =	vunpack.i.l.bf16.f32 v9;
	v45 =	vunpack.i.l.bf16.f32 v33  }
0x93: {  	v35 =	vld [tilespmem:s22+$0x5180];
	v17 =	vadd.f32 v63, v26;
	v26 =	vmul.bf16 v42, v43;
	v54 =	vunpack.i.l.bf16.f32 v16  }
0x94: {  	v16 =	vunpack.i.u.bf16.f32 v16;
	v63 =	vmul.bf16 v46, v47;
	v46 =	vld [tilespmem:s22+$0x9140];
	v29 =	vmul.bf16 v29, v62  }
0x95: {  	v47 =	vld [tilespmem:s22+$0x5140];
	v12 =	vadd.f32 v53, v12;
	v36 =	vunpack.i.u.bf16.f32 v13;
	v13 =	vunpack.i.l.bf16.f32 v13  }
0x96: {  	v42 =	vld [tilespmem:s22+$0x5060];
	v13 =	vadd.f32 v13, v17;
	v17 =	vadd.f32 $0.0e+00, v54;
	v43 =	vunpack.i.u.bf16.f32 v26  }
0x97: {  	v53 =	vld [tilespmem:s22+$0x8FF0];
	v54 =	vunpack.i.l.bf16.f32 v26;
	v26 =	vunpack.i.u.bf16.f32 v63;
	v62 =	vunpack.i.u.bf16.f32 v29  }
0x98: {  	v14 =	vadd.f32 v12, v51;
	v12 =	vmul.bf16 v38, v39;
	v38 =	vld [tilespmem:s22+$0x9060];
	v39 =	vunpack.i.u.bf16.f32 v40  }
0x99: {  	v40 =	vunpack.i.l.bf16.f32 v40;
	v51 =	vld [tilespmem:s22+$0x50D0];
	v13 =	vadd.f32 v13, v36;
	v36 =	vadd.f32 $0.0e+00, v45  }
0x9a: {  	v16 =	vadd.f32 v17, v16;
	v17 =	vunpack.i.u.bf16.f32 v33;
	v46 =	vmul.bf16 v46, v47;
	v47 =	vld [tilespmem:s22+$0x5090]  }
0x9b: {  	v20 =	vadd.f32 v20, v13;
	v13 =	vadd.f32 v36, v17;
	v36 =	vld [tilespmem:s22+$0x8FB0];
	v17 =	vmul.bf16 v48, v49  }
0x9c: {  	v33 =	vunpack.i.l.bf16.f32 v63;
	v63 =	vmul.bf16 v50, v52;
	v16 =	vadd.f32 v54, v16;
	v48 =	vld [tilespmem:s22+$0x4FB0]  }
0x9d: {  	v49 =	vld [tilespmem:s22+$0x9020];
	v41 =	vmul.bf16 v53, v41;
	v20 =	vadd.f32 v20, v15;
	v50 =	vunpack.i.u.bf16.f32 v17  }
0x9e: {  	v54 =	vld [tilespmem:s22+$0x9090];
	v52 =	vunpack.i.l.bf16.f32 v17;
	v16 =	vadd.f32 v16, v43;
	v15 =	vunpack.i.u.bf16.f32 v63  }
0x9f: {  	v53 =	vld [tilespmem:s22+$0x9080];
	v17 =	vunpack.i.l.bf16.f32 v63;
	v63 =	vunpack.i.l.bf16.f32 v46;
	v46 =	vunpack.i.u.bf16.f32 v46  }
0xa0: {  	v43 =	vld [tilespmem:s22+$0x5020];
	v38 =	vmul.bf16 v38, v42;
	v10 =	vadd.f32 v10, v13;
	v20 =	vadd.f32 v56, v20  }
0xa1: {  	v42 =	vld [tilespmem:s22+$0x5080];
	v45 =	vadd.f32 v30, v16;
	v16 =	vmul.bf16 v59, v18;
	v56 =	vadd.f32 $0.0e+00, v63  }
0xa2: {  	v59 =	vunpack.i.u.bf16.f32 v19;
	v36 =	vmul.bf16 v36, v48;
	v20 =	vadd.f32 v20, v55;
	v55 =	vld [tilespmem:s22+$0x9100]  }
0xa3: {  	v47 =	vmul.bf16 v54, v47;
	v22 =	vadd.f32 v45, v61;
	v45 =	vld [tilespmem:s22+$0x5100];
	v46 =	vadd.f32 v56, v46  }
0xa4: {  	v48 =	vld [tilespmem:s22+$0x90C0];
	v56 =	vunpack.i.l.bf16.f32 v19;
	v19 =	vmul.bf16 v25, v60;
	v25 =	vmul.bf16 v31, v32  }
0xa5: {  	v30 =	vunpack.i.u.bf16.f32 v37;
	v37 =	vunpack.i.l.bf16.f32 v37;
	v61 =	vld [tilespmem:s22+$0x8F70];
	v22 =	vadd.f32 v58, v22  }
0xa6: {  	v31 =	vmul.bf16 v34, v35;
	v54 =	vunpack.i.u.bf16.f32 v47;
	v58 =	vld [tilespmem:s22+$0x4F30];
	v32 =	vunpack.i.u.bf16.f32 v25  }
0xa7: {  	v60 =	vld [tilespmem:s22+$0x4F70];
	v25 =	vunpack.i.l.bf16.f32 v25;
	v21 =	vadd.f32 v22, v21;
	v22 =	vadd.f32 v56, v46  }
0xa8: {  	v34 =	vunpack.i.l.bf16.f32 v31;
	v46 =	vld [tilespmem:s22+$0x8FE0];
	v56 =	vunpack.i.l.bf16.f32 v29;
	v29 =	vmul.bf16 v55, v45  }
0xa9: {  	v31 =	vunpack.i.u.bf16.f32 v31;
	v34 =	vadd.f32 $0.0e+00, v34;
	v45 =	vld [tilespmem:s22+$0x4FE0];
	v22 =	vadd.f32 v22, v59  }
0xaa: {  	v55 =	vld [tilespmem:s22+$0x9050];
	v63 =	vunpack.i.l.bf16.f32 v29;
	v59 =	vunpack.i.u.bf16.f32 v29;
	v29 =	vunpack.i.u.bf16.f32 v41  }
0xab: {  	v57 =	vmul.bf16 v57, v58;
	v35 =	vadd.f32 $0.0e+00, v63;
	v40 =	vadd.f32 v40, v22;
	v63 =	vld [tilespmem:s22+$0x5050]  }
0xac: {  	v22 =	vadd.f32 v34, v31;
	v34 =	vunpack.i.l.bf16.f32 v41;
	v41 =	vmul.bf16 v53, v42;
	v42 =	vld [tilespmem:s22+$0x50C0]  }
0xad: {  	v31 =	vadd.f32 v35, v59;
	v35 =	vadd.f32 v40, v39;
	v39 =	vld [tilespmem:s22+$0x9040];
	v40 =	vunpack.i.u.bf16.f32 v38  }
0xae: {  	v59 =	vmul.bf16 v44, v51;
	v44 =	vld [tilespmem:s22+$0x5040];
	v38 =	vunpack.i.l.bf16.f32 v38;
	v17 =	vadd.f32 v17, v22  }
0xaf: {  	v45 =	vmul.bf16 v46, v45;
	v31 =	vadd.f32 v25, v31;
	v35 =	vadd.f32 v23, v35  }
0xb0: {  	v53 =	vld [tilespmem:s22+$0x9010];
	v23 =	vunpack.i.u.bf16.f32 v59;
	v25 =	vunpack.i.l.bf16.f32 v59;
	v59 =	vunpack.i.l.bf16.f32 v41  }
0xb1: {  	v51 =	vld [tilespmem:s22+$0x8FA0];
	v41 =	vunpack.i.u.bf16.f32 v41;
	v55 =	vmul.bf16 v55, v63;
	v42 =	vmul.bf16 v48, v42  }
0xb2: {  	v46 =	vld [tilespmem:s22+$0x9000];
	v48 =	vmul.bf16 v61, v60;
	v31 =	vadd.f32 v31, v32;
	v32 =	vadd.f32 v35, v27  }
0xb3: {  	v27 =	vmul.bf16 v49, v43;
	v43 =	vld [tilespmem:s22+$0x4FA0];
	v39 =	vmul.bf16 v39, v44;
	v44 =	vadd.f32 $0.0e+00, v59  }
0xb4: {  	v60 =	vunpack.i.u.bf16.f32 v45;
	v45 =	vunpack.i.l.bf16.f32 v45;
	v49 =	vld [tilespmem:s22+$0x5010];
	v52 =	vadd.f32 v52, v31  }
0xb5: {  	v59 =	vunpack.i.l.bf16.f32 v39;
	v41 =	vadd.f32 v44, v41;
	v44 =	vunpack.i.l.bf16.f32 v47;
	v47 =	vld [tilespmem:s22+$0x4F20]  }
0xb6: {  	v35 =	vunpack.i.u.bf16.f32 v36;
	v50 =	vadd.f32 v52, v50;
	v52 =	vld [tilespmem:s22+$0x8F20];
	v58 =	vadd.f32 $0.0e+00, v59  }
0xb7: {  	v36 =	vunpack.i.l.bf16.f32 v36;
	v39 =	vunpack.i.u.bf16.f32 v39;
	v59 =	vld [tilespmem:s22+$0x4FD0];
	v41 =	vadd.f32 v44, v41  }
0xb8: {  	v63 =	vunpack.i.l.bf16.f32 v55;
	v28 =	vadd.f32 v28, v50;
	v50 =	vld [tilespmem:s22+$0x8FD0];
	v39 =	vadd.f32 v58, v39  }
0xb9: {  	v55 =	vunpack.i.u.bf16.f32 v55;
	v31 =	vunpack.i.l.bf16.f32 v27;
	v58 =	vld [tilespmem:s22+$0x8FC0];
	v41 =	vadd.f32 v41, v54  }
0xba: {  	v44 =	vunpack.i.l.bf16.f32 v57;
	v43 =	vmul.bf16 v51, v43;
	v54 =	vld [tilespmem:s22+$0x4F90];
	v39 =	vadd.f32 v63, v39  }
0xbb: {  	v49 =	vmul.bf16 v53, v49;
	v24 =	vadd.f32 v28, v24;
	v63 =	vld [tilespmem:s22+$0x4FC0];
	v41 =	vadd.f32 v56, v41  }
0xbc: {  	v28 =	vld [tilespmem:s22+$0x8F90];
	v56 =	vunpack.i.l.bf16.f32 v42;
	v42 =	vunpack.i.u.bf16.f32 v42;
	v39 =	vadd.f32 v39, v55  }
0xbd: {  	v61 =	vadd.f32 $0.0e+00, v56;
	v56 =	vld [tilespmem:s22+$0x5000];
	v55 =	vunpack.i.u.bf16.f32 v43;
	v41 =	vadd.f32 v41, v62  }
0xbe: {  	v43 =	vunpack.i.l.bf16.f32 v43;
	v62 =	vld [tilespmem:s22+$0x4F80];
	v50 =	vmul.bf16 v50, v59;
	v38 =	vadd.f32 v38, v39  }
0xbf: {  	v39 =	vadd.f32 v61, v42;
	v61 =	vld [tilespmem:s22+$0x8F80];
	v33 =	vadd.f32 v33, v41;
	v41 =	vmul.bf16 v52, v47  }
0xc0: {  	v52 =	vunpack.i.l.bf16.f32 v49;
	v51 =	vmul.bf16 v58, v63;
	v58 =	vld [tilespmem:s22+$0x4F10];
	v38 =	vadd.f32 v38, v40  }
0xc1: {  	v28 =	vmul.bf16 v28, v54;
	v54 =	vunpack.i.u.bf16.f32 v50;
	v26 =	vadd.f32 v33, v26;
	v33 =	vld [tilespmem:s22+$0x8F00]  }
0xc2: {  	v50 =	vunpack.i.l.bf16.f32 v50;
	v25 =	vadd.f32 v25, v39;
	v37 =	vadd.f32 v37, v38;
	v38 =	vld [tilespmem:s22+$0x4F00]  }
0xc3: {  	v40 =	vld [tilespmem:s22+$0x8F10];
	v63 =	vunpack.i.l.bf16.f32 v51;
	v46 =	vmul.bf16 v46, v56;
	v47 =	vunpack.i.u.bf16.f32 v28  }
0xc4: {  	v59 =	vld [tilespmem:s22+$0x4F40];
	v28 =	vunpack.i.l.bf16.f32 v28;
	v56 =	vadd.f32 $0.0e+00, v63;
	v42 =	vmul.bf16 v61, v62  }
0xc5: {  	v51 =	vunpack.i.u.bf16.f32 v51;
	v61 =	vunpack.i.l.bf16.f32 v46;
	v30 =	vadd.f32 v37, v30;
	v37 =	vld [tilespmem:s22+$0x8F40]  }
0xc6: {  	v46 =	vunpack.i.u.bf16.f32 v46;
	v51 =	vadd.f32 v56, v51;
	v62 =	vunpack.i.l.bf16.f32 v42  }
0xc7: {  	v56 =	vadd.f32 $0.0e+00, v61;
	v61 =	vadd.f32 $0.0e+00, v62;
	v33 =	vmul.bf16 v33, v38  }
0xc8: {  	v42 =	vunpack.i.u.bf16.f32 v42;
	v40 =	vmul.bf16 v40, v58;
	v62 =	vld [tilespmem:s22+$0x4F50];
	v50 =	vadd.f32 v50, v51  }
0xc9: {  	v46 =	vadd.f32 v56, v46;
	v38 =	vld [tilespmem:s22+$0x8F50];
	v42 =	vadd.f32 v61, v42;
	v56 =	vunpack.i.l.bf16.f32 v33  }
0xca: {  	v50 =	vadd.f32 v50, v54;
	v37 =	vmul.bf16 v37, v59;
	v51 =	vadd.f32 $0.0e+00, v56  }
0xcb: {  	v54 =	vunpack.i.l.bf16.f32 v40;
	v33 =	vunpack.i.u.bf16.f32 v33;
	v28 =	vadd.f32 v28, v42  }
0xcc: {  	v63 =	vld [tilespmem:s22+$0x4F60];
	v45 =	vadd.f32 v45, v50;
	v61 =	vunpack.i.l.bf16.f32 v37;
	v33 =	vadd.f32 v51, v33  }
0xcd: {  	v56 =	vld [tilespmem:s22+$0x8F60];
	v37 =	vunpack.i.u.bf16.f32 v37;
	v42 =	vadd.f32 $0.0e+00, v61;
	v28 =	vadd.f32 v28, v47  }
0xce: {  	v38 =	vmul.bf16 v38, v62;
	v45 =	vadd.f32 v45, v60;
	v33 =	vadd.f32 v54, v33  }
0xcf: {  	v40 =	vunpack.i.u.bf16.f32 v40;
	v37 =	vadd.f32 v42, v37;
	v28 =	vadd.f32 v43, v28  }
0xd0: {  	v60 =	vadd.f32 v52, v46;
	v54 =	vunpack.i.l.bf16.f32 v38;
	v33 =	vadd.f32 v33, v40  }
0xd1: {  	v53 =	vunpack.i.l.bf16.f32 v41;
	v37 =	vadd.f32 v54, v37;
	v28 =	vadd.f32 v28, v55  }
0xd2: {  	v38 =	vunpack.i.u.bf16.f32 v38;
	v58 =	vmul.bf16 v56, v63;
	v33 =	vadd.f32 v53, v33  }
0xd3: {  	(xrf2) =	vadd.scan.msk.f32 $0xffff, v14;
	v14 =	vunpack.i.u.bf16.f32 v41;
	v59 =	vadd.f32 v37, v38;
	v28 =	vadd.f32 v36, v28  }
0xd4: {  	(xrf2) =	vadd.scan.msk.f32 $0xffff, v20;
	v34 =	vadd.f32 v34, v45;
	v20 =	vunpack.i.l.bf16.f32 v58;
	v14 =	vadd.f32 v33, v14  }
0xd5: {  	(xrf2) =	vadd.scan.msk.f32 $0xffff, v21;
	v20 =	vadd.f32 v20, v59;
	v21 =	vadd.f32 v28, v35;
	v28 =	vunpack.i.u.bf16.f32 v49  }
0xd6: {  	(xrf2) =	vadd.scan.msk.f32 $0xffff, v32;
	v61 =	vunpack.i.u.bf16.f32 v58;
	v28 =	vadd.f32 v60, v28;
	v14 =	vadd.f32 v44, v14  }
0xd7: {  	(xrf2) =	vadd.scan.msk.f32 $0xffff, v24;
	v24 =	vunpack.i.u.bf16.f32 v57;
	v29 =	vadd.f32 v34, v29;
	v20 =	vadd.f32 v20, v61  }
0xd8: {  	(xrf2) =	vadd.scan.msk.f32 $0xffff, v26;
	v26 =	vadd.f32 v31, v28;
	v14 =	vadd.f32 v14, v24;
	v24 =	vunpack.i.l.bf16.f32 v48  }
0xd9: {  	v23 =	vadd.f32 v25, v23;
	(xrf2) =	vadd.scan.msk.f32 $0xffff, v30;
	v20 =	vadd.f32 v24, v20;
	v24 =	vunpack.i.u.bf16.f32 v27  }
0xda: {  	v18 =	vunpack.i.l.bf16.f32 v16;
	v15 =	vadd.f32 v17, v15;
	(xrf2) =	vadd.scan.msk.f32 $0xffff, v29;
	v24 =	vadd.f32 v26, v24  }
0xdb: {  	v25 =	vunpack.i.u.bf16.f32 v48;
	v18 =	vadd.f32 v18, v23;
	(xrf2) =	vadd.scan.msk.f32 $0xffff, v21;
	v21 =	vunpack.i.l.bf16.f32 v19  }
0xdc: {  	v16 =	vunpack.i.u.bf16.f32 v16;
	(xrf2) =	vadd.scan.msk.f32 $0xffff, v14;
	v20 =	vadd.f32 v20, v25;
	v14 =	vadd.f32 v21, v24  }
0xdd: {  	v11 =	vadd.f32 v11, v15;
	v16 =	vadd.f32 v18, v16;
	v19 =	vunpack.i.u.bf16.f32 v19  }
0xde: {  	v9 =	vunpack.i.u.bf16.f32 v9;
	v17, _, _ =	vpop (xrf2);
	v18 =	vunpack.i.l.bf16.f32 v12;
	(xrf2) =	vadd.scan.msk.f32 $0xffff, v20;
	v14 =	vadd.f32 v14, v19  }
0xdf: {  	v2 =	vunpack.i.u.bf16.f32 v2;
	v13, _, _ =	vpop (xrf2);
	v9 =	vadd.f32 v11, v9;
	v16 =	vadd.f32 v18, v16  }
0xe0: {  	v6 =	vunpack.i.l.bf16.f32 v3;
	v8 =	vadd.f32 v10, v8;
	v15, _, _ =	vpop (xrf2);
	(xrf2) =	vadd.scan.msk.f32 $0xffff, v14;
	v14 =	vunpack.i.l.bf16.f32 v5  }
0xe1: {  	v2 =	vadd.f32 v4, v2;
	v10, _, _ =	vpop (xrf2);
	v12 =	vunpack.i.u.bf16.f32 v12;
	v9 =	vadd.f32 v14, v9  }
0xe2: {  	v7 =	vld [tilespmem:s22+$0x92F0];
	v6 =	vadd.f32 v6, v8;
	v11, _, _ =	vpop (xrf2);
	v12 =	vadd.f32 v16, v12;
	v5 =	vunpack.i.u.bf16.f32 v5  }
0xe3: {  	v3 =	vunpack.i.u.bf16.f32 v3;
	v8 =	vld [tilespmem:s22+$0x52F0];
	v16, _, _ =	vpop (xrf2);
	v5 =	vadd.f32 v9, v5;
	v9 =	vunpack.i.l.bf16.f32 v1  }
0xe4: {  	v3 =	vadd.f32 v6, v3;
	v6 =	vunpack.i.l.bf16.f32 v0;
	v14, _, _ =	vpop (xrf2);
	v2 =	vadd.f32 v9, v2  }
0xe5: {  	v4, _, _ =	vpop (xrf2)  }
0xe6: {  	(xrf2) =	vadd.scan.msk.f32 $0xffff, v12;
	v12, _, _ =	vpop (xrf2)  }
0xe7: {  	v3 =	vadd.f32 v6, v3;
	v1 =	vunpack.i.u.bf16.f32 v1;
	v6, _, _ =	vpop (xrf2)  }
0xe8: {  	v0 =	vunpack.i.u.bf16.f32 v0;
	v7 =	vmul.bf16 v7, v8;
	v1 =	vadd.f32 v2, v1;
	v2, _, _ =	vpop (xrf2)  }
0xe9: {  	v0 =	vadd.f32 v3, v0;
	(xrf2) =	vadd.scan.msk.f32 $0xffff, v5;
	v3 =	vbroadcast v6, $0xF;
	v2 =	vbroadcast v2, $0xF;
	_ =	sdelay $0x1  }
0xea: {  	v5 =	vunpack.i.l.bf16.f32 v7;
	(xrf2) =	vadd.scan.msk.f32 $0xffff, v0;
	v0 =	vsel vm0, v3, v2;
	v2 =	vbroadcast v4, $0xF;
	v4, _, _ =	vpop (xrf2)  }
0xeb: {  	v6 =	vbroadcast v12, $0xF;
	v1 =	vadd.f32 v5, v1;
	v4 =	vbroadcast v4, $0xF  }
0xec: {  	v3 =	vunpack.i.u.bf16.f32 v7  }
0xed: {  	v0 =	vsel vm1, v0, v6;
	v1 =	vadd.f32 v1, v3  }
0xee: {  	v3 =	vbroadcast v16, $0xF;
	v0 =	vsel vm2, v0, v2;
	v2 =	vbroadcast v14, $0xF  }
0xef: {  	v0 =	vsel vm3, v0, v4;
	v4, _, _ =	vpop (xrf2)  }
0xf0: {  	(xrf2) =	vadd.scan.msk.f32 $0xffff, v1;
	v0 =	vsel vm4, v0, v2;
	v1 =	vbroadcast v4, $0xF  }
0xf1: {  	v2 =	vbroadcast v11, $0xF;
	v0 =	vsel vm5, v0, v3  }
0xf2: {  	v3, _, _ =	vpop (xrf2);
	v0 =	vsel vm6, v0, v1;
	v1 =	vbroadcast v10, $0xF  }
0xf3: {  	v0 =	vsel vm7, v0, v2;
	v2 =	vbroadcast v3, $0xF  }
0xf4: {  	v0 =	vsel vm8, v0, v1;
	v1 =	vbroadcast v15, $0xF  }
0xf5: {  	v3, _, _ =	vpop (xrf2);
	v0 =	vsel vm9, v0, v2  }
0xf6: {  	v2 =	vbroadcast v13, $0xF;
	v0 =	vsel vm10, v0, v1;
	v1 =	vbroadcast v3, $0xF;
	_ =	sdelay $0x1  }
0xf7: {  	v0 =	vsel vm11, v0, v2;
	v2 =	vbroadcast v17, $0xF  }
0xf8: {  	v0 =	vsel vm12, v0, v1  }
0xf9: {  	v0 =	vsel vm13, v0, v2;
	v1, _, _ =	vpop (xrf2)  }
0xfa: {  	v0 =	vsel vm14, v0, v1  }
0xfb: {  	v0 =	vsub.f32 $0.0e+00, v0;
	_ =	sdelay $0x1  }
0xfc: {  	v0 =	vmul.f32 $1.442695020e+00, v0;
	_ =	sdelay $0x1  }
0xfd: {  	(erf) = vpow2.f32 v0;
	_ =	sdelay $0x8  }
0xfe: {  	v0 =	vpop (erf)  }
0xff: {  	v0 =	vadd.f32 $1.000000000e+00, v0;
	_ =	sdelay $0x1  }
0x100: {  	(erf) = vrcp.f32 v0;
	_ =	sdelay $0x8  }
0x101: {  	s21 =	simm.s32 $0xCF00;
	v0 =	vpop (erf)  }
0x102: {  	s22 =	simm.s32 $0x400;
	[tilespmem:s21+$0x0] =	vst v0  }
0x103: {  	v0 =	vld [tilespmem:s22+$0x92B0]  }
0x104: {  	v1 =	vld [tilespmem:s22+$0x52B0]  }
0x105: {  	v2 =	vld [tilespmem:s22+$0x92E0]  }
0x106: {  	v3 =	vld [tilespmem:s22+$0x52E0]  }
0x107: {  	v4 =	vld [tilespmem:s22+$0x9270]  }
0x108: {  	v5 =	vld [tilespmem:s22+$0x5270]  }
0x109: {  	v6 =	vld [tilespmem:s22+$0x9230]  }
0x10a: {  	v7 =	vld [tilespmem:s22+$0x5230]  }
0x10b: {  	v8 =	vld [tilespmem:s22+$0x92A0]  }
0x10c: {  	v9 =	vld [tilespmem:s22+$0x52A0]  }
0x10d: {  	v10 =	vld [tilespmem:s22+$0x92D0]  }
0x10e: {  	v11 =	vld [tilespmem:s22+$0x52D0]  }
0x10f: {  	v12 =	vld [tilespmem:s22+$0x91F0]  }
0x110: {  	v13 =	vld [tilespmem:s22+$0x51F0]  }
0x111: {  	v14 =	vld [tilespmem:s22+$0x9260]  }
0x112: {  	v15 =	vld [tilespmem:s22+$0x5260]  }
0x113: {  	v16 =	vld [tilespmem:s22+$0x91B0]  }
0x114: {  	v17 =	vld [tilespmem:s22+$0x51B0]  }
0x115: {  	v18 =	vld [tilespmem:s22+$0x9220]  }
0x116: {  	v20 =	vld [tilespmem:s22+$0x5220]  }
0x117: {  	v21 =	vld [tilespmem:s22+$0x9290]  }
0x118: {  	v22 =	vld [tilespmem:s22+$0x5290]  }
0x119: {  	v23 =	vld [tilespmem:s22+$0x92C0]  }
0x11a: {  	v24 =	vld [tilespmem:s22+$0x52C0]  }
0x11b: {  	v25 =	vld [tilespmem:s22+$0x9170]  }
0x11c: {  	v26 =	vld [tilespmem:s22+$0x5170]  }
0x11d: {  	v27 =	vld [tilespmem:s22+$0x91E0]  }
0x11e: {  	v28 =	vld [tilespmem:s22+$0x51E0]  }
0x11f: {  	v29 =	vld [tilespmem:s22+$0x9250]  }
0x120: {  	v30 =	vld [tilespmem:s22+$0x5250]  }
0x121: {  	v31 =	vld [tilespmem:s22+$0x9130]  }
0x122: {  	v32 =	vld [tilespmem:s22+$0x5130]  }
0x123: {  	v33 =	vld [tilespmem:s22+$0x91A0]  }
0x124: {  	v34 =	vld [tilespmem:s22+$0x51A0]  }
0x125: {  	v35 =	vld [tilespmem:s22+$0x9210]  }
0x126: {  	v36 =	vld [tilespmem:s22+$0x5210]  }
0x127: {  	v19 =	vld [tilespmem:s22+$0x9280]  }
0x128: {  	v62 =	vld [tilespmem:s22+$0x5280]  }
0x129: {  	v38 =	vld [tilespmem:s22+$0x90F0]  }
0x12a: {  	v39 =	vld [tilespmem:s22+$0x50F0]  }
0x12b: {  	v40 =	vld [tilespmem:s22+$0x9160]  }
0x12c: {  	v41 =	vld [tilespmem:s22+$0x5160]  }
0x12d: {  	v42 =	vld [tilespmem:s22+$0x91D0]  }
0x12e: {  	v43 =	vld [tilespmem:s22+$0x51D0]  }
0x12f: {  	v44 =	vld [tilespmem:s22+$0x9240]  }
0x130: {  	v45 =	vld [tilespmem:s22+$0x5240]  }
0x131: {  	v46 =	vld [tilespmem:s22+$0x90B0]  }
0x132: {  	v47 =	vld [tilespmem:s22+$0x50B0]  }
0x133: {  	v48 =	vld [tilespmem:s22+$0x9120]  }
0x134: {  	v49 =	vld [tilespmem:s22+$0x5120];
	v1 =	vmul.bf16 v0, v1;
	v6 =	vmul.bf16 v6, v7  }
0x135: {  	v50 =	vld [tilespmem:s22+$0x9190];
	v0 =	vmul.bf16 v4, v5;
	v5 =	vmul.bf16 v12, v13  }
0x136: {  	v52 =	vld [tilespmem:s22+$0x5190];
	v7 =	vmul.bf16 v18, v20;
	v13 =	vmul.bf16 v21, v22  }
0x137: {  	v54 =	vld [tilespmem:s22+$0x9200];
	v40 =	vmul.bf16 v40, v41;
	v51 =	vunpack.i.u.bf16.f32 v1;
	v53 =	vunpack.i.l.bf16.f32 v1  }
0x138: {  	v60 =	vld [tilespmem:s22+$0x90E0];
	v1 =	vmul.bf16 v2, v3;
	v55 =	vunpack.i.u.bf16.f32 v6;
	v3 =	vmul.bf16 v8, v9  }
0x139: {  	v18 =	vld [tilespmem:s22+$0x9150];
	v2 =	vmul.bf16 v10, v11;
	v56 =	vunpack.i.l.bf16.f32 v6;
	v6 =	vmul.bf16 v19, v62  }
0x13a: {  	v21 =	vld [tilespmem:s22+$0x91C0];
	v19 =	vunpack.i.u.bf16.f32 v5;
	v59 =	vunpack.i.l.bf16.f32 v5;
	v12 =	vunpack.i.u.bf16.f32 v3  }
0x13b: {  	v11 =	vld [tilespmem:s22+$0x5200];
	v8 =	vunpack.i.l.bf16.f32 v3;
	v3 =	vunpack.i.l.bf16.f32 v2;
	v5 =	vunpack.i.l.bf16.f32 v6  }
0x13c: {  	v48 =	vmul.bf16 v48, v49;
	[tilespmem:$0x1FFF0] =	vst v3;
	v3 =	vmul.bf16 v14, v15;
	v9 =	vadd.f32 $0.0e+00, v5;
	v15 =	vld [tilespmem:s22+$0x50E0]  }
0x13d: {  	v10 =	vunpack.i.u.bf16.f32 v6;
	v14 =	vmul.bf16 v23, v24;
	v5 =	vmul.bf16 v16, v17;
	v24 =	vld [tilespmem:s22+$0x51C0]  }
0x13e: {  	v17 =	vld [tilespmem:s22+$0x5150];
	v16 =	vunpack.i.u.bf16.f32 v7;
	v23 =	vunpack.i.l.bf16.f32 v7;
	v9 =	vadd.f32 v9, v10  }
0x13f: {  	v57 =	vld [tilespmem:s22+$0x9070];
	v6 =	vunpack.i.l.bf16.f32 v3;
	v10 =	vunpack.i.l.bf16.f32 v13;
	v20 =	vunpack.i.l.bf16.f32 v14  }
0x140: {  	v58 =	vld [tilespmem:s22+$0x5070];
	v13 =	vunpack.i.u.bf16.f32 v13;
	v63 =	vmul.bf16 v54, v11;
	v7 =	vadd.f32 v10, v9  }
0x141: {  	v61 =	vld [tilespmem:s22+$0x50A0];
	v9 =	vadd.f32 $0.0e+00, v20;
	v10 =	vmul.bf16 v25, v26;
	v26 =	vmul.bf16 v27, v28  }
0x142: {  	v41 =	vld [tilespmem:s22+$0x4FF0];
	v14 =	vunpack.i.u.bf16.f32 v14;
	v21 =	vmul.bf16 v21, v24;
	v15 =	vmul.bf16 v60, v15  }
0x143: {  	v49 =	vld [tilespmem:s22+$0x4FB0];
	v18 =	vmul.bf16 v18, v17;
	v13 =	vadd.f32 v7, v13;
	v7 =	vadd.f32 v9, v14  }
0x144: {  	v54 =	vld [tilespmem:s22+$0x5110];
	v22 =	vunpack.i.u.bf16.f32 v10;
	v20 =	vunpack.i.l.bf16.f32 v10;
	v9 =	vmul.bf16 v29, v30  }
0x145: {  	v28 =	vld [tilespmem:s22+$0x90A0];
	v29 =	vunpack.i.u.bf16.f32 v26;
	v26 =	vunpack.i.l.bf16.f32 v26;
	v14 =	vmul.bf16 v31, v32  }
0x146: {  	v25 =	vld [tilespmem:s22+$0x9030];
	v17 =	vunpack.i.l.bf16.f32 v15;
	v13 =	vadd.f32 v8, v13;
	v8 =	vunpack.i.u.bf16.f32 v9  }
0x147: {  	v27 =	vld [tilespmem:s22+$0x5030];
	v10 =	vunpack.i.l.bf16.f32 v9;
	v9 =	vmul.bf16 v33, v34;
	v30 =	vunpack.i.u.bf16.f32 v14  }
0x148: {  	v24 =	vld [tilespmem:s22+$0x9060];
	v32 =	vunpack.i.l.bf16.f32 v14;
	v14 =	vunpack.i.l.bf16.f32 v63;
	v33 =	vunpack.i.u.bf16.f32 v63  }
0x149: {  	v60 =	vld [tilespmem:s22+$0x8F70];
	v63 =	vunpack.i.l.bf16.f32 v21;
	v21 =	vunpack.i.u.bf16.f32 v21;
	v14 =	vadd.f32 $0.0e+00, v14  }
0x14a: {  	v31 =	vld [tilespmem:s22+$0x9110];
	v28 =	vmul.bf16 v28, v61;
	v12 =	vadd.f32 v13, v12;
	v13 =	vmul.bf16 v35, v36  }
0x14b: {  	v35 =	vld [tilespmem:s22+$0x9180];
	v11 =	vunpack.i.l.bf16.f32 v9;
	v14 =	vadd.f32 v14, v33;
	v33 =	vunpack.i.u.bf16.f32 v40  }
0x14c: {  	v36 =	vld [tilespmem:s22+$0x5180];
	v12 =	vadd.f32 v53, v12;
	v62 =	vunpack.i.u.bf16.f32 v13;
	v13 =	vunpack.i.l.bf16.f32 v13  }
0x14d: {  	v40 =	vunpack.i.l.bf16.f32 v40;
	v53 =	vld [tilespmem:s22+$0x8FF0];
	v13 =	vadd.f32 v13, v14;
	v14 =	vadd.f32 $0.0e+00, v63  }
0x14e: {  	v63 =	vmul.bf16 v46, v47;
	v46 =	vld [tilespmem:s22+$0x9140];
	v4 =	vadd.f32 v12, v51;
	v12 =	vmul.bf16 v38, v39  }
0x14f: {  	v61 =	vunpack.i.u.bf16.f32 v28;
	v47 =	vld [tilespmem:s22+$0x5140];
	v38 =	vmul.bf16 v42, v43;
	v39 =	vmul.bf16 v44, v45  }
0x150: {  	v43 =	vld [tilespmem:s22+$0x5060];
	v13 =	vadd.f32 v13, v62;
	v14 =	vadd.f32 v14, v21;
	v37 =	vunpack.i.u.bf16.f32 v63  }
0x151: {  	v45 =	vld [tilespmem:s22+$0x90D0];
	v34 =	vunpack.i.u.bf16.f32 v38;
	v44 =	vunpack.i.l.bf16.f32 v39;
	v21 =	vunpack.i.u.bf16.f32 v39  }
0x152: {  	v51 =	vld [tilespmem:s22+$0x50D0];
	v38 =	vunpack.i.l.bf16.f32 v38;
	v39 =	vunpack.i.l.bf16.f32 v63;
	v23 =	vadd.f32 v23, v13  }
0x153: {  	v62 =	vadd.f32 $0.0e+00, v44;
	v14 =	vadd.f32 v38, v14;
	v38 =	vmul.bf16 v50, v52;
	v50 =	vld [tilespmem:s22+$0x9020]  }
0x154: {  	v52 =	vunpack.i.u.bf16.f32 v48;
	v44 =	vmul.bf16 v57, v58;
	v57 =	vld [tilespmem:s22+$0x8F30];
	v16 =	vadd.f32 v23, v16  }
0x155: {  	v48 =	vunpack.i.l.bf16.f32 v48;
	v41 =	vmul.bf16 v53, v41;
	v53 =	vld [tilespmem:s22+$0x9080];
	v23 =	vadd.f32 v14, v34  }
0x156: {  	v58 =	vunpack.i.u.bf16.f32 v18;
	v46 =	vmul.bf16 v46, v47;
	v47 =	vld [tilespmem:s22+$0x5090];
	v34 =	vadd.f32 v56, v16  }
0x157: {  	v13 =	vadd.f32 v62, v21;
	v14 =	vunpack.i.u.bf16.f32 v38;
	v56 =	vld [tilespmem:s22+$0x9090];
	v23 =	vadd.f32 v26, v23  }
0x158: {  	v43 =	vmul.bf16 v24, v43;
	v63 =	vunpack.i.l.bf16.f32 v46;
	v26 =	vld [tilespmem:s22+$0x9100];
	v42 =	vadd.f32 v34, v55  }
0x159: {  	v24 =	vunpack.i.u.bf16.f32 v41;
	v23 =	vadd.f32 v23, v29;
	v29 =	vld [tilespmem:s22+$0x5100];
	v55 =	vadd.f32 $0.0e+00, v63  }
0x15a: {  	v21 =	vld [tilespmem:s22+$0x8FB0];
	v46 =	vunpack.i.u.bf16.f32 v46;
	v16 =	vunpack.i.l.bf16.f32 v38;
	v38 =	vunpack.i.u.bf16.f32 v44  }
0x15b: {  	v62 =	vld [tilespmem:s22+$0x5020];
	v44 =	vunpack.i.l.bf16.f32 v44;
	v23 =	vadd.f32 v59, v23;
	v46 =	vadd.f32 v55, v46  }
0x15c: {  	v34 =	vunpack.i.l.bf16.f32 v18;
	v18 =	vmul.bf16 v25, v27;
	v27 =	vmul.bf16 v35, v36;
	v36 =	vld [tilespmem:s22+$0x8FE0]  }
0x15d: {  	v25 =	vmul.bf16 v31, v54;
	v55 =	vld [tilespmem:s22+$0x4FE0];
	v23 =	vadd.f32 v23, v19;
	v19 =	vadd.f32 v34, v46  }
0x15e: {  	v54 =	vld [tilespmem:s22+$0x4F70];
	v47 =	vmul.bf16 v56, v47;
	v46 =	vunpack.i.l.bf16.f32 v28;
	v26 =	vmul.bf16 v26, v29  }
0x15f: {  	v35 =	vld [tilespmem:s22+$0x9050];
	v28 =	vunpack.i.u.bf16.f32 v25;
	v29 =	vunpack.i.l.bf16.f32 v27;
	v19 =	vadd.f32 v19, v58  }
0x160: {  	v63 =	vld [tilespmem:s22+$0x5050];
	v25 =	vunpack.i.l.bf16.f32 v25;
	v29 =	vadd.f32 $0.0e+00, v29;
	v31 =	vunpack.i.l.bf16.f32 v26  }
0x161: {  	v27 =	vunpack.i.u.bf16.f32 v27;
	v58 =	vld [tilespmem:s22+$0x5080];
	v31 =	vadd.f32 $0.0e+00, v31;
	v40 =	vadd.f32 v40, v19  }
0x162: {  	v59 =	vld [tilespmem:s22+$0x4F30];
	v26 =	vunpack.i.u.bf16.f32 v26;
	v36 =	vmul.bf16 v36, v55;
	v19 =	vadd.f32 v29, v27  }
0x163: {  	v34 =	vld [tilespmem:s22+$0x5040];
	v27 =	vadd.f32 v31, v26;
	v29 =	vadd.f32 v40, v33;
	v26 =	vunpack.i.l.bf16.f32 v41  }
0x164: {  	v33 =	vld [tilespmem:s22+$0x9040];
	v41 =	vunpack.i.u.bf16.f32 v43;
	v31 =	vmul.bf16 v45, v51;
	v43 =	vunpack.i.l.bf16.f32 v43  }
0x165: {  	v45 =	vld [tilespmem:s22+$0x90C0];
	v25 =	vadd.f32 v25, v27;
	v27 =	vadd.f32 v20, v29;
	v29 =	vmul.bf16 v21, v49  }
0x166: {  	v51 =	vld [tilespmem:s22+$0x50C0];
	v20 =	vunpack.i.u.bf16.f32 v31;
	v21 =	vunpack.i.l.bf16.f32 v31;
	v49 =	vmul.bf16 v53, v58  }
0x167: {  	v56 =	vld [tilespmem:s22+$0x9010];
	v25 =	vadd.f32 v25, v28;
	v31 =	vadd.f32 v27, v22;
	v27 =	vunpack.i.u.bf16.f32 v29  }
0x168: {  	v53 =	vld [tilespmem:s22+$0x8FA0];
	v28 =	vunpack.i.l.bf16.f32 v29;
	v22 =	vmul.bf16 v50, v62;
	v29 =	vunpack.i.l.bf16.f32 v49  }
0x169: {  	v50 =	vld [tilespmem:s22+$0x4FA0];
	v33 =	vmul.bf16 v33, v34;
	v29 =	vadd.f32 $0.0e+00, v29;
	v34 =	vunpack.i.u.bf16.f32 v49  }
0x16a: {  	v58 =	vld [tilespmem:s22+$0x5010];
	v49 =	vunpack.i.u.bf16.f32 v47;
	v47 =	vunpack.i.l.bf16.f32 v47;
	v48 =	vadd.f32 v48, v25  }
0x16b: {  	v45 =	vmul.bf16 v45, v51;
	v51 =	vld [tilespmem:s22+$0x8FC0];
	v25 =	vunpack.i.l.bf16.f32 v22;
	v62 =	vunpack.i.l.bf16.f32 v33  }
0x16c: {  	v40 =	vadd.f32 v29, v34;
	v34 =	vld [tilespmem:s22+$0x4F20];
	v29 =	vmul.bf16 v57, v59;
	v48 =	vadd.f32 v48, v52  }
0x16d: {  	v59 =	vld [tilespmem:s22+$0x8FD0];
	v33 =	vunpack.i.u.bf16.f32 v33;
	v57 =	vadd.f32 $0.0e+00, v62;
	v62 =	vmul.bf16 v35, v63  }
0x16e: {  	v52 =	vld [tilespmem:s22+$0x8F20];
	v40 =	vadd.f32 v47, v40;
	v50 =	vmul.bf16 v53, v50;
	v48 =	vadd.f32 v32, v48  }
0x16f: {  	v53 =	vld [tilespmem:s22+$0x4FC0];
	v32 =	vunpack.i.l.bf16.f32 v29;
	v33 =	vadd.f32 v57, v33;
	v47 =	vunpack.i.l.bf16.f32 v62  }
0x170: {  	v57 =	vld [tilespmem:s22+$0x8F90];
	v55 =	vunpack.i.u.bf16.f32 v62;
	v40 =	vadd.f32 v40, v49;
	v35 =	vadd.f32 v48, v30  }
0x171: {  	v49 =	vld [tilespmem:s22+$0x4F90];
	v30 =	vmul.bf16 v60, v54;
	v33 =	vadd.f32 v47, v33;
	v60 =	vunpack.i.l.bf16.f32 v45  }
0x172: {  	v63 =	vld [tilespmem:s22+$0x4FD0];
	v45 =	vunpack.i.u.bf16.f32 v45;
	v47 =	vunpack.i.l.bf16.f32 v36;
	v46 =	vadd.f32 v46, v40  }
0x173: {  	v54 =	vld [tilespmem:s22+$0x9000];
	v40 =	vunpack.i.u.bf16.f32 v36;
	v48 =	vadd.f32 $0.0e+00, v60;
	v33 =	vadd.f32 v33, v55  }
0x174: {  	v36 =	vmul.bf16 v56, v58;
	v55 =	vld [tilespmem:s22+$0x5000];
	v53 =	vmul.bf16 v51, v53;
	v46 =	vadd.f32 v46, v61  }
0x175: {  	v61 =	vld [tilespmem:s22+$0x8F80];
	v60 =	vadd.f32 v43, v33;
	v33 =	vadd.f32 v48, v45;
	v43 =	vunpack.i.u.bf16.f32 v50  }
0x176: {  	(xrf2) =	vadd.scan.msk.f32 $0xffff, v4;
	v56 =	vmul.bf16 v57, v49;
	v45 =	vadd.f32 v39, v46;
	v39 =	vmul.bf16 v52, v34;
	v34 =	vld [tilespmem:s22+$0x4F80]  }
0x177: {  	(xrf2) =	vadd.scan.msk.f32 $0xffff, v42;
	v42 =	vld [tilespmem:s22+$0x8F40];
	v46 =	vunpack.i.l.bf16.f32 v50;
	v62 =	vadd.f32 v60, v41;
	v60 =	vmul.bf16 v59, v63  }
0x178: {  	v48 =	vld [tilespmem:s22+$0x8F10];
	v41 =	vunpack.i.l.bf16.f32 v36;
	v63 =	vunpack.i.l.bf16.f32 v53;
	v37 =	vadd.f32 v45, v37  }
0x179: {  	v50 =	vld [tilespmem:s22+$0x8F00];
	v45 =	vunpack.i.l.bf16.f32 v39;
	v54 =	vmul.bf16 v54, v55;
	v62 =	vadd.f32 v44, v62  }
0x17a: {  	v52 =	vld [tilespmem:s22+$0x4F00];
	v57 =	vadd.f32 $0.0e+00, v63;
	v44 =	vunpack.i.u.bf16.f32 v60;
	v51 =	vunpack.i.l.bf16.f32 v60  }
0x17b: {  	s15 =	simm.s32 $0x2000;
	v49 =	vld [tilespmem:s22+$0x4F10];
	v38 =	vadd.f32 v62, v38;
	v55 =	vmul.bf16 v61, v34;
	v34 =	vunpack.i.u.bf16.f32 v56  }
.LBB2_4:
0x17c: {  	v58 =	vld [tilespmem:s22+$0x4F40];
	v56 =	vunpack.i.l.bf16.f32 v56;
	v53 =	vunpack.i.u.bf16.f32 v53;
	v21 =	vadd.f32 v21, v33  }
0x17d: {  	(xrf2) =	vadd.scan.msk.f32 $0xffff, v23;
	v59 =	vunpack.i.l.bf16.f32 v54;
	v23 =	vunpack.i.l.bf16.f32 v55;
	v53 =	vadd.f32 v57, v53  }
0x17e: {  	v61 =	vunpack.i.u.bf16.f32 v54;
	v60 =	vadd.f32 $0.0e+00, v59;
	v4 =	vadd.f32 $0.0e+00, v23  }
0x17f: {  	v62 =	vunpack.i.u.bf16.f32 v55;
	v57 =	vld [tilespmem:s22+$0x8F60];
	v51 =	vadd.f32 v51, v53;
	v50 =	vmul.bf16 v50, v52  }
0x180: {  	v59 =	vld [tilespmem:s22+$0x4F50];
	v53 =	vadd.f32 v60, v61;
	v48 =	vmul.bf16 v48, v49;
	v63 =	vadd.f32 v4, v62  }
0x181: {  	(xrf2) =	vadd.scan.msk.f32 $0xffff, v31;
	v52 =	vld [tilespmem:s22+$0x8F50];
	v42 =	vmul.bf16 v42, v58;
	v44 =	vadd.f32 v51, v44;
	v31 =	vunpack.i.l.bf16.f32 v50  }
0x182: {  	v61 =	vld [tilespmem:s22+$0x4F60];
	v50 =	vunpack.i.u.bf16.f32 v50;
	v49 =	vadd.f32 v56, v63;
	v4 =	vadd.f32 $0.0e+00, v31  }
0x183: {  	v51 =	vunpack.i.l.bf16.f32 v48;
	v48 =	vunpack.i.u.bf16.f32 v48;
	v44 =	vadd.f32 v47, v44  }
0x184: {  	v60 =	vunpack.i.l.bf16.f32 v42;
	v58 =	vadd.f32 v4, v50;
	v4 =	vadd.f32 v49, v34  }
0x185: {  	v42 =	vunpack.i.u.bf16.f32 v42;
	v62 =	vadd.f32 $0.0e+00, v60;
	v60 =	vadd.f32 v41, v53  }
0x186: {  	v23, _, _ =	vpop (xrf2);
	(xrf2) =	vadd.scan.msk.f32 $0xffff, v35;
	v63 =	vmul.bf16 v52, v59;
	v35 =	vadd.f32 v51, v58;
	v49 =	vadd.f32 v46, v4  }
0x187: {  	v40 =	vadd.f32 v44, v40;
	v56 =	vmul.bf16 v57, v61;
	v42 =	vadd.f32 v62, v42  }
0x188: {  	v52 =	vunpack.i.l.bf16.f32 v63;
	v35 =	vadd.f32 v35, v48;
	v57 =	vadd.f32 v49, v43  }
0x189: {  	v39 =	vunpack.i.u.bf16.f32 v39;
	v31, _, _ =	vpop (xrf2);
	(xrf2) =	vadd.scan.msk.f32 $0xffff, v37;
	v26 =	vadd.f32 v26, v40;
	v37 =	vadd.f32 v52, v42  }
0x18a: {  	v58 =	vunpack.i.u.bf16.f32 v63;
	v35 =	vadd.f32 v45, v35;
	v28 =	vadd.f32 v28, v57  }
0x18b: {  	v51, _, _ =	vpop (xrf2);
	(xrf2) =	vadd.scan.msk.f32 $0xffff, v38;
	v59 =	vunpack.i.l.bf16.f32 v56;
	v26 =	vadd.f32 v26, v24;
	v37 =	vadd.f32 v37, v58  }
0x18c: {  	v35 =	vadd.f32 v35, v39;
	v27 =	vadd.f32 v28, v27;
	v28 =	vunpack.i.u.bf16.f32 v36  }
0x18d: {  	v29 =	vunpack.i.u.bf16.f32 v29;
	v24, _, _ =	vpop (xrf2);
	(xrf2) =	vadd.scan.msk.f32 $0xffff, v26;
	v26 =	vadd.f32 v59, v37;
	v4 =	vadd.f32 v60, v28  }
0x18e: {  	v16 =	vadd.f32 v16, v19;
	v62 =	vunpack.i.u.bf16.f32 v56;
	v32 =	vadd.f32 v32, v35  }
0x18f: {  	v22 =	vunpack.i.u.bf16.f32 v22;
	v26 =	vadd.f32 v26, v62;
	v25 =	vadd.f32 v25, v4  }
0x190: {  	v61, _, _ =	vpop (xrf2);
	(xrf2) =	vadd.scan.msk.f32 $0xffff, v27;
	v4 =	vadd.f32 v21, v20;
	v27 =	vadd.f32 v32, v29;
	v29 =	vunpack.i.l.bf16.f32 v30  }
0x191: {  	v26 =	vadd.f32 v29, v26;
	v22 =	vadd.f32 v25, v22  }
0x192: {  	v21 =	vunpack.i.u.bf16.f32 v30;
	v17 =	vadd.f32 v17, v4;
	v4 =	vadd.f32 v16, v14  }
0x193: {  	v10 =	vadd.f32 v10, v13;
	v19 =	vadd.f32 v26, v21;
	v21 =	vunpack.i.l.bf16.f32 v18  }
0x194: {  	v15 =	vunpack.i.u.bf16.f32 v15;
	v28, _, _ =	vpop (xrf2);
	(xrf2) =	vadd.scan.msk.f32 $0xffff, v27;
	v11 =	vadd.f32 v11, v4;
	v4 =	vld [tilespmem:$0x1FFF0];
	v21 =	vadd.f32 v21, v22  }
0x195: {  	v20, _, _ =	vpop (xrf2);
	v16 =	vunpack.i.u.bf16.f32 v18;
	v15 =	vadd.f32 v17, v15;
	(xrf2) =	vadd.scan.msk.f32 $0xffff, v19  }
0x196: {  	v8 =	vadd.f32 v10, v8;
	v13 =	vadd.f32 v21, v16;
	v16 =	vunpack.i.l.bf16.f32 v12  }
0x197: {  	v9 =	vunpack.i.u.bf16.f32 v9;
	v15 =	vadd.f32 v16, v15  }
0x198: {  	v10 =	vunpack.i.u.bf16.f32 v12;
	v6 =	vadd.f32 v6, v8;
	v8 =	vld [tilespmem:s22+$0x52F0];
	v14, _, _ =	vpop (xrf2);
	v9 =	vadd.f32 v11, v9;
	(xrf2) =	vadd.scan.msk.f32 $0xffff, v13  }
0x199: {  	v11 =	vunpack.i.l.bf16.f32 v5;
	v4 =	vadd.f32 v4, v7;
	v7 =	vld [tilespmem:s22+$0x92F0];
	v10 =	vadd.f32 v15, v10  }
0x19a: {  	v3 =	vunpack.i.u.bf16.f32 v3;
	v2 =	vunpack.i.u.bf16.f32 v2;
	v11 =	vadd.f32 v11, v9  }
0x19b: {  	v3 =	vadd.f32 v6, v3;
	v5 =	vunpack.i.u.bf16.f32 v5;
	v12, _, _ =	vpop (xrf2);
	v2 =	vadd.f32 v4, v2;
	(xrf2) =	vadd.scan.msk.f32 $0xffff, v10  }
0x19c: {  	v6 =	vunpack.i.l.bf16.f32 v1;
	v4 =	vadd.f32 v11, v5;
	v5 =	vunpack.i.l.bf16.f32 v0  }
0x19d: {  	v3 =	vadd.f32 v5, v3;
	v6 =	vadd.f32 v6, v2  }
0x19e: {  	v1 =	vunpack.i.u.bf16.f32 v1;
	v0 =	vunpack.i.u.bf16.f32 v0;
	v9, _, _ =	vpop (xrf2);
	(xrf2) =	vadd.scan.msk.f32 $0xffff, v4;
	v5 =	vmul.bf16 v7, v8  }
0x19f: {  	v0 =	vadd.f32 v3, v0;
	v1 =	vadd.f32 v6, v1;
	v2, _, _ =	vpop (xrf2)  }
0x1a0: {  	v3 =	vbroadcast v9, $0xF;
	v7 =	vunpack.i.l.bf16.f32 v5;
	v2 =	vbroadcast v2, $0xF  }
0x1a1: {  	v6 =	vbroadcast v12, $0xF;
	(xrf2) =	vadd.scan.msk.f32 $0xffff, v0;
	v1 =	vadd.f32 v7, v1  }
0x1a2: {  	v0 =	vsel vm0, v3, v2;
	v2 =	vbroadcast v14, $0xF;
	v3 =	vunpack.i.u.bf16.f32 v5;
	v4, _, _ =	vpop (xrf2)  }
0x1a3: {  	v0 =	vsel vm1, v0, v6;
	v5 =	vbroadcast v4, $0xF;
	v1 =	vadd.f32 v1, v3  }
0x1a4: {  	v0 =	vsel vm2, v0, v2;
	v2 =	vbroadcast v20, $0xF  }
0x1a5: {  	v0 =	vsel vm3, v0, v5;
	v5 =	vbroadcast v28, $0xF;
	v4, _, _ =	vpop (xrf2);
	(xrf2) =	vadd.scan.msk.f32 $0xffff, v1  }
0x1a6: {  	v0 =	vsel vm4, v0, v2;
	v1 =	vbroadcast v4, $0xF  }
0x1a7: {  	v2 =	vbroadcast v61, $0xF;
	v0 =	vsel vm5, v0, v5  }
0x1a8: {  	v3, _, _ =	vpop (xrf2);
	v0 =	vsel vm6, v0, v1;
	v1 =	vbroadcast v24, $0xF  }
0x1a9: {  	v0 =	vsel vm7, v0, v2;
	v2 =	vbroadcast v3, $0xF  }
0x1aa: {  	v0 =	vsel vm8, v0, v1;
	v1 =	vbroadcast v51, $0xF  }
0x1ab: {  	v3, _, _ =	vpop (xrf2);
	v0 =	vsel vm9, v0, v2;
	v2 =	vbroadcast v31, $0xF  }
0x1ac: {  	v3 =	vbroadcast v3, $0xF;
	v0 =	vsel vm10, v0, v1  }
0x1ad: {  	v0 =	vsel vm11, v0, v2;
	v2 =	vbroadcast v23, $0xF  }
0x1ae: {  	v0 =	vsel vm12, v0, v3  }
0x1af: {  	v0 =	vsel vm13, v0, v2;
	v1, _, _ =	vpop (xrf2)  }
0x1b0: {  	v0 =	vsel vm14, v0, v1  }
0x1b1: {  	v0 =	vsub.f32 $0.0e+00, v0;
	_ =	sdelay $0x1  }
0x1b2: {  	v0 =	vmul.f32 $1.442695020e+00, v0;
	_ =	sdelay $0x1  }
0x1b3: {  	(erf) = vpow2.f32 v0;
	_ =	sdelay $0x8  }
0x1b4: {  	v0 =	vpop (erf)  }
0x1b5: {  	v0 =	vadd.f32 $1.000000000e+00, v0;
	_ =	sdelay $0x1  }
0x1b6: {  	(erf) = vrcp.f32 v0;
	_ =	sdelay $0x8  }
0x1b7: {  	s21 =	sadd.s32 $0x10, s21;
	v0 =	vpop (erf)  }
0x1b8: {  	s22 =	sshra.s32 s15, $0x2;
	[tilespmem:s21+$0x0] =	vst v0  }
0x1b9: {  	v0 =	vld [tilespmem:s22+$0x92B0]  }
0x1ba: {  	v1 =	vld [tilespmem:s22+$0x52B0]  }
0x1bb: {  	v2 =	vld [tilespmem:s22+$0x92E0]  }
0x1bc: {  	v3 =	vld [tilespmem:s22+$0x52E0]  }
0x1bd: {  	v4 =	vld [tilespmem:s22+$0x9270]  }
0x1be: {  	v5 =	vld [tilespmem:s22+$0x5270]  }
0x1bf: {  	v6 =	vld [tilespmem:s22+$0x9230]  }
0x1c0: {  	v7 =	vld [tilespmem:s22+$0x5230]  }
0x1c1: {  	v8 =	vld [tilespmem:s22+$0x92A0]  }
0x1c2: {  	v9 =	vld [tilespmem:s22+$0x52A0]  }
0x1c3: {  	v10 =	vld [tilespmem:s22+$0x92D0]  }
0x1c4: {  	v11 =	vld [tilespmem:s22+$0x52D0]  }
0x1c5: {  	v18 =	vld [tilespmem:s22+$0x91F0]  }
0x1c6: {  	v19 =	vld [tilespmem:s22+$0x51F0]  }
0x1c7: {  	v20 =	vld [tilespmem:s22+$0x9260]  }
0x1c8: {  	v22 =	vld [tilespmem:s22+$0x5260]  }
0x1c9: {  	v29 =	vld [tilespmem:s22+$0x91B0]  }
0x1ca: {  	v30 =	vld [tilespmem:s22+$0x51B0]  }
0x1cb: {  	v27 =	vld [tilespmem:s22+$0x9220]  }
0x1cc: {  	v28 =	vld [tilespmem:s22+$0x5220]  }
0x1cd: {  	v63 =	vld [tilespmem:s22+$0x9290]  }
0x1ce: {  	v60 =	vld [tilespmem:s22+$0x5290]  }
0x1cf: {  	v61 =	vld [tilespmem:s22+$0x92C0]  }
0x1d0: {  	v62 =	vld [tilespmem:s22+$0x52C0]  }
0x1d1: {  	v36 =	vld [tilespmem:s22+$0x9170]  }
0x1d2: {  	v37 =	vld [tilespmem:s22+$0x5170]  }
0x1d3: {  	v38 =	vld [tilespmem:s22+$0x91E0]  }
0x1d4: {  	v39 =	vld [tilespmem:s22+$0x51E0]  }
0x1d5: {  	v40 =	vld [tilespmem:s22+$0x9250]  }
0x1d6: {  	v41 =	vld [tilespmem:s22+$0x5250]  }
0x1d7: {  	v42 =	vld [tilespmem:s22+$0x9130]  }
0x1d8: {  	v43 =	vld [tilespmem:s22+$0x5130]  }
0x1d9: {  	v44 =	vld [tilespmem:s22+$0x91A0]  }
0x1da: {  	v45 =	vld [tilespmem:s22+$0x51A0]  }
0x1db: {  	v46 =	vld [tilespmem:s22+$0x9210]  }
0x1dc: {  	v47 =	vld [tilespmem:s22+$0x5210]  }
0x1dd: {  	v24 =	vld [tilespmem:s22+$0x9280]  }
0x1de: {  	v25 =	vld [tilespmem:s22+$0x5280]  }
0x1df: {  	v12 =	vld [tilespmem:s22+$0x90F0]  }
0x1e0: {  	v48 =	vld [tilespmem:s22+$0x50F0]  }
0x1e1: {  	v49 =	vld [tilespmem:s22+$0x9160]  }
0x1e2: {  	v50 =	vld [tilespmem:s22+$0x5160]  }
0x1e3: {  	v51 =	vld [tilespmem:s22+$0x91D0]  }
0x1e4: {  	v52 =	vld [tilespmem:s22+$0x51D0]  }
0x1e5: {  	v13 =	vld [tilespmem:s22+$0x90B0]  }
0x1e6: {  	v26 =	vld [tilespmem:s22+$0x50B0]  }
0x1e7: {  	v14 =	vld [tilespmem:s22+$0x9120]  }
0x1e8: {  	v16 =	vld [tilespmem:s22+$0x5120]  }
0x1e9: {  	v15 =	vld [tilespmem:s22+$0x9190]  }
0x1ea: {  	v21 =	vld [tilespmem:s22+$0x5190];
	v1 =	vmul.bf16 v0, v1  }
0x1eb: {  	v53 =	vld [tilespmem:s22+$0x9240];
	v6 =	vmul.bf16 v6, v7;
	v0 =	vmul.bf16 v4, v5  }
0x1ec: {  	v54 =	vld [tilespmem:s22+$0x5240];
	v5 =	vmul.bf16 v18, v19;
	v7 =	vmul.bf16 v27, v28  }
0x1ed: {  	v57 =	vld [tilespmem:s22+$0x9200];
	v49 =	vmul.bf16 v49, v50;
	v12 =	vmul.bf16 v12, v48  }
0x1ee: {  	v31 =	vld [tilespmem:s22+$0x5070];
	v26 =	vmul.bf16 v13, v26;
	v14 =	vmul.bf16 v14, v16  }
0x1ef: {  	v33 =	vld [tilespmem:s22+$0x5150];
	v15 =	vmul.bf16 v15, v21;
	v55 =	vunpack.i.u.bf16.f32 v1;
	v56 =	vunpack.i.l.bf16.f32 v1  }
0x1f0: {  	v59 =	vld [tilespmem:s22+$0x91C0];
	v1 =	vmul.bf16 v2, v3;
	v17 =	vunpack.i.u.bf16.f32 v6;
	v3 =	vmul.bf16 v8, v9  }
0x1f1: {  	v27 =	vld [tilespmem:s22+$0x50E0];
	v2 =	vmul.bf16 v10, v11;
	v23 =	vunpack.i.l.bf16.f32 v6;
	v6 =	vmul.bf16 v24, v25  }
0x1f2: {  	v28 =	vld [tilespmem:s22+$0x9150];
	v19 =	vunpack.i.u.bf16.f32 v5;
	v18 =	vunpack.i.l.bf16.f32 v5;
	v35 =	vunpack.i.u.bf16.f32 v7  }
0x1f3: {  	v48 =	vld [tilespmem:s22+$0x9060];
	v50 =	vunpack.i.u.bf16.f32 v49;
	v49 =	vunpack.i.l.bf16.f32 v49;
	v58 =	vunpack.i.u.bf16.f32 v3  }
0x1f4: {  	v4 =	vld [tilespmem:s22+$0x9090];
	v8 =	vunpack.i.l.bf16.f32 v3;
	v3 =	vunpack.i.l.bf16.f32 v2;
	v5 =	vunpack.i.l.bf16.f32 v6  }
0x1f5: {  	v11 =	vld [tilespmem:s22+$0x5200];
	[tilespmem:$0x1FFF0] =	vst v3;
	v3 =	vmul.bf16 v20, v22;
	v9 =	vadd.f32 $0.0e+00, v5;
	v20 =	vmul.bf16 v63, v60  }
0x1f6: {  	v25 =	vld [tilespmem:s22+$0x9070];
	v10 =	vunpack.i.u.bf16.f32 v6;
	v22 =	vmul.bf16 v61, v62;
	v5 =	vmul.bf16 v29, v30  }
0x1f7: {  	v24 =	vld [tilespmem:s22+$0x90E0];
	v60 =	vunpack.i.l.bf16.f32 v7;
	v30 =	vmul.bf16 v38, v39;
	v9 =	vadd.f32 v9, v10  }
0x1f8: {  	v61 =	vld [tilespmem:s22+$0x5030];
	v63 =	vmul.bf16 v42, v43;
	v6 =	vunpack.i.l.bf16.f32 v3;
	v10 =	vunpack.i.l.bf16.f32 v20  }
0x1f9: {  	v62 =	vld [tilespmem:s22+$0x50A0];
	v29 =	vunpack.i.l.bf16.f32 v22;
	v20 =	vunpack.i.u.bf16.f32 v20;
	v7 =	vadd.f32 v10, v9  }
0x1fa: {  	v43 =	vld [tilespmem:s22+$0x9110];
	v22 =	vunpack.i.u.bf16.f32 v22;
	v9 =	vadd.f32 $0.0e+00, v29;
	v10 =	vmul.bf16 v36, v37  }
0x1fb: {  	v38 =	vunpack.i.l.bf16.f32 v30;
	v34 =	vmul.bf16 v57, v11;
	v36 =	vld [tilespmem:s22+$0x51C0];
	v32 =	vadd.f32 v7, v20  }
0x1fc: {  	v7 =	vadd.f32 v9, v22;
	v22 =	vunpack.i.u.bf16.f32 v10;
	v9 =	vmul.bf16 v40, v41;
	v40 =	vld [tilespmem:s22+$0x90A0]  }
0x1fd: {  	v29 =	vld [tilespmem:s22+$0x9030];
	v20 =	vunpack.i.l.bf16.f32 v10;
	v41 =	vunpack.i.u.bf16.f32 v30;
	v30 =	vadd.f32 v8, v32  }
0x1fe: {  	v8 =	vunpack.i.u.bf16.f32 v9;
	v10 =	vunpack.i.l.bf16.f32 v9;
	v9 =	vmul.bf16 v44, v45;
	v45 =	vld [tilespmem:s22+$0x5110]  }
0x1ff: {  	v25 =	vmul.bf16 v25, v31;
	v57 =	vadd.f32 v30, v58;
	v58 =	vmul.bf16 v46, v47;
	v46 =	vld [tilespmem:s22+$0x9180]  }
0x200: {  	v32 =	vunpack.i.l.bf16.f32 v63;
	v30 =	vunpack.i.u.bf16.f32 v63;
	v63 =	vunpack.i.l.bf16.f32 v34;
	v47 =	vld [tilespmem:s22+$0x5180]  }
0x201: {  	v36 =	vmul.bf16 v59, v36;
	v42 =	vadd.f32 $0.0e+00, v63;
	v31 =	vmul.bf16 v40, v62;
	v40 =	vld [tilespmem:s22+$0x8F70]  }
0x202: {  	v37 =	vadd.f32 v56, v57;
	v44 =	vunpack.i.u.bf16.f32 v58;
	v56 =	vld [tilespmem:s22+$0x8FF0];
	v57 =	vunpack.i.u.bf16.f32 v34  }
0x203: {  	v39 =	vunpack.i.l.bf16.f32 v58;
	v58 =	vadd.f32 v42, v57;
	v42 =	vmul.bf16 v51, v52;
	v52 =	vld [tilespmem:s22+$0x5060]  }
0x204: {  	v11 =	vunpack.i.l.bf16.f32 v9;
	v59 =	vunpack.i.l.bf16.f32 v36;
	v51 =	vmul.bf16 v53, v54;
	v54 =	vld [tilespmem:s22+$0x90D0]  }
0x205: {  	v36 =	vunpack.i.u.bf16.f32 v36;
	v57 =	vld [tilespmem:s22+$0x9140];
	v34 =	vadd.f32 v37, v55;
	v37 =	vadd.f32 v39, v58  }
0x206: {  	v39 =	vadd.f32 $0.0e+00, v59;
	v53 =	vunpack.i.u.bf16.f32 v42;
	v63 =	vunpack.i.l.bf16.f32 v51;
	v58 =	vld [tilespmem:s22+$0x50D0]  }
0x207: {  	v55 =	vld [tilespmem:s22+$0x4FF0];
	v13 =	vunpack.i.u.bf16.f32 v51;
	v37 =	vadd.f32 v37, v44;
	v44 =	vadd.f32 $0.0e+00, v63  }
0x208: {  	v51 =	vld [tilespmem:s22+$0x5140];
	v36 =	vadd.f32 v39, v36;
	v63 =	vunpack.i.l.bf16.f32 v42;
	v39 =	vunpack.i.l.bf16.f32 v26  }
0x209: {  	v59 =	vld [tilespmem:s22+$0x8FB0];
	v48 =	vmul.bf16 v48, v52;
	v60 =	vadd.f32 v60, v37;
	v13 =	vadd.f32 v44, v13  }
0x20a: {  	v52 =	vld [tilespmem:s22+$0x5080];
	v37 =	vunpack.i.u.bf16.f32 v26;
	v16 =	vadd.f32 v63, v36;
	v63 =	vunpack.i.l.bf16.f32 v14  }
0x20b: {  	v36 =	vld [tilespmem:s22+$0x4FB0];
	v44 =	vunpack.i.l.bf16.f32 v25;
	v62 =	vmul.bf16 v54, v58;
	v21 =	vadd.f32 v60, v35  }
0x20c: {  	v54 =	vld [tilespmem:s22+$0x5040];
	v60 =	vunpack.i.u.bf16.f32 v14;
	v26 =	vadd.f32 v16, v53;
	v14 =	vunpack.i.u.bf16.f32 v15  }
0x20d: {  	v58 =	vld [tilespmem:s22+$0x8FA0];
	v16 =	vunpack.i.l.bf16.f32 v15;
	v21 =	vadd.f32 v23, v21;
	v23 =	vmul.bf16 v57, v51  }
0x20e: {  	v35 =	vld [tilespmem:s22+$0x9020];
	v15 =	vmul.bf16 v24, v27;
	v27 =	vmul.bf16 v28, v33;
	v26 =	vadd.f32 v38, v26  }
0x20f: {  	v38 =	vunpack.i.u.bf16.f32 v25;
	v25 =	vld [tilespmem:s22+$0x5100];
	v42 =	vadd.f32 v21, v17;
	v24 =	vunpack.i.l.bf16.f32 v23  }
0x210: {  	v28 =	vunpack.i.u.bf16.f32 v27;
	v21 =	vld [tilespmem:s22+$0x9100];
	v26 =	vadd.f32 v26, v41;
	v24 =	vadd.f32 $0.0e+00, v24  }
0x211: {  	v53 =	vld [tilespmem:s22+$0x5020];
	v27 =	vunpack.i.l.bf16.f32 v27;
	v36 =	vmul.bf16 v59, v36;
	v23 =	vunpack.i.u.bf16.f32 v23  }
0x212: {  	v33 =	vld [tilespmem:s22+$0x8F30];
	v17 =	vunpack.i.l.bf16.f32 v15;
	v26 =	vadd.f32 v18, v26;
	v24 =	vadd.f32 v24, v23  }
0x213: {  	v51 =	vld [tilespmem:s22+$0x5090];
	v18 =	vmul.bf16 v29, v61;
	v29 =	vmul.bf16 v43, v45;
	v45 =	vunpack.i.u.bf16.f32 v31  }
0x214: {  	v57 =	vld [tilespmem:s22+$0x4FE0];
	v23 =	vadd.f32 v26, v19;
	v19 =	vadd.f32 v27, v24;
	v24 =	vmul.bf16 v46, v47  }
0x215: {  	v61 =	vld [tilespmem:s22+$0x9050];
	v47 =	vunpack.i.l.bf16.f32 v31;
	v21 =	vmul.bf16 v21, v25;
	v25 =	vunpack.i.u.bf16.f32 v29  }
0x216: {  	v27 =	vunpack.i.l.bf16.f32 v29;
	v29 =	vmul.bf16 v56, v55;
	v55 =	vld [tilespmem:s22+$0x5050];
	v26 =	vunpack.i.l.bf16.f32 v24  }
0x217: {  	v31 =	vld [tilespmem:s22+$0x9080];
	v19 =	vadd.f32 v19, v28;
	v28 =	vunpack.i.l.bf16.f32 v21;
	v26 =	vadd.f32 $0.0e+00, v26  }
0x218: {  	v59 =	vld [tilespmem:s22+$0x5010];
	v4 =	vmul.bf16 v4, v51;
	v24 =	vunpack.i.u.bf16.f32 v24;
	v28 =	vadd.f32 $0.0e+00, v28  }
0x219: {  	v41 =	vld [tilespmem:s22+$0x4F30];
	v21 =	vunpack.i.u.bf16.f32 v21;
	v49 =	vadd.f32 v49, v19;
	v19 =	vadd.f32 v26, v24  }
0x21a: {  	v43 =	vld [tilespmem:s22+$0x4F70];
	v24 =	vunpack.i.u.bf16.f32 v29;
	v21 =	vadd.f32 v28, v21;
	v26 =	vunpack.i.l.bf16.f32 v29  }
0x21b: {  	v29 =	vld [tilespmem:s22+$0x9040];
	v55 =	vmul.bf16 v61, v55;
	v28 =	vadd.f32 v49, v50;
	v49 =	vunpack.i.u.bf16.f32 v48  }
0x21c: {  	v46 =	vld [tilespmem:s22+$0x8FE0];
	v48 =	vunpack.i.l.bf16.f32 v48;
	v50 =	vmul.bf16 v31, v52;
	v27 =	vadd.f32 v27, v21  }
0x21d: {  	v56 =	vld [tilespmem:s22+$0x90C0];
	v21 =	vunpack.i.l.bf16.f32 v62;
	v28 =	vadd.f32 v20, v28;
	v20 =	vunpack.i.u.bf16.f32 v62  }
0x21e: {  	v61 =	vld [tilespmem:s22+$0x4FD0];
	v62 =	vunpack.i.l.bf16.f32 v50;
	v25 =	vadd.f32 v27, v25;
	v27 =	vunpack.i.u.bf16.f32 v36  }
0x21f: {  	v52 =	vld [tilespmem:s22+$0x50C0];
	v31 =	vadd.f32 v28, v22;
	v28 =	vunpack.i.l.bf16.f32 v36;
	v22 =	vmul.bf16 v35, v53  }
0x220: {  	v36 =	vld [tilespmem:s22+$0x4FA0];
	v54 =	vmul.bf16 v29, v54;
	v29 =	vadd.f32 $0.0e+00, v62;
	v63 =	vadd.f32 v63, v25  }
0x221: {  	v53 =	vld [tilespmem:s22+$0x9010];
	v35 =	vunpack.i.u.bf16.f32 v50;
	v50 =	vunpack.i.u.bf16.f32 v4;
	v4 =	vunpack.i.l.bf16.f32 v4  }
0x222: {  	v62 =	vunpack.i.l.bf16.f32 v54;
	v35 =	vadd.f32 v29, v35;
	v51 =	vadd.f32 v63, v60;
	v60 =	vld [tilespmem:s22+$0x8F20]  }
0x223: {  	v25 =	vunpack.i.l.bf16.f32 v22;
	v29 =	vmul.bf16 v33, v41;
	v63 =	vld [tilespmem:s22+$0x4F20];
	v33 =	vadd.f32 $0.0e+00, v62  }
0x224: {  	v54 =	vunpack.i.u.bf16.f32 v54;
	v4 =	vadd.f32 v4, v35;
	v41 =	vadd.f32 v32, v51;
	v51 =	vld [tilespmem:s22+$0x8FD0]  }
0x225: {  	v62 =	vunpack.i.l.bf16.f32 v55;
	v32 =	vunpack.i.l.bf16.f32 v29;
	v33 =	vadd.f32 v33, v54;
	v54 =	vld [tilespmem:s22+$0x8F90]  }
0x226: {  	v4 =	vadd.f32 v4, v50;
	v50 =	vmul.bf16 v56, v52;
	v56 =	vld [tilespmem:s22+$0x4F90];
	v35 =	vadd.f32 v41, v30  }
0x227: {  	v52 =	vld [tilespmem:s22+$0x8FC0];
	v30 =	vmul.bf16 v40, v43;
	v43 =	vmul.bf16 v46, v57;
	v33 =	vadd.f32 v62, v33  }
0x228: {  	v57 =	vld [tilespmem:s22+$0x9000];
	v41 =	vunpack.i.u.bf16.f32 v55;
	v46 =	vmul.bf16 v58, v36;
	v36 =	vmul.bf16 v53, v59  }
0x229: {  	v55 =	vld [tilespmem:s22+$0x4FC0];
	v4 =	vadd.f32 v47, v4;
	v62 =	vunpack.i.l.bf16.f32 v50;
	v40 =	vunpack.i.u.bf16.f32 v43  }
0x22a: {  	v58 =	vld [tilespmem:s22+$0x5000];
	v33 =	vadd.f32 v33, v41;
	v41 =	vadd.f32 $0.0e+00, v62;
	v62 =	vunpack.i.u.bf16.f32 v50  }
0x22b: {  	v47 =	vunpack.i.l.bf16.f32 v43;
	v43 =	vunpack.i.u.bf16.f32 v46;
	v4 =	vadd.f32 v4, v45  }
0x22c: {  	v59 =	vld [tilespmem:s22+$0x4F80];
	v46 =	vunpack.i.l.bf16.f32 v46;
	v50 =	vadd.f32 v48, v33;
	v33 =	vadd.f32 v41, v62  }
0x22d: {  	p2 =	sne.s32 s15, $0x7000;
	(xrf2) =	vadd.scan.msk.f32 $0xffff, v34;
	v62 =	vld [tilespmem:s22+$0x8F80];
	v41 =	vunpack.i.l.bf16.f32 v36;
	v56 =	vmul.bf16 v54, v56;
	v4 =	vadd.f32 v39, v4  }
.Ltmp5:
0x22e: {  	(xrf2) =	vadd.scan.msk.f32 $0xffff, v42;
	v42 =	vld [tilespmem:s22+$0x8F40];
	v39 =	vmul.bf16 v60, v63;
	v63 =	vmul.bf16 v51, v61;
	v49 =	vadd.f32 v50, v49;
	(pc) =	sbr.rel @p2 .LBB2_4-.Ltmp5, $4  }
0x22f: {  	v48 =	vld [tilespmem:s22+$0x8F10];
	v53 =	vmul.bf16 v52, v55;
	v54 =	vmul.bf16 v57, v58;
	v34 =	vunpack.i.u.bf16.f32 v56  }
0x230: {  	v52 =	vld [tilespmem:s22+$0x4F00];
	v37 =	vadd.f32 v4, v37;
	v45 =	vunpack.i.l.bf16.f32 v39;
	v4 =	vadd.f32 v44, v49  }
0x231: {  	v50 =	vld [tilespmem:s22+$0x8F00];
	v51 =	vunpack.i.l.bf16.f32 v63;
	v60 =	vunpack.i.l.bf16.f32 v53;
	v44 =	vunpack.i.u.bf16.f32 v63  }
0x232: {  	s15 =	sadd.s32 $0x1000, s15;
	v49 =	vld [tilespmem:s22+$0x4F10];
	v57 =	vadd.f32 $0.0e+00, v60;
	v55 =	vmul.bf16 v62, v59;
	v38 =	vadd.f32 v4, v38  }
0x233: {  	v56 =	vunpack.i.l.bf16.f32 v56  }
0x234: {  	v4 =	vld [tilespmem:s22+$0x4F40];
	v53 =	vunpack.i.u.bf16.f32 v53;
	v58 =	vunpack.i.l.bf16.f32 v54;
	v21 =	vadd.f32 v21, v33  }
0x235: {  	v16 =	vadd.f32 v16, v19;
	v53 =	vadd.f32 v57, v53;
	v61 =	vunpack.i.l.bf16.f32 v55  }
0x236: {  	v62 =	vunpack.i.u.bf16.f32 v54;
	v58 =	vadd.f32 $0.0e+00, v58;
	v57 =	vadd.f32 $0.0e+00, v61  }
0x237: {  	v63 =	vunpack.i.u.bf16.f32 v55;
	v50 =	vmul.bf16 v50, v52;
	v52 =	vld [tilespmem:s22+$0x8F50];
	v51 =	vadd.f32 v51, v53  }
0x238: {  	v53 =	vld [tilespmem:s22+$0x4F50];
	v54 =	vadd.f32 v58, v62;
	v48 =	vmul.bf16 v48, v49;
	v61 =	vadd.f32 v57, v63  }
0x239: {  	v60 =	vunpack.i.l.bf16.f32 v50;
	v4 =	vmul.bf16 v42, v4;
	v63 =	vadd.f32 v51, v44  }
0x23a: {  	v59 =	vunpack.i.u.bf16.f32 v50;
	v55 =	vadd.f32 v41, v54;
	v62 =	vadd.f32 $0.0e+00, v60  }
0x23b: {  	v60 =	vld [tilespmem:s22+$0x8F60];
	v49 =	vadd.f32 v56, v61;
	v61 =	vunpack.i.l.bf16.f32 v4;
	v42 =	vadd.f32 v47, v63  }
0x23c: {  	v50 =	vunpack.i.l.bf16.f32 v48;
	v44 =	vadd.f32 v62, v59;
	v62 =	vld [tilespmem:s22+$0x4F60];
	v63 =	vadd.f32 $0.0e+00, v61  }
0x23d: {  	v4 =	vunpack.i.u.bf16.f32 v4;
	v52 =	vmul.bf16 v52, v53;
	v34 =	vadd.f32 v49, v34  }
0x23e: {  	v48 =	vunpack.i.u.bf16.f32 v48;
	v44 =	vadd.f32 v50, v44;
	v4 =	vadd.f32 v63, v4  }
0x23f: {  	v40 =	vadd.f32 v42, v40;
	v34 =	vadd.f32 v46, v34;
	v49 =	vunpack.i.l.bf16.f32 v52  }
0x240: {  	v51 =	vunpack.i.u.bf16.f32 v52;
	v42 =	vadd.f32 v44, v48;
	v4 =	vadd.f32 v49, v4  }
0x241: {  	v26 =	vadd.f32 v26, v40;
	v34 =	vadd.f32 v34, v43;
	v50 =	vmul.bf16 v60, v62  }
0x242: {  	v52 =	vunpack.i.u.bf16.f32 v39;
	v42 =	vadd.f32 v45, v42;
	v4 =	vadd.f32 v4, v51  }
0x243: {  	v24 =	vadd.f32 v26, v24;
	v28 =	vadd.f32 v28, v34;
	v53 =	vunpack.i.l.bf16.f32 v50  }
0x244: {  	(xrf2) =	vadd.scan.msk.f32 $0xffff, v23;
	v57 =	vunpack.i.u.bf16.f32 v36;
	v26 =	vadd.f32 v42, v52;
	v4 =	vadd.f32 v53, v4  }
0x245: {  	(xrf2) =	vadd.scan.msk.f32 $0xffff, v31;
	v58 =	vunpack.i.u.bf16.f32 v50;
	v56 =	vadd.f32 v28, v27;
	v27 =	vadd.f32 v55, v57  }
0x246: {  	v29 =	vunpack.i.u.bf16.f32 v29;
	v10 =	vadd.f32 v10, v13;
	(xrf2) =	vadd.scan.msk.f32 $0xffff, v35;
	v4 =	vadd.f32 v4, v58  }
0x247: {  	(xrf2) =	vadd.scan.msk.f32 $0xffff, v37;
	v59 =	vunpack.i.l.bf16.f32 v30;
	v26 =	vadd.f32 v32, v26;
	v25 =	vadd.f32 v25, v27  }
0x248: {  	v22 =	vunpack.i.u.bf16.f32 v22;
	v20 =	vadd.f32 v21, v20;
	(xrf2) =	vadd.scan.msk.f32 $0xffff, v38;
	v4 =	vadd.f32 v59, v4  }
0x249: {  	v60 =	vunpack.i.u.bf16.f32 v30;
	(xrf2) =	vadd.scan.msk.f32 $0xffff, v24;
	v26 =	vadd.f32 v26, v29;
	v22 =	vadd.f32 v25, v22  }
0x24a: {  	v17 =	vadd.f32 v17, v20;
	v61 =	vunpack.i.l.bf16.f32 v18;
	(xrf2) =	vadd.scan.msk.f32 $0xffff, v56;
	v4 =	vadd.f32 v4, v60  }
0x24b: {  	v15 =	vunpack.i.u.bf16.f32 v15;
	v14 =	vadd.f32 v16, v14;
	v27 =	vld [tilespmem:$0x1FFF0];
	(xrf2) =	vadd.scan.msk.f32 $0xffff, v26;
	v19 =	vadd.f32 v61, v22  }
0x24c: {  	v8 =	vadd.f32 v10, v8;
	v15 =	vadd.f32 v17, v15;
	v63 =	vunpack.i.u.bf16.f32 v18;
	v62, _, _ =	vpop (xrf2);
	(xrf2) =	vadd.scan.msk.f32 $0xffff, v4  }
0x24d: {  	v23 =	vunpack.i.l.bf16.f32 v12;
	v11 =	vadd.f32 v11, v14;
	v21, _, _ =	vpop (xrf2);
	v22 =	vadd.f32 v19, v63  }
0x24e: {  	v9 =	vunpack.i.u.bf16.f32 v9;
	v15 =	vadd.f32 v23, v15;
	v24, _, _ =	vpop (xrf2)  }
0x24f: {  	v31 =	vld [tilespmem:s22+$0x52F0];
	v6 =	vadd.f32 v6, v8;
	v9 =	vadd.f32 v11, v9;
	v25, _, _ =	vpop (xrf2);
	v26 =	vunpack.i.u.bf16.f32 v12;
	(xrf2) =	vadd.scan.msk.f32 $0xffff, v22  }
0x250: {  	v30 =	vunpack.i.l.bf16.f32 v5;
	v28 =	vld [tilespmem:s22+$0x92F0];
	v7 =	vadd.f32 v27, v7;
	v29, _, _ =	vpop (xrf2);
	v12 =	vadd.f32 v15, v26  }
0x251: {  	v3 =	vunpack.i.u.bf16.f32 v3;
	v2 =	vunpack.i.u.bf16.f32 v2;
	v9 =	vadd.f32 v30, v9;
	v32, _, _ =	vpop (xrf2)  }
0x252: {  	v3 =	vadd.f32 v6, v3;
	v34 =	vunpack.i.u.bf16.f32 v5;
	v33, _, _ =	vpop (xrf2);
	v2 =	vadd.f32 v7, v2;
	(xrf2) =	vadd.scan.msk.f32 $0xffff, v12  }
0x253: {  	v37 =	vunpack.i.l.bf16.f32 v1;
	v36 =	vunpack.i.l.bf16.f32 v0;
	v5 =	vadd.f32 v9, v34;
	v35, _, _ =	vpop (xrf2)  }
0x254: {  	v3 =	vadd.f32 v36, v3;
	v2 =	vadd.f32 v37, v2;
	v38, _, _ =	vpop (xrf2)  }
0x255: {  	v41 =	vunpack.i.u.bf16.f32 v1;
	v40 =	vunpack.i.u.bf16.f32 v0;
	v8 =	vmul.bf16 v28, v31;
	(xrf2) =	vadd.scan.msk.f32 $0xffff, v5;
	v39, _, _ =	vpop (xrf2)  }
0x256: {  	v0 =	vadd.f32 v3, v40;
	v1 =	vadd.f32 v2, v41;
	v42, _, _ =	vpop (xrf2)  }
0x257: {  	v44 =	vunpack.i.l.bf16.f32 v8;
	v43 =	vbroadcast v39, $0xF;
	v2 =	vbroadcast v42, $0xF  }
0x258: {  	v45 =	vbroadcast v38, $0xF;
	v1 =	vadd.f32 v44, v1;
	(xrf2) =	vadd.scan.msk.f32 $0xffff, v0  }
0x259: {  	v48 =	vunpack.i.u.bf16.f32 v8;
	v47 =	vbroadcast v35, $0xF;
	v49, _, _ =	vpop (xrf2);
	v46 =	vsel vm0, v43, v2  }
0x25a: {  	v1 =	vadd.f32 v1, v48;
	v5 =	vbroadcast v49, $0xF;
	v0 =	vsel vm1, v46, v45  }
0x25b: {  	v50 =	vbroadcast v33, $0xF;
	v0 =	vsel vm2, v0, v47  }
0x25c: {  	v51 =	vbroadcast v32, $0xF;
	(xrf2) =	vadd.scan.msk.f32 $0xffff, v1;
	v52, _, _ =	vpop (xrf2);
	v0 =	vsel vm3, v0, v5  }
0x25d: {  	v53 =	vbroadcast v52, $0xF;
	v0 =	vsel vm4, v0, v50  }
0x25e: {  	v54 =	vbroadcast v29, $0xF;
	v0 =	vsel vm5, v0, v51  }
0x25f: {  	v55 =	vbroadcast v25, $0xF;
	v56, _, _ =	vpop (xrf2);
	v0 =	vsel vm6, v0, v53  }
0x260: {  	v57 =	vbroadcast v56, $0xF;
	v0 =	vsel vm7, v0, v54  }
0x261: {  	v58 =	vbroadcast v24, $0xF;
	v0 =	vsel vm8, v0, v55  }
0x262: {  	v59 =	vbroadcast v21, $0xF;
	v60, _, _ =	vpop (xrf2);
	v0 =	vsel vm9, v0, v57  }
0x263: {  	v61 =	vbroadcast v60, $0xF;
	v0 =	vsel vm10, v0, v58  }
0x264: {  	v62 =	vbroadcast v62, $0xF;
	v0 =	vsel vm11, v0, v59  }
0x265: {  	v0 =	vsel vm12, v0, v61  }
0x266: {  	v63, _, _ =	vpop (xrf2);
	v0 =	vsel vm13, v0, v62  }
0x267: {  	v0 =	vsel vm14, v0, v63  }
0x268: {  	v0 =	vsub.f32 $0.0e+00, v0;
	_ =	sdelay $0x1  }
0x269: {  	v0 =	vmul.f32 $1.442695020e+00, v0;
	_ =	sdelay $0x1  }
0x26a: {  	(erf) = vpow2.f32 v0;
	_ =	sdelay $0x8  }
0x26b: {  	v0 =	vpop (erf)  }
0x26c: {  	v0 =	vadd.f32 $1.000000000e+00, v0;
	_ =	sdelay $0x1  }
0x26d: {  	(erf) = vrcp.f32 v0;
	_ =	sdelay $0x5  }
0x26e: {  	p2 =	seq.s32 s31, $0x27;
	s15 =	sadd.s32 s13, s2  }
0x26f: {  	s15 =	smov.u32 @p2 s12  }
0x270: {  	s15 =	sshll.u32 s15, $0x4  }
0x271: {  	s21 =	sadd.s32 $0x10, s21;
	s15 =	sand.u32 $0x1FFFFFF0, s15;
	v0 =	vpop (erf)  }
0x272: {  	s15 =	sadd.s32 s1, s15;
	[tilespmem:s21+$0x0] =	vst v0  }
0x273: {  	[hbm4b:s15+s4] =	stream.linear.scatter [tilespmem:s25], [sflag:$0x5], $0x80, $0x38;
	[tilespmem:$0x16C40] =	vst v63  }
.LBB2_6:
.Ltmp6:
0x274: {  	(pc) =	sbr.rel @p1 .LBB2_10-.Ltmp6, $1  }
0x275: {  	_ =	sdelay $0x3  }
0x276: {  	s2 =	sadd.s32 $0x2, s2  }
0x277: {  	p1 =	sge.u32 s2, s5  }
0x278: {  	s2 =	sshll.u32 @!p1 s2, $0x7;
	s15 =	simm.s32 @!p1 $0x80;
	s21 =	simm.s32 @!p1 $0x4F00  }
0x279: {  	[tilespmem:s21], [sflag:$0x1] =	stream.indirect.gather @!p1 [spmem:s3], $0x40, s2, s15, $0xb8;
	[tilespmem:$0x16C40] =	vst v63  }
0x27a: {  	s2 =	sadd.s32 @!p1 $0x2780, s2;
	s21 =	simm.s32 @!p1 $0x8F00  }
0x27b: {  	[tilespmem:s21], [sflag:$0x3] =	stream.indirect.gather @!p1 [spmem:s3], $0x40, s2, s15, $0xb8;
	[tilespmem:$0x16C40] =	vst v63  }
0x27c: {  	_ =	swait.ge [sflag:s26], $0x2000  }
0x27d: {  	[sflag:s26] =	ssyncset.done $0x0  }
0x27e: {  	[sflag:s26] =	ssyncadd.s32 $0xFFFFE000  }
0x27f: {  	_ =	swait.ge [sflag:s28], $0x2000  }
0x280: {  	p1 =	seq.s32 s31, $0x0;
	[sflag:s28] =	ssyncset.done $0x0  }
0x281: {  	s2 =	simm.s32 @!p1 $0x6;
	[sflag:s28] =	ssyncadd.s32 $0xFFFFE000  }
0x282: {  	_ =	swait.ge @!p1 [sflag:s2], $0x80  }
0x283: {  	[sflag:s2] =	ssyncset.done @!p1 $0x0  }
0x284: {  	s22 =	simm.s32 $0x0;
	[sflag:s2] =	ssyncadd.s32 @!p1 $0xFFFFFF80  }
0x285: {  	v0 =	vld [tilespmem:s22+$0xB2B0]  }
0x286: {  	v1 =	vld [tilespmem:s22+$0x72B0]  }
0x287: {  	v2 =	vld [tilespmem:s22+$0xB2E0]  }
0x288: {  	v3 =	vld [tilespmem:s22+$0x72E0]  }
0x289: {  	v4 =	vld [tilespmem:s22+$0xB270]  }
0x28a: {  	v5 =	vld [tilespmem:s22+$0x7270]  }
0x28b: {  	v6 =	vld [tilespmem:s22+$0xB230]  }
0x28c: {  	v7 =	vld [tilespmem:s22+$0x7230]  }
0x28d: {  	v8 =	vld [tilespmem:s22+$0xB2A0]  }
0x28e: {  	v9 =	vld [tilespmem:s22+$0x72A0]  }
0x28f: {  	v10 =	vld [tilespmem:s22+$0xB2D0]  }
0x290: {  	v11 =	vld [tilespmem:s22+$0x72D0]  }
0x291: {  	v12 =	vld [tilespmem:s22+$0xB1F0]  }
0x292: {  	v13 =	vld [tilespmem:s22+$0x71F0]  }
0x293: {  	v14 =	vld [tilespmem:s22+$0xB260]  }
0x294: {  	v15 =	vld [tilespmem:s22+$0x7260]  }
0x295: {  	v16 =	vld [tilespmem:s22+$0xB1B0]  }
0x296: {  	v17 =	vld [tilespmem:s22+$0x71B0]  }
0x297: {  	v18 =	vld [tilespmem:s22+$0xB220]  }
0x298: {  	v19 =	vld [tilespmem:s22+$0x7220]  }
0x299: {  	v20 =	vld [tilespmem:s22+$0xB290]  }
0x29a: {  	v22 =	vld [tilespmem:s22+$0x7290]  }
0x29b: {  	v23 =	vld [tilespmem:s22+$0xB2C0]  }
0x29c: {  	v24 =	vld [tilespmem:s22+$0x72C0]  }
0x29d: {  	v25 =	vld [tilespmem:s22+$0xB170]  }
0x29e: {  	v26 =	vld [tilespmem:s22+$0x7170]  }
0x29f: {  	v27 =	vld [tilespmem:s22+$0xB1E0]  }
0x2a0: {  	v28 =	vld [tilespmem:s22+$0x71E0]  }
0x2a1: {  	v29 =	vld [tilespmem:s22+$0xB250]  }
0x2a2: {  	v30 =	vld [tilespmem:s22+$0x7250]  }
0x2a3: {  	v31 =	vld [tilespmem:s22+$0xB130]  }
0x2a4: {  	v32 =	vld [tilespmem:s22+$0x7130]  }
0x2a5: {  	v33 =	vld [tilespmem:s22+$0xB1A0]  }
0x2a6: {  	v34 =	vld [tilespmem:s22+$0x71A0]  }
0x2a7: {  	v35 =	vld [tilespmem:s22+$0xB210]  }
0x2a8: {  	v36 =	vld [tilespmem:s22+$0x7210]  }
0x2a9: {  	v21 =	vld [tilespmem:s22+$0xB280]  }
0x2aa: {  	v37 =	vld [tilespmem:s22+$0x7280]  }
0x2ab: {  	v38 =	vld [tilespmem:s22+$0xB0F0]  }
0x2ac: {  	v39 =	vld [tilespmem:s22+$0x70F0]  }
0x2ad: {  	v40 =	vld [tilespmem:s22+$0xB160]  }
0x2ae: {  	v41 =	vld [tilespmem:s22+$0x7160]  }
0x2af: {  	v42 =	vld [tilespmem:s22+$0xB1D0]  }
0x2b0: {  	v43 =	vld [tilespmem:s22+$0x71D0]  }
0x2b1: {  	v44 =	vld [tilespmem:s22+$0xB240]  }
0x2b2: {  	v45 =	vld [tilespmem:s22+$0x7240]  }
0x2b3: {  	v46 =	vld [tilespmem:s22+$0xB0B0]  }
0x2b4: {  	v47 =	vld [tilespmem:s22+$0x70B0]  }
0x2b5: {  	v48 =	vld [tilespmem:s22+$0xB120]  }
0x2b6: {  	v49 =	vld [tilespmem:s22+$0x7120];
	v1 =	vmul.bf16 v0, v1  }
0x2b7: {  	v50 =	vld [tilespmem:s22+$0xB190];
	v6 =	vmul.bf16 v6, v7;
	v0 =	vmul.bf16 v4, v5  }
0x2b8: {  	v52 =	vld [tilespmem:s22+$0x7190];
	v5 =	vmul.bf16 v12, v13;
	v7 =	vmul.bf16 v18, v19  }
0x2b9: {  	v54 =	vld [tilespmem:s22+$0xB200];
	v13 =	vmul.bf16 v20, v22;
	v40 =	vmul.bf16 v40, v41  }
0x2ba: {  	v57 =	vld [tilespmem:s22+$0x7070];
	v51 =	vunpack.i.u.bf16.f32 v1;
	v53 =	vunpack.i.l.bf16.f32 v1;
	v1 =	vmul.bf16 v2, v3  }
0x2bb: {  	v19 =	vld [tilespmem:s22+$0xB150];
	v55 =	vunpack.i.u.bf16.f32 v6;
	v3 =	vmul.bf16 v8, v9;
	v2 =	vmul.bf16 v10, v11  }
0x2bc: {  	v22 =	vld [tilespmem:s22+$0x7150];
	v56 =	vunpack.i.l.bf16.f32 v6;
	v6 =	vmul.bf16 v21, v37;
	v21 =	vunpack.i.u.bf16.f32 v5  }
0x2bd: {  	v59 =	vld [tilespmem:s22+$0xB0E0];
	v58 =	vunpack.i.l.bf16.f32 v5;
	v20 =	vunpack.i.l.bf16.f32 v7;
	v12 =	vunpack.i.u.bf16.f32 v3  }
0x2be: {  	v60 =	vld [tilespmem:s22+$0x7030];
	v8 =	vunpack.i.l.bf16.f32 v3;
	v4 =	vunpack.i.l.bf16.f32 v2;
	v5 =	vunpack.i.l.bf16.f32 v6  }
0x2bf: {  	v37 =	vld [tilespmem:s22+$0xB070];
	v3 =	vmul.bf16 v14, v15;
	v10 =	vunpack.i.u.bf16.f32 v6;
	v9 =	vadd.f32 $0.0e+00, v5  }
0x2c0: {  	v11 =	vld [tilespmem:s22+$0x7200];
	v14 =	vmul.bf16 v23, v24;
	v15 =	vunpack.i.u.bf16.f32 v7;
	v24 =	vmul.bf16 v27, v28  }
0x2c1: {  	v62 =	vld [tilespmem:s22+$0x70A0];
	v5 =	vmul.bf16 v16, v17;
	v19 =	vmul.bf16 v19, v22;
	v9 =	vadd.f32 v9, v10  }
0x2c2: {  	v18 =	vld [tilespmem:s22+$0x70E0];
	v16 =	vunpack.i.l.bf16.f32 v14;
	v14 =	vunpack.i.u.bf16.f32 v14;
	v10 =	vunpack.i.l.bf16.f32 v13  }
0x2c3: {  	v41 =	vld [tilespmem:s22+$0x6FF0];
	v61 =	vunpack.i.u.bf16.f32 v24;
	v7 =	vadd.f32 v10, v9;
	v9 =	vadd.f32 $0.0e+00, v16  }
0x2c4: {  	v17 =	vld [tilespmem:s22+$0xB1C0];
	v13 =	vunpack.i.u.bf16.f32 v13;
	v37 =	vmul.bf16 v37, v57;
	v10 =	vmul.bf16 v25, v26  }
0x2c5: {  	v57 =	vld [tilespmem:s22+$0xAF30];
	v26 =	vmul.bf16 v54, v11;
	v13 =	vadd.f32 v7, v13;
	v7 =	vadd.f32 v9, v14  }
0x2c6: {  	v16 =	vld [tilespmem:s22+$0x71C0];
	v27 =	vunpack.i.u.bf16.f32 v10;
	v23 =	vunpack.i.l.bf16.f32 v10;
	v9 =	vmul.bf16 v29, v30  }
0x2c7: {  	v25 =	vld [tilespmem:s22+$0xB030];
	v30 =	vunpack.i.l.bf16.f32 v24;
	v14 =	vmul.bf16 v31, v32;
	v13 =	vadd.f32 v8, v13  }
0x2c8: {  	v29 =	vld [tilespmem:s22+$0xB0A0];
	v8 =	vunpack.i.u.bf16.f32 v9;
	v10 =	vunpack.i.l.bf16.f32 v9;
	v9 =	vmul.bf16 v33, v34  }
0x2c9: {  	v31 =	vld [tilespmem:s22+$0xB110];
	v24 =	vunpack.i.u.bf16.f32 v14;
	v28 =	vunpack.i.l.bf16.f32 v14;
	v14 =	vunpack.i.l.bf16.f32 v26  }
0x2ca: {  	v32 =	vld [tilespmem:s22+$0x7110];
	v26 =	vunpack.i.u.bf16.f32 v26;
	v33 =	vmul.bf16 v44, v45;
	v4 =	vadd.f32 v4, v7  }
0x2cb: {  	v34 =	vld [tilespmem:s22+$0xB180];
	v63 =	vadd.f32 $0.0e+00, v14;
	v16 =	vmul.bf16 v17, v16;
	v12 =	vadd.f32 v13, v12  }
0x2cc: {  	v44 =	vld [tilespmem:s22+$0xB0D0];
	v13 =	vmul.bf16 v35, v36;
	v11 =	vunpack.i.l.bf16.f32 v9;
	v45 =	vunpack.i.l.bf16.f32 v33  }
0x2cd: {  	v35 =	vld [tilespmem:s22+$0x7180];
	v17 =	vadd.f32 v63, v26;
	v26 =	vmul.bf16 v42, v43;
	v54 =	vunpack.i.l.bf16.f32 v16  }
0x2ce: {  	v16 =	vunpack.i.u.bf16.f32 v16;
	v63 =	vmul.bf16 v46, v47;
	v46 =	vld [tilespmem:s22+$0xB140];
	v29 =	vmul.bf16 v29, v62  }
0x2cf: {  	v47 =	vld [tilespmem:s22+$0x7140];
	v12 =	vadd.f32 v53, v12;
	v36 =	vunpack.i.u.bf16.f32 v13;
	v13 =	vunpack.i.l.bf16.f32 v13  }
0x2d0: {  	v42 =	vld [tilespmem:s22+$0x7060];
	v13 =	vadd.f32 v13, v17;
	v17 =	vadd.f32 $0.0e+00, v54;
	v43 =	vunpack.i.u.bf16.f32 v26  }
0x2d1: {  	v53 =	vld [tilespmem:s22+$0xAFF0];
	v54 =	vunpack.i.l.bf16.f32 v26;
	v26 =	vunpack.i.u.bf16.f32 v63;
	v62 =	vunpack.i.u.bf16.f32 v29  }
0x2d2: {  	v14 =	vadd.f32 v12, v51;
	v12 =	vmul.bf16 v38, v39;
	v38 =	vld [tilespmem:s22+$0xB060];
	v39 =	vunpack.i.u.bf16.f32 v40  }
0x2d3: {  	v40 =	vunpack.i.l.bf16.f32 v40;
	v51 =	vld [tilespmem:s22+$0x70D0];
	v13 =	vadd.f32 v13, v36;
	v36 =	vadd.f32 $0.0e+00, v45  }
0x2d4: {  	v16 =	vadd.f32 v17, v16;
	v17 =	vunpack.i.u.bf16.f32 v33;
	v46 =	vmul.bf16 v46, v47;
	v47 =	vld [tilespmem:s22+$0x7090]  }
0x2d5: {  	v20 =	vadd.f32 v20, v13;
	v13 =	vadd.f32 v36, v17;
	v36 =	vld [tilespmem:s22+$0xAFB0];
	v17 =	vmul.bf16 v48, v49  }
0x2d6: {  	v33 =	vunpack.i.l.bf16.f32 v63;
	v63 =	vmul.bf16 v50, v52;
	v16 =	vadd.f32 v54, v16;
	v48 =	vld [tilespmem:s22+$0x6FB0]  }
0x2d7: {  	v49 =	vld [tilespmem:s22+$0xB020];
	v41 =	vmul.bf16 v53, v41;
	v20 =	vadd.f32 v20, v15;
	v50 =	vunpack.i.u.bf16.f32 v17  }
0x2d8: {  	v54 =	vld [tilespmem:s22+$0xB090];
	v52 =	vunpack.i.l.bf16.f32 v17;
	v16 =	vadd.f32 v16, v43;
	v15 =	vunpack.i.u.bf16.f32 v63  }
0x2d9: {  	v53 =	vld [tilespmem:s22+$0xB080];
	v17 =	vunpack.i.l.bf16.f32 v63;
	v63 =	vunpack.i.l.bf16.f32 v46;
	v46 =	vunpack.i.u.bf16.f32 v46  }
0x2da: {  	v43 =	vld [tilespmem:s22+$0x7020];
	v38 =	vmul.bf16 v38, v42;
	v10 =	vadd.f32 v10, v13;
	v20 =	vadd.f32 v56, v20  }
0x2db: {  	v42 =	vld [tilespmem:s22+$0x7080];
	v45 =	vadd.f32 v30, v16;
	v16 =	vmul.bf16 v59, v18;
	v56 =	vadd.f32 $0.0e+00, v63  }
0x2dc: {  	v59 =	vunpack.i.u.bf16.f32 v19;
	v36 =	vmul.bf16 v36, v48;
	v20 =	vadd.f32 v20, v55;
	v55 =	vld [tilespmem:s22+$0xB100]  }
0x2dd: {  	v47 =	vmul.bf16 v54, v47;
	v22 =	vadd.f32 v45, v61;
	v45 =	vld [tilespmem:s22+$0x7100];
	v46 =	vadd.f32 v56, v46  }
0x2de: {  	v48 =	vld [tilespmem:s22+$0xB0C0];
	v56 =	vunpack.i.l.bf16.f32 v19;
	v19 =	vmul.bf16 v25, v60;
	v25 =	vmul.bf16 v31, v32  }
0x2df: {  	v30 =	vunpack.i.u.bf16.f32 v37;
	v37 =	vunpack.i.l.bf16.f32 v37;
	v61 =	vld [tilespmem:s22+$0xAF70];
	v22 =	vadd.f32 v58, v22  }
0x2e0: {  	v31 =	vmul.bf16 v34, v35;
	v54 =	vunpack.i.u.bf16.f32 v47;
	v58 =	vld [tilespmem:s22+$0x6F30];
	v32 =	vunpack.i.u.bf16.f32 v25  }
0x2e1: {  	v60 =	vld [tilespmem:s22+$0x6F70];
	v25 =	vunpack.i.l.bf16.f32 v25;
	v21 =	vadd.f32 v22, v21;
	v22 =	vadd.f32 v56, v46  }
0x2e2: {  	v34 =	vunpack.i.l.bf16.f32 v31;
	v46 =	vld [tilespmem:s22+$0xAFE0];
	v56 =	vunpack.i.l.bf16.f32 v29;
	v29 =	vmul.bf16 v55, v45  }
0x2e3: {  	v31 =	vunpack.i.u.bf16.f32 v31;
	v34 =	vadd.f32 $0.0e+00, v34;
	v45 =	vld [tilespmem:s22+$0x6FE0];
	v22 =	vadd.f32 v22, v59  }
0x2e4: {  	v55 =	vld [tilespmem:s22+$0xB050];
	v63 =	vunpack.i.l.bf16.f32 v29;
	v59 =	vunpack.i.u.bf16.f32 v29;
	v29 =	vunpack.i.u.bf16.f32 v41  }
0x2e5: {  	v57 =	vmul.bf16 v57, v58;
	v35 =	vadd.f32 $0.0e+00, v63;
	v40 =	vadd.f32 v40, v22;
	v63 =	vld [tilespmem:s22+$0x7050]  }
0x2e6: {  	v22 =	vadd.f32 v34, v31;
	v34 =	vunpack.i.l.bf16.f32 v41;
	v41 =	vmul.bf16 v53, v42;
	v42 =	vld [tilespmem:s22+$0x70C0]  }
0x2e7: {  	v31 =	vadd.f32 v35, v59;
	v35 =	vadd.f32 v40, v39;
	v39 =	vld [tilespmem:s22+$0xB040];
	v40 =	vunpack.i.u.bf16.f32 v38  }
0x2e8: {  	v59 =	vmul.bf16 v44, v51;
	v44 =	vld [tilespmem:s22+$0x7040];
	v38 =	vunpack.i.l.bf16.f32 v38;
	v17 =	vadd.f32 v17, v22  }
0x2e9: {  	v45 =	vmul.bf16 v46, v45;
	v31 =	vadd.f32 v25, v31;
	v35 =	vadd.f32 v23, v35  }
0x2ea: {  	v53 =	vld [tilespmem:s22+$0xB010];
	v23 =	vunpack.i.u.bf16.f32 v59;
	v25 =	vunpack.i.l.bf16.f32 v59;
	v59 =	vunpack.i.l.bf16.f32 v41  }
0x2eb: {  	v51 =	vld [tilespmem:s22+$0xAFA0];
	v41 =	vunpack.i.u.bf16.f32 v41;
	v55 =	vmul.bf16 v55, v63;
	v42 =	vmul.bf16 v48, v42  }
0x2ec: {  	v46 =	vld [tilespmem:s22+$0xB000];
	v48 =	vmul.bf16 v61, v60;
	v31 =	vadd.f32 v31, v32;
	v32 =	vadd.f32 v35, v27  }
0x2ed: {  	v27 =	vmul.bf16 v49, v43;
	v43 =	vld [tilespmem:s22+$0x6FA0];
	v39 =	vmul.bf16 v39, v44;
	v44 =	vadd.f32 $0.0e+00, v59  }
0x2ee: {  	v60 =	vunpack.i.u.bf16.f32 v45;
	v45 =	vunpack.i.l.bf16.f32 v45;
	v49 =	vld [tilespmem:s22+$0x7010];
	v52 =	vadd.f32 v52, v31  }
0x2ef: {  	v59 =	vunpack.i.l.bf16.f32 v39;
	v41 =	vadd.f32 v44, v41;
	v44 =	vunpack.i.l.bf16.f32 v47;
	v47 =	vld [tilespmem:s22+$0x6F20]  }
0x2f0: {  	v35 =	vunpack.i.u.bf16.f32 v36;
	v50 =	vadd.f32 v52, v50;
	v52 =	vld [tilespmem:s22+$0xAF20];
	v58 =	vadd.f32 $0.0e+00, v59  }
0x2f1: {  	v36 =	vunpack.i.l.bf16.f32 v36;
	v39 =	vunpack.i.u.bf16.f32 v39;
	v59 =	vld [tilespmem:s22+$0x6FD0];
	v41 =	vadd.f32 v44, v41  }
0x2f2: {  	v63 =	vunpack.i.l.bf16.f32 v55;
	v28 =	vadd.f32 v28, v50;
	v50 =	vld [tilespmem:s22+$0xAFD0];
	v39 =	vadd.f32 v58, v39  }
0x2f3: {  	v55 =	vunpack.i.u.bf16.f32 v55;
	v31 =	vunpack.i.l.bf16.f32 v27;
	v58 =	vld [tilespmem:s22+$0xAFC0];
	v41 =	vadd.f32 v41, v54  }
0x2f4: {  	v44 =	vunpack.i.l.bf16.f32 v57;
	v43 =	vmul.bf16 v51, v43;
	v54 =	vld [tilespmem:s22+$0x6F90];
	v39 =	vadd.f32 v63, v39  }
0x2f5: {  	v49 =	vmul.bf16 v53, v49;
	v24 =	vadd.f32 v28, v24;
	v63 =	vld [tilespmem:s22+$0x6FC0];
	v41 =	vadd.f32 v56, v41  }
0x2f6: {  	v28 =	vld [tilespmem:s22+$0xAF90];
	v56 =	vunpack.i.l.bf16.f32 v42;
	v42 =	vunpack.i.u.bf16.f32 v42;
	v39 =	vadd.f32 v39, v55  }
0x2f7: {  	v61 =	vadd.f32 $0.0e+00, v56;
	v56 =	vld [tilespmem:s22+$0x7000];
	v55 =	vunpack.i.u.bf16.f32 v43;
	v41 =	vadd.f32 v41, v62  }
0x2f8: {  	v43 =	vunpack.i.l.bf16.f32 v43;
	v62 =	vld [tilespmem:s22+$0x6F80];
	v50 =	vmul.bf16 v50, v59;
	v38 =	vadd.f32 v38, v39  }
0x2f9: {  	v39 =	vadd.f32 v61, v42;
	v61 =	vld [tilespmem:s22+$0xAF80];
	v33 =	vadd.f32 v33, v41;
	v41 =	vmul.bf16 v52, v47  }
0x2fa: {  	v52 =	vunpack.i.l.bf16.f32 v49;
	v51 =	vmul.bf16 v58, v63;
	v58 =	vld [tilespmem:s22+$0x6F10];
	v38 =	vadd.f32 v38, v40  }
0x2fb: {  	v28 =	vmul.bf16 v28, v54;
	v54 =	vunpack.i.u.bf16.f32 v50;
	v26 =	vadd.f32 v33, v26;
	v33 =	vld [tilespmem:s22+$0xAF00]  }
0x2fc: {  	v50 =	vunpack.i.l.bf16.f32 v50;
	v25 =	vadd.f32 v25, v39;
	v37 =	vadd.f32 v37, v38;
	v38 =	vld [tilespmem:s22+$0x6F00]  }
0x2fd: {  	v40 =	vld [tilespmem:s22+$0xAF10];
	v63 =	vunpack.i.l.bf16.f32 v51;
	v46 =	vmul.bf16 v46, v56;
	v47 =	vunpack.i.u.bf16.f32 v28  }
0x2fe: {  	v59 =	vld [tilespmem:s22+$0x6F40];
	v28 =	vunpack.i.l.bf16.f32 v28;
	v56 =	vadd.f32 $0.0e+00, v63;
	v42 =	vmul.bf16 v61, v62  }
0x2ff: {  	v51 =	vunpack.i.u.bf16.f32 v51;
	v61 =	vunpack.i.l.bf16.f32 v46;
	v30 =	vadd.f32 v37, v30;
	v37 =	vld [tilespmem:s22+$0xAF40]  }
0x300: {  	v46 =	vunpack.i.u.bf16.f32 v46;
	v51 =	vadd.f32 v56, v51;
	v62 =	vunpack.i.l.bf16.f32 v42  }
0x301: {  	v56 =	vadd.f32 $0.0e+00, v61;
	v61 =	vadd.f32 $0.0e+00, v62;
	v33 =	vmul.bf16 v33, v38  }
0x302: {  	v42 =	vunpack.i.u.bf16.f32 v42;
	v40 =	vmul.bf16 v40, v58;
	v62 =	vld [tilespmem:s22+$0x6F50];
	v50 =	vadd.f32 v50, v51  }
0x303: {  	v46 =	vadd.f32 v56, v46;
	v38 =	vld [tilespmem:s22+$0xAF50];
	v42 =	vadd.f32 v61, v42;
	v56 =	vunpack.i.l.bf16.f32 v33  }
0x304: {  	v50 =	vadd.f32 v50, v54;
	v37 =	vmul.bf16 v37, v59;
	v51 =	vadd.f32 $0.0e+00, v56  }
0x305: {  	v54 =	vunpack.i.l.bf16.f32 v40;
	v33 =	vunpack.i.u.bf16.f32 v33;
	v28 =	vadd.f32 v28, v42  }
0x306: {  	v63 =	vld [tilespmem:s22+$0x6F60];
	v45 =	vadd.f32 v45, v50;
	v61 =	vunpack.i.l.bf16.f32 v37;
	v33 =	vadd.f32 v51, v33  }
0x307: {  	v56 =	vld [tilespmem:s22+$0xAF60];
	v37 =	vunpack.i.u.bf16.f32 v37;
	v42 =	vadd.f32 $0.0e+00, v61;
	v28 =	vadd.f32 v28, v47  }
0x308: {  	v38 =	vmul.bf16 v38, v62;
	v45 =	vadd.f32 v45, v60;
	v33 =	vadd.f32 v54, v33  }
0x309: {  	v40 =	vunpack.i.u.bf16.f32 v40;
	v37 =	vadd.f32 v42, v37;
	v28 =	vadd.f32 v43, v28  }
0x30a: {  	v60 =	vadd.f32 v52, v46;
	v54 =	vunpack.i.l.bf16.f32 v38;
	v33 =	vadd.f32 v33, v40  }
0x30b: {  	v53 =	vunpack.i.l.bf16.f32 v41;
	v37 =	vadd.f32 v54, v37;
	v28 =	vadd.f32 v28, v55  }
0x30c: {  	v38 =	vunpack.i.u.bf16.f32 v38;
	v58 =	vmul.bf16 v56, v63;
	v33 =	vadd.f32 v53, v33  }
0x30d: {  	(xrf2) =	vadd.scan.msk.f32 $0xffff, v14;
	v14 =	vunpack.i.u.bf16.f32 v41;
	v59 =	vadd.f32 v37, v38;
	v28 =	vadd.f32 v36, v28  }
0x30e: {  	(xrf2) =	vadd.scan.msk.f32 $0xffff, v20;
	v34 =	vadd.f32 v34, v45;
	v20 =	vunpack.i.l.bf16.f32 v58;
	v14 =	vadd.f32 v33, v14  }
0x30f: {  	(xrf2) =	vadd.scan.msk.f32 $0xffff, v21;
	v20 =	vadd.f32 v20, v59;
	v21 =	vadd.f32 v28, v35;
	v28 =	vunpack.i.u.bf16.f32 v49  }
0x310: {  	(xrf2) =	vadd.scan.msk.f32 $0xffff, v32;
	v61 =	vunpack.i.u.bf16.f32 v58;
	v28 =	vadd.f32 v60, v28;
	v14 =	vadd.f32 v44, v14  }
0x311: {  	(xrf2) =	vadd.scan.msk.f32 $0xffff, v24;
	v24 =	vunpack.i.u.bf16.f32 v57;
	v29 =	vadd.f32 v34, v29;
	v20 =	vadd.f32 v20, v61  }
0x312: {  	(xrf2) =	vadd.scan.msk.f32 $0xffff, v26;
	v26 =	vadd.f32 v31, v28;
	v14 =	vadd.f32 v14, v24;
	v24 =	vunpack.i.l.bf16.f32 v48  }
0x313: {  	v23 =	vadd.f32 v25, v23;
	(xrf2) =	vadd.scan.msk.f32 $0xffff, v30;
	v20 =	vadd.f32 v24, v20;
	v24 =	vunpack.i.u.bf16.f32 v27  }
0x314: {  	v18 =	vunpack.i.l.bf16.f32 v16;
	v15 =	vadd.f32 v17, v15;
	(xrf2) =	vadd.scan.msk.f32 $0xffff, v29;
	v24 =	vadd.f32 v26, v24  }
0x315: {  	v25 =	vunpack.i.u.bf16.f32 v48;
	v18 =	vadd.f32 v18, v23;
	(xrf2) =	vadd.scan.msk.f32 $0xffff, v21;
	v21 =	vunpack.i.l.bf16.f32 v19  }
0x316: {  	v16 =	vunpack.i.u.bf16.f32 v16;
	(xrf2) =	vadd.scan.msk.f32 $0xffff, v14;
	v20 =	vadd.f32 v20, v25;
	v14 =	vadd.f32 v21, v24  }
0x317: {  	v11 =	vadd.f32 v11, v15;
	v16 =	vadd.f32 v18, v16;
	v19 =	vunpack.i.u.bf16.f32 v19  }
0x318: {  	v9 =	vunpack.i.u.bf16.f32 v9;
	v17, _, _ =	vpop (xrf2);
	v18 =	vunpack.i.l.bf16.f32 v12;
	(xrf2) =	vadd.scan.msk.f32 $0xffff, v20;
	v14 =	vadd.f32 v14, v19  }
0x319: {  	v2 =	vunpack.i.u.bf16.f32 v2;
	v13, _, _ =	vpop (xrf2);
	v9 =	vadd.f32 v11, v9;
	v16 =	vadd.f32 v18, v16  }
0x31a: {  	v6 =	vunpack.i.l.bf16.f32 v3;
	v8 =	vadd.f32 v10, v8;
	v15, _, _ =	vpop (xrf2);
	(xrf2) =	vadd.scan.msk.f32 $0xffff, v14;
	v14 =	vunpack.i.l.bf16.f32 v5  }
0x31b: {  	v2 =	vadd.f32 v4, v2;
	v10, _, _ =	vpop (xrf2);
	v12 =	vunpack.i.u.bf16.f32 v12;
	v9 =	vadd.f32 v14, v9  }
0x31c: {  	v7 =	vld [tilespmem:s22+$0xB2F0];
	v6 =	vadd.f32 v6, v8;
	v11, _, _ =	vpop (xrf2);
	v12 =	vadd.f32 v16, v12;
	v5 =	vunpack.i.u.bf16.f32 v5  }
0x31d: {  	v3 =	vunpack.i.u.bf16.f32 v3;
	v8 =	vld [tilespmem:s22+$0x72F0];
	v16, _, _ =	vpop (xrf2);
	v5 =	vadd.f32 v9, v5;
	v9 =	vunpack.i.l.bf16.f32 v1  }
0x31e: {  	v3 =	vadd.f32 v6, v3;
	v6 =	vunpack.i.l.bf16.f32 v0;
	v14, _, _ =	vpop (xrf2);
	v2 =	vadd.f32 v9, v2  }
0x31f: {  	v4, _, _ =	vpop (xrf2)  }
0x320: {  	(xrf2) =	vadd.scan.msk.f32 $0xffff, v12;
	v12, _, _ =	vpop (xrf2)  }
0x321: {  	v3 =	vadd.f32 v6, v3;
	v1 =	vunpack.i.u.bf16.f32 v1;
	v6, _, _ =	vpop (xrf2)  }
0x322: {  	v0 =	vunpack.i.u.bf16.f32 v0;
	v7 =	vmul.bf16 v7, v8;
	v1 =	vadd.f32 v2, v1;
	v2, _, _ =	vpop (xrf2)  }
0x323: {  	v0 =	vadd.f32 v3, v0;
	(xrf2) =	vadd.scan.msk.f32 $0xffff, v5;
	v3 =	vbroadcast v6, $0xF;
	v2 =	vbroadcast v2, $0xF;
	_ =	sdelay $0x1  }
0x324: {  	v5 =	vunpack.i.l.bf16.f32 v7;
	(xrf2) =	vadd.scan.msk.f32 $0xffff, v0;
	v0 =	vsel vm0, v3, v2;
	v2 =	vbroadcast v4, $0xF;
	v4, _, _ =	vpop (xrf2)  }
0x325: {  	v6 =	vbroadcast v12, $0xF;
	v1 =	vadd.f32 v5, v1;
	v4 =	vbroadcast v4, $0xF  }
0x326: {  	v3 =	vunpack.i.u.bf16.f32 v7  }
0x327: {  	v0 =	vsel vm1, v0, v6;
	v1 =	vadd.f32 v1, v3  }
0x328: {  	v3 =	vbroadcast v16, $0xF;
	v0 =	vsel vm2, v0, v2;
	v2 =	vbroadcast v14, $0xF  }
0x329: {  	v0 =	vsel vm3, v0, v4;
	v4, _, _ =	vpop (xrf2)  }
0x32a: {  	(xrf2) =	vadd.scan.msk.f32 $0xffff, v1;
	v0 =	vsel vm4, v0, v2;
	v1 =	vbroadcast v4, $0xF  }
0x32b: {  	v2 =	vbroadcast v11, $0xF;
	v0 =	vsel vm5, v0, v3  }
0x32c: {  	v3, _, _ =	vpop (xrf2);
	v0 =	vsel vm6, v0, v1;
	v1 =	vbroadcast v10, $0xF  }
0x32d: {  	v0 =	vsel vm7, v0, v2;
	v2 =	vbroadcast v3, $0xF  }
0x32e: {  	v0 =	vsel vm8, v0, v1;
	v1 =	vbroadcast v15, $0xF  }
0x32f: {  	v3, _, _ =	vpop (xrf2);
	v0 =	vsel vm9, v0, v2  }
0x330: {  	v2 =	vbroadcast v13, $0xF;
	v0 =	vsel vm10, v0, v1;
	v1 =	vbroadcast v3, $0xF;
	_ =	sdelay $0x1  }
0x331: {  	v0 =	vsel vm11, v0, v2;
	v2 =	vbroadcast v17, $0xF  }
0x332: {  	v0 =	vsel vm12, v0, v1  }
0x333: {  	v0 =	vsel vm13, v0, v2;
	v1, _, _ =	vpop (xrf2)  }
0x334: {  	v0 =	vsel vm14, v0, v1  }
0x335: {  	v0 =	vsub.f32 $0.0e+00, v0;
	_ =	sdelay $0x1  }
0x336: {  	v0 =	vmul.f32 $1.442695020e+00, v0;
	_ =	sdelay $0x1  }
0x337: {  	(erf) = vpow2.f32 v0;
	_ =	sdelay $0x8  }
0x338: {  	v0 =	vpop (erf)  }
0x339: {  	v0 =	vadd.f32 $1.000000000e+00, v0;
	_ =	sdelay $0x1  }
0x33a: {  	(erf) = vrcp.f32 v0;
	_ =	sdelay $0x8  }
0x33b: {  	s2 =	simm.s32 $0xCF80;
	v0 =	vpop (erf)  }
0x33c: {  	s21 =	simm.s32 $0x400;
	[tilespmem:s2+$0x0] =	vst v0  }
0x33d: {  	v0 =	vld [tilespmem:s21+$0xB2B0]  }
0x33e: {  	v1 =	vld [tilespmem:s21+$0x72B0]  }
0x33f: {  	v2 =	vld [tilespmem:s21+$0xB2E0]  }
0x340: {  	v3 =	vld [tilespmem:s21+$0x72E0]  }
0x341: {  	v4 =	vld [tilespmem:s21+$0xB270]  }
0x342: {  	v5 =	vld [tilespmem:s21+$0x7270]  }
0x343: {  	v6 =	vld [tilespmem:s21+$0xB230]  }
0x344: {  	v7 =	vld [tilespmem:s21+$0x7230]  }
0x345: {  	v8 =	vld [tilespmem:s21+$0xB2A0]  }
0x346: {  	v9 =	vld [tilespmem:s21+$0x72A0]  }
0x347: {  	v10 =	vld [tilespmem:s21+$0xB2D0]  }
0x348: {  	v11 =	vld [tilespmem:s21+$0x72D0]  }
0x349: {  	v12 =	vld [tilespmem:s21+$0xB1F0]  }
0x34a: {  	v13 =	vld [tilespmem:s21+$0x71F0]  }
0x34b: {  	v14 =	vld [tilespmem:s21+$0xB260]  }
0x34c: {  	v15 =	vld [tilespmem:s21+$0x7260]  }
0x34d: {  	v16 =	vld [tilespmem:s21+$0xB1B0]  }
0x34e: {  	v17 =	vld [tilespmem:s21+$0x71B0]  }
0x34f: {  	v18 =	vld [tilespmem:s21+$0xB220]  }
0x350: {  	v20 =	vld [tilespmem:s21+$0x7220]  }
0x351: {  	v21 =	vld [tilespmem:s21+$0xB290]  }
0x352: {  	v22 =	vld [tilespmem:s21+$0x7290]  }
0x353: {  	v23 =	vld [tilespmem:s21+$0xB2C0]  }
0x354: {  	v24 =	vld [tilespmem:s21+$0x72C0]  }
0x355: {  	v25 =	vld [tilespmem:s21+$0xB170]  }
0x356: {  	v26 =	vld [tilespmem:s21+$0x7170]  }
0x357: {  	v27 =	vld [tilespmem:s21+$0xB1E0]  }
0x358: {  	v28 =	vld [tilespmem:s21+$0x71E0]  }
0x359: {  	v29 =	vld [tilespmem:s21+$0xB250]  }
0x35a: {  	v30 =	vld [tilespmem:s21+$0x7250]  }
0x35b: {  	v31 =	vld [tilespmem:s21+$0xB130]  }
0x35c: {  	v32 =	vld [tilespmem:s21+$0x7130]  }
0x35d: {  	v33 =	vld [tilespmem:s21+$0xB1A0]  }
0x35e: {  	v34 =	vld [tilespmem:s21+$0x71A0]  }
0x35f: {  	v35 =	vld [tilespmem:s21+$0xB210]  }
0x360: {  	v36 =	vld [tilespmem:s21+$0x7210]  }
0x361: {  	v19 =	vld [tilespmem:s21+$0xB280]  }
0x362: {  	v62 =	vld [tilespmem:s21+$0x7280]  }
0x363: {  	v38 =	vld [tilespmem:s21+$0xB0F0]  }
0x364: {  	v39 =	vld [tilespmem:s21+$0x70F0]  }
0x365: {  	v40 =	vld [tilespmem:s21+$0xB160]  }
0x366: {  	v41 =	vld [tilespmem:s21+$0x7160]  }
0x367: {  	v42 =	vld [tilespmem:s21+$0xB1D0]  }
0x368: {  	v43 =	vld [tilespmem:s21+$0x71D0]  }
0x369: {  	v44 =	vld [tilespmem:s21+$0xB240]  }
0x36a: {  	v45 =	vld [tilespmem:s21+$0x7240]  }
0x36b: {  	v46 =	vld [tilespmem:s21+$0xB0B0]  }
0x36c: {  	v47 =	vld [tilespmem:s21+$0x70B0]  }
0x36d: {  	v48 =	vld [tilespmem:s21+$0xB120]  }
0x36e: {  	v49 =	vld [tilespmem:s21+$0x7120];
	v1 =	vmul.bf16 v0, v1;
	v6 =	vmul.bf16 v6, v7  }
0x36f: {  	v50 =	vld [tilespmem:s21+$0xB190];
	v0 =	vmul.bf16 v4, v5;
	v5 =	vmul.bf16 v12, v13  }
0x370: {  	v52 =	vld [tilespmem:s21+$0x7190];
	v7 =	vmul.bf16 v18, v20;
	v13 =	vmul.bf16 v21, v22  }
0x371: {  	v54 =	vld [tilespmem:s21+$0xB200];
	v40 =	vmul.bf16 v40, v41;
	v51 =	vunpack.i.u.bf16.f32 v1;
	v53 =	vunpack.i.l.bf16.f32 v1  }
0x372: {  	v60 =	vld [tilespmem:s21+$0xB0E0];
	v1 =	vmul.bf16 v2, v3;
	v55 =	vunpack.i.u.bf16.f32 v6;
	v3 =	vmul.bf16 v8, v9  }
0x373: {  	v18 =	vld [tilespmem:s21+$0xB150];
	v2 =	vmul.bf16 v10, v11;
	v56 =	vunpack.i.l.bf16.f32 v6;
	v6 =	vmul.bf16 v19, v62  }
0x374: {  	v21 =	vld [tilespmem:s21+$0xB1C0];
	v19 =	vunpack.i.u.bf16.f32 v5;
	v59 =	vunpack.i.l.bf16.f32 v5;
	v12 =	vunpack.i.u.bf16.f32 v3  }
0x375: {  	v11 =	vld [tilespmem:s21+$0x7200];
	v8 =	vunpack.i.l.bf16.f32 v3;
	v3 =	vunpack.i.l.bf16.f32 v2;
	v5 =	vunpack.i.l.bf16.f32 v6  }
0x376: {  	v48 =	vmul.bf16 v48, v49;
	[tilespmem:$0x1FFE0] =	vst v3;
	v3 =	vmul.bf16 v14, v15;
	v9 =	vadd.f32 $0.0e+00, v5;
	v15 =	vld [tilespmem:s21+$0x70E0]  }
0x377: {  	v10 =	vunpack.i.u.bf16.f32 v6;
	v14 =	vmul.bf16 v23, v24;
	v5 =	vmul.bf16 v16, v17;
	v24 =	vld [tilespmem:s21+$0x71C0]  }
0x378: {  	v17 =	vld [tilespmem:s21+$0x7150];
	v16 =	vunpack.i.u.bf16.f32 v7;
	v23 =	vunpack.i.l.bf16.f32 v7;
	v9 =	vadd.f32 v9, v10  }
0x379: {  	v57 =	vld [tilespmem:s21+$0xB070];
	v6 =	vunpack.i.l.bf16.f32 v3;
	v10 =	vunpack.i.l.bf16.f32 v13;
	v20 =	vunpack.i.l.bf16.f32 v14  }
0x37a: {  	v58 =	vld [tilespmem:s21+$0x7070];
	v13 =	vunpack.i.u.bf16.f32 v13;
	v63 =	vmul.bf16 v54, v11;
	v7 =	vadd.f32 v10, v9  }
0x37b: {  	v61 =	vld [tilespmem:s21+$0x70A0];
	v9 =	vadd.f32 $0.0e+00, v20;
	v10 =	vmul.bf16 v25, v26;
	v26 =	vmul.bf16 v27, v28  }
0x37c: {  	v41 =	vld [tilespmem:s21+$0x6FF0];
	v14 =	vunpack.i.u.bf16.f32 v14;
	v21 =	vmul.bf16 v21, v24;
	v15 =	vmul.bf16 v60, v15  }
0x37d: {  	v49 =	vld [tilespmem:s21+$0x6FB0];
	v18 =	vmul.bf16 v18, v17;
	v13 =	vadd.f32 v7, v13;
	v7 =	vadd.f32 v9, v14  }
0x37e: {  	v54 =	vld [tilespmem:s21+$0x7110];
	v22 =	vunpack.i.u.bf16.f32 v10;
	v20 =	vunpack.i.l.bf16.f32 v10;
	v9 =	vmul.bf16 v29, v30  }
0x37f: {  	v28 =	vld [tilespmem:s21+$0xB0A0];
	v29 =	vunpack.i.u.bf16.f32 v26;
	v26 =	vunpack.i.l.bf16.f32 v26;
	v14 =	vmul.bf16 v31, v32  }
0x380: {  	v25 =	vld [tilespmem:s21+$0xB030];
	v17 =	vunpack.i.l.bf16.f32 v15;
	v13 =	vadd.f32 v8, v13;
	v8 =	vunpack.i.u.bf16.f32 v9  }
0x381: {  	v27 =	vld [tilespmem:s21+$0x7030];
	v10 =	vunpack.i.l.bf16.f32 v9;
	v9 =	vmul.bf16 v33, v34;
	v30 =	vunpack.i.u.bf16.f32 v14  }
0x382: {  	v24 =	vld [tilespmem:s21+$0xB060];
	v32 =	vunpack.i.l.bf16.f32 v14;
	v14 =	vunpack.i.l.bf16.f32 v63;
	v33 =	vunpack.i.u.bf16.f32 v63  }
0x383: {  	v60 =	vld [tilespmem:s21+$0xAF70];
	v63 =	vunpack.i.l.bf16.f32 v21;
	v21 =	vunpack.i.u.bf16.f32 v21;
	v14 =	vadd.f32 $0.0e+00, v14  }
0x384: {  	v31 =	vld [tilespmem:s21+$0xB110];
	v28 =	vmul.bf16 v28, v61;
	v12 =	vadd.f32 v13, v12;
	v13 =	vmul.bf16 v35, v36  }
0x385: {  	v35 =	vld [tilespmem:s21+$0xB180];
	v11 =	vunpack.i.l.bf16.f32 v9;
	v14 =	vadd.f32 v14, v33;
	v33 =	vunpack.i.u.bf16.f32 v40  }
0x386: {  	v36 =	vld [tilespmem:s21+$0x7180];
	v12 =	vadd.f32 v53, v12;
	v62 =	vunpack.i.u.bf16.f32 v13;
	v13 =	vunpack.i.l.bf16.f32 v13  }
0x387: {  	v40 =	vunpack.i.l.bf16.f32 v40;
	v53 =	vld [tilespmem:s21+$0xAFF0];
	v13 =	vadd.f32 v13, v14;
	v14 =	vadd.f32 $0.0e+00, v63  }
0x388: {  	v63 =	vmul.bf16 v46, v47;
	v46 =	vld [tilespmem:s21+$0xB140];
	v4 =	vadd.f32 v12, v51;
	v12 =	vmul.bf16 v38, v39  }
0x389: {  	v61 =	vunpack.i.u.bf16.f32 v28;
	v47 =	vld [tilespmem:s21+$0x7140];
	v38 =	vmul.bf16 v42, v43;
	v39 =	vmul.bf16 v44, v45  }
0x38a: {  	v43 =	vld [tilespmem:s21+$0x7060];
	v13 =	vadd.f32 v13, v62;
	v14 =	vadd.f32 v14, v21;
	v37 =	vunpack.i.u.bf16.f32 v63  }
0x38b: {  	v45 =	vld [tilespmem:s21+$0xB0D0];
	v34 =	vunpack.i.u.bf16.f32 v38;
	v44 =	vunpack.i.l.bf16.f32 v39;
	v21 =	vunpack.i.u.bf16.f32 v39  }
0x38c: {  	v51 =	vld [tilespmem:s21+$0x70D0];
	v38 =	vunpack.i.l.bf16.f32 v38;
	v39 =	vunpack.i.l.bf16.f32 v63;
	v23 =	vadd.f32 v23, v13  }
0x38d: {  	v62 =	vadd.f32 $0.0e+00, v44;
	v14 =	vadd.f32 v38, v14;
	v38 =	vmul.bf16 v50, v52;
	v50 =	vld [tilespmem:s21+$0xB020]  }
0x38e: {  	v52 =	vunpack.i.u.bf16.f32 v48;
	v44 =	vmul.bf16 v57, v58;
	v57 =	vld [tilespmem:s21+$0xAF30];
	v16 =	vadd.f32 v23, v16  }
0x38f: {  	v48 =	vunpack.i.l.bf16.f32 v48;
	v41 =	vmul.bf16 v53, v41;
	v53 =	vld [tilespmem:s21+$0xB080];
	v23 =	vadd.f32 v14, v34  }
0x390: {  	v58 =	vunpack.i.u.bf16.f32 v18;
	v46 =	vmul.bf16 v46, v47;
	v47 =	vld [tilespmem:s21+$0x7090];
	v34 =	vadd.f32 v56, v16  }
0x391: {  	v13 =	vadd.f32 v62, v21;
	v14 =	vunpack.i.u.bf16.f32 v38;
	v56 =	vld [tilespmem:s21+$0xB090];
	v23 =	vadd.f32 v26, v23  }
0x392: {  	v43 =	vmul.bf16 v24, v43;
	v63 =	vunpack.i.l.bf16.f32 v46;
	v26 =	vld [tilespmem:s21+$0xB100];
	v42 =	vadd.f32 v34, v55  }
0x393: {  	v24 =	vunpack.i.u.bf16.f32 v41;
	v23 =	vadd.f32 v23, v29;
	v29 =	vld [tilespmem:s21+$0x7100];
	v55 =	vadd.f32 $0.0e+00, v63  }
0x394: {  	v21 =	vld [tilespmem:s21+$0xAFB0];
	v46 =	vunpack.i.u.bf16.f32 v46;
	v16 =	vunpack.i.l.bf16.f32 v38;
	v38 =	vunpack.i.u.bf16.f32 v44  }
0x395: {  	v62 =	vld [tilespmem:s21+$0x7020];
	v44 =	vunpack.i.l.bf16.f32 v44;
	v23 =	vadd.f32 v59, v23;
	v46 =	vadd.f32 v55, v46  }
0x396: {  	v34 =	vunpack.i.l.bf16.f32 v18;
	v18 =	vmul.bf16 v25, v27;
	v27 =	vmul.bf16 v35, v36;
	v36 =	vld [tilespmem:s21+$0xAFE0]  }
0x397: {  	v25 =	vmul.bf16 v31, v54;
	v55 =	vld [tilespmem:s21+$0x6FE0];
	v23 =	vadd.f32 v23, v19;
	v19 =	vadd.f32 v34, v46  }
0x398: {  	v54 =	vld [tilespmem:s21+$0x6F70];
	v47 =	vmul.bf16 v56, v47;
	v46 =	vunpack.i.l.bf16.f32 v28;
	v26 =	vmul.bf16 v26, v29  }
0x399: {  	v35 =	vld [tilespmem:s21+$0xB050];
	v28 =	vunpack.i.u.bf16.f32 v25;
	v29 =	vunpack.i.l.bf16.f32 v27;
	v19 =	vadd.f32 v19, v58  }
0x39a: {  	v63 =	vld [tilespmem:s21+$0x7050];
	v25 =	vunpack.i.l.bf16.f32 v25;
	v29 =	vadd.f32 $0.0e+00, v29;
	v31 =	vunpack.i.l.bf16.f32 v26  }
0x39b: {  	v27 =	vunpack.i.u.bf16.f32 v27;
	v58 =	vld [tilespmem:s21+$0x7080];
	v31 =	vadd.f32 $0.0e+00, v31;
	v40 =	vadd.f32 v40, v19  }
0x39c: {  	v59 =	vld [tilespmem:s21+$0x6F30];
	v26 =	vunpack.i.u.bf16.f32 v26;
	v36 =	vmul.bf16 v36, v55;
	v19 =	vadd.f32 v29, v27  }
0x39d: {  	v34 =	vld [tilespmem:s21+$0x7040];
	v27 =	vadd.f32 v31, v26;
	v29 =	vadd.f32 v40, v33;
	v26 =	vunpack.i.l.bf16.f32 v41  }
0x39e: {  	v33 =	vld [tilespmem:s21+$0xB040];
	v41 =	vunpack.i.u.bf16.f32 v43;
	v31 =	vmul.bf16 v45, v51;
	v43 =	vunpack.i.l.bf16.f32 v43  }
0x39f: {  	v45 =	vld [tilespmem:s21+$0xB0C0];
	v25 =	vadd.f32 v25, v27;
	v27 =	vadd.f32 v20, v29;
	v29 =	vmul.bf16 v21, v49  }
0x3a0: {  	v51 =	vld [tilespmem:s21+$0x70C0];
	v20 =	vunpack.i.u.bf16.f32 v31;
	v21 =	vunpack.i.l.bf16.f32 v31;
	v49 =	vmul.bf16 v53, v58  }
0x3a1: {  	v56 =	vld [tilespmem:s21+$0xB010];
	v25 =	vadd.f32 v25, v28;
	v31 =	vadd.f32 v27, v22;
	v27 =	vunpack.i.u.bf16.f32 v29  }
0x3a2: {  	v53 =	vld [tilespmem:s21+$0xAFA0];
	v28 =	vunpack.i.l.bf16.f32 v29;
	v22 =	vmul.bf16 v50, v62;
	v29 =	vunpack.i.l.bf16.f32 v49  }
0x3a3: {  	v50 =	vld [tilespmem:s21+$0x6FA0];
	v33 =	vmul.bf16 v33, v34;
	v29 =	vadd.f32 $0.0e+00, v29;
	v34 =	vunpack.i.u.bf16.f32 v49  }
0x3a4: {  	v58 =	vld [tilespmem:s21+$0x7010];
	v49 =	vunpack.i.u.bf16.f32 v47;
	v47 =	vunpack.i.l.bf16.f32 v47;
	v48 =	vadd.f32 v48, v25  }
0x3a5: {  	v45 =	vmul.bf16 v45, v51;
	v51 =	vld [tilespmem:s21+$0xAFC0];
	v25 =	vunpack.i.l.bf16.f32 v22;
	v62 =	vunpack.i.l.bf16.f32 v33  }
0x3a6: {  	v40 =	vadd.f32 v29, v34;
	v34 =	vld [tilespmem:s21+$0x6F20];
	v29 =	vmul.bf16 v57, v59;
	v48 =	vadd.f32 v48, v52  }
0x3a7: {  	v59 =	vld [tilespmem:s21+$0xAFD0];
	v33 =	vunpack.i.u.bf16.f32 v33;
	v57 =	vadd.f32 $0.0e+00, v62;
	v62 =	vmul.bf16 v35, v63  }
0x3a8: {  	v52 =	vld [tilespmem:s21+$0xAF20];
	v40 =	vadd.f32 v47, v40;
	v50 =	vmul.bf16 v53, v50;
	v48 =	vadd.f32 v32, v48  }
0x3a9: {  	v53 =	vld [tilespmem:s21+$0x6FC0];
	v32 =	vunpack.i.l.bf16.f32 v29;
	v33 =	vadd.f32 v57, v33;
	v47 =	vunpack.i.l.bf16.f32 v62  }
0x3aa: {  	v57 =	vld [tilespmem:s21+$0xAF90];
	v55 =	vunpack.i.u.bf16.f32 v62;
	v40 =	vadd.f32 v40, v49;
	v35 =	vadd.f32 v48, v30  }
0x3ab: {  	v49 =	vld [tilespmem:s21+$0x6F90];
	v30 =	vmul.bf16 v60, v54;
	v33 =	vadd.f32 v47, v33;
	v60 =	vunpack.i.l.bf16.f32 v45  }
0x3ac: {  	v63 =	vld [tilespmem:s21+$0x6FD0];
	v45 =	vunpack.i.u.bf16.f32 v45;
	v47 =	vunpack.i.l.bf16.f32 v36;
	v46 =	vadd.f32 v46, v40  }
0x3ad: {  	v54 =	vld [tilespmem:s21+$0xB000];
	v40 =	vunpack.i.u.bf16.f32 v36;
	v48 =	vadd.f32 $0.0e+00, v60;
	v33 =	vadd.f32 v33, v55  }
0x3ae: {  	v36 =	vmul.bf16 v56, v58;
	v55 =	vld [tilespmem:s21+$0x7000];
	v53 =	vmul.bf16 v51, v53;
	v46 =	vadd.f32 v46, v61  }
0x3af: {  	v61 =	vld [tilespmem:s21+$0xAF80];
	v60 =	vadd.f32 v43, v33;
	v33 =	vadd.f32 v48, v45;
	v43 =	vunpack.i.u.bf16.f32 v50  }
0x3b0: {  	(xrf2) =	vadd.scan.msk.f32 $0xffff, v4;
	v56 =	vmul.bf16 v57, v49;
	v45 =	vadd.f32 v39, v46;
	v39 =	vmul.bf16 v52, v34;
	v34 =	vld [tilespmem:s21+$0x6F80]  }
0x3b1: {  	(xrf2) =	vadd.scan.msk.f32 $0xffff, v42;
	v42 =	vld [tilespmem:s21+$0xAF40];
	v46 =	vunpack.i.l.bf16.f32 v50;
	v62 =	vadd.f32 v60, v41;
	v60 =	vmul.bf16 v59, v63  }
0x3b2: {  	v48 =	vld [tilespmem:s21+$0xAF10];
	v41 =	vunpack.i.l.bf16.f32 v36;
	v63 =	vunpack.i.l.bf16.f32 v53;
	v37 =	vadd.f32 v45, v37  }
0x3b3: {  	v50 =	vld [tilespmem:s21+$0xAF00];
	v45 =	vunpack.i.l.bf16.f32 v39;
	v54 =	vmul.bf16 v54, v55;
	v62 =	vadd.f32 v44, v62  }
0x3b4: {  	v52 =	vld [tilespmem:s21+$0x6F00];
	v57 =	vadd.f32 $0.0e+00, v63;
	v44 =	vunpack.i.u.bf16.f32 v60;
	v51 =	vunpack.i.l.bf16.f32 v60  }
0x3b5: {  	s15 =	simm.s32 $0x2000;
	v49 =	vld [tilespmem:s21+$0x6F10];
	v38 =	vadd.f32 v62, v38;
	v55 =	vmul.bf16 v61, v34;
	v34 =	vunpack.i.u.bf16.f32 v56  }
.LBB2_8:
0x3b6: {  	v58 =	vld [tilespmem:s21+$0x6F40];
	v56 =	vunpack.i.l.bf16.f32 v56;
	v53 =	vunpack.i.u.bf16.f32 v53;
	v21 =	vadd.f32 v21, v33  }
0x3b7: {  	(xrf2) =	vadd.scan.msk.f32 $0xffff, v23;
	v59 =	vunpack.i.l.bf16.f32 v54;
	v23 =	vunpack.i.l.bf16.f32 v55;
	v53 =	vadd.f32 v57, v53  }
0x3b8: {  	v61 =	vunpack.i.u.bf16.f32 v54;
	v60 =	vadd.f32 $0.0e+00, v59;
	v4 =	vadd.f32 $0.0e+00, v23  }
0x3b9: {  	v62 =	vunpack.i.u.bf16.f32 v55;
	v57 =	vld [tilespmem:s21+$0xAF60];
	v51 =	vadd.f32 v51, v53;
	v50 =	vmul.bf16 v50, v52  }
0x3ba: {  	v59 =	vld [tilespmem:s21+$0x6F50];
	v53 =	vadd.f32 v60, v61;
	v48 =	vmul.bf16 v48, v49;
	v63 =	vadd.f32 v4, v62  }
0x3bb: {  	(xrf2) =	vadd.scan.msk.f32 $0xffff, v31;
	v52 =	vld [tilespmem:s21+$0xAF50];
	v42 =	vmul.bf16 v42, v58;
	v44 =	vadd.f32 v51, v44;
	v31 =	vunpack.i.l.bf16.f32 v50  }
0x3bc: {  	v61 =	vld [tilespmem:s21+$0x6F60];
	v50 =	vunpack.i.u.bf16.f32 v50;
	v49 =	vadd.f32 v56, v63;
	v4 =	vadd.f32 $0.0e+00, v31  }
0x3bd: {  	v51 =	vunpack.i.l.bf16.f32 v48;
	v48 =	vunpack.i.u.bf16.f32 v48;
	v44 =	vadd.f32 v47, v44  }
0x3be: {  	v60 =	vunpack.i.l.bf16.f32 v42;
	v58 =	vadd.f32 v4, v50;
	v4 =	vadd.f32 v49, v34  }
0x3bf: {  	v42 =	vunpack.i.u.bf16.f32 v42;
	v62 =	vadd.f32 $0.0e+00, v60;
	v60 =	vadd.f32 v41, v53  }
0x3c0: {  	v23, _, _ =	vpop (xrf2);
	(xrf2) =	vadd.scan.msk.f32 $0xffff, v35;
	v63 =	vmul.bf16 v52, v59;
	v35 =	vadd.f32 v51, v58;
	v49 =	vadd.f32 v46, v4  }
0x3c1: {  	v40 =	vadd.f32 v44, v40;
	v56 =	vmul.bf16 v57, v61;
	v42 =	vadd.f32 v62, v42  }
0x3c2: {  	v52 =	vunpack.i.l.bf16.f32 v63;
	v35 =	vadd.f32 v35, v48;
	v57 =	vadd.f32 v49, v43  }
0x3c3: {  	v39 =	vunpack.i.u.bf16.f32 v39;
	v31, _, _ =	vpop (xrf2);
	(xrf2) =	vadd.scan.msk.f32 $0xffff, v37;
	v26 =	vadd.f32 v26, v40;
	v37 =	vadd.f32 v52, v42  }
0x3c4: {  	v58 =	vunpack.i.u.bf16.f32 v63;
	v35 =	vadd.f32 v45, v35;
	v28 =	vadd.f32 v28, v57  }
0x3c5: {  	v51, _, _ =	vpop (xrf2);
	(xrf2) =	vadd.scan.msk.f32 $0xffff, v38;
	v59 =	vunpack.i.l.bf16.f32 v56;
	v26 =	vadd.f32 v26, v24;
	v37 =	vadd.f32 v37, v58  }
0x3c6: {  	v35 =	vadd.f32 v35, v39;
	v27 =	vadd.f32 v28, v27;
	v28 =	vunpack.i.u.bf16.f32 v36  }
0x3c7: {  	v29 =	vunpack.i.u.bf16.f32 v29;
	v24, _, _ =	vpop (xrf2);
	(xrf2) =	vadd.scan.msk.f32 $0xffff, v26;
	v26 =	vadd.f32 v59, v37;
	v4 =	vadd.f32 v60, v28  }
0x3c8: {  	v16 =	vadd.f32 v16, v19;
	v62 =	vunpack.i.u.bf16.f32 v56;
	v32 =	vadd.f32 v32, v35  }
0x3c9: {  	v22 =	vunpack.i.u.bf16.f32 v22;
	v26 =	vadd.f32 v26, v62;
	v25 =	vadd.f32 v25, v4  }
0x3ca: {  	v61, _, _ =	vpop (xrf2);
	(xrf2) =	vadd.scan.msk.f32 $0xffff, v27;
	v4 =	vadd.f32 v21, v20;
	v27 =	vadd.f32 v32, v29;
	v29 =	vunpack.i.l.bf16.f32 v30  }
0x3cb: {  	v26 =	vadd.f32 v29, v26;
	v22 =	vadd.f32 v25, v22  }
0x3cc: {  	v21 =	vunpack.i.u.bf16.f32 v30;
	v17 =	vadd.f32 v17, v4;
	v4 =	vadd.f32 v16, v14  }
0x3cd: {  	v10 =	vadd.f32 v10, v13;
	v19 =	vadd.f32 v26, v21;
	v21 =	vunpack.i.l.bf16.f32 v18  }
0x3ce: {  	v15 =	vunpack.i.u.bf16.f32 v15;
	v28, _, _ =	vpop (xrf2);
	(xrf2) =	vadd.scan.msk.f32 $0xffff, v27;
	v11 =	vadd.f32 v11, v4;
	v4 =	vld [tilespmem:$0x1FFE0];
	v21 =	vadd.f32 v21, v22  }
0x3cf: {  	v20, _, _ =	vpop (xrf2);
	v16 =	vunpack.i.u.bf16.f32 v18;
	v15 =	vadd.f32 v17, v15;
	(xrf2) =	vadd.scan.msk.f32 $0xffff, v19  }
0x3d0: {  	v8 =	vadd.f32 v10, v8;
	v13 =	vadd.f32 v21, v16;
	v16 =	vunpack.i.l.bf16.f32 v12  }
0x3d1: {  	v9 =	vunpack.i.u.bf16.f32 v9;
	v15 =	vadd.f32 v16, v15  }
0x3d2: {  	v10 =	vunpack.i.u.bf16.f32 v12;
	v6 =	vadd.f32 v6, v8;
	v8 =	vld [tilespmem:s21+$0x72F0];
	v14, _, _ =	vpop (xrf2);
	v9 =	vadd.f32 v11, v9;
	(xrf2) =	vadd.scan.msk.f32 $0xffff, v13  }
0x3d3: {  	v11 =	vunpack.i.l.bf16.f32 v5;
	v4 =	vadd.f32 v4, v7;
	v7 =	vld [tilespmem:s21+$0xB2F0];
	v10 =	vadd.f32 v15, v10  }
0x3d4: {  	v3 =	vunpack.i.u.bf16.f32 v3;
	v2 =	vunpack.i.u.bf16.f32 v2;
	v11 =	vadd.f32 v11, v9  }
0x3d5: {  	v3 =	vadd.f32 v6, v3;
	v5 =	vunpack.i.u.bf16.f32 v5;
	v12, _, _ =	vpop (xrf2);
	v2 =	vadd.f32 v4, v2;
	(xrf2) =	vadd.scan.msk.f32 $0xffff, v10  }
0x3d6: {  	v6 =	vunpack.i.l.bf16.f32 v1;
	v4 =	vadd.f32 v11, v5;
	v5 =	vunpack.i.l.bf16.f32 v0  }
0x3d7: {  	v3 =	vadd.f32 v5, v3;
	v6 =	vadd.f32 v6, v2  }
0x3d8: {  	v1 =	vunpack.i.u.bf16.f32 v1;
	v0 =	vunpack.i.u.bf16.f32 v0;
	v9, _, _ =	vpop (xrf2);
	(xrf2) =	vadd.scan.msk.f32 $0xffff, v4;
	v5 =	vmul.bf16 v7, v8  }
0x3d9: {  	v0 =	vadd.f32 v3, v0;
	v1 =	vadd.f32 v6, v1;
	v2, _, _ =	vpop (xrf2)  }
0x3da: {  	v3 =	vbroadcast v9, $0xF;
	v7 =	vunpack.i.l.bf16.f32 v5;
	v2 =	vbroadcast v2, $0xF  }
0x3db: {  	v6 =	vbroadcast v12, $0xF;
	(xrf2) =	vadd.scan.msk.f32 $0xffff, v0;
	v1 =	vadd.f32 v7, v1  }
0x3dc: {  	v0 =	vsel vm0, v3, v2;
	v2 =	vbroadcast v14, $0xF;
	v3 =	vunpack.i.u.bf16.f32 v5;
	v4, _, _ =	vpop (xrf2)  }
0x3dd: {  	v0 =	vsel vm1, v0, v6;
	v5 =	vbroadcast v4, $0xF;
	v1 =	vadd.f32 v1, v3  }
0x3de: {  	v0 =	vsel vm2, v0, v2;
	v2 =	vbroadcast v20, $0xF  }
0x3df: {  	v0 =	vsel vm3, v0, v5;
	v5 =	vbroadcast v28, $0xF;
	v4, _, _ =	vpop (xrf2);
	(xrf2) =	vadd.scan.msk.f32 $0xffff, v1  }
0x3e0: {  	v0 =	vsel vm4, v0, v2;
	v1 =	vbroadcast v4, $0xF  }
0x3e1: {  	v2 =	vbroadcast v61, $0xF;
	v0 =	vsel vm5, v0, v5  }
0x3e2: {  	v3, _, _ =	vpop (xrf2);
	v0 =	vsel vm6, v0, v1;
	v1 =	vbroadcast v24, $0xF  }
0x3e3: {  	v0 =	vsel vm7, v0, v2;
	v2 =	vbroadcast v3, $0xF  }
0x3e4: {  	v0 =	vsel vm8, v0, v1;
	v1 =	vbroadcast v51, $0xF  }
0x3e5: {  	v3, _, _ =	vpop (xrf2);
	v0 =	vsel vm9, v0, v2;
	v2 =	vbroadcast v31, $0xF  }
0x3e6: {  	v3 =	vbroadcast v3, $0xF;
	v0 =	vsel vm10, v0, v1  }
0x3e7: {  	v0 =	vsel vm11, v0, v2;
	v2 =	vbroadcast v23, $0xF  }
0x3e8: {  	v0 =	vsel vm12, v0, v3  }
0x3e9: {  	v0 =	vsel vm13, v0, v2;
	v1, _, _ =	vpop (xrf2)  }
0x3ea: {  	v0 =	vsel vm14, v0, v1  }
0x3eb: {  	v0 =	vsub.f32 $0.0e+00, v0;
	_ =	sdelay $0x1  }
0x3ec: {  	v0 =	vmul.f32 $1.442695020e+00, v0;
	_ =	sdelay $0x1  }
0x3ed: {  	(erf) = vpow2.f32 v0;
	_ =	sdelay $0x8  }
0x3ee: {  	v0 =	vpop (erf)  }
0x3ef: {  	v0 =	vadd.f32 $1.000000000e+00, v0;
	_ =	sdelay $0x1  }
0x3f0: {  	(erf) = vrcp.f32 v0;
	_ =	sdelay $0x8  }
0x3f1: {  	s2 =	sadd.s32 $0x10, s2;
	v0 =	vpop (erf)  }
0x3f2: {  	s21 =	sshra.s32 s15, $0x2;
	[tilespmem:s2+$0x0] =	vst v0  }
0x3f3: {  	v0 =	vld [tilespmem:s21+$0xB2B0]  }
0x3f4: {  	v1 =	vld [tilespmem:s21+$0x72B0]  }
0x3f5: {  	v2 =	vld [tilespmem:s21+$0xB2E0]  }
0x3f6: {  	v3 =	vld [tilespmem:s21+$0x72E0]  }
0x3f7: {  	v4 =	vld [tilespmem:s21+$0xB270]  }
0x3f8: {  	v5 =	vld [tilespmem:s21+$0x7270]  }
0x3f9: {  	v6 =	vld [tilespmem:s21+$0xB230]  }
0x3fa: {  	v7 =	vld [tilespmem:s21+$0x7230]  }
0x3fb: {  	v8 =	vld [tilespmem:s21+$0xB2A0]  }
0x3fc: {  	v9 =	vld [tilespmem:s21+$0x72A0]  }
0x3fd: {  	v10 =	vld [tilespmem:s21+$0xB2D0]  }
0x3fe: {  	v11 =	vld [tilespmem:s21+$0x72D0]  }
0x3ff: {  	v18 =	vld [tilespmem:s21+$0xB1F0]  }
0x400: {  	v19 =	vld [tilespmem:s21+$0x71F0]  }
0x401: {  	v20 =	vld [tilespmem:s21+$0xB260]  }
0x402: {  	v22 =	vld [tilespmem:s21+$0x7260]  }
0x403: {  	v29 =	vld [tilespmem:s21+$0xB1B0]  }
0x404: {  	v30 =	vld [tilespmem:s21+$0x71B0]  }
0x405: {  	v27 =	vld [tilespmem:s21+$0xB220]  }
0x406: {  	v28 =	vld [tilespmem:s21+$0x7220]  }
0x407: {  	v63 =	vld [tilespmem:s21+$0xB290]  }
0x408: {  	v60 =	vld [tilespmem:s21+$0x7290]  }
0x409: {  	v61 =	vld [tilespmem:s21+$0xB2C0]  }
0x40a: {  	v62 =	vld [tilespmem:s21+$0x72C0]  }
0x40b: {  	v36 =	vld [tilespmem:s21+$0xB170]  }
0x40c: {  	v37 =	vld [tilespmem:s21+$0x7170]  }
0x40d: {  	v38 =	vld [tilespmem:s21+$0xB1E0]  }
0x40e: {  	v39 =	vld [tilespmem:s21+$0x71E0]  }
0x40f: {  	v40 =	vld [tilespmem:s21+$0xB250]  }
0x410: {  	v41 =	vld [tilespmem:s21+$0x7250]  }
0x411: {  	v42 =	vld [tilespmem:s21+$0xB130]  }
0x412: {  	v43 =	vld [tilespmem:s21+$0x7130]  }
0x413: {  	v44 =	vld [tilespmem:s21+$0xB1A0]  }
0x414: {  	v45 =	vld [tilespmem:s21+$0x71A0]  }
0x415: {  	v46 =	vld [tilespmem:s21+$0xB210]  }
0x416: {  	v47 =	vld [tilespmem:s21+$0x7210]  }
0x417: {  	v24 =	vld [tilespmem:s21+$0xB280]  }
0x418: {  	v25 =	vld [tilespmem:s21+$0x7280]  }
0x419: {  	v12 =	vld [tilespmem:s21+$0xB0F0]  }
0x41a: {  	v48 =	vld [tilespmem:s21+$0x70F0]  }
0x41b: {  	v49 =	vld [tilespmem:s21+$0xB160]  }
0x41c: {  	v50 =	vld [tilespmem:s21+$0x7160]  }
0x41d: {  	v51 =	vld [tilespmem:s21+$0xB1D0]  }
0x41e: {  	v52 =	vld [tilespmem:s21+$0x71D0]  }
0x41f: {  	v13 =	vld [tilespmem:s21+$0xB0B0]  }
0x420: {  	v26 =	vld [tilespmem:s21+$0x70B0]  }
0x421: {  	v14 =	vld [tilespmem:s21+$0xB120]  }
0x422: {  	v16 =	vld [tilespmem:s21+$0x7120]  }
0x423: {  	v15 =	vld [tilespmem:s21+$0xB190]  }
0x424: {  	v21 =	vld [tilespmem:s21+$0x7190];
	v1 =	vmul.bf16 v0, v1  }
0x425: {  	v53 =	vld [tilespmem:s21+$0xB240];
	v6 =	vmul.bf16 v6, v7;
	v0 =	vmul.bf16 v4, v5  }
0x426: {  	v54 =	vld [tilespmem:s21+$0x7240];
	v5 =	vmul.bf16 v18, v19;
	v7 =	vmul.bf16 v27, v28  }
0x427: {  	v57 =	vld [tilespmem:s21+$0xB200];
	v49 =	vmul.bf16 v49, v50;
	v12 =	vmul.bf16 v12, v48  }
0x428: {  	v31 =	vld [tilespmem:s21+$0x7070];
	v26 =	vmul.bf16 v13, v26;
	v14 =	vmul.bf16 v14, v16  }
0x429: {  	v33 =	vld [tilespmem:s21+$0x7150];
	v15 =	vmul.bf16 v15, v21;
	v55 =	vunpack.i.u.bf16.f32 v1;
	v56 =	vunpack.i.l.bf16.f32 v1  }
0x42a: {  	v59 =	vld [tilespmem:s21+$0xB1C0];
	v1 =	vmul.bf16 v2, v3;
	v17 =	vunpack.i.u.bf16.f32 v6;
	v3 =	vmul.bf16 v8, v9  }
0x42b: {  	v27 =	vld [tilespmem:s21+$0x70E0];
	v2 =	vmul.bf16 v10, v11;
	v23 =	vunpack.i.l.bf16.f32 v6;
	v6 =	vmul.bf16 v24, v25  }
0x42c: {  	v28 =	vld [tilespmem:s21+$0xB150];
	v19 =	vunpack.i.u.bf16.f32 v5;
	v18 =	vunpack.i.l.bf16.f32 v5;
	v35 =	vunpack.i.u.bf16.f32 v7  }
0x42d: {  	v48 =	vld [tilespmem:s21+$0xB060];
	v50 =	vunpack.i.u.bf16.f32 v49;
	v49 =	vunpack.i.l.bf16.f32 v49;
	v58 =	vunpack.i.u.bf16.f32 v3  }
0x42e: {  	v4 =	vld [tilespmem:s21+$0xB090];
	v8 =	vunpack.i.l.bf16.f32 v3;
	v3 =	vunpack.i.l.bf16.f32 v2;
	v5 =	vunpack.i.l.bf16.f32 v6  }
0x42f: {  	v11 =	vld [tilespmem:s21+$0x7200];
	[tilespmem:$0x1FFE0] =	vst v3;
	v3 =	vmul.bf16 v20, v22;
	v9 =	vadd.f32 $0.0e+00, v5;
	v20 =	vmul.bf16 v63, v60  }
0x430: {  	v25 =	vld [tilespmem:s21+$0xB070];
	v10 =	vunpack.i.u.bf16.f32 v6;
	v22 =	vmul.bf16 v61, v62;
	v5 =	vmul.bf16 v29, v30  }
0x431: {  	v24 =	vld [tilespmem:s21+$0xB0E0];
	v60 =	vunpack.i.l.bf16.f32 v7;
	v30 =	vmul.bf16 v38, v39;
	v9 =	vadd.f32 v9, v10  }
0x432: {  	v61 =	vld [tilespmem:s21+$0x7030];
	v63 =	vmul.bf16 v42, v43;
	v6 =	vunpack.i.l.bf16.f32 v3;
	v10 =	vunpack.i.l.bf16.f32 v20  }
0x433: {  	v62 =	vld [tilespmem:s21+$0x70A0];
	v29 =	vunpack.i.l.bf16.f32 v22;
	v20 =	vunpack.i.u.bf16.f32 v20;
	v7 =	vadd.f32 v10, v9  }
0x434: {  	v43 =	vld [tilespmem:s21+$0xB110];
	v22 =	vunpack.i.u.bf16.f32 v22;
	v9 =	vadd.f32 $0.0e+00, v29;
	v10 =	vmul.bf16 v36, v37  }
0x435: {  	v38 =	vunpack.i.l.bf16.f32 v30;
	v34 =	vmul.bf16 v57, v11;
	v36 =	vld [tilespmem:s21+$0x71C0];
	v32 =	vadd.f32 v7, v20  }
0x436: {  	v7 =	vadd.f32 v9, v22;
	v22 =	vunpack.i.u.bf16.f32 v10;
	v9 =	vmul.bf16 v40, v41;
	v40 =	vld [tilespmem:s21+$0xB0A0]  }
0x437: {  	v29 =	vld [tilespmem:s21+$0xB030];
	v20 =	vunpack.i.l.bf16.f32 v10;
	v41 =	vunpack.i.u.bf16.f32 v30;
	v30 =	vadd.f32 v8, v32  }
0x438: {  	v8 =	vunpack.i.u.bf16.f32 v9;
	v10 =	vunpack.i.l.bf16.f32 v9;
	v9 =	vmul.bf16 v44, v45;
	v45 =	vld [tilespmem:s21+$0x7110]  }
0x439: {  	v25 =	vmul.bf16 v25, v31;
	v57 =	vadd.f32 v30, v58;
	v58 =	vmul.bf16 v46, v47;
	v46 =	vld [tilespmem:s21+$0xB180]  }
0x43a: {  	v32 =	vunpack.i.l.bf16.f32 v63;
	v30 =	vunpack.i.u.bf16.f32 v63;
	v63 =	vunpack.i.l.bf16.f32 v34;
	v47 =	vld [tilespmem:s21+$0x7180]  }
0x43b: {  	v36 =	vmul.bf16 v59, v36;
	v42 =	vadd.f32 $0.0e+00, v63;
	v31 =	vmul.bf16 v40, v62;
	v40 =	vld [tilespmem:s21+$0xAF70]  }
0x43c: {  	v37 =	vadd.f32 v56, v57;
	v44 =	vunpack.i.u.bf16.f32 v58;
	v56 =	vld [tilespmem:s21+$0xAFF0];
	v57 =	vunpack.i.u.bf16.f32 v34  }
0x43d: {  	v39 =	vunpack.i.l.bf16.f32 v58;
	v58 =	vadd.f32 v42, v57;
	v42 =	vmul.bf16 v51, v52;
	v52 =	vld [tilespmem:s21+$0x7060]  }
0x43e: {  	v11 =	vunpack.i.l.bf16.f32 v9;
	v59 =	vunpack.i.l.bf16.f32 v36;
	v51 =	vmul.bf16 v53, v54;
	v54 =	vld [tilespmem:s21+$0xB0D0]  }
0x43f: {  	v36 =	vunpack.i.u.bf16.f32 v36;
	v57 =	vld [tilespmem:s21+$0xB140];
	v34 =	vadd.f32 v37, v55;
	v37 =	vadd.f32 v39, v58  }
0x440: {  	v39 =	vadd.f32 $0.0e+00, v59;
	v53 =	vunpack.i.u.bf16.f32 v42;
	v63 =	vunpack.i.l.bf16.f32 v51;
	v58 =	vld [tilespmem:s21+$0x70D0]  }
0x441: {  	v55 =	vld [tilespmem:s21+$0x6FF0];
	v13 =	vunpack.i.u.bf16.f32 v51;
	v37 =	vadd.f32 v37, v44;
	v44 =	vadd.f32 $0.0e+00, v63  }
0x442: {  	v51 =	vld [tilespmem:s21+$0x7140];
	v36 =	vadd.f32 v39, v36;
	v63 =	vunpack.i.l.bf16.f32 v42;
	v39 =	vunpack.i.l.bf16.f32 v26  }
0x443: {  	v59 =	vld [tilespmem:s21+$0xAFB0];
	v48 =	vmul.bf16 v48, v52;
	v60 =	vadd.f32 v60, v37;
	v13 =	vadd.f32 v44, v13  }
0x444: {  	v52 =	vld [tilespmem:s21+$0x7080];
	v37 =	vunpack.i.u.bf16.f32 v26;
	v16 =	vadd.f32 v63, v36;
	v63 =	vunpack.i.l.bf16.f32 v14  }
0x445: {  	v36 =	vld [tilespmem:s21+$0x6FB0];
	v44 =	vunpack.i.l.bf16.f32 v25;
	v62 =	vmul.bf16 v54, v58;
	v21 =	vadd.f32 v60, v35  }
0x446: {  	v54 =	vld [tilespmem:s21+$0x7040];
	v60 =	vunpack.i.u.bf16.f32 v14;
	v26 =	vadd.f32 v16, v53;
	v14 =	vunpack.i.u.bf16.f32 v15  }
0x447: {  	v58 =	vld [tilespmem:s21+$0xAFA0];
	v16 =	vunpack.i.l.bf16.f32 v15;
	v21 =	vadd.f32 v23, v21;
	v23 =	vmul.bf16 v57, v51  }
0x448: {  	v35 =	vld [tilespmem:s21+$0xB020];
	v15 =	vmul.bf16 v24, v27;
	v27 =	vmul.bf16 v28, v33;
	v26 =	vadd.f32 v38, v26  }
0x449: {  	v38 =	vunpack.i.u.bf16.f32 v25;
	v25 =	vld [tilespmem:s21+$0x7100];
	v42 =	vadd.f32 v21, v17;
	v24 =	vunpack.i.l.bf16.f32 v23  }
0x44a: {  	v28 =	vunpack.i.u.bf16.f32 v27;
	v21 =	vld [tilespmem:s21+$0xB100];
	v26 =	vadd.f32 v26, v41;
	v24 =	vadd.f32 $0.0e+00, v24  }
0x44b: {  	v53 =	vld [tilespmem:s21+$0x7020];
	v27 =	vunpack.i.l.bf16.f32 v27;
	v36 =	vmul.bf16 v59, v36;
	v23 =	vunpack.i.u.bf16.f32 v23  }
0x44c: {  	v33 =	vld [tilespmem:s21+$0xAF30];
	v17 =	vunpack.i.l.bf16.f32 v15;
	v26 =	vadd.f32 v18, v26;
	v24 =	vadd.f32 v24, v23  }
0x44d: {  	v51 =	vld [tilespmem:s21+$0x7090];
	v18 =	vmul.bf16 v29, v61;
	v29 =	vmul.bf16 v43, v45;
	v45 =	vunpack.i.u.bf16.f32 v31  }
0x44e: {  	v57 =	vld [tilespmem:s21+$0x6FE0];
	v23 =	vadd.f32 v26, v19;
	v19 =	vadd.f32 v27, v24;
	v24 =	vmul.bf16 v46, v47  }
0x44f: {  	v61 =	vld [tilespmem:s21+$0xB050];
	v47 =	vunpack.i.l.bf16.f32 v31;
	v21 =	vmul.bf16 v21, v25;
	v25 =	vunpack.i.u.bf16.f32 v29  }
0x450: {  	v27 =	vunpack.i.l.bf16.f32 v29;
	v29 =	vmul.bf16 v56, v55;
	v55 =	vld [tilespmem:s21+$0x7050];
	v26 =	vunpack.i.l.bf16.f32 v24  }
0x451: {  	v31 =	vld [tilespmem:s21+$0xB080];
	v19 =	vadd.f32 v19, v28;
	v28 =	vunpack.i.l.bf16.f32 v21;
	v26 =	vadd.f32 $0.0e+00, v26  }
0x452: {  	v59 =	vld [tilespmem:s21+$0x7010];
	v4 =	vmul.bf16 v4, v51;
	v24 =	vunpack.i.u.bf16.f32 v24;
	v28 =	vadd.f32 $0.0e+00, v28  }
0x453: {  	v41 =	vld [tilespmem:s21+$0x6F30];
	v21 =	vunpack.i.u.bf16.f32 v21;
	v49 =	vadd.f32 v49, v19;
	v19 =	vadd.f32 v26, v24  }
0x454: {  	v43 =	vld [tilespmem:s21+$0x6F70];
	v24 =	vunpack.i.u.bf16.f32 v29;
	v21 =	vadd.f32 v28, v21;
	v26 =	vunpack.i.l.bf16.f32 v29  }
0x455: {  	v29 =	vld [tilespmem:s21+$0xB040];
	v55 =	vmul.bf16 v61, v55;
	v28 =	vadd.f32 v49, v50;
	v49 =	vunpack.i.u.bf16.f32 v48  }
0x456: {  	v46 =	vld [tilespmem:s21+$0xAFE0];
	v48 =	vunpack.i.l.bf16.f32 v48;
	v50 =	vmul.bf16 v31, v52;
	v27 =	vadd.f32 v27, v21  }
0x457: {  	v56 =	vld [tilespmem:s21+$0xB0C0];
	v21 =	vunpack.i.l.bf16.f32 v62;
	v28 =	vadd.f32 v20, v28;
	v20 =	vunpack.i.u.bf16.f32 v62  }
0x458: {  	v61 =	vld [tilespmem:s21+$0x6FD0];
	v62 =	vunpack.i.l.bf16.f32 v50;
	v25 =	vadd.f32 v27, v25;
	v27 =	vunpack.i.u.bf16.f32 v36  }
0x459: {  	v52 =	vld [tilespmem:s21+$0x70C0];
	v31 =	vadd.f32 v28, v22;
	v28 =	vunpack.i.l.bf16.f32 v36;
	v22 =	vmul.bf16 v35, v53  }
0x45a: {  	v36 =	vld [tilespmem:s21+$0x6FA0];
	v54 =	vmul.bf16 v29, v54;
	v29 =	vadd.f32 $0.0e+00, v62;
	v63 =	vadd.f32 v63, v25  }
0x45b: {  	v53 =	vld [tilespmem:s21+$0xB010];
	v35 =	vunpack.i.u.bf16.f32 v50;
	v50 =	vunpack.i.u.bf16.f32 v4;
	v4 =	vunpack.i.l.bf16.f32 v4  }
0x45c: {  	v62 =	vunpack.i.l.bf16.f32 v54;
	v35 =	vadd.f32 v29, v35;
	v51 =	vadd.f32 v63, v60;
	v60 =	vld [tilespmem:s21+$0xAF20]  }
0x45d: {  	v25 =	vunpack.i.l.bf16.f32 v22;
	v29 =	vmul.bf16 v33, v41;
	v63 =	vld [tilespmem:s21+$0x6F20];
	v33 =	vadd.f32 $0.0e+00, v62  }
0x45e: {  	v54 =	vunpack.i.u.bf16.f32 v54;
	v4 =	vadd.f32 v4, v35;
	v41 =	vadd.f32 v32, v51;
	v51 =	vld [tilespmem:s21+$0xAFD0]  }
0x45f: {  	v62 =	vunpack.i.l.bf16.f32 v55;
	v32 =	vunpack.i.l.bf16.f32 v29;
	v33 =	vadd.f32 v33, v54;
	v54 =	vld [tilespmem:s21+$0xAF90]  }
0x460: {  	v4 =	vadd.f32 v4, v50;
	v50 =	vmul.bf16 v56, v52;
	v56 =	vld [tilespmem:s21+$0x6F90];
	v35 =	vadd.f32 v41, v30  }
0x461: {  	v52 =	vld [tilespmem:s21+$0xAFC0];
	v30 =	vmul.bf16 v40, v43;
	v43 =	vmul.bf16 v46, v57;
	v33 =	vadd.f32 v62, v33  }
0x462: {  	v57 =	vld [tilespmem:s21+$0xB000];
	v41 =	vunpack.i.u.bf16.f32 v55;
	v46 =	vmul.bf16 v58, v36;
	v36 =	vmul.bf16 v53, v59  }
0x463: {  	v55 =	vld [tilespmem:s21+$0x6FC0];
	v4 =	vadd.f32 v47, v4;
	v62 =	vunpack.i.l.bf16.f32 v50;
	v40 =	vunpack.i.u.bf16.f32 v43  }
0x464: {  	v58 =	vld [tilespmem:s21+$0x7000];
	v33 =	vadd.f32 v33, v41;
	v41 =	vadd.f32 $0.0e+00, v62;
	v62 =	vunpack.i.u.bf16.f32 v50  }
0x465: {  	v47 =	vunpack.i.l.bf16.f32 v43;
	v43 =	vunpack.i.u.bf16.f32 v46;
	v4 =	vadd.f32 v4, v45  }
0x466: {  	v59 =	vld [tilespmem:s21+$0x6F80];
	v46 =	vunpack.i.l.bf16.f32 v46;
	v50 =	vadd.f32 v48, v33;
	v33 =	vadd.f32 v41, v62  }
0x467: {  	p1 =	sne.s32 s15, $0x7000;
	(xrf2) =	vadd.scan.msk.f32 $0xffff, v34;
	v62 =	vld [tilespmem:s21+$0xAF80];
	v41 =	vunpack.i.l.bf16.f32 v36;
	v56 =	vmul.bf16 v54, v56;
	v4 =	vadd.f32 v39, v4  }
.Ltmp7:
0x468: {  	(xrf2) =	vadd.scan.msk.f32 $0xffff, v42;
	v42 =	vld [tilespmem:s21+$0xAF40];
	v39 =	vmul.bf16 v60, v63;
	v63 =	vmul.bf16 v51, v61;
	v49 =	vadd.f32 v50, v49;
	(pc) =	sbr.rel @p1 .LBB2_8-.Ltmp7, $4  }
0x469: {  	v48 =	vld [tilespmem:s21+$0xAF10];
	v53 =	vmul.bf16 v52, v55;
	v54 =	vmul.bf16 v57, v58;
	v34 =	vunpack.i.u.bf16.f32 v56  }
0x46a: {  	v52 =	vld [tilespmem:s21+$0x6F00];
	v37 =	vadd.f32 v4, v37;
	v45 =	vunpack.i.l.bf16.f32 v39;
	v4 =	vadd.f32 v44, v49  }
0x46b: {  	v50 =	vld [tilespmem:s21+$0xAF00];
	v51 =	vunpack.i.l.bf16.f32 v63;
	v60 =	vunpack.i.l.bf16.f32 v53;
	v44 =	vunpack.i.u.bf16.f32 v63  }
0x46c: {  	s15 =	sadd.s32 $0x1000, s15;
	v49 =	vld [tilespmem:s21+$0x6F10];
	v57 =	vadd.f32 $0.0e+00, v60;
	v55 =	vmul.bf16 v62, v59;
	v38 =	vadd.f32 v4, v38  }
0x46d: {  	v56 =	vunpack.i.l.bf16.f32 v56  }
0x46e: {  	v4 =	vld [tilespmem:s21+$0x6F40];
	v53 =	vunpack.i.u.bf16.f32 v53;
	v58 =	vunpack.i.l.bf16.f32 v54;
	v21 =	vadd.f32 v21, v33  }
0x46f: {  	v16 =	vadd.f32 v16, v19;
	v53 =	vadd.f32 v57, v53;
	v61 =	vunpack.i.l.bf16.f32 v55  }
0x470: {  	v62 =	vunpack.i.u.bf16.f32 v54;
	v58 =	vadd.f32 $0.0e+00, v58;
	v57 =	vadd.f32 $0.0e+00, v61  }
0x471: {  	v63 =	vunpack.i.u.bf16.f32 v55;
	v50 =	vmul.bf16 v50, v52;
	v52 =	vld [tilespmem:s21+$0xAF50];
	v51 =	vadd.f32 v51, v53  }
0x472: {  	v53 =	vld [tilespmem:s21+$0x6F50];
	v54 =	vadd.f32 v58, v62;
	v48 =	vmul.bf16 v48, v49;
	v61 =	vadd.f32 v57, v63  }
0x473: {  	v60 =	vunpack.i.l.bf16.f32 v50;
	v4 =	vmul.bf16 v42, v4;
	v63 =	vadd.f32 v51, v44  }
0x474: {  	v59 =	vunpack.i.u.bf16.f32 v50;
	v55 =	vadd.f32 v41, v54;
	v62 =	vadd.f32 $0.0e+00, v60  }
0x475: {  	v60 =	vld [tilespmem:s21+$0xAF60];
	v49 =	vadd.f32 v56, v61;
	v61 =	vunpack.i.l.bf16.f32 v4;
	v42 =	vadd.f32 v47, v63  }
0x476: {  	v50 =	vunpack.i.l.bf16.f32 v48;
	v44 =	vadd.f32 v62, v59;
	v62 =	vld [tilespmem:s21+$0x6F60];
	v63 =	vadd.f32 $0.0e+00, v61  }
0x477: {  	v4 =	vunpack.i.u.bf16.f32 v4;
	v52 =	vmul.bf16 v52, v53;
	v34 =	vadd.f32 v49, v34  }
0x478: {  	v48 =	vunpack.i.u.bf16.f32 v48;
	v44 =	vadd.f32 v50, v44;
	v4 =	vadd.f32 v63, v4  }
0x479: {  	v40 =	vadd.f32 v42, v40;
	v34 =	vadd.f32 v46, v34;
	v49 =	vunpack.i.l.bf16.f32 v52  }
0x47a: {  	v51 =	vunpack.i.u.bf16.f32 v52;
	v42 =	vadd.f32 v44, v48;
	v4 =	vadd.f32 v49, v4  }
0x47b: {  	v26 =	vadd.f32 v26, v40;
	v34 =	vadd.f32 v34, v43;
	v50 =	vmul.bf16 v60, v62  }
0x47c: {  	v52 =	vunpack.i.u.bf16.f32 v39;
	v42 =	vadd.f32 v45, v42;
	v4 =	vadd.f32 v4, v51  }
0x47d: {  	v24 =	vadd.f32 v26, v24;
	v28 =	vadd.f32 v28, v34;
	v53 =	vunpack.i.l.bf16.f32 v50  }
0x47e: {  	(xrf2) =	vadd.scan.msk.f32 $0xffff, v23;
	v57 =	vunpack.i.u.bf16.f32 v36;
	v26 =	vadd.f32 v42, v52;
	v4 =	vadd.f32 v53, v4  }
0x47f: {  	(xrf2) =	vadd.scan.msk.f32 $0xffff, v31;
	v58 =	vunpack.i.u.bf16.f32 v50;
	v56 =	vadd.f32 v28, v27;
	v27 =	vadd.f32 v55, v57  }
0x480: {  	v29 =	vunpack.i.u.bf16.f32 v29;
	v10 =	vadd.f32 v10, v13;
	(xrf2) =	vadd.scan.msk.f32 $0xffff, v35;
	v4 =	vadd.f32 v4, v58  }
0x481: {  	(xrf2) =	vadd.scan.msk.f32 $0xffff, v37;
	v59 =	vunpack.i.l.bf16.f32 v30;
	v26 =	vadd.f32 v32, v26;
	v25 =	vadd.f32 v25, v27  }
0x482: {  	v22 =	vunpack.i.u.bf16.f32 v22;
	v20 =	vadd.f32 v21, v20;
	(xrf2) =	vadd.scan.msk.f32 $0xffff, v38;
	v4 =	vadd.f32 v59, v4  }
0x483: {  	v60 =	vunpack.i.u.bf16.f32 v30;
	(xrf2) =	vadd.scan.msk.f32 $0xffff, v24;
	v26 =	vadd.f32 v26, v29;
	v22 =	vadd.f32 v25, v22  }
0x484: {  	v17 =	vadd.f32 v17, v20;
	v61 =	vunpack.i.l.bf16.f32 v18;
	(xrf2) =	vadd.scan.msk.f32 $0xffff, v56;
	v4 =	vadd.f32 v4, v60  }
0x485: {  	v15 =	vunpack.i.u.bf16.f32 v15;
	v14 =	vadd.f32 v16, v14;
	v27 =	vld [tilespmem:$0x1FFE0];
	(xrf2) =	vadd.scan.msk.f32 $0xffff, v26;
	v19 =	vadd.f32 v61, v22  }
0x486: {  	v8 =	vadd.f32 v10, v8;
	v15 =	vadd.f32 v17, v15;
	v63 =	vunpack.i.u.bf16.f32 v18;
	v62, _, _ =	vpop (xrf2);
	(xrf2) =	vadd.scan.msk.f32 $0xffff, v4  }
0x487: {  	v23 =	vunpack.i.l.bf16.f32 v12;
	v11 =	vadd.f32 v11, v14;
	v21, _, _ =	vpop (xrf2);
	v22 =	vadd.f32 v19, v63  }
0x488: {  	v9 =	vunpack.i.u.bf16.f32 v9;
	v15 =	vadd.f32 v23, v15;
	v24, _, _ =	vpop (xrf2)  }
0x489: {  	v31 =	vld [tilespmem:s21+$0x72F0];
	v6 =	vadd.f32 v6, v8;
	v9 =	vadd.f32 v11, v9;
	v25, _, _ =	vpop (xrf2);
	v26 =	vunpack.i.u.bf16.f32 v12;
	(xrf2) =	vadd.scan.msk.f32 $0xffff, v22  }
0x48a: {  	v30 =	vunpack.i.l.bf16.f32 v5;
	v28 =	vld [tilespmem:s21+$0xB2F0];
	v7 =	vadd.f32 v27, v7;
	v29, _, _ =	vpop (xrf2);
	v12 =	vadd.f32 v15, v26  }
0x48b: {  	v3 =	vunpack.i.u.bf16.f32 v3;
	v2 =	vunpack.i.u.bf16.f32 v2;
	v9 =	vadd.f32 v30, v9;
	v32, _, _ =	vpop (xrf2)  }
0x48c: {  	v3 =	vadd.f32 v6, v3;
	v34 =	vunpack.i.u.bf16.f32 v5;
	v33, _, _ =	vpop (xrf2);
	v2 =	vadd.f32 v7, v2;
	(xrf2) =	vadd.scan.msk.f32 $0xffff, v12  }
0x48d: {  	v37 =	vunpack.i.l.bf16.f32 v1;
	v36 =	vunpack.i.l.bf16.f32 v0;
	v5 =	vadd.f32 v9, v34;
	v35, _, _ =	vpop (xrf2)  }
0x48e: {  	v3 =	vadd.f32 v36, v3;
	v2 =	vadd.f32 v37, v2;
	v38, _, _ =	vpop (xrf2)  }
0x48f: {  	v41 =	vunpack.i.u.bf16.f32 v1;
	v40 =	vunpack.i.u.bf16.f32 v0;
	v8 =	vmul.bf16 v28, v31;
	(xrf2) =	vadd.scan.msk.f32 $0xffff, v5;
	v39, _, _ =	vpop (xrf2)  }
0x490: {  	v0 =	vadd.f32 v3, v40;
	v1 =	vadd.f32 v2, v41;
	v42, _, _ =	vpop (xrf2)  }
0x491: {  	v44 =	vunpack.i.l.bf16.f32 v8;
	v43 =	vbroadcast v39, $0xF;
	v2 =	vbroadcast v42, $0xF  }
0x492: {  	v45 =	vbroadcast v38, $0xF;
	v1 =	vadd.f32 v44, v1;
	(xrf2) =	vadd.scan.msk.f32 $0xffff, v0  }
0x493: {  	v48 =	vunpack.i.u.bf16.f32 v8;
	v47 =	vbroadcast v35, $0xF;
	v49, _, _ =	vpop (xrf2);
	v46 =	vsel vm0, v43, v2  }
0x494: {  	v1 =	vadd.f32 v1, v48;
	v5 =	vbroadcast v49, $0xF;
	v0 =	vsel vm1, v46, v45  }
0x495: {  	v50 =	vbroadcast v33, $0xF;
	v0 =	vsel vm2, v0, v47  }
0x496: {  	v51 =	vbroadcast v32, $0xF;
	(xrf2) =	vadd.scan.msk.f32 $0xffff, v1;
	v52, _, _ =	vpop (xrf2);
	v0 =	vsel vm3, v0, v5  }
0x497: {  	v53 =	vbroadcast v52, $0xF;
	v0 =	vsel vm4, v0, v50  }
0x498: {  	v54 =	vbroadcast v29, $0xF;
	v0 =	vsel vm5, v0, v51  }
0x499: {  	v55 =	vbroadcast v25, $0xF;
	v56, _, _ =	vpop (xrf2);
	v0 =	vsel vm6, v0, v53  }
0x49a: {  	v57 =	vbroadcast v56, $0xF;
	v0 =	vsel vm7, v0, v54  }
0x49b: {  	v58 =	vbroadcast v24, $0xF;
	v0 =	vsel vm8, v0, v55  }
0x49c: {  	v59 =	vbroadcast v21, $0xF;
	v60, _, _ =	vpop (xrf2);
	v0 =	vsel vm9, v0, v57  }
0x49d: {  	v61 =	vbroadcast v60, $0xF;
	v0 =	vsel vm10, v0, v58  }
0x49e: {  	v62 =	vbroadcast v62, $0xF;
	v0 =	vsel vm11, v0, v59  }
0x49f: {  	v0 =	vsel vm12, v0, v61  }
0x4a0: {  	v63, _, _ =	vpop (xrf2);
	v0 =	vsel vm13, v0, v62  }
0x4a1: {  	v0 =	vsel vm14, v0, v63  }
0x4a2: {  	v0 =	vsub.f32 $0.0e+00, v0;
	_ =	sdelay $0x1  }
0x4a3: {  	v0 =	vmul.f32 $1.442695020e+00, v0;
	_ =	sdelay $0x1  }
0x4a4: {  	(erf) = vpow2.f32 v0;
	_ =	sdelay $0x8  }
0x4a5: {  	v0 =	vpop (erf)  }
0x4a6: {  	v0 =	vadd.f32 $1.000000000e+00, v0;
	_ =	sdelay $0x1  }
0x4a7: {  	(erf) = vrcp.f32 v0;
	_ =	sdelay $0x6  }
.Ltmp8:
0x4a8: {  	s0 =	sadd.s32 s13, s0;
	(pc) =	sbr.rel .LBB2_10-.Ltmp8, $4  }
0x4a9: {  	s0 =	sshll.u32 s0, $0x4  }
0x4aa: {  	s2 =	sadd.s32 $0x10, s2;
	s0 =	sand.u32 $0x1FFFFFF0, s0;
	v0 =	vpop (erf)  }
0x4ab: {  	s0 =	sadd.s32 s1, s0;
	[tilespmem:s2+$0x0] =	vst v0  }
0x4ac: {  	[hbm4b:s0+s4] =	stream.linear.scatter [tilespmem:s29], [sflag:$0x6], $0x80, $0x38;
	[tilespmem:$0x16C40] =	vst v63  }
.LBB2_12:
0x4ad: {  	_ =	sfence.sel $0x180000  }
0x4ae: {  	[bflag:$0x0] =	sbarrier.arrive $0xFFFF  }
0x4af: {  	_ =	strace $0x90000047  }
0x4b0: {  	s0 =	stileid.u32;
	[bflag:$0x2] =	sbarrier.arrive $0xFFFF  }
0x4b1: {  	p0 =	sne.s32 s0, $0x0;
	s0 =	rddreg [dreg:$0x3]  }
0x4b2: {  	s0 =	sadd.s32 @!p0 $0x100000, s0  }
0x4b3: {  	[sflag:s0] =	ssyncadd.tile.s32 @!p0 $0x1;
	_ =	shalt  }
.Lfunc_end2:
_tile_overlayer_lowered:
.L_overlay_start_2:
0x4b4: {  	(tag) =	ssettag $0x2  }
0x4b5: {  	s0 =	rddreg [dreg:$0x0];
	s2 =	stileid.u32  }
0x4b6: {  	s1 =	rddreg [dreg:$0x1];
	p0 =	sne.s32 s2, $0x0  }
0x4b7: {  	s3 =	rddreg [dreg:$0x2];
	[bflag:$0x3] =	sbarrier.arrive $0xFFFF;
	s2 =	simm.s32 @!p0 $0x1C07  }
0x4b8: {  	[timem:s3], [sflag:s2] =	dma.local @!p0 [hbm:s0], s1  }
0x4b9: {  	s0 =	simm.s32 @!p0 $0x7  }
0x4ba: {  	_ =	swait.ge @!p0 [sflag:s0], s1  }
0x4bb: {  	s1 =	ssub.s32 @!p0 $0x0, s1;
	[sflag:s0] =	ssyncset.done @!p0 $0x0  }
0x4bc: {  	[sflag:s0] =	ssyncadd.s32 @!p0 s1  }
0x4bd: {  	[bflag:$0x3] =	sbarrier.arrive $0xFFFF  }
0x4be: {  	_ =	shalt  }

</sc_bundles>
